<compile_context>
chip_gen: v7x
topology: tpu7x:2x2x1
jax: 0.10.2.dev20260603
libtpu: 0.0.44.dev20260713+nightly
codegen_flags: <defaults>
</compile_context>

<pallas_src>
import functools

import jax
import jax.numpy as jnp
from jax import lax
from jax.experimental import pallas as pl
from jax.experimental.pallas import tpu as pltpu
from jax.experimental.pallas import tpu_sc as plsc

_B = 16384
_F = 26
_V = 100000
_D = 16
_H = 128
_EPS = 1e-5

_NG = _F - 2
_ROWS = _B * _NG
_NC, _NS = 2, 16
_NW = _NC * _NS
_RPW = _ROWS // _NW
_CH = 2048
_NCH = _RPW // _CH

_TB = 1024
_NT = _B // _TB



_VMAIN = (_V // 128) * 128
_AUXB = _NG * _VMAIN
_K1W = 1408
_K1PF = _VMAIN // _K1W
_K1N = _K1PF * _NG
_K1PW = (_K1N + _NW - 1) // _NW


def _sc_fused_relayout_body(tbl_hbm, out_hbm, st0, st1, ob0, ob1,
                            is0, is1, os0, os1):
    wid = lax.axis_index("s") * _NC + lax.axis_index("c")
    bases = [lax.iota(jnp.int32, 16) * _D + d for d in range(_D)]
    staged = (st0, st1)
    obuf = (ob0, ob1)
    isem = (is0, is1)
    osem = (os0, os1)

    def issue_in(c, b):
        f = 2 + c // _K1PF
        v0 = (c % _K1PF) * _K1W
        pltpu.async_copy(tbl_hbm.at[f, 0:8, pl.ds(v0, _K1W)],
                         staged[b].at[0:8], isem[b])
        pltpu.async_copy(tbl_hbm.at[f, 8:16, pl.ds(v0, _K1W)],
                         staged[b].at[8:16], isem[b])

    issue_in(wid, 0)

    def body(t, carry):
        for b in range(2):
            i = t * 2 + b
            c = wid + _NW * i
            cn = c + _NW

            @pl.when(c < _K1N)
            def _():
                pltpu.make_async_copy(
                    tbl_hbm.at[0, 0:8, pl.ds(0, _K1W)], staged[b].at[0:8],
                    isem[b]).wait()
                pltpu.make_async_copy(
                    tbl_hbm.at[0, 0:8, pl.ds(0, _K1W)], staged[b].at[0:8],
                    isem[b]).wait()

            @pl.when(cn < _K1N)
            def _():
                issue_in(cn, 1 - b)

            @pl.when((i >= 2) & (c < _K1N))
            def _():
                pltpu.make_async_copy(
                    ob0, out_hbm.at[pl.ds(0, _K1W * _D)], osem[b]
                ).wait()

            @pl.when(c < _K1N)
            def _():
                f = c // _K1PF
                v0 = (c % _K1PF) * _K1W

                def jbody(j2, carry2):
                    for uu in range(4):
                        j = j2 * 4 + uu
                        for d in range(_D):
                            xv = staged[b][d, pl.ds(j * 16, 16)]
                            plsc.store_scatter(
                                obuf[b], [bases[d] + j * (16 * _D)], xv)
                    return carry2

                lax.fori_loop(0, _K1W // 64, jbody, 0)
                pltpu.async_copy(
                    obuf[b],
                    out_hbm.at[pl.ds((f * _VMAIN + v0) * _D, _K1W * _D)],
                    osem[b])

        return carry

    lax.fori_loop(0, (_K1PW + 1) // 2, body, 0)

    for b in range(2):
        pltpu.make_async_copy(
            ob0, out_hbm.at[pl.ds(0, _K1W * _D)], osem[b]
        ).wait()


def _fused_relayout_tables(tables_t):
    mesh = plsc.VectorSubcoreMesh(core_axis_name="c", subcore_axis_name="s")
    k = functools.partial(
        pl.kernel,
        mesh=mesh,
        compiler_params=pltpu.CompilerParams(use_tc_tiling_on_sc=True,
                                             needs_layout_passes=False),
        out_type=jax.ShapeDtypeStruct((_NG * _V * _D,), jnp.float32),
        scratch_types=[
            pltpu.VMEM((_D, _K1W), jnp.float32),
            pltpu.VMEM((_D, _K1W), jnp.float32),
            pltpu.VMEM((_K1W * _D,), jnp.float32),
            pltpu.VMEM((_K1W * _D,), jnp.float32),
            pltpu.SemaphoreType.DMA,
            pltpu.SemaphoreType.DMA,
            pltpu.SemaphoreType.DMA,
            pltpu.SemaphoreType.DMA,
        ],
    )(_sc_fused_relayout_body)
    return k(tables_t)


def _relayout_tables(tables_t):
    return _fused_relayout_tables(tables_t)


def _sc_gather_body(tbl_hbm, idx_hbm, out_hbm, idx_v, rows_v, sem):
    wid = lax.axis_index("s") * _NC + lax.axis_index("c")
    pltpu.sync_copy(idx_hbm.at[wid], idx_v)

    def body(c, carry):
        base = wid * _RPW + c * _CH
        pltpu.async_copy(
            tbl_hbm.at[idx_v.at[pl.ds(c * _CH, _CH)]], rows_v, sem
        ).wait()
        pltpu.sync_copy(rows_v, out_hbm.at[pl.ds(base, _CH)])
        return carry

    lax.fori_loop(0, _NCH, body, 0)


def _gather_rows(tables_flat, idx_mat):
    mesh = plsc.VectorSubcoreMesh(core_axis_name="c", subcore_axis_name="s")
    k = functools.partial(
        pl.kernel,
        mesh=mesh,
        compiler_params=pltpu.CompilerParams(use_tc_tiling_on_sc=False),
        out_type=jax.ShapeDtypeStruct((_ROWS, _D), jnp.float32),
        scratch_types=[
            pltpu.VMEM((_RPW,), jnp.int32),
            pltpu.VMEM((_CH, _D), jnp.float32),
            pltpu.SemaphoreType.DMA,
        ],
    )(_sc_gather_body)
    return k(tables_flat, idx_mat)



def _mlp1_body(emb_ref, xf_ref, t01_ref, w1a_ref, w1g_ref, b1_ref,
               h1_ref, st_ref):
    i = pl.program_id(0)
    a0 = xf_ref[:, 0:1] * t01_ref[0:1, :]
    a1 = xf_ref[:, 1:2] * t01_ref[1:2, :]
    h = jnp.dot(emb_ref[...], w1g_ref[...], preferred_element_type=jnp.float32)
    h = h + jnp.dot(a0, w1a_ref[0:16, :], preferred_element_type=jnp.float32)
    h = h + jnp.dot(a1, w1a_ref[16:32, :], preferred_element_type=jnp.float32)
    h = h + b1_ref[0:1, :]
    h1_ref[...] = h

    @pl.when(i == 0)
    def _():
        st_ref[...] = jnp.zeros_like(st_ref)

    st_ref[0:1, :] += jnp.sum(h, axis=0, keepdims=True)
    st_ref[1:2, :] += jnp.sum(h * h, axis=0, keepdims=True)


def _mlp2_body(h1_ref, st1_ref, gb1_ref, w2_ref, b2_ref, h2_ref, st_ref):
    i = pl.program_id(0)
    m = st1_ref[0:1, :] * (1.0 / _B)
    v = st1_ref[1:2, :] * (1.0 / _B) - m * m
    r = lax.rsqrt(v + _EPS)
    h1n = (h1_ref[...] - m) * (r * gb1_ref[0:1, :]) + gb1_ref[1:2, :]
    h2 = jnp.dot(h1n, w2_ref[...], preferred_element_type=jnp.float32)
    h2 = h2 + b2_ref[0:1, :]
    h2_ref[...] = h2

    @pl.when(i == 0)
    def _():
        st_ref[...] = jnp.zeros_like(st_ref)

    st_ref[0:1, :] += jnp.sum(h2, axis=0, keepdims=True)
    st_ref[1:2, :] += jnp.sum(h2 * h2, axis=0, keepdims=True)


def _head_body(h2_ref, st2_ref, gb2_ref, wp_ref, bp_ref,
               ed_ref, lg_ref, pr_ref):
    m = st2_ref[0:1, :] * (1.0 / _B)
    v = st2_ref[1:2, :] * (1.0 / _B) - m * m
    r = lax.rsqrt(v + _EPS)
    h2n = (h2_ref[...] - m) * (r * gb2_ref[0:1, :]) + gb2_ref[1:2, :]
    ed_ref[...] = h2n
    lg = jnp.dot(h2n, wp_ref[...], preferred_element_type=jnp.float32)
    lg = lg + bp_ref[0:1, :]
    l0 = lg[:, 0:1]
    l1 = lg[:, 1:2]
    mx = jnp.maximum(l0, l1)
    e0 = jnp.exp(l0 - mx)
    e1 = jnp.exp(l1 - mx)
    s = e0 + e1
    lg_ref[...] = jnp.concatenate([l0, l1], axis=1)
    pr_ref[...] = jnp.concatenate([e0 / s, e1 / s], axis=1)



def kernel(x, tables, W1, b1, g1, be1, W2, b2, g2, be2, Wp, bp):
    f32 = jnp.float32
    x0 = x[0]
    xf = x0[:, :2].astype(f32)
    v24 = x0[:, 2:]
    g24 = jnp.arange(_NG, dtype=jnp.int32)[None, :]
    in_aux = v24 >= _VMAIN
    idx = jnp.where(in_aux,
                    _AUXB + g24 * (_V - _VMAIN) + (v24 - _VMAIN),
                    g24 * _VMAIN + v24).reshape(_NW, _RPW)

    tables_t = jnp.transpose(tables, (0, 2, 1))
    tlin = _relayout_tables(tables_t)
    aux = tables[2:, _VMAIN:, :].reshape(-1)
    tlin = lax.dynamic_update_slice(tlin, aux, (_AUXB * _D,))
    tables_flat = tlin.reshape(_NG * _V, _D)

    rows = _gather_rows(tables_flat, idx)
    emb_g = rows.reshape(_B, _NG * _D)

    t01 = jnp.pad(tables[:2, 0, :], ((0, 6), (0, 0)))
    W1a = W1[:2 * _D, :]
    W1g = W1[2 * _D:, :]
    b1p = jnp.pad(b1[None, :], ((0, 7), (0, 0)))
    gb1 = jnp.pad(jnp.stack([g1, be1]), ((0, 6), (0, 0)))
    b2p = jnp.pad(b2[None, :], ((0, 7), (0, 0)))
    gb2 = jnp.pad(jnp.stack([g2, be2]), ((0, 6), (0, 0)))
    wpp = jnp.pad(Wp, ((0, 0), (0, 6)))
    bpp = jnp.pad(bp[None, :], ((0, 7), (0, 6)))

    full = lambda shape: pl.BlockSpec(shape, lambda i: (0, 0))
    tile = lambda w: pl.BlockSpec((_TB, w), lambda i: (i, 0))

    h1, st1 = pl.pallas_call(
        _mlp1_body,
        grid=(_NT,),
        in_specs=[tile(_NG * _D), tile(2), full((8, 16)), full((32, _H)),
                  full((_NG * _D, _H)), full((8, _H))],
        out_specs=[tile(_H), full((8, _H))],
        out_shape=[jax.ShapeDtypeStruct((_B, _H), f32),
                   jax.ShapeDtypeStruct((8, _H), f32)],
    )(emb_g, xf, t01, W1a, W1g, b1p)

    h2, st2 = pl.pallas_call(
        _mlp2_body,
        grid=(_NT,),
        in_specs=[tile(_H), full((8, _H)), full((8, _H)), full((_H, _H)),
                  full((8, _H))],
        out_specs=[tile(_H), full((8, _H))],
        out_shape=[jax.ShapeDtypeStruct((_B, _H), f32),
                   jax.ShapeDtypeStruct((8, _H), f32)],
    )(h1, st1, gb1, W2, b2p)

    emb_deep, logit, pred = pl.pallas_call(
        _head_body,
        grid=(_NT,),
        in_specs=[tile(_H), full((8, _H)), full((8, _H)), full((_H, 8)),
                  full((8, 8))],
        out_specs=[tile(_H), tile(2), tile(2)],
        out_shape=[jax.ShapeDtypeStruct((_B, _H), f32),
                   jax.ShapeDtypeStruct((_B, 2), f32),
                   jax.ShapeDtypeStruct((_B, 2), f32)],
    )(h2, st2, gb2, wpp, bpp)

    return (emb_deep, logit, pred)

# --- scband reference (transcript-rebuilt; emitter-appended) ---
"""Pipeline reference for scband-deep-fm-84318797955692 (READ-ONLY COPY).

The authoritative reference and input builder live on the scoring server;
editing this copy changes nothing except your own understanding.
"""

import jax, jax.numpy as jnp
import numpy as np

B = 16384
F = 26
V = 100000
D = 16
H = 128
C = 2
EPS = 1e-5


def setup_inputs(seed: int = 0) -> dict:
    key = jax.random.key(seed)
    ks = jax.random.split(key, 12)
    x = jax.random.randint(ks[0], (1, B, F), 0, V, dtype=jnp.int32)
    tables = jax.random.normal(ks[1], (F, V, D), dtype=jnp.float32)
    W1 = jax.random.normal(ks[2], (F * D, H), dtype=jnp.float32) * 0.05
    b1 = jnp.zeros((H,), jnp.float32)
    g1 = jnp.ones((H,), jnp.float32)
    be1 = jnp.zeros((H,), jnp.float32)
    W2 = jax.random.normal(ks[3], (H, H), dtype=jnp.float32) * 0.05
    b2 = jnp.zeros((H,), jnp.float32)
    g2 = jnp.ones((H,), jnp.float32)
    be2 = jnp.zeros((H,), jnp.float32)
    Wp = jax.random.normal(ks[4], (H, C), dtype=jnp.float32) * 0.05
    bp = jnp.zeros((C,), jnp.float32)
    return {"x": x, "tables": tables, "W1": W1, "b1": b1, "g1": g1, "be1": be1,
            "W2": W2, "b2": b2, "g2": g2, "be2": be2, "Wp": Wp, "bp": bp}


def _batchnorm(h, g, b):
    m = jnp.mean(h, axis=0)
    v = jnp.var(h, axis=0)
    return (h - m) / jnp.sqrt(v + EPS) * g + b


def reference(x, tables, W1, b1, g1, be1, W2, b2, g2, be2, Wp, bp):
    x0 = x[0]  # list(x) with num_passive=1 -> single [B, F] tensor
    # DeepFM_passive
    Xi = jnp.concatenate([jnp.zeros_like(x0[:, :2]), x0[:, 2:]], axis=1)  # [B, F] int
    Xv = jnp.concatenate([x0[:, :2].astype(jnp.float32),
                          jnp.ones((x0.shape[0], F - 2), jnp.float32)], axis=1)  # [B, F]
    # per-field embedding gather: emb_fm[i] = tables[i][Xi[:, i]] * Xv[:, i]
    gathered = tables[jnp.arange(F)[None, :], Xi]  # [B, F, D]
    emb_cat = (gathered * Xv[:, :, None]).reshape(x0.shape[0], F * D)  # [B, F*D]
    h = _batchnorm(emb_cat @ W1 + b1, g1, be1)  # dropout = identity (deterministic)
    h = _batchnorm(h @ W2 + b2, g2, be2)
    emb_deep = h  # [B, H]
    # DeepFM_active (num_passive=1 -> single Linear)
    logit = emb_deep @ Wp + bp
    pred = jax.nn.softmax(logit, axis=1)
    return (emb_deep, logit, pred)

if __name__ == "__main__":
    import jax
    _d = setup_inputs()
    print(jax.jit(kernel)(*tuple(_d.values())))

</pallas_src>

<mosaic_0001>
#map = affine_map<(d0, d1) -> (0, 0)>
module attributes {stable_mosaic.version = 14 : i64} {
  func.func @_sc_gather_body(%arg0: i32, %arg1: i32, %arg2: memref<2400000x16xf32, #tpu.memory_space<hbm>>, %arg3: memref<32x12288xi32, #tpu.memory_space<hbm>>, %arg4: memref<393216x16xf32, #tpu.memory_space<hbm>>, %arg5: memref<12288xi32, #tpu.memory_space<vmem>>, %arg6: memref<2048x16xf32, #tpu.memory_space<vmem>>, %arg7: memref<!tpu.dma_semaphore, #tpu.memory_space<semaphore_mem>>) attributes {dimension_semantics = [#tpu.dimension_semantics<core_parallel>, #tpu.dimension_semantics<subcore_parallel>], iteration_bounds = array<i64: 2, 16>, scalar_prefetch = 0 : i64, scratch_operands = 3 : i64, tpu.core_type = #tpu.core_type<sc_vector_subcore>, window_params = [{transform_indices = #map}, {transform_indices = #map}, {transform_indices = #map}]} {
    %mul3A = arith.constant 2 : i32
    %mul3A_0 = arith.muli %arg1, %mul3A : i32
    %add3A = arith.addi %mul3A_0, %arg0 : i32
    "tpu.region"() ({
      %run_scoped3A = tpu.sem_alloc : memref<!tpu.dma_semaphore, #tpu.memory_space<semaphore_mem>>
      %dma_start3A = arith.constant 0 : i32
      %dma_start3A_6 = tpu.memref_slice %arg3[%add3A, %dma_start3A] : memref<32x12288xi32, #tpu.memory_space<hbm>> -> memref<1x12288xi32, #tpu.memory_space<hbm>>
      %dma_start3A_7 = tpu.memref_squeeze %dma_start3A_6 : memref<1x12288xi32, #tpu.memory_space<hbm>> -> memref<12288xi32, #tpu.memory_space<hbm>>
      %dma_start3A_8 = arith.constant 0 : i32
      %dma_start3A_9 = tpu.memref_slice %arg3[%add3A, %dma_start3A_8] : memref<32x12288xi32, #tpu.memory_space<hbm>> -> memref<1x12288xi32, #tpu.memory_space<hbm>>
      %dma_start3A_10 = tpu.memref_squeeze %dma_start3A_9 : memref<1x12288xi32, #tpu.memory_space<hbm>> -> memref<12288xi32, #tpu.memory_space<hbm>>
      tpu.enqueue_dma source(%dma_start3A_10 : memref<12288xi32, #tpu.memory_space<hbm>>) target(%arg5 : memref<12288xi32, #tpu.memory_space<vmem>>) target_semaphore(%run_scoped3A : memref<!tpu.dma_semaphore, #tpu.memory_space<semaphore_mem>>)
      %dma_wait3A = arith.constant 0 : i32
      %dma_wait3A_11 = tpu.memref_slice %arg3[%add3A, %dma_wait3A] : memref<32x12288xi32, #tpu.memory_space<hbm>> -> memref<1x12288xi32, #tpu.memory_space<hbm>>
      %dma_wait3A_12 = tpu.memref_squeeze %dma_wait3A_11 : memref<1x12288xi32, #tpu.memory_space<hbm>> -> memref<12288xi32, #tpu.memory_space<hbm>>
      %dma_wait3A_13 = arith.constant 0 : i32
      %dma_wait3A_14 = tpu.memref_slice %arg3[%add3A, %dma_wait3A_13] : memref<32x12288xi32, #tpu.memory_space<hbm>> -> memref<1x12288xi32, #tpu.memory_space<hbm>>
      %dma_wait3A_15 = tpu.memref_squeeze %dma_wait3A_14 : memref<1x12288xi32, #tpu.memory_space<hbm>> -> memref<12288xi32, #tpu.memory_space<hbm>>
      tpu.wait_dma2 semaphore(%run_scoped3A : memref<!tpu.dma_semaphore, #tpu.memory_space<semaphore_mem>>) src(%dma_wait3A_15 : memref<12288xi32, #tpu.memory_space<hbm>>) dst(%arg5 : memref<12288xi32, #tpu.memory_space<vmem>>)
      tpu.yield
    }) : () -> ()
    %scan3A = arith.constant 0 : i32
    %scan3A_1 = arith.constant 0 : i32
    %scan3A_2 = arith.constant 6 : i32
    %scan3A_3 = arith.addi %scan3A_1, %scan3A_2 : i32
    %scan3A_4 = arith.constant 1 : i32
    scf.for %scan3A_6 = %scan3A_1 to %scan3A_3 step %scan3A_4  : i32 {
      %mul3A_7 = arith.constant 12288 : i32
      %mul3A_8 = arith.muli %add3A, %mul3A_7 : i32
      %mul3A_9 = arith.constant 2048 : i32
      %mul3A_10 = arith.muli %scan3A_6, %mul3A_9 : i32
      %add3A_11 = arith.addi %mul3A_8, %mul3A_10 : i32
      %mul3A_12 = arith.constant 2048 : i32
      %mul3A_13 = arith.muli %scan3A_6, %mul3A_12 : i32
      %dma_start3A = tpu.memref_slice %arg5[%mul3A_13] : memref<12288xi32, #tpu.memory_space<vmem>> -> memref<2048xi32, #tpu.memory_space<vmem>>
      %dma_start3A_14 = arith.constant 0 : i32
      %dma_start3A_15 = arith.constant 0 : i32
      %dma_start3A_16 = tpu.memref_slice %arg2[%dma_start3A_14, %dma_start3A_15] : memref<2400000x16xf32, #tpu.memory_space<hbm>> -> memref<2400000x16xf32, #tpu.memory_space<hbm>>
      tpu.enqueue_indirect_dma source(%dma_start3A_16 : memref<2400000x16xf32, #tpu.memory_space<hbm>>) target(%arg6 : memref<2048x16xf32, #tpu.memory_space<vmem>>) offsets(%dma_start3A : memref<2048xi32, #tpu.memory_space<vmem>>) semaphore(%arg7 : memref<!tpu.dma_semaphore, #tpu.memory_space<semaphore_mem>>)
      %dma_wait3A = tpu.memref_slice %arg5[%mul3A_13] : memref<12288xi32, #tpu.memory_space<vmem>> -> memref<2048xi32, #tpu.memory_space<vmem>>
      %dma_wait3A_17 = arith.constant 0 : i32
      %dma_wait3A_18 = arith.constant 0 : i32
      %dma_wait3A_19 = tpu.memref_slice %arg2[%dma_wait3A_17, %dma_wait3A_18] : memref<2400000x16xf32, #tpu.memory_space<hbm>> -> memref<2400000x16xf32, #tpu.memory_space<hbm>>
      tpu.wait_indirect_dma semaphore(%arg7 : memref<!tpu.dma_semaphore, #tpu.memory_space<semaphore_mem>>) src(%dma_wait3A_19 : memref<2400000x16xf32, #tpu.memory_space<hbm>>) dst(%arg6 : memref<2048x16xf32, #tpu.memory_space<vmem>>)
      "tpu.region"() ({
        %run_scoped3A = tpu.sem_alloc : memref<!tpu.dma_semaphore, #tpu.memory_space<semaphore_mem>>
        %dma_start3A_20 = arith.constant 0 : i32
        %dma_start3A_21 = tpu.memref_slice %arg4[%add3A_11, %dma_start3A_20] : memref<393216x16xf32, #tpu.memory_space<hbm>> -> memref<2048x16xf32, #tpu.memory_space<hbm>>
        %dma_start3A_22 = arith.constant 0 : i32
        %dma_start3A_23 = tpu.memref_slice %arg4[%add3A_11, %dma_start3A_22] : memref<393216x16xf32, #tpu.memory_space<hbm>> -> memref<2048x16xf32, #tpu.memory_space<hbm>>
        tpu.enqueue_dma source(%arg6 : memref<2048x16xf32, #tpu.memory_space<vmem>>) target(%dma_start3A_23 : memref<2048x16xf32, #tpu.memory_space<hbm>>) target_semaphore(%run_scoped3A : memref<!tpu.dma_semaphore, #tpu.memory_space<semaphore_mem>>)
        %dma_wait3A_24 = arith.constant 0 : i32
        %dma_wait3A_25 = tpu.memref_slice %arg4[%add3A_11, %dma_wait3A_24] : memref<393216x16xf32, #tpu.memory_space<hbm>> -> memref<2048x16xf32, #tpu.memory_space<hbm>>
        %dma_wait3A_26 = arith.constant 0 : i32
        %dma_wait3A_27 = tpu.memref_slice %arg4[%add3A_11, %dma_wait3A_26] : memref<393216x16xf32, #tpu.memory_space<hbm>> -> memref<2048x16xf32, #tpu.memory_space<hbm>>
        tpu.wait_dma2 semaphore(%run_scoped3A : memref<!tpu.dma_semaphore, #tpu.memory_space<semaphore_mem>>) src(%arg6 : memref<2048x16xf32, #tpu.memory_space<vmem>>) dst(%dma_wait3A_27 : memref<2048x16xf32, #tpu.memory_space<hbm>>)
        tpu.yield
      }) : () -> ()
    }
    %scan3A_5 = arith.constant 6 : i32
    return
  }
}

#map = affine_map<(d0, d1) -> (0, 0, 0)>
#map1 = affine_map<(d0, d1) -> (0)>
module attributes {stable_mosaic.version = 14 : i64} {
  func.func @_sc_fused_relayout_body(%arg0: i32, %arg1: i32, %arg2: memref<26x16x100000xf32, #tpu.memory_space<hbm>>, %arg3: memref<38400000xf32, #tpu.memory_space<hbm>>, %arg4: memref<16x1408xf32, #tpu.memory_space<vmem>>, %arg5: memref<16x1408xf32, #tpu.memory_space<vmem>>, %arg6: memref<22528xf32, #tpu.memory_space<vmem>>, %arg7: memref<22528xf32, #tpu.memory_space<vmem>>, %arg8: memref<!tpu.dma_semaphore, #tpu.memory_space<semaphore_mem>>, %arg9: memref<!tpu.dma_semaphore, #tpu.memory_space<semaphore_mem>>, %arg10: memref<!tpu.dma_semaphore, #tpu.memory_space<semaphore_mem>>, %arg11: memref<!tpu.dma_semaphore, #tpu.memory_space<semaphore_mem>>) attributes {dimension_semantics = [#tpu.dimension_semantics<core_parallel>, #tpu.dimension_semantics<subcore_parallel>], iteration_bounds = array<i64: 2, 16>, scalar_prefetch = 0 : i64, scratch_operands = 8 : i64, tpu.core_type = #tpu.core_type<sc_vector_subcore>, window_params = [{transform_indices = #map}, {transform_indices = #map1}]} {
    %mul3A = arith.constant 2 : i32
    %mul3A_0 = arith.muli %arg1, %mul3A : i32
    %add3A = arith.addi %mul3A_0, %arg0 : i32
    %iota3A = tpu.iota {dimensions = array<i32: 0>} : vector<16xi32>
    %mul3A_1 = arith.constant 16 : i32
    %mul3A_2 = vector.broadcast %mul3A_1 : i32 to vector<16xi32>
    %mul3A_3 = arith.muli %iota3A, %mul3A_2 : vector<16xi32>
    %add3A_4 = arith.constant 0 : i32
    %add3A_5 = vector.broadcast %add3A_4 : i32 to vector<16xi32>
    %add3A_6 = arith.addi %mul3A_3, %add3A_5 : vector<16xi32>
    %iota3A_7 = tpu.iota {dimensions = array<i32: 0>} : vector<16xi32>
    %mul3A_8 = arith.constant 16 : i32
    %mul3A_9 = vector.broadcast %mul3A_8 : i32 to vector<16xi32>
    %mul3A_10 = arith.muli %iota3A_7, %mul3A_9 : vector<16xi32>
    %add3A_11 = arith.constant 1 : i32
    %add3A_12 = vector.broadcast %add3A_11 : i32 to vector<16xi32>
    %add3A_13 = arith.addi %mul3A_10, %add3A_12 : vector<16xi32>
    %iota3A_14 = tpu.iota {dimensions = array<i32: 0>} : vector<16xi32>
    %mul3A_15 = arith.constant 16 : i32
    %mul3A_16 = vector.broadcast %mul3A_15 : i32 to vector<16xi32>
    %mul3A_17 = arith.muli %iota3A_14, %mul3A_16 : vector<16xi32>
    %add3A_18 = arith.constant 2 : i32
    %add3A_19 = vector.broadcast %add3A_18 : i32 to vector<16xi32>
    %add3A_20 = arith.addi %mul3A_17, %add3A_19 : vector<16xi32>
    %iota3A_21 = tpu.iota {dimensions = array<i32: 0>} : vector<16xi32>
    %mul3A_22 = arith.constant 16 : i32
    %mul3A_23 = vector.broadcast %mul3A_22 : i32 to vector<16xi32>
    %mul3A_24 = arith.muli %iota3A_21, %mul3A_23 : vector<16xi32>
    %add3A_25 = arith.constant 3 : i32
    %add3A_26 = vector.broadcast %add3A_25 : i32 to vector<16xi32>
    %add3A_27 = arith.addi %mul3A_24, %add3A_26 : vector<16xi32>
    %iota3A_28 = tpu.iota {dimensions = array<i32: 0>} : vector<16xi32>
    %mul3A_29 = arith.constant 16 : i32
    %mul3A_30 = vector.broadcast %mul3A_29 : i32 to vector<16xi32>
    %mul3A_31 = arith.muli %iota3A_28, %mul3A_30 : vector<16xi32>
    %add3A_32 = arith.constant 4 : i32
    %add3A_33 = vector.broadcast %add3A_32 : i32 to vector<16xi32>
    %add3A_34 = arith.addi %mul3A_31, %add3A_33 : vector<16xi32>
    %iota3A_35 = tpu.iota {dimensions = array<i32: 0>} : vector<16xi32>
    %mul3A_36 = arith.constant 16 : i32
    %mul3A_37 = vector.broadcast %mul3A_36 : i32 to vector<16xi32>
    %mul3A_38 = arith.muli %iota3A_35, %mul3A_37 : vector<16xi32>
    %add3A_39 = arith.constant 5 : i32
    %add3A_40 = vector.broadcast %add3A_39 : i32 to vector<16xi32>
    %add3A_41 = arith.addi %mul3A_38, %add3A_40 : vector<16xi32>
    %iota3A_42 = tpu.iota {dimensions = array<i32: 0>} : vector<16xi32>
    %mul3A_43 = arith.constant 16 : i32
    %mul3A_44 = vector.broadcast %mul3A_43 : i32 to vector<16xi32>
    %mul3A_45 = arith.muli %iota3A_42, %mul3A_44 : vector<16xi32>
    %add3A_46 = arith.constant 6 : i32
    %add3A_47 = vector.broadcast %add3A_46 : i32 to vector<16xi32>
    %add3A_48 = arith.addi %mul3A_45, %add3A_47 : vector<16xi32>
    %iota3A_49 = tpu.iota {dimensions = array<i32: 0>} : vector<16xi32>
    %mul3A_50 = arith.constant 16 : i32
    %mul3A_51 = vector.broadcast %mul3A_50 : i32 to vector<16xi32>
    %mul3A_52 = arith.muli %iota3A_49, %mul3A_51 : vector<16xi32>
    %add3A_53 = arith.constant 7 : i32
    %add3A_54 = vector.broadcast %add3A_53 : i32 to vector<16xi32>
    %add3A_55 = arith.addi %mul3A_52, %add3A_54 : vector<16xi32>
    %iota3A_56 = tpu.iota {dimensions = array<i32: 0>} : vector<16xi32>
    %mul3A_57 = arith.constant 16 : i32
    %mul3A_58 = vector.broadcast %mul3A_57 : i32 to vector<16xi32>
    %mul3A_59 = arith.muli %iota3A_56, %mul3A_58 : vector<16xi32>
    %add3A_60 = arith.constant 8 : i32
    %add3A_61 = vector.broadcast %add3A_60 : i32 to vector<16xi32>
    %add3A_62 = arith.addi %mul3A_59, %add3A_61 : vector<16xi32>
    %iota3A_63 = tpu.iota {dimensions = array<i32: 0>} : vector<16xi32>
    %mul3A_64 = arith.constant 16 : i32
    %mul3A_65 = vector.broadcast %mul3A_64 : i32 to vector<16xi32>
    %mul3A_66 = arith.muli %iota3A_63, %mul3A_65 : vector<16xi32>
    %add3A_67 = arith.constant 9 : i32
    %add3A_68 = vector.broadcast %add3A_67 : i32 to vector<16xi32>
    %add3A_69 = arith.addi %mul3A_66, %add3A_68 : vector<16xi32>
    %iota3A_70 = tpu.iota {dimensions = array<i32: 0>} : vector<16xi32>
    %mul3A_71 = arith.constant 16 : i32
    %mul3A_72 = vector.broadcast %mul3A_71 : i32 to vector<16xi32>
    %mul3A_73 = arith.muli %iota3A_70, %mul3A_72 : vector<16xi32>
    %add3A_74 = arith.constant 10 : i32
    %add3A_75 = vector.broadcast %add3A_74 : i32 to vector<16xi32>
    %add3A_76 = arith.addi %mul3A_73, %add3A_75 : vector<16xi32>
    %iota3A_77 = tpu.iota {dimensions = array<i32: 0>} : vector<16xi32>
    %mul3A_78 = arith.constant 16 : i32
    %mul3A_79 = vector.broadcast %mul3A_78 : i32 to vector<16xi32>
    %mul3A_80 = arith.muli %iota3A_77, %mul3A_79 : vector<16xi32>
    %add3A_81 = arith.constant 11 : i32
    %add3A_82 = vector.broadcast %add3A_81 : i32 to vector<16xi32>
    %add3A_83 = arith.addi %mul3A_80, %add3A_82 : vector<16xi32>
    %iota3A_84 = tpu.iota {dimensions = array<i32: 0>} : vector<16xi32>
    %mul3A_85 = arith.constant 16 : i32
    %mul3A_86 = vector.broadcast %mul3A_85 : i32 to vector<16xi32>
    %mul3A_87 = arith.muli %iota3A_84, %mul3A_86 : vector<16xi32>
    %add3A_88 = arith.constant 12 : i32
    %add3A_89 = vector.broadcast %add3A_88 : i32 to vector<16xi32>
    %add3A_90 = arith.addi %mul3A_87, %add3A_89 : vector<16xi32>
    %iota3A_91 = tpu.iota {dimensions = array<i32: 0>} : vector<16xi32>
    %mul3A_92 = arith.constant 16 : i32
    %mul3A_93 = vector.broadcast %mul3A_92 : i32 to vector<16xi32>
    %mul3A_94 = arith.muli %iota3A_91, %mul3A_93 : vector<16xi32>
    %add3A_95 = arith.constant 13 : i32
    %add3A_96 = vector.broadcast %add3A_95 : i32 to vector<16xi32>
    %add3A_97 = arith.addi %mul3A_94, %add3A_96 : vector<16xi32>
    %iota3A_98 = tpu.iota {dimensions = array<i32: 0>} : vector<16xi32>
    %mul3A_99 = arith.constant 16 : i32
    %mul3A_100 = vector.broadcast %mul3A_99 : i32 to vector<16xi32>
    %mul3A_101 = arith.muli %iota3A_98, %mul3A_100 : vector<16xi32>
    %add3A_102 = arith.constant 14 : i32
    %add3A_103 = vector.broadcast %add3A_102 : i32 to vector<16xi32>
    %add3A_104 = arith.addi %mul3A_101, %add3A_103 : vector<16xi32>
    %iota3A_105 = tpu.iota {dimensions = array<i32: 0>} : vector<16xi32>
    %mul3A_106 = arith.constant 16 : i32
    %mul3A_107 = vector.broadcast %mul3A_106 : i32 to vector<16xi32>
    %mul3A_108 = arith.muli %iota3A_105, %mul3A_107 : vector<16xi32>
    %add3A_109 = arith.constant 15 : i32
    %add3A_110 = vector.broadcast %add3A_109 : i32 to vector<16xi32>
    %add3A_111 = arith.addi %mul3A_108, %add3A_110 : vector<16xi32>
    %jit3A = arith.constant 71 : i32
    %div3A = arith.divsi %add3A, %jit3A : i32
    %sign3A = arith.constant 0 : i32
    %sign3A_112 = arith.cmpi sgt, %add3A, %sign3A : i32
    %sign3A_113 = arith.extui %sign3A_112 : i1 to i32
    %sign3A_114 = arith.constant 0 : i32
    %sign3A_115 = arith.cmpi slt, %add3A, %sign3A_114 : i32
    %sign3A_116 = arith.extui %sign3A_115 : i1 to i32
    %sign3A_117 = arith.subi %sign3A_113, %sign3A_116 : i32
    %sign3A_118 = arith.constant 0 : i32
    %sign3A_119 = arith.cmpi sgt, %jit3A, %sign3A_118 : i32
    %sign3A_120 = arith.extui %sign3A_119 : i1 to i32
    %sign3A_121 = arith.constant 0 : i32
    %sign3A_122 = arith.cmpi slt, %jit3A, %sign3A_121 : i32
    %sign3A_123 = arith.extui %sign3A_122 : i1 to i32
    %sign3A_124 = arith.subi %sign3A_120, %sign3A_123 : i32
    %ne3A = arith.cmpi ne, %sign3A_117, %sign3A_124 : i32
    %rem3A = arith.remsi %add3A, %jit3A : i32
    %ne3A_125 = arith.constant 0 : i32
    %ne3A_126 = arith.cmpi ne, %rem3A, %ne3A_125 : i32
    %and3A = arith.andi %ne3A, %ne3A_126 : i1
    %sub3A = arith.constant 1 : i32
    %sub3A_127 = arith.subi %div3A, %sub3A : i32
    %select_n3A = arith.select %and3A, %sub3A_127, %div3A : i32
    %add3A_128 = arith.constant 2 : i32
    %add3A_129 = arith.addi %add3A_128, %select_n3A : i32
    %jit3A_130 = arith.constant 71 : i32
    %eq3A = arith.constant 0 : i32
    %eq3A_131 = arith.cmpi eq, %jit3A_130, %eq3A : i32
    %jit3A_132 = arith.constant 1 : i32
    %select_n3A_133 = arith.select %eq3A_131, %jit3A_132, %jit3A_130 : i32
    %rem3A_134 = arith.remsi %add3A, %select_n3A_133 : i32
    %ne3A_135 = arith.constant 0 : i32
    %ne3A_136 = arith.cmpi ne, %rem3A_134, %ne3A_135 : i32
    %lt3A = arith.constant 0 : i32
    %lt3A_137 = arith.cmpi slt, %rem3A_134, %lt3A : i32
    %lt3A_138 = arith.constant 0 : i32
    %lt3A_139 = arith.cmpi slt, %select_n3A_133, %lt3A_138 : i32
    %ne3A_140 = arith.xori %lt3A_137, %lt3A_139 : i1
    %and3A_141 = arith.andi %ne3A_140, %ne3A_136 : i1
    %add3A_142 = arith.addi %rem3A_134, %select_n3A_133 : i32
    %select_n3A_143 = arith.select %and3A_141, %add3A_142, %rem3A_134 : i32
    %mul3A_144 = arith.constant 1408 : i32
    %mul3A_145 = arith.muli %select_n3A_143, %mul3A_144 : i32
    %dma_start3A = arith.constant 0 : i32
    %dma_start3A_146 = arith.constant 0 : i32
    %dma_start3A_147 = tpu.memref_slice %arg4[%dma_start3A, %dma_start3A_146] : memref<16x1408xf32, #tpu.memory_space<vmem>> -> memref<8x1408xf32, #tpu.memory_space<vmem>>
    %dma_start3A_148 = arith.constant 0 : i32
    %dma_start3A_149 = tpu.memref_slice %arg2[%add3A_129, %dma_start3A_148, %mul3A_145] : memref<26x16x100000xf32, #tpu.memory_space<hbm>> -> memref<1x8x1408xf32, #tpu.memory_space<hbm>>
    %dma_start3A_150 = tpu.memref_squeeze %dma_start3A_149 : memref<1x8x1408xf32, #tpu.memory_space<hbm>> -> memref<8x1408xf32, #tpu.memory_space<hbm>>
    %dma_start3A_151 = arith.constant 0 : i32
    %dma_start3A_152 = arith.constant 0 : i32
    %dma_start3A_153 = tpu.memref_slice %arg4[%dma_start3A_151, %dma_start3A_152] : memref<16x1408xf32, #tpu.memory_space<vmem>> -> memref<8x1408xf32, #tpu.memory_space<vmem>>
    %dma_start3A_154 = arith.constant 0 : i32
    %dma_start3A_155 = tpu.memref_slice %arg2[%add3A_129, %dma_start3A_154, %mul3A_145] : memref<26x16x100000xf32, #tpu.memory_space<hbm>> -> memref<1x8x1408xf32, #tpu.memory_space<hbm>>
    %dma_start3A_156 = tpu.memref_squeeze %dma_start3A_155 : memref<1x8x1408xf32, #tpu.memory_space<hbm>> -> memref<8x1408xf32, #tpu.memory_space<hbm>>
    tpu.enqueue_dma source(%dma_start3A_156 : memref<8x1408xf32, #tpu.memory_space<hbm>>) target(%dma_start3A_153 : memref<8x1408xf32, #tpu.memory_space<vmem>>) target_semaphore(%arg8 : memref<!tpu.dma_semaphore, #tpu.memory_space<semaphore_mem>>)
    %dma_start3A_157 = arith.constant 8 : i32
    %dma_start3A_158 = arith.constant 0 : i32
    %dma_start3A_159 = tpu.memref_slice %arg4[%dma_start3A_157, %dma_start3A_158] : memref<16x1408xf32, #tpu.memory_space<vmem>> -> memref<8x1408xf32, #tpu.memory_space<vmem>>
    %dma_start3A_160 = arith.constant 8 : i32
    %dma_start3A_161 = tpu.memref_slice %arg2[%add3A_129, %dma_start3A_160, %mul3A_145] : memref<26x16x100000xf32, #tpu.memory_space<hbm>> -> memref<1x8x1408xf32, #tpu.memory_space<hbm>>
    %dma_start3A_162 = tpu.memref_squeeze %dma_start3A_161 : memref<1x8x1408xf32, #tpu.memory_space<hbm>> -> memref<8x1408xf32, #tpu.memory_space<hbm>>
    %dma_start3A_163 = arith.constant 8 : i32
    %dma_start3A_164 = arith.constant 0 : i32
    %dma_start3A_165 = tpu.memref_slice %arg4[%dma_start3A_163, %dma_start3A_164] : memref<16x1408xf32, #tpu.memory_space<vmem>> -> memref<8x1408xf32, #tpu.memory_space<vmem>>
    %dma_start3A_166 = arith.constant 8 : i32
    %dma_start3A_167 = tpu.memref_slice %arg2[%add3A_129, %dma_start3A_166, %mul3A_145] : memref<26x16x100000xf32, #tpu.memory_space<hbm>> -> memref<1x8x1408xf32, #tpu.memory_space<hbm>>
    %dma_start3A_168 = tpu.memref_squeeze %dma_start3A_167 : memref<1x8x1408xf32, #tpu.memory_space<hbm>> -> memref<8x1408xf32, #tpu.memory_space<hbm>>
    tpu.enqueue_dma source(%dma_start3A_168 : memref<8x1408xf32, #tpu.memory_space<hbm>>) target(%dma_start3A_165 : memref<8x1408xf32, #tpu.memory_space<vmem>>) target_semaphore(%arg8 : memref<!tpu.dma_semaphore, #tpu.memory_space<semaphore_mem>>)
    %scan3A = arith.constant 0 : i32
    %scan3A_169 = arith.constant 0 : i32
    %scan3A_170 = arith.constant 27 : i32
    %scan3A_171 = arith.addi %scan3A_169, %scan3A_170 : i32
    %scan3A_172 = arith.constant 1 : i32
    scf.for %scan3A_181 = %scan3A_169 to %scan3A_171 step %scan3A_172  : i32 {
      %mul3A_182 = arith.constant 2 : i32
      %mul3A_183 = arith.muli %scan3A_181, %mul3A_182 : i32
      %add3A_184 = arith.constant 0 : i32
      %add3A_185 = arith.addi %mul3A_183, %add3A_184 : i32
      %mul3A_186 = arith.constant 32 : i32
      %mul3A_187 = arith.muli %mul3A_186, %add3A_185 : i32
      %add3A_188 = arith.addi %add3A, %mul3A_187 : i32
      %add3A_189 = arith.constant 32 : i32
      %add3A_190 = arith.addi %add3A_188, %add3A_189 : i32
      %lt3A_191 = arith.constant 1704 : i32
      %lt3A_192 = arith.cmpi slt, %add3A_188, %lt3A_191 : i32
      %convert_element_type3A = arith.extui %lt3A_192 : i1 to i32
      %cond3A = arith.constant 0 : i32
      %cond3A_193 = arith.cmpi ne, %convert_element_type3A, %cond3A : i32
      scf.if %cond3A_193 {
        %dma_wait3A_243 = arith.constant 0 : i32
        %dma_wait3A_244 = arith.constant 0 : i32
        %dma_wait3A_245 = arith.constant 0 : i32
        %dma_wait3A_246 = tpu.memref_slice %arg4[%dma_wait3A_244, %dma_wait3A_245] : memref<16x1408xf32, #tpu.memory_space<vmem>> -> memref<8x1408xf32, #tpu.memory_space<vmem>>
        %dma_wait3A_247 = arith.constant 0 : i32
        %dma_wait3A_248 = arith.constant 0 : i32
        %dma_wait3A_249 = tpu.memref_slice %arg2[%dma_wait3A_243, %dma_wait3A_247, %dma_wait3A_248] : memref<26x16x100000xf32, #tpu.memory_space<hbm>> -> memref<1x8x1408xf32, #tpu.memory_space<hbm>>
        %dma_wait3A_250 = tpu.memref_squeeze %dma_wait3A_249 : memref<1x8x1408xf32, #tpu.memory_space<hbm>> -> memref<8x1408xf32, #tpu.memory_space<hbm>>
        %dma_wait3A_251 = arith.constant 0 : i32
        %dma_wait3A_252 = arith.constant 0 : i32
        %dma_wait3A_253 = tpu.memref_slice %arg4[%dma_wait3A_251, %dma_wait3A_252] : memref<16x1408xf32, #tpu.memory_space<vmem>> -> memref<8x1408xf32, #tpu.memory_space<vmem>>
        %dma_wait3A_254 = arith.constant 0 : i32
        %dma_wait3A_255 = arith.constant 0 : i32
        %dma_wait3A_256 = tpu.memref_slice %arg2[%dma_wait3A_243, %dma_wait3A_254, %dma_wait3A_255] : memref<26x16x100000xf32, #tpu.memory_space<hbm>> -> memref<1x8x1408xf32, #tpu.memory_space<hbm>>
        %dma_wait3A_257 = tpu.memref_squeeze %dma_wait3A_256 : memref<1x8x1408xf32, #tpu.memory_space<hbm>> -> memref<8x1408xf32, #tpu.memory_space<hbm>>
        tpu.wait_dma2 semaphore(%arg8 : memref<!tpu.dma_semaphore, #tpu.memory_space<semaphore_mem>>) src(%dma_wait3A_257 : memref<8x1408xf32, #tpu.memory_space<hbm>>) dst(%dma_wait3A_253 : memref<8x1408xf32, #tpu.memory_space<vmem>>)
        %dma_wait3A_258 = arith.constant 0 : i32
        %dma_wait3A_259 = arith.constant 0 : i32
        %dma_wait3A_260 = arith.constant 0 : i32
        %dma_wait3A_261 = tpu.memref_slice %arg4[%dma_wait3A_259, %dma_wait3A_260] : memref<16x1408xf32, #tpu.memory_space<vmem>> -> memref<8x1408xf32, #tpu.memory_space<vmem>>
        %dma_wait3A_262 = arith.constant 0 : i32
        %dma_wait3A_263 = arith.constant 0 : i32
        %dma_wait3A_264 = tpu.memref_slice %arg2[%dma_wait3A_258, %dma_wait3A_262, %dma_wait3A_263] : memref<26x16x100000xf32, #tpu.memory_space<hbm>> -> memref<1x8x1408xf32, #tpu.memory_space<hbm>>
        %dma_wait3A_265 = tpu.memref_squeeze %dma_wait3A_264 : memref<1x8x1408xf32, #tpu.memory_space<hbm>> -> memref<8x1408xf32, #tpu.memory_space<hbm>>
        %dma_wait3A_266 = arith.constant 0 : i32
        %dma_wait3A_267 = arith.constant 0 : i32
        %dma_wait3A_268 = tpu.memref_slice %arg4[%dma_wait3A_266, %dma_wait3A_267] : memref<16x1408xf32, #tpu.memory_space<vmem>> -> memref<8x1408xf32, #tpu.memory_space<vmem>>
        %dma_wait3A_269 = arith.constant 0 : i32
        %dma_wait3A_270 = arith.constant 0 : i32
        %dma_wait3A_271 = tpu.memref_slice %arg2[%dma_wait3A_258, %dma_wait3A_269, %dma_wait3A_270] : memref<26x16x100000xf32, #tpu.memory_space<hbm>> -> memref<1x8x1408xf32, #tpu.memory_space<hbm>>
        %dma_wait3A_272 = tpu.memref_squeeze %dma_wait3A_271 : memref<1x8x1408xf32, #tpu.memory_space<hbm>> -> memref<8x1408xf32, #tpu.memory_space<hbm>>
        tpu.wait_dma2 semaphore(%arg8 : memref<!tpu.dma_semaphore, #tpu.memory_space<semaphore_mem>>) src(%dma_wait3A_272 : memref<8x1408xf32, #tpu.memory_space<hbm>>) dst(%dma_wait3A_268 : memref<8x1408xf32, #tpu.memory_space<vmem>>)
      } else {
      }
      %lt3A_194 = arith.constant 1704 : i32
      %lt3A_195 = arith.cmpi slt, %add3A_190, %lt3A_194 : i32
      %convert_element_type3A_196 = arith.extui %lt3A_195 : i1 to i32
      %cond3A_197 = arith.constant 0 : i32
      %cond3A_198 = arith.cmpi ne, %convert_element_type3A_196, %cond3A_197 : i32
      scf.if %cond3A_198 {
        %jit3A_243 = arith.constant 71 : i32
        %div3A_244 = arith.divsi %add3A_190, %jit3A_243 : i32
        %sign3A_245 = arith.constant 0 : i32
        %sign3A_246 = arith.cmpi sgt, %add3A_190, %sign3A_245 : i32
        %sign3A_247 = arith.extui %sign3A_246 : i1 to i32
        %sign3A_248 = arith.constant 0 : i32
        %sign3A_249 = arith.cmpi slt, %add3A_190, %sign3A_248 : i32
        %sign3A_250 = arith.extui %sign3A_249 : i1 to i32
        %sign3A_251 = arith.subi %sign3A_247, %sign3A_250 : i32
        %sign3A_252 = arith.constant 0 : i32
        %sign3A_253 = arith.cmpi sgt, %jit3A_243, %sign3A_252 : i32
        %sign3A_254 = arith.extui %sign3A_253 : i1 to i32
        %sign3A_255 = arith.constant 0 : i32
        %sign3A_256 = arith.cmpi slt, %jit3A_243, %sign3A_255 : i32
        %sign3A_257 = arith.extui %sign3A_256 : i1 to i32
        %sign3A_258 = arith.subi %sign3A_254, %sign3A_257 : i32
        %ne3A_259 = arith.cmpi ne, %sign3A_251, %sign3A_258 : i32
        %rem3A_260 = arith.remsi %add3A_190, %jit3A_243 : i32
        %ne3A_261 = arith.constant 0 : i32
        %ne3A_262 = arith.cmpi ne, %rem3A_260, %ne3A_261 : i32
        %and3A_263 = arith.andi %ne3A_259, %ne3A_262 : i1
        %sub3A_264 = arith.constant 1 : i32
        %sub3A_265 = arith.subi %div3A_244, %sub3A_264 : i32
        %select_n3A_266 = arith.select %and3A_263, %sub3A_265, %div3A_244 : i32
        %add3A_267 = arith.constant 2 : i32
        %add3A_268 = arith.addi %add3A_267, %select_n3A_266 : i32
        %jit3A_269 = arith.constant 71 : i32
        %eq3A_270 = arith.constant 0 : i32
        %eq3A_271 = arith.cmpi eq, %jit3A_269, %eq3A_270 : i32
        %jit3A_272 = arith.constant 1 : i32
        %select_n3A_273 = arith.select %eq3A_271, %jit3A_272, %jit3A_269 : i32
        %rem3A_274 = arith.remsi %add3A_190, %select_n3A_273 : i32
        %ne3A_275 = arith.constant 0 : i32
        %ne3A_276 = arith.cmpi ne, %rem3A_274, %ne3A_275 : i32
        %lt3A_277 = arith.constant 0 : i32
        %lt3A_278 = arith.cmpi slt, %rem3A_274, %lt3A_277 : i32
        %lt3A_279 = arith.constant 0 : i32
        %lt3A_280 = arith.cmpi slt, %select_n3A_273, %lt3A_279 : i32
        %ne3A_281 = arith.xori %lt3A_278, %lt3A_280 : i1
        %and3A_282 = arith.andi %ne3A_281, %ne3A_276 : i1
        %add3A_283 = arith.addi %rem3A_274, %select_n3A_273 : i32
        %select_n3A_284 = arith.select %and3A_282, %add3A_283, %rem3A_274 : i32
        %mul3A_285 = arith.constant 1408 : i32
        %mul3A_286 = arith.muli %select_n3A_284, %mul3A_285 : i32
        %dma_start3A_287 = arith.constant 0 : i32
        %dma_start3A_288 = arith.constant 0 : i32
        %dma_start3A_289 = tpu.memref_slice %arg5[%dma_start3A_287, %dma_start3A_288] : memref<16x1408xf32, #tpu.memory_space<vmem>> -> memref<8x1408xf32, #tpu.memory_space<vmem>>
        %dma_start3A_290 = arith.constant 0 : i32
        %dma_start3A_291 = tpu.memref_slice %arg2[%add3A_268, %dma_start3A_290, %mul3A_286] : memref<26x16x100000xf32, #tpu.memory_space<hbm>> -> memref<1x8x1408xf32, #tpu.memory_space<hbm>>
        %dma_start3A_292 = tpu.memref_squeeze %dma_start3A_291 : memref<1x8x1408xf32, #tpu.memory_space<hbm>> -> memref<8x1408xf32, #tpu.memory_space<hbm>>
        %dma_start3A_293 = arith.constant 0 : i32
        %dma_start3A_294 = arith.constant 0 : i32
        %dma_start3A_295 = tpu.memref_slice %arg5[%dma_start3A_293, %dma_start3A_294] : memref<16x1408xf32, #tpu.memory_space<vmem>> -> memref<8x1408xf32, #tpu.memory_space<vmem>>
        %dma_start3A_296 = arith.constant 0 : i32
        %dma_start3A_297 = tpu.memref_slice %arg2[%add3A_268, %dma_start3A_296, %mul3A_286] : memref<26x16x100000xf32, #tpu.memory_space<hbm>> -> memref<1x8x1408xf32, #tpu.memory_space<hbm>>
        %dma_start3A_298 = tpu.memref_squeeze %dma_start3A_297 : memref<1x8x1408xf32, #tpu.memory_space<hbm>> -> memref<8x1408xf32, #tpu.memory_space<hbm>>
        tpu.enqueue_dma source(%dma_start3A_298 : memref<8x1408xf32, #tpu.memory_space<hbm>>) target(%dma_start3A_295 : memref<8x1408xf32, #tpu.memory_space<vmem>>) target_semaphore(%arg9 : memref<!tpu.dma_semaphore, #tpu.memory_space<semaphore_mem>>)
        %dma_start3A_299 = arith.constant 8 : i32
        %dma_start3A_300 = arith.constant 0 : i32
        %dma_start3A_301 = tpu.memref_slice %arg5[%dma_start3A_299, %dma_start3A_300] : memref<16x1408xf32, #tpu.memory_space<vmem>> -> memref<8x1408xf32, #tpu.memory_space<vmem>>
        %dma_start3A_302 = arith.constant 8 : i32
        %dma_start3A_303 = tpu.memref_slice %arg2[%add3A_268, %dma_start3A_302, %mul3A_286] : memref<26x16x100000xf32, #tpu.memory_space<hbm>> -> memref<1x8x1408xf32, #tpu.memory_space<hbm>>
        %dma_start3A_304 = tpu.memref_squeeze %dma_start3A_303 : memref<1x8x1408xf32, #tpu.memory_space<hbm>> -> memref<8x1408xf32, #tpu.memory_space<hbm>>
        %dma_start3A_305 = arith.constant 8 : i32
        %dma_start3A_306 = arith.constant 0 : i32
        %dma_start3A_307 = tpu.memref_slice %arg5[%dma_start3A_305, %dma_start3A_306] : memref<16x1408xf32, #tpu.memory_space<vmem>> -> memref<8x1408xf32, #tpu.memory_space<vmem>>
        %dma_start3A_308 = arith.constant 8 : i32
        %dma_start3A_309 = tpu.memref_slice %arg2[%add3A_268, %dma_start3A_308, %mul3A_286] : memref<26x16x100000xf32, #tpu.memory_space<hbm>> -> memref<1x8x1408xf32, #tpu.memory_space<hbm>>
        %dma_start3A_310 = tpu.memref_squeeze %dma_start3A_309 : memref<1x8x1408xf32, #tpu.memory_space<hbm>> -> memref<8x1408xf32, #tpu.memory_space<hbm>>
        tpu.enqueue_dma source(%dma_start3A_310 : memref<8x1408xf32, #tpu.memory_space<hbm>>) target(%dma_start3A_307 : memref<8x1408xf32, #tpu.memory_space<vmem>>) target_semaphore(%arg9 : memref<!tpu.dma_semaphore, #tpu.memory_space<semaphore_mem>>)
      } else {
      }
      %ge3A = arith.constant 2 : i32
      %ge3A_199 = arith.cmpi sge, %add3A_185, %ge3A : i32
      %lt3A_200 = arith.constant 1704 : i32
      %lt3A_201 = arith.cmpi slt, %add3A_188, %lt3A_200 : i32
      %and3A_202 = arith.andi %ge3A_199, %lt3A_201 : i1
      %convert_element_type3A_203 = arith.extui %and3A_202 : i1 to i32
      %cond3A_204 = arith.constant 0 : i32
      %cond3A_205 = arith.cmpi ne, %convert_element_type3A_203, %cond3A_204 : i32
      scf.if %cond3A_205 {
        %dma_wait3A_243 = arith.constant 0 : i32
        %dma_wait3A_244 = tpu.memref_slice %arg3[%dma_wait3A_243] : memref<38400000xf32, #tpu.memory_space<hbm>> -> memref<22528xf32, #tpu.memory_space<hbm>>
        %dma_wait3A_245 = arith.constant 0 : i32
        %dma_wait3A_246 = tpu.memref_slice %arg3[%dma_wait3A_245] : memref<38400000xf32, #tpu.memory_space<hbm>> -> memref<22528xf32, #tpu.memory_space<hbm>>
        tpu.wait_dma2 semaphore(%arg10 : memref<!tpu.dma_semaphore, #tpu.memory_space<semaphore_mem>>) src(%arg6 : memref<22528xf32, #tpu.memory_space<vmem>>) dst(%dma_wait3A_246 : memref<22528xf32, #tpu.memory_space<hbm>>)
      } else {
      }
      %lt3A_206 = arith.constant 1704 : i32
      %lt3A_207 = arith.cmpi slt, %add3A_188, %lt3A_206 : i32
      %convert_element_type3A_208 = arith.extui %lt3A_207 : i1 to i32
      %cond3A_209 = arith.constant 0 : i32
      %cond3A_210 = arith.cmpi ne, %convert_element_type3A_208, %cond3A_209 : i32
      scf.if %cond3A_210 {
        %jit3A_243 = arith.constant 71 : i32
        %div3A_244 = arith.divsi %add3A_188, %jit3A_243 : i32
        %sign3A_245 = arith.constant 0 : i32
        %sign3A_246 = arith.cmpi sgt, %add3A_188, %sign3A_245 : i32
        %sign3A_247 = arith.extui %sign3A_246 : i1 to i32
        %sign3A_248 = arith.constant 0 : i32
        %sign3A_249 = arith.cmpi slt, %add3A_188, %sign3A_248 : i32
        %sign3A_250 = arith.extui %sign3A_249 : i1 to i32
        %sign3A_251 = arith.subi %sign3A_247, %sign3A_250 : i32
        %sign3A_252 = arith.constant 0 : i32
        %sign3A_253 = arith.cmpi sgt, %jit3A_243, %sign3A_252 : i32
        %sign3A_254 = arith.extui %sign3A_253 : i1 to i32
        %sign3A_255 = arith.constant 0 : i32
        %sign3A_256 = arith.cmpi slt, %jit3A_243, %sign3A_255 : i32
        %sign3A_257 = arith.extui %sign3A_256 : i1 to i32
        %sign3A_258 = arith.subi %sign3A_254, %sign3A_257 : i32
        %ne3A_259 = arith.cmpi ne, %sign3A_251, %sign3A_258 : i32
        %rem3A_260 = arith.remsi %add3A_188, %jit3A_243 : i32
        %ne3A_261 = arith.constant 0 : i32
        %ne3A_262 = arith.cmpi ne, %rem3A_260, %ne3A_261 : i32
        %and3A_263 = arith.andi %ne3A_259, %ne3A_262 : i1
        %sub3A_264 = arith.constant 1 : i32
        %sub3A_265 = arith.subi %div3A_244, %sub3A_264 : i32
        %select_n3A_266 = arith.select %and3A_263, %sub3A_265, %div3A_244 : i32
        %jit3A_267 = arith.constant 71 : i32
        %eq3A_268 = arith.constant 0 : i32
        %eq3A_269 = arith.cmpi eq, %jit3A_267, %eq3A_268 : i32
        %jit3A_270 = arith.constant 1 : i32
        %select_n3A_271 = arith.select %eq3A_269, %jit3A_270, %jit3A_267 : i32
        %rem3A_272 = arith.remsi %add3A_188, %select_n3A_271 : i32
        %ne3A_273 = arith.constant 0 : i32
        %ne3A_274 = arith.cmpi ne, %rem3A_272, %ne3A_273 : i32
        %lt3A_275 = arith.constant 0 : i32
        %lt3A_276 = arith.cmpi slt, %rem3A_272, %lt3A_275 : i32
        %lt3A_277 = arith.constant 0 : i32
        %lt3A_278 = arith.cmpi slt, %select_n3A_271, %lt3A_277 : i32
        %ne3A_279 = arith.xori %lt3A_276, %lt3A_278 : i1
        %and3A_280 = arith.andi %ne3A_279, %ne3A_274 : i1
        %add3A_281 = arith.addi %rem3A_272, %select_n3A_271 : i32
        %select_n3A_282 = arith.select %and3A_280, %add3A_281, %rem3A_272 : i32
        %mul3A_283 = arith.constant 1408 : i32
        %mul3A_284 = arith.muli %select_n3A_282, %mul3A_283 : i32
        %scan3A_285 = arith.constant 0 : i32
        %scan3A_286 = arith.constant 0 : i32
        %scan3A_287 = arith.constant 22 : i32
        %scan3A_288 = arith.addi %scan3A_286, %scan3A_287 : i32
        %scan3A_289 = arith.constant 1 : i32
        scf.for %scan3A_298 = %scan3A_286 to %scan3A_288 step %scan3A_289  : i32 {
          %mul3A_299 = arith.constant 4 : i32
          %mul3A_300 = arith.muli %scan3A_298, %mul3A_299 : i32
          %add3A_301 = arith.constant 0 : i32
          %add3A_302 = arith.addi %mul3A_300, %add3A_301 : i32
          %mul3A_303 = arith.constant 16 : i32
          %mul3A_304 = arith.muli %add3A_302, %mul3A_303 : i32
          %get3A = arith.constant 0 : i32
          %get3A_305 = arith.index_cast %get3A : i32 to index
          %get3A_306 = arith.index_cast %mul3A_304 : i32 to index
          %get3A_307 = tpu.vector_load %arg4[%get3A_305, %get3A_306] {strides = array<i32>} : memref<16x1408xf32, #tpu.memory_space<vmem>>, vector<16xf32>,
          %mul3A_308 = arith.constant 256 : i32
          %mul3A_309 = arith.muli %add3A_302, %mul3A_308 : i32
          %add3A_310 = vector.broadcast %mul3A_309 : i32 to vector<16xi32>
          %add3A_311 = arith.addi %add3A_6, %add3A_310 : vector<16xi32>
          tpu.vector_store_idx %arg6[%add3A_311], %get3A_307 : memref<22528xf32, #tpu.memory_space<vmem>>[vector<16xi32>], vector<16xf32>,
          %mul3A_312 = arith.constant 16 : i32
          %mul3A_313 = arith.muli %add3A_302, %mul3A_312 : i32
          %get3A_314 = arith.constant 1 : i32
          %get3A_315 = arith.index_cast %get3A_314 : i32 to index
          %get3A_316 = arith.index_cast %mul3A_313 : i32 to index
          %get3A_317 = tpu.vector_load %arg4[%get3A_315, %get3A_316] {strides = array<i32>} : memref<16x1408xf32, #tpu.memory_space<vmem>>, vector<16xf32>,
          %mul3A_318 = arith.constant 256 : i32
          %mul3A_319 = arith.muli %add3A_302, %mul3A_318 : i32
          %add3A_320 = vector.broadcast %mul3A_319 : i32 to vector<16xi32>
          %add3A_321 = arith.addi %add3A_13, %add3A_320 : vector<16xi32>
          tpu.vector_store_idx %arg6[%add3A_321], %get3A_317 : memref<22528xf32, #tpu.memory_space<vmem>>[vector<16xi32>], vector<16xf32>,
          %mul3A_322 = arith.constant 16 : i32
          %mul3A_323 = arith.muli %add3A_302, %mul3A_322 : i32
          %get3A_324 = arith.constant 2 : i32
          %get3A_325 = arith.index_cast %get3A_324 : i32 to index
          %get3A_326 = arith.index_cast %mul3A_323 : i32 to index
          %get3A_327 = tpu.vector_load %arg4[%get3A_325, %get3A_326] {strides = array<i32>} : memref<16x1408xf32, #tpu.memory_space<vmem>>, vector<16xf32>,
          %mul3A_328 = arith.constant 256 : i32
          %mul3A_329 = arith.muli %add3A_302, %mul3A_328 : i32
          %add3A_330 = vector.broadcast %mul3A_329 : i32 to vector<16xi32>
          %add3A_331 = arith.addi %add3A_20, %add3A_330 : vector<16xi32>
          tpu.vector_store_idx %arg6[%add3A_331], %get3A_327 : memref<22528xf32, #tpu.memory_space<vmem>>[vector<16xi32>], vector<16xf32>,
          %mul3A_332 = arith.constant 16 : i32
          %mul3A_333 = arith.muli %add3A_302, %mul3A_332 : i32
          %get3A_334 = arith.constant 3 : i32
          %get3A_335 = arith.index_cast %get3A_334 : i32 to index
          %get3A_336 = arith.index_cast %mul3A_333 : i32 to index
          %get3A_337 = tpu.vector_load %arg4[%get3A_335, %get3A_336] {strides = array<i32>} : memref<16x1408xf32, #tpu.memory_space<vmem>>, vector<16xf32>,
          %mul3A_338 = arith.constant 256 : i32
          %mul3A_339 = arith.muli %add3A_302, %mul3A_338 : i32
          %add3A_340 = vector.broadcast %mul3A_339 : i32 to vector<16xi32>
          %add3A_341 = arith.addi %add3A_27, %add3A_340 : vector<16xi32>
          tpu.vector_store_idx %arg6[%add3A_341], %get3A_337 : memref<22528xf32, #tpu.memory_space<vmem>>[vector<16xi32>], vector<16xf32>,
          %mul3A_342 = arith.constant 16 : i32
          %mul3A_343 = arith.muli %add3A_302, %mul3A_342 : i32
          %get3A_344 = arith.constant 4 : i32
          %get3A_345 = arith.index_cast %get3A_344 : i32 to index
          %get3A_346 = arith.index_cast %mul3A_343 : i32 to index
          %get3A_347 = tpu.vector_load %arg4[%get3A_345, %get3A_346] {strides = array<i32>} : memref<16x1408xf32, #tpu.memory_space<vmem>>, vector<16xf32>,
          %mul3A_348 = arith.constant 256 : i32
          %mul3A_349 = arith.muli %add3A_302, %mul3A_348 : i32
          %add3A_350 = vector.broadcast %mul3A_349 : i32 to vector<16xi32>
          %add3A_351 = arith.addi %add3A_34, %add3A_350 : vector<16xi32>
          tpu.vector_store_idx %arg6[%add3A_351], %get3A_347 : memref<22528xf32, #tpu.memory_space<vmem>>[vector<16xi32>], vector<16xf32>,
          %mul3A_352 = arith.constant 16 : i32
          %mul3A_353 = arith.muli %add3A_302, %mul3A_352 : i32
          %get3A_354 = arith.constant 5 : i32
          %get3A_355 = arith.index_cast %get3A_354 : i32 to index
          %get3A_356 = arith.index_cast %mul3A_353 : i32 to index
          %get3A_357 = tpu.vector_load %arg4[%get3A_355, %get3A_356] {strides = array<i32>} : memref<16x1408xf32, #tpu.memory_space<vmem>>, vector<16xf32>,
          %mul3A_358 = arith.constant 256 : i32
          %mul3A_359 = arith.muli %add3A_302, %mul3A_358 : i32
          %add3A_360 = vector.broadcast %mul3A_359 : i32 to vector<16xi32>
          %add3A_361 = arith.addi %add3A_41, %add3A_360 : vector<16xi32>
          tpu.vector_store_idx %arg6[%add3A_361], %get3A_357 : memref<22528xf32, #tpu.memory_space<vmem>>[vector<16xi32>], vector<16xf32>,
          %mul3A_362 = arith.constant 16 : i32
          %mul3A_363 = arith.muli %add3A_302, %mul3A_362 : i32
          %get3A_364 = arith.constant 6 : i32
          %get3A_365 = arith.index_cast %get3A_364 : i32 to index
          %get3A_366 = arith.index_cast %mul3A_363 : i32 to index
          %get3A_367 = tpu.vector_load %arg4[%get3A_365, %get3A_366] {strides = array<i32>} : memref<16x1408xf32, #tpu.memory_space<vmem>>, vector<16xf32>,
          %mul3A_368 = arith.constant 256 : i32
          %mul3A_369 = arith.muli %add3A_302, %mul3A_368 : i32
          %add3A_370 = vector.broadcast %mul3A_369 : i32 to vector<16xi32>
          %add3A_371 = arith.addi %add3A_48, %add3A_370 : vector<16xi32>
          tpu.vector_store_idx %arg6[%add3A_371], %get3A_367 : memref<22528xf32, #tpu.memory_space<vmem>>[vector<16xi32>], vector<16xf32>,
          %mul3A_372 = arith.constant 16 : i32
          %mul3A_373 = arith.muli %add3A_302, %mul3A_372 : i32
          %get3A_374 = arith.constant 7 : i32
          %get3A_375 = arith.index_cast %get3A_374 : i32 to index
          %get3A_376 = arith.index_cast %mul3A_373 : i32 to index
          %get3A_377 = tpu.vector_load %arg4[%get3A_375, %get3A_376] {strides = array<i32>} : memref<16x1408xf32, #tpu.memory_space<vmem>>, vector<16xf32>,
          %mul3A_378 = arith.constant 256 : i32
          %mul3A_379 = arith.muli %add3A_302, %mul3A_378 : i32
          %add3A_380 = vector.broadcast %mul3A_379 : i32 to vector<16xi32>
          %add3A_381 = arith.addi %add3A_55, %add3A_380 : vector<16xi32>
          tpu.vector_store_idx %arg6[%add3A_381], %get3A_377 : memref<22528xf32, #tpu.memory_space<vmem>>[vector<16xi32>], vector<16xf32>,
          %mul3A_382 = arith.constant 16 : i32
          %mul3A_383 = arith.muli %add3A_302, %mul3A_382 : i32
          %get3A_384 = arith.constant 8 : i32
          %get3A_385 = arith.index_cast %get3A_384 : i32 to index
          %get3A_386 = arith.index_cast %mul3A_383 : i32 to index
          %get3A_387 = tpu.vector_load %arg4[%get3A_385, %get3A_386] {strides = array<i32>} : memref<16x1408xf32, #tpu.memory_space<vmem>>, vector<16xf32>,
          %mul3A_388 = arith.constant 256 : i32
          %mul3A_389 = arith.muli %add3A_302, %mul3A_388 : i32
          %add3A_390 = vector.broadcast %mul3A_389 : i32 to vector<16xi32>
          %add3A_391 = arith.addi %add3A_62, %add3A_390 : vector<16xi32>
          tpu.vector_store_idx %arg6[%add3A_391], %get3A_387 : memref<22528xf32, #tpu.memory_space<vmem>>[vector<16xi32>], vector<16xf32>,
          %mul3A_392 = arith.constant 16 : i32
          %mul3A_393 = arith.muli %add3A_302, %mul3A_392 : i32
          %get3A_394 = arith.constant 9 : i32
          %get3A_395 = arith.index_cast %get3A_394 : i32 to index
          %get3A_396 = arith.index_cast %mul3A_393 : i32 to index
          %get3A_397 = tpu.vector_load %arg4[%get3A_395, %get3A_396] {strides = array<i32>} : memref<16x1408xf32, #tpu.memory_space<vmem>>, vector<16xf32>,
          %mul3A_398 = arith.constant 256 : i32
          %mul3A_399 = arith.muli %add3A_302, %mul3A_398 : i32
          %add3A_400 = vector.broadcast %mul3A_399 : i32 to vector<16xi32>
          %add3A_401 = arith.addi %add3A_69, %add3A_400 : vector<16xi32>
          tpu.vector_store_idx %arg6[%add3A_401], %get3A_397 : memref<22528xf32, #tpu.memory_space<vmem>>[vector<16xi32>], vector<16xf32>,
          %mul3A_402 = arith.constant 16 : i32
          %mul3A_403 = arith.muli %add3A_302, %mul3A_402 : i32
          %get3A_404 = arith.constant 10 : i32
          %get3A_405 = arith.index_cast %get3A_404 : i32 to index
          %get3A_406 = arith.index_cast %mul3A_403 : i32 to index
          %get3A_407 = tpu.vector_load %arg4[%get3A_405, %get3A_406] {strides = array<i32>} : memref<16x1408xf32, #tpu.memory_space<vmem>>, vector<16xf32>,
          %mul3A_408 = arith.constant 256 : i32
          %mul3A_409 = arith.muli %add3A_302, %mul3A_408 : i32
          %add3A_410 = vector.broadcast %mul3A_409 : i32 to vector<16xi32>
          %add3A_411 = arith.addi %add3A_76, %add3A_410 : vector<16xi32>
          tpu.vector_store_idx %arg6[%add3A_411], %get3A_407 : memref<22528xf32, #tpu.memory_space<vmem>>[vector<16xi32>], vector<16xf32>,
          %mul3A_412 = arith.constant 16 : i32
          %mul3A_413 = arith.muli %add3A_302, %mul3A_412 : i32
          %get3A_414 = arith.constant 11 : i32
          %get3A_415 = arith.index_cast %get3A_414 : i32 to index
          %get3A_416 = arith.index_cast %mul3A_413 : i32 to index
          %get3A_417 = tpu.vector_load %arg4[%get3A_415, %get3A_416] {strides = array<i32>} : memref<16x1408xf32, #tpu.memory_space<vmem>>, vector<16xf32>,
          %mul3A_418 = arith.constant 256 : i32
          %mul3A_419 = arith.muli %add3A_302, %mul3A_418 : i32
          %add3A_420 = vector.broadcast %mul3A_419 : i32 to vector<16xi32>
          %add3A_421 = arith.addi %add3A_83, %add3A_420 : vector<16xi32>
          tpu.vector_store_idx %arg6[%add3A_421], %get3A_417 : memref<22528xf32, #tpu.memory_space<vmem>>[vector<16xi32>], vector<16xf32>,
          %mul3A_422 = arith.constant 16 : i32
          %mul3A_423 = arith.muli %add3A_302, %mul3A_422 : i32
          %get3A_424 = arith.constant 12 : i32
          %get3A_425 = arith.index_cast %get3A_424 : i32 to index
          %get3A_426 = arith.index_cast %mul3A_423 : i32 to index
          %get3A_427 = tpu.vector_load %arg4[%get3A_425, %get3A_426] {strides = array<i32>} : memref<16x1408xf32, #tpu.memory_space<vmem>>, vector<16xf32>,
          %mul3A_428 = arith.constant 256 : i32
          %mul3A_429 = arith.muli %add3A_302, %mul3A_428 : i32
          %add3A_430 = vector.broadcast %mul3A_429 : i32 to vector<16xi32>
          %add3A_431 = arith.addi %add3A_90, %add3A_430 : vector<16xi32>
          tpu.vector_store_idx %arg6[%add3A_431], %get3A_427 : memref<22528xf32, #tpu.memory_space<vmem>>[vector<16xi32>], vector<16xf32>,
          %mul3A_432 = arith.constant 16 : i32
          %mul3A_433 = arith.muli %add3A_302, %mul3A_432 : i32
          %get3A_434 = arith.constant 13 : i32
          %get3A_435 = arith.index_cast %get3A_434 : i32 to index
          %get3A_436 = arith.index_cast %mul3A_433 : i32 to index
          %get3A_437 = tpu.vector_load %arg4[%get3A_435, %get3A_436] {strides = array<i32>} : memref<16x1408xf32, #tpu.memory_space<vmem>>, vector<16xf32>,
          %mul3A_438 = arith.constant 256 : i32
          %mul3A_439 = arith.muli %add3A_302, %mul3A_438 : i32
          %add3A_440 = vector.broadcast %mul3A_439 : i32 to vector<16xi32>
          %add3A_441 = arith.addi %add3A_97, %add3A_440 : vector<16xi32>
          tpu.vector_store_idx %arg6[%add3A_441], %get3A_437 : memref<22528xf32, #tpu.memory_space<vmem>>[vector<16xi32>], vector<16xf32>,
          %mul3A_442 = arith.constant 16 : i32
          %mul3A_443 = arith.muli %add3A_302, %mul3A_442 : i32
          %get3A_444 = arith.constant 14 : i32
          %get3A_445 = arith.index_cast %get3A_444 : i32 to index
          %get3A_446 = arith.index_cast %mul3A_443 : i32 to index
          %get3A_447 = tpu.vector_load %arg4[%get3A_445, %get3A_446] {strides = array<i32>} : memref<16x1408xf32, #tpu.memory_space<vmem>>, vector<16xf32>,
          %mul3A_448 = arith.constant 256 : i32
          %mul3A_449 = arith.muli %add3A_302, %mul3A_448 : i32
          %add3A_450 = vector.broadcast %mul3A_449 : i32 to vector<16xi32>
          %add3A_451 = arith.addi %add3A_104, %add3A_450 : vector<16xi32>
          tpu.vector_store_idx %arg6[%add3A_451], %get3A_447 : memref<22528xf32, #tpu.memory_space<vmem>>[vector<16xi32>], vector<16xf32>,
          %mul3A_452 = arith.constant 16 : i32
          %mul3A_453 = arith.muli %add3A_302, %mul3A_452 : i32
          %get3A_454 = arith.constant 15 : i32
          %get3A_455 = arith.index_cast %get3A_454 : i32 to index
          %get3A_456 = arith.index_cast %mul3A_453 : i32 to index
          %get3A_457 = tpu.vector_load %arg4[%get3A_455, %get3A_456] {strides = array<i32>} : memref<16x1408xf32, #tpu.memory_space<vmem>>, vector<16xf32>,
          %mul3A_458 = arith.constant 256 : i32
          %mul3A_459 = arith.muli %add3A_302, %mul3A_458 : i32
          %add3A_460 = vector.broadcast %mul3A_459 : i32 to vector<16xi32>
          %add3A_461 = arith.addi %add3A_111, %add3A_460 : vector<16xi32>
          tpu.vector_store_idx %arg6[%add3A_461], %get3A_457 : memref<22528xf32, #tpu.memory_space<vmem>>[vector<16xi32>], vector<16xf32>,
          %mul3A_462 = arith.constant 4 : i32
          %mul3A_463 = arith.muli %scan3A_298, %mul3A_462 : i32
          %add3A_464 = arith.constant 1 : i32
          %add3A_465 = arith.addi %mul3A_463, %add3A_464 : i32
          %mul3A_466 = arith.constant 16 : i32
          %mul3A_467 = arith.muli %add3A_465, %mul3A_466 : i32
          %get3A_468 = arith.constant 0 : i32
          %get3A_469 = arith.index_cast %get3A_468 : i32 to index
          %get3A_470 = arith.index_cast %mul3A_467 : i32 to index
          %get3A_471 = tpu.vector_load %arg4[%get3A_469, %get3A_470] {strides = array<i32>} : memref<16x1408xf32, #tpu.memory_space<vmem>>, vector<16xf32>,
          %mul3A_472 = arith.constant 256 : i32
          %mul3A_473 = arith.muli %add3A_465, %mul3A_472 : i32
          %add3A_474 = vector.broadcast %mul3A_473 : i32 to vector<16xi32>
          %add3A_475 = arith.addi %add3A_6, %add3A_474 : vector<16xi32>
          tpu.vector_store_idx %arg6[%add3A_475], %get3A_471 : memref<22528xf32, #tpu.memory_space<vmem>>[vector<16xi32>], vector<16xf32>,
          %mul3A_476 = arith.constant 16 : i32
          %mul3A_477 = arith.muli %add3A_465, %mul3A_476 : i32
          %get3A_478 = arith.constant 1 : i32
          %get3A_479 = arith.index_cast %get3A_478 : i32 to index
          %get3A_480 = arith.index_cast %mul3A_477 : i32 to index
          %get3A_481 = tpu.vector_load %arg4[%get3A_479, %get3A_480] {strides = array<i32>} : memref<16x1408xf32, #tpu.memory_space<vmem>>, vector<16xf32>,
          %mul3A_482 = arith.constant 256 : i32
          %mul3A_483 = arith.muli %add3A_465, %mul3A_482 : i32
          %add3A_484 = vector.broadcast %mul3A_483 : i32 to vector<16xi32>
          %add3A_485 = arith.addi %add3A_13, %add3A_484 : vector<16xi32>
          tpu.vector_store_idx %arg6[%add3A_485], %get3A_481 : memref<22528xf32, #tpu.memory_space<vmem>>[vector<16xi32>], vector<16xf32>,
          %mul3A_486 = arith.constant 16 : i32
          %mul3A_487 = arith.muli %add3A_465, %mul3A_486 : i32
          %get3A_488 = arith.constant 2 : i32
          %get3A_489 = arith.index_cast %get3A_488 : i32 to index
          %get3A_490 = arith.index_cast %mul3A_487 : i32 to index
          %get3A_491 = tpu.vector_load %arg4[%get3A_489, %get3A_490] {strides = array<i32>} : memref<16x1408xf32, #tpu.memory_space<vmem>>, vector<16xf32>,
          %mul3A_492 = arith.constant 256 : i32
          %mul3A_493 = arith.muli %add3A_465, %mul3A_492 : i32
          %add3A_494 = vector.broadcast %mul3A_493 : i32 to vector<16xi32>
          %add3A_495 = arith.addi %add3A_20, %add3A_494 : vector<16xi32>
          tpu.vector_store_idx %arg6[%add3A_495], %get3A_491 : memref<22528xf32, #tpu.memory_space<vmem>>[vector<16xi32>], vector<16xf32>,
          %mul3A_496 = arith.constant 16 : i32
          %mul3A_497 = arith.muli %add3A_465, %mul3A_496 : i32
          %get3A_498 = arith.constant 3 : i32
          %get3A_499 = arith.index_cast %get3A_498 : i32 to index
          %get3A_500 = arith.index_cast %mul3A_497 : i32 to index
          %get3A_501 = tpu.vector_load %arg4[%get3A_499, %get3A_500] {strides = array<i32>} : memref<16x1408xf32, #tpu.memory_space<vmem>>, vector<16xf32>,
          %mul3A_502 = arith.constant 256 : i32
          %mul3A_503 = arith.muli %add3A_465, %mul3A_502 : i32
          %add3A_504 = vector.broadcast %mul3A_503 : i32 to vector<16xi32>
          %add3A_505 = arith.addi %add3A_27, %add3A_504 : vector<16xi32>
          tpu.vector_store_idx %arg6[%add3A_505], %get3A_501 : memref<22528xf32, #tpu.memory_space<vmem>>[vector<16xi32>], vector<16xf32>,
          %mul3A_506 = arith.constant 16 : i32
          %mul3A_507 = arith.muli %add3A_465, %mul3A_506 : i32
          %get3A_508 = arith.constant 4 : i32
          %get3A_509 = arith.index_cast %get3A_508 : i32 to index
          %get3A_510 = arith.index_cast %mul3A_507 : i32 to index
          %get3A_511 = tpu.vector_load %arg4[%get3A_509, %get3A_510] {strides = array<i32>} : memref<16x1408xf32, #tpu.memory_space<vmem>>, vector<16xf32>,
          %mul3A_512 = arith.constant 256 : i32
          %mul3A_513 = arith.muli %add3A_465, %mul3A_512 : i32
          %add3A_514 = vector.broadcast %mul3A_513 : i32 to vector<16xi32>
          %add3A_515 = arith.addi %add3A_34, %add3A_514 : vector<16xi32>
          tpu.vector_store_idx %arg6[%add3A_515], %get3A_511 : memref<22528xf32, #tpu.memory_space<vmem>>[vector<16xi32>], vector<16xf32>,
          %mul3A_516 = arith.constant 16 : i32
          %mul3A_517 = arith.muli %add3A_465, %mul3A_516 : i32
          %get3A_518 = arith.constant 5 : i32
          %get3A_519 = arith.index_cast %get3A_518 : i32 to index
          %get3A_520 = arith.index_cast %mul3A_517 : i32 to index
          %get3A_521 = tpu.vector_load %arg4[%get3A_519, %get3A_520] {strides = array<i32>} : memref<16x1408xf32, #tpu.memory_space<vmem>>, vector<16xf32>,
          %mul3A_522 = arith.constant 256 : i32
          %mul3A_523 = arith.muli %add3A_465, %mul3A_522 : i32
          %add3A_524 = vector.broadcast %mul3A_523 : i32 to vector<16xi32>
          %add3A_525 = arith.addi %add3A_41, %add3A_524 : vector<16xi32>
          tpu.vector_store_idx %arg6[%add3A_525], %get3A_521 : memref<22528xf32, #tpu.memory_space<vmem>>[vector<16xi32>], vector<16xf32>,
          %mul3A_526 = arith.constant 16 : i32
          %mul3A_527 = arith.muli %add3A_465, %mul3A_526 : i32
          %get3A_528 = arith.constant 6 : i32
          %get3A_529 = arith.index_cast %get3A_528 : i32 to index
          %get3A_530 = arith.index_cast %mul3A_527 : i32 to index
          %get3A_531 = tpu.vector_load %arg4[%get3A_529, %get3A_530] {strides = array<i32>} : memref<16x1408xf32, #tpu.memory_space<vmem>>, vector<16xf32>,
          %mul3A_532 = arith.constant 256 : i32
          %mul3A_533 = arith.muli %add3A_465, %mul3A_532 : i32
          %add3A_534 = vector.broadcast %mul3A_533 : i32 to vector<16xi32>
          %add3A_535 = arith.addi %add3A_48, %add3A_534 : vector<16xi32>
          tpu.vector_store_idx %arg6[%add3A_535], %get3A_531 : memref<22528xf32, #tpu.memory_space<vmem>>[vector<16xi32>], vector<16xf32>,
          %mul3A_536 = arith.constant 16 : i32
          %mul3A_537 = arith.muli %add3A_465, %mul3A_536 : i32
          %get3A_538 = arith.constant 7 : i32
          %get3A_539 = arith.index_cast %get3A_538 : i32 to index
          %get3A_540 = arith.index_cast %mul3A_537 : i32 to index
          %get3A_541 = tpu.vector_load %arg4[%get3A_539, %get3A_540] {strides = array<i32>} : memref<16x1408xf32, #tpu.memory_space<vmem>>, vector<16xf32>,
          %mul3A_542 = arith.constant 256 : i32
          %mul3A_543 = arith.muli %add3A_465, %mul3A_542 : i32
          %add3A_544 = vector.broadcast %mul3A_543 : i32 to vector<16xi32>
          %add3A_545 = arith.addi %add3A_55, %add3A_544 : vector<16xi32>
          tpu.vector_store_idx %arg6[%add3A_545], %get3A_541 : memref<22528xf32, #tpu.memory_space<vmem>>[vector<16xi32>], vector<16xf32>,
          %mul3A_546 = arith.constant 16 : i32
          %mul3A_547 = arith.muli %add3A_465, %mul3A_546 : i32
          %get3A_548 = arith.constant 8 : i32
          %get3A_549 = arith.index_cast %get3A_548 : i32 to index
          %get3A_550 = arith.index_cast %mul3A_547 : i32 to index
          %get3A_551 = tpu.vector_load %arg4[%get3A_549, %get3A_550] {strides = array<i32>} : memref<16x1408xf32, #tpu.memory_space<vmem>>, vector<16xf32>,
          %mul3A_552 = arith.constant 256 : i32
          %mul3A_553 = arith.muli %add3A_465, %mul3A_552 : i32
          %add3A_554 = vector.broadcast %mul3A_553 : i32 to vector<16xi32>
          %add3A_555 = arith.addi %add3A_62, %add3A_554 : vector<16xi32>
          tpu.vector_store_idx %arg6[%add3A_555], %get3A_551 : memref<22528xf32, #tpu.memory_space<vmem>>[vector<16xi32>], vector<16xf32>,
          %mul3A_556 = arith.constant 16 : i32
          %mul3A_557 = arith.muli %add3A_465, %mul3A_556 : i32
          %get3A_558 = arith.constant 9 : i32
          %get3A_559 = arith.index_cast %get3A_558 : i32 to index
          %get3A_560 = arith.index_cast %mul3A_557 : i32 to index
          %get3A_561 = tpu.vector_load %arg4[%get3A_559, %get3A_560] {strides = array<i32>} : memref<16x1408xf32, #tpu.memory_space<vmem>>, vector<16xf32>,
          %mul3A_562 = arith.constant 256 : i32
          %mul3A_563 = arith.muli %add3A_465, %mul3A_562 : i32
          %add3A_564 = vector.broadcast %mul3A_563 : i32 to vector<16xi32>
          %add3A_565 = arith.addi %add3A_69, %add3A_564 : vector<16xi32>
          tpu.vector_store_idx %arg6[%add3A_565], %get3A_561 : memref<22528xf32, #tpu.memory_space<vmem>>[vector<16xi32>], vector<16xf32>,
          %mul3A_566 = arith.constant 16 : i32
          %mul3A_567 = arith.muli %add3A_465, %mul3A_566 : i32
          %get3A_568 = arith.constant 10 : i32
          %get3A_569 = arith.index_cast %get3A_568 : i32 to index
          %get3A_570 = arith.index_cast %mul3A_567 : i32 to index
          %get3A_571 = tpu.vector_load %arg4[%get3A_569, %get3A_570] {strides = array<i32>} : memref<16x1408xf32, #tpu.memory_space<vmem>>, vector<16xf32>,
          %mul3A_572 = arith.constant 256 : i32
          %mul3A_573 = arith.muli %add3A_465, %mul3A_572 : i32
          %add3A_574 = vector.broadcast %mul3A_573 : i32 to vector<16xi32>
          %add3A_575 = arith.addi %add3A_76, %add3A_574 : vector<16xi32>
          tpu.vector_store_idx %arg6[%add3A_575], %get3A_571 : memref<22528xf32, #tpu.memory_space<vmem>>[vector<16xi32>], vector<16xf32>,
          %mul3A_576 = arith.constant 16 : i32
          %mul3A_577 = arith.muli %add3A_465, %mul3A_576 : i32
          %get3A_578 = arith.constant 11 : i32
          %get3A_579 = arith.index_cast %get3A_578 : i32 to index
          %get3A_580 = arith.index_cast %mul3A_577 : i32 to index
          %get3A_581 = tpu.vector_load %arg4[%get3A_579, %get3A_580] {strides = array<i32>} : memref<16x1408xf32, #tpu.memory_space<vmem>>, vector<16xf32>,
          %mul3A_582 = arith.constant 256 : i32
          %mul3A_583 = arith.muli %add3A_465, %mul3A_582 : i32
          %add3A_584 = vector.broadcast %mul3A_583 : i32 to vector<16xi32>
          %add3A_585 = arith.addi %add3A_83, %add3A_584 : vector<16xi32>
          tpu.vector_store_idx %arg6[%add3A_585], %get3A_581 : memref<22528xf32, #tpu.memory_space<vmem>>[vector<16xi32>], vector<16xf32>,
          %mul3A_586 = arith.constant 16 : i32
          %mul3A_587 = arith.muli %add3A_465, %mul3A_586 : i32
          %get3A_588 = arith.constant 12 : i32
          %get3A_589 = arith.index_cast %get3A_588 : i32 to index
          %get3A_590 = arith.index_cast %mul3A_587 : i32 to index
          %get3A_591 = tpu.vector_load %arg4[%get3A_589, %get3A_590] {strides = array<i32>} : memref<16x1408xf32, #tpu.memory_space<vmem>>, vector<16xf32>,
          %mul3A_592 = arith.constant 256 : i32
          %mul3A_593 = arith.muli %add3A_465, %mul3A_592 : i32
          %add3A_594 = vector.broadcast %mul3A_593 : i32 to vector<16xi32>
          %add3A_595 = arith.addi %add3A_90, %add3A_594 : vector<16xi32>
          tpu.vector_store_idx %arg6[%add3A_595], %get3A_591 : memref<22528xf32, #tpu.memory_space<vmem>>[vector<16xi32>], vector<16xf32>,
          %mul3A_596 = arith.constant 16 : i32
          %mul3A_597 = arith.muli %add3A_465, %mul3A_596 : i32
          %get3A_598 = arith.constant 13 : i32
          %get3A_599 = arith.index_cast %get3A_598 : i32 to index
          %get3A_600 = arith.index_cast %mul3A_597 : i32 to index
          %get3A_601 = tpu.vector_load %arg4[%get3A_599, %get3A_600] {strides = array<i32>} : memref<16x1408xf32, #tpu.memory_space<vmem>>, vector<16xf32>,
          %mul3A_602 = arith.constant 256 : i32
          %mul3A_603 = arith.muli %add3A_465, %mul3A_602 : i32
          %add3A_604 = vector.broadcast %mul3A_603 : i32 to vector<16xi32>
          %add3A_605 = arith.addi %add3A_97, %add3A_604 : vector<16xi32>
          tpu.vector_store_idx %arg6[%add3A_605], %get3A_601 : memref<22528xf32, #tpu.memory_space<vmem>>[vector<16xi32>], vector<16xf32>,
          %mul3A_606 = arith.constant 16 : i32
          %mul3A_607 = arith.muli %add3A_465, %mul3A_606 : i32
          %get3A_608 = arith.constant 14 : i32
          %get3A_609 = arith.index_cast %get3A_608 : i32 to index
          %get3A_610 = arith.index_cast %mul3A_607 : i32 to index
          %get3A_611 = tpu.vector_load %arg4[%get3A_609, %get3A_610] {strides = array<i32>} : memref<16x1408xf32, #tpu.memory_space<vmem>>, vector<16xf32>,
          %mul3A_612 = arith.constant 256 : i32
          %mul3A_613 = arith.muli %add3A_465, %mul3A_612 : i32
          %add3A_614 = vector.broadcast %mul3A_613 : i32 to vector<16xi32>
          %add3A_615 = arith.addi %add3A_104, %add3A_614 : vector<16xi32>
          tpu.vector_store_idx %arg6[%add3A_615], %get3A_611 : memref<22528xf32, #tpu.memory_space<vmem>>[vector<16xi32>], vector<16xf32>,
          %mul3A_616 = arith.constant 16 : i32
          %mul3A_617 = arith.muli %add3A_465, %mul3A_616 : i32
          %get3A_618 = arith.constant 15 : i32
          %get3A_619 = arith.index_cast %get3A_618 : i32 to index
          %get3A_620 = arith.index_cast %mul3A_617 : i32 to index
          %get3A_621 = tpu.vector_load %arg4[%get3A_619, %get3A_620] {strides = array<i32>} : memref<16x1408xf32, #tpu.memory_space<vmem>>, vector<16xf32>,
          %mul3A_622 = arith.constant 256 : i32
          %mul3A_623 = arith.muli %add3A_465, %mul3A_622 : i32
          %add3A_624 = vector.broadcast %mul3A_623 : i32 to vector<16xi32>
          %add3A_625 = arith.addi %add3A_111, %add3A_624 : vector<16xi32>
          tpu.vector_store_idx %arg6[%add3A_625], %get3A_621 : memref<22528xf32, #tpu.memory_space<vmem>>[vector<16xi32>], vector<16xf32>,
          %mul3A_626 = arith.constant 4 : i32
          %mul3A_627 = arith.muli %scan3A_298, %mul3A_626 : i32
          %add3A_628 = arith.constant 2 : i32
          %add3A_629 = arith.addi %mul3A_627, %add3A_628 : i32
          %mul3A_630 = arith.constant 16 : i32
          %mul3A_631 = arith.muli %add3A_629, %mul3A_630 : i32
          %get3A_632 = arith.constant 0 : i32
          %get3A_633 = arith.index_cast %get3A_632 : i32 to index
          %get3A_634 = arith.index_cast %mul3A_631 : i32 to index
          %get3A_635 = tpu.vector_load %arg4[%get3A_633, %get3A_634] {strides = array<i32>} : memref<16x1408xf32, #tpu.memory_space<vmem>>, vector<16xf32>,
          %mul3A_636 = arith.constant 256 : i32
          %mul3A_637 = arith.muli %add3A_629, %mul3A_636 : i32
          %add3A_638 = vector.broadcast %mul3A_637 : i32 to vector<16xi32>
          %add3A_639 = arith.addi %add3A_6, %add3A_638 : vector<16xi32>
          tpu.vector_store_idx %arg6[%add3A_639], %get3A_635 : memref<22528xf32, #tpu.memory_space<vmem>>[vector<16xi32>], vector<16xf32>,
          %mul3A_640 = arith.constant 16 : i32
          %mul3A_641 = arith.muli %add3A_629, %mul3A_640 : i32
          %get3A_642 = arith.constant 1 : i32
          %get3A_643 = arith.index_cast %get3A_642 : i32 to index
          %get3A_644 = arith.index_cast %mul3A_641 : i32 to index
          %get3A_645 = tpu.vector_load %arg4[%get3A_643, %get3A_644] {strides = array<i32>} : memref<16x1408xf32, #tpu.memory_space<vmem>>, vector<16xf32>,
          %mul3A_646 = arith.constant 256 : i32
          %mul3A_647 = arith.muli %add3A_629, %mul3A_646 : i32
          %add3A_648 = vector.broadcast %mul3A_647 : i32 to vector<16xi32>
          %add3A_649 = arith.addi %add3A_13, %add3A_648 : vector<16xi32>
          tpu.vector_store_idx %arg6[%add3A_649], %get3A_645 : memref<22528xf32, #tpu.memory_space<vmem>>[vector<16xi32>], vector<16xf32>,
          %mul3A_650 = arith.constant 16 : i32
          %mul3A_651 = arith.muli %add3A_629, %mul3A_650 : i32
          %get3A_652 = arith.constant 2 : i32
          %get3A_653 = arith.index_cast %get3A_652 : i32 to index
          %get3A_654 = arith.index_cast %mul3A_651 : i32 to index
          %get3A_655 = tpu.vector_load %arg4[%get3A_653, %get3A_654] {strides = array<i32>} : memref<16x1408xf32, #tpu.memory_space<vmem>>, vector<16xf32>,
          %mul3A_656 = arith.constant 256 : i32
          %mul3A_657 = arith.muli %add3A_629, %mul3A_656 : i32
          %add3A_658 = vector.broadcast %mul3A_657 : i32 to vector<16xi32>
          %add3A_659 = arith.addi %add3A_20, %add3A_658 : vector<16xi32>
          tpu.vector_store_idx %arg6[%add3A_659], %get3A_655 : memref<22528xf32, #tpu.memory_space<vmem>>[vector<16xi32>], vector<16xf32>,
          %mul3A_660 = arith.constant 16 : i32
          %mul3A_661 = arith.muli %add3A_629, %mul3A_660 : i32
          %get3A_662 = arith.constant 3 : i32
          %get3A_663 = arith.index_cast %get3A_662 : i32 to index
          %get3A_664 = arith.index_cast %mul3A_661 : i32 to index
          %get3A_665 = tpu.vector_load %arg4[%get3A_663, %get3A_664] {strides = array<i32>} : memref<16x1408xf32, #tpu.memory_space<vmem>>, vector<16xf32>,
          %mul3A_666 = arith.constant 256 : i32
          %mul3A_667 = arith.muli %add3A_629, %mul3A_666 : i32
          %add3A_668 = vector.broadcast %mul3A_667 : i32 to vector<16xi32>
          %add3A_669 = arith.addi %add3A_27, %add3A_668 : vector<16xi32>
          tpu.vector_store_idx %arg6[%add3A_669], %get3A_665 : memref<22528xf32, #tpu.memory_space<vmem>>[vector<16xi32>], vector<16xf32>,
          %mul3A_670 = arith.constant 16 : i32
          %mul3A_671 = arith.muli %add3A_629, %mul3A_670 : i32
          %get3A_672 = arith.constant 4 : i32
          %get3A_673 = arith.index_cast %get3A_672 : i32 to index
          %get3A_674 = arith.index_cast %mul3A_671 : i32 to index
          %get3A_675 = tpu.vector_load %arg4[%get3A_673, %get3A_674] {strides = array<i32>} : memref<16x1408xf32, #tpu.memory_space<vmem>>, vector<16xf32>,
          %mul3A_676 = arith.constant 256 : i32
          %mul3A_677 = arith.muli %add3A_629, %mul3A_676 : i32
          %add3A_678 = vector.broadcast %mul3A_677 : i32 to vector<16xi32>
          %add3A_679 = arith.addi %add3A_34, %add3A_678 : vector<16xi32>
          tpu.vector_store_idx %arg6[%add3A_679], %get3A_675 : memref<22528xf32, #tpu.memory_space<vmem>>[vector<16xi32>], vector<16xf32>,
          %mul3A_680 = arith.constant 16 : i32
          %mul3A_681 = arith.muli %add3A_629, %mul3A_680 : i32
          %get3A_682 = arith.constant 5 : i32
          %get3A_683 = arith.index_cast %get3A_682 : i32 to index
          %get3A_684 = arith.index_cast %mul3A_681 : i32 to index
          %get3A_685 = tpu.vector_load %arg4[%get3A_683, %get3A_684] {strides = array<i32>} : memref<16x1408xf32, #tpu.memory_space<vmem>>, vector<16xf32>,
          %mul3A_686 = arith.constant 256 : i32
          %mul3A_687 = arith.muli %add3A_629, %mul3A_686 : i32
          %add3A_688 = vector.broadcast %mul3A_687 : i32 to vector<16xi32>
          %add3A_689 = arith.addi %add3A_41, %add3A_688 : vector<16xi32>
          tpu.vector_store_idx %arg6[%add3A_689], %get3A_685 : memref<22528xf32, #tpu.memory_space<vmem>>[vector<16xi32>], vector<16xf32>,
          %mul3A_690 = arith.constant 16 : i32
          %mul3A_691 = arith.muli %add3A_629, %mul3A_690 : i32
          %get3A_692 = arith.constant 6 : i32
          %get3A_693 = arith.index_cast %get3A_692 : i32 to index
          %get3A_694 = arith.index_cast %mul3A_691 : i32 to index
          %get3A_695 = tpu.vector_load %arg4[%get3A_693, %get3A_694] {strides = array<i32>} : memref<16x1408xf32, #tpu.memory_space<vmem>>, vector<16xf32>,
          %mul3A_696 = arith.constant 256 : i32
          %mul3A_697 = arith.muli %add3A_629, %mul3A_696 : i32
          %add3A_698 = vector.broadcast %mul3A_697 : i32 to vector<16xi32>
          %add3A_699 = arith.addi %add3A_48, %add3A_698 : vector<16xi32>
          tpu.vector_store_idx %arg6[%add3A_699], %get3A_695 : memref<22528xf32, #tpu.memory_space<vmem>>[vector<16xi32>], vector<16xf32>,
          %mul3A_700 = arith.constant 16 : i32
          %mul3A_701 = arith.muli %add3A_629, %mul3A_700 : i32
          %get3A_702 = arith.constant 7 : i32
          %get3A_703 = arith.index_cast %get3A_702 : i32 to index
          %get3A_704 = arith.index_cast %mul3A_701 : i32 to index
          %get3A_705 = tpu.vector_load %arg4[%get3A_703, %get3A_704] {strides = array<i32>} : memref<16x1408xf32, #tpu.memory_space<vmem>>, vector<16xf32>,
          %mul3A_706 = arith.constant 256 : i32
          %mul3A_707 = arith.muli %add3A_629, %mul3A_706 : i32
          %add3A_708 = vector.broadcast %mul3A_707 : i32 to vector<16xi32>
          %add3A_709 = arith.addi %add3A_55, %add3A_708 : vector<16xi32>
          tpu.vector_store_idx %arg6[%add3A_709], %get3A_705 : memref<22528xf32, #tpu.memory_space<vmem>>[vector<16xi32>], vector<16xf32>,
          %mul3A_710 = arith.constant 16 : i32
          %mul3A_711 = arith.muli %add3A_629, %mul3A_710 : i32
          %get3A_712 = arith.constant 8 : i32
          %get3A_713 = arith.index_cast %get3A_712 : i32 to index
          %get3A_714 = arith.index_cast %mul3A_711 : i32 to index
          %get3A_715 = tpu.vector_load %arg4[%get3A_713, %get3A_714] {strides = array<i32>} : memref<16x1408xf32, #tpu.memory_space<vmem>>, vector<16xf32>,
          %mul3A_716 = arith.constant 256 : i32
          %mul3A_717 = arith.muli %add3A_629, %mul3A_716 : i32
          %add3A_718 = vector.broadcast %mul3A_717 : i32 to vector<16xi32>
          %add3A_719 = arith.addi %add3A_62, %add3A_718 : vector<16xi32>
          tpu.vector_store_idx %arg6[%add3A_719], %get3A_715 : memref<22528xf32, #tpu.memory_space<vmem>>[vector<16xi32>], vector<16xf32>,
          %mul3A_720 = arith.constant 16 : i32
          %mul3A_721 = arith.muli %add3A_629, %mul3A_720 : i32
          %get3A_722 = arith.constant 9 : i32
          %get3A_723 = arith.index_cast %get3A_722 : i32 to index
          %get3A_724 = arith.index_cast %mul3A_721 : i32 to index
          %get3A_725 = tpu.vector_load %arg4[%get3A_723, %get3A_724] {strides = array<i32>} : memref<16x1408xf32, #tpu.memory_space<vmem>>, vector<16xf32>,
          %mul3A_726 = arith.constant 256 : i32
          %mul3A_727 = arith.muli %add3A_629, %mul3A_726 : i32
          %add3A_728 = vector.broadcast %mul3A_727 : i32 to vector<16xi32>
          %add3A_729 = arith.addi %add3A_69, %add3A_728 : vector<16xi32>
          tpu.vector_store_idx %arg6[%add3A_729], %get3A_725 : memref<22528xf32, #tpu.memory_space<vmem>>[vector<16xi32>], vector<16xf32>,
          %mul3A_730 = arith.constant 16 : i32
          %mul3A_731 = arith.muli %add3A_629, %mul3A_730 : i32
          %get3A_732 = arith.constant 10 : i32
          %get3A_733 = arith.index_cast %get3A_732 : i32 to index
          %get3A_734 = arith.index_cast %mul3A_731 : i32 to index
          %get3A_735 = tpu.vector_load %arg4[%get3A_733, %get3A_734] {strides = array<i32>} : memref<16x1408xf32, #tpu.memory_space<vmem>>, vector<16xf32>,
          %mul3A_736 = arith.constant 256 : i32
          %mul3A_737 = arith.muli %add3A_629, %mul3A_736 : i32
          %add3A_738 = vector.broadcast %mul3A_737 : i32 to vector<16xi32>
          %add3A_739 = arith.addi %add3A_76, %add3A_738 : vector<16xi32>
          tpu.vector_store_idx %arg6[%add3A_739], %get3A_735 : memref<22528xf32, #tpu.memory_space<vmem>>[vector<16xi32>], vector<16xf32>,
          %mul3A_740 = arith.constant 16 : i32
          %mul3A_741 = arith.muli %add3A_629, %mul3A_740 : i32
          %get3A_742 = arith.constant 11 : i32
          %get3A_743 = arith.index_cast %get3A_742 : i32 to index
          %get3A_744 = arith.index_cast %mul3A_741 : i32 to index
          %get3A_745 = tpu.vector_load %arg4[%get3A_743, %get3A_744] {strides = array<i32>} : memref<16x1408xf32, #tpu.memory_space<vmem>>, vector<16xf32>,
          %mul3A_746 = arith.constant 256 : i32
          %mul3A_747 = arith.muli %add3A_629, %mul3A_746 : i32
          %add3A_748 = vector.broadcast %mul3A_747 : i32 to vector<16xi32>
          %add3A_749 = arith.addi %add3A_83, %add3A_748 : vector<16xi32>
          tpu.vector_store_idx %arg6[%add3A_749], %get3A_745 : memref<22528xf32, #tpu.memory_space<vmem>>[vector<16xi32>], vector<16xf32>,
          %mul3A_750 = arith.constant 16 : i32
          %mul3A_751 = arith.muli %add3A_629, %mul3A_750 : i32
          %get3A_752 = arith.constant 12 : i32
          %get3A_753 = arith.index_cast %get3A_752 : i32 to index
          %get3A_754 = arith.index_cast %mul3A_751 : i32 to index
          %get3A_755 = tpu.vector_load %arg4[%get3A_753, %get3A_754] {strides = array<i32>} : memref<16x1408xf32, #tpu.memory_space<vmem>>, vector<16xf32>,
          %mul3A_756 = arith.constant 256 : i32
          %mul3A_757 = arith.muli %add3A_629, %mul3A_756 : i32
          %add3A_758 = vector.broadcast %mul3A_757 : i32 to vector<16xi32>
          %add3A_759 = arith.addi %add3A_90, %add3A_758 : vector<16xi32>
          tpu.vector_store_idx %arg6[%add3A_759], %get3A_755 : memref<22528xf32, #tpu.memory_space<vmem>>[vector<16xi32>], vector<16xf32>,
          %mul3A_760 = arith.constant 16 : i32
          %mul3A_761 = arith.muli %add3A_629, %mul3A_760 : i32
          %get3A_762 = arith.constant 13 : i32
          %get3A_763 = arith.index_cast %get3A_762 : i32 to index
          %get3A_764 = arith.index_cast %mul3A_761 : i32 to index
          %get3A_765 = tpu.vector_load %arg4[%get3A_763, %get3A_764] {strides = array<i32>} : memref<16x1408xf32, #tpu.memory_space<vmem>>, vector<16xf32>,
          %mul3A_766 = arith.constant 256 : i32
          %mul3A_767 = arith.muli %add3A_629, %mul3A_766 : i32
          %add3A_768 = vector.broadcast %mul3A_767 : i32 to vector<16xi32>
          %add3A_769 = arith.addi %add3A_97, %add3A_768 : vector<16xi32>
          tpu.vector_store_idx %arg6[%add3A_769], %get3A_765 : memref<22528xf32, #tpu.memory_space<vmem>>[vector<16xi32>], vector<16xf32>,
          %mul3A_770 = arith.constant 16 : i32
          %mul3A_771 = arith.muli %add3A_629, %mul3A_770 : i32
          %get3A_772 = arith.constant 14 : i32
          %get3A_773 = arith.index_cast %get3A_772 : i32 to index
          %get3A_774 = arith.index_cast %mul3A_771 : i32 to index
          %get3A_775 = tpu.vector_load %arg4[%get3A_773, %get3A_774] {strides = array<i32>} : memref<16x1408xf32, #tpu.memory_space<vmem>>, vector<16xf32>,
          %mul3A_776 = arith.constant 256 : i32
          %mul3A_777 = arith.muli %add3A_629, %mul3A_776 : i32
          %add3A_778 = vector.broadcast %mul3A_777 : i32 to vector<16xi32>
          %add3A_779 = arith.addi %add3A_104, %add3A_778 : vector<16xi32>
          tpu.vector_store_idx %arg6[%add3A_779], %get3A_775 : memref<22528xf32, #tpu.memory_space<vmem>>[vector<16xi32>], vector<16xf32>,
          %mul3A_780 = arith.constant 16 : i32
          %mul3A_781 = arith.muli %add3A_629, %mul3A_780 : i32
          %get3A_782 = arith.constant 15 : i32
          %get3A_783 = arith.index_cast %get3A_782 : i32 to index
          %get3A_784 = arith.index_cast %mul3A_781 : i32 to index
          %get3A_785 = tpu.vector_load %arg4[%get3A_783, %get3A_784] {strides = array<i32>} : memref<16x1408xf32, #tpu.memory_space<vmem>>, vector<16xf32>,
          %mul3A_786 = arith.constant 256 : i32
          %mul3A_787 = arith.muli %add3A_629, %mul3A_786 : i32
          %add3A_788 = vector.broadcast %mul3A_787 : i32 to vector<16xi32>
          %add3A_789 = arith.addi %add3A_111, %add3A_788 : vector<16xi32>
          tpu.vector_store_idx %arg6[%add3A_789], %get3A_785 : memref<22528xf32, #tpu.memory_space<vmem>>[vector<16xi32>], vector<16xf32>,
          %mul3A_790 = arith.constant 4 : i32
          %mul3A_791 = arith.muli %scan3A_298, %mul3A_790 : i32
          %add3A_792 = arith.constant 3 : i32
          %add3A_793 = arith.addi %mul3A_791, %add3A_792 : i32
          %mul3A_794 = arith.constant 16 : i32
          %mul3A_795 = arith.muli %add3A_793, %mul3A_794 : i32
          %get3A_796 = arith.constant 0 : i32
          %get3A_797 = arith.index_cast %get3A_796 : i32 to index
          %get3A_798 = arith.index_cast %mul3A_795 : i32 to index
          %get3A_799 = tpu.vector_load %arg4[%get3A_797, %get3A_798] {strides = array<i32>} : memref<16x1408xf32, #tpu.memory_space<vmem>>, vector<16xf32>,
          %mul3A_800 = arith.constant 256 : i32
          %mul3A_801 = arith.muli %add3A_793, %mul3A_800 : i32
          %add3A_802 = vector.broadcast %mul3A_801 : i32 to vector<16xi32>
          %add3A_803 = arith.addi %add3A_6, %add3A_802 : vector<16xi32>
          tpu.vector_store_idx %arg6[%add3A_803], %get3A_799 : memref<22528xf32, #tpu.memory_space<vmem>>[vector<16xi32>], vector<16xf32>,
          %mul3A_804 = arith.constant 16 : i32
          %mul3A_805 = arith.muli %add3A_793, %mul3A_804 : i32
          %get3A_806 = arith.constant 1 : i32
          %get3A_807 = arith.index_cast %get3A_806 : i32 to index
          %get3A_808 = arith.index_cast %mul3A_805 : i32 to index
          %get3A_809 = tpu.vector_load %arg4[%get3A_807, %get3A_808] {strides = array<i32>} : memref<16x1408xf32, #tpu.memory_space<vmem>>, vector<16xf32>,
          %mul3A_810 = arith.constant 256 : i32
          %mul3A_811 = arith.muli %add3A_793, %mul3A_810 : i32
          %add3A_812 = vector.broadcast %mul3A_811 : i32 to vector<16xi32>
          %add3A_813 = arith.addi %add3A_13, %add3A_812 : vector<16xi32>
          tpu.vector_store_idx %arg6[%add3A_813], %get3A_809 : memref<22528xf32, #tpu.memory_space<vmem>>[vector<16xi32>], vector<16xf32>,
          %mul3A_814 = arith.constant 16 : i32
          %mul3A_815 = arith.muli %add3A_793, %mul3A_814 : i32
          %get3A_816 = arith.constant 2 : i32
          %get3A_817 = arith.index_cast %get3A_816 : i32 to index
          %get3A_818 = arith.index_cast %mul3A_815 : i32 to index
          %get3A_819 = tpu.vector_load %arg4[%get3A_817, %get3A_818] {strides = array<i32>} : memref<16x1408xf32, #tpu.memory_space<vmem>>, vector<16xf32>,
          %mul3A_820 = arith.constant 256 : i32
          %mul3A_821 = arith.muli %add3A_793, %mul3A_820 : i32
          %add3A_822 = vector.broadcast %mul3A_821 : i32 to vector<16xi32>
          %add3A_823 = arith.addi %add3A_20, %add3A_822 : vector<16xi32>
          tpu.vector_store_idx %arg6[%add3A_823], %get3A_819 : memref<22528xf32, #tpu.memory_space<vmem>>[vector<16xi32>], vector<16xf32>,
          %mul3A_824 = arith.constant 16 : i32
          %mul3A_825 = arith.muli %add3A_793, %mul3A_824 : i32
          %get3A_826 = arith.constant 3 : i32
          %get3A_827 = arith.index_cast %get3A_826 : i32 to index
          %get3A_828 = arith.index_cast %mul3A_825 : i32 to index
          %get3A_829 = tpu.vector_load %arg4[%get3A_827, %get3A_828] {strides = array<i32>} : memref<16x1408xf32, #tpu.memory_space<vmem>>, vector<16xf32>,
          %mul3A_830 = arith.constant 256 : i32
          %mul3A_831 = arith.muli %add3A_793, %mul3A_830 : i32
          %add3A_832 = vector.broadcast %mul3A_831 : i32 to vector<16xi32>
          %add3A_833 = arith.addi %add3A_27, %add3A_832 : vector<16xi32>
          tpu.vector_store_idx %arg6[%add3A_833], %get3A_829 : memref<22528xf32, #tpu.memory_space<vmem>>[vector<16xi32>], vector<16xf32>,
          %mul3A_834 = arith.constant 16 : i32
          %mul3A_835 = arith.muli %add3A_793, %mul3A_834 : i32
          %get3A_836 = arith.constant 4 : i32
          %get3A_837 = arith.index_cast %get3A_836 : i32 to index
          %get3A_838 = arith.index_cast %mul3A_835 : i32 to index
          %get3A_839 = tpu.vector_load %arg4[%get3A_837, %get3A_838] {strides = array<i32>} : memref<16x1408xf32, #tpu.memory_space<vmem>>, vector<16xf32>,
          %mul3A_840 = arith.constant 256 : i32
          %mul3A_841 = arith.muli %add3A_793, %mul3A_840 : i32
          %add3A_842 = vector.broadcast %mul3A_841 : i32 to vector<16xi32>
          %add3A_843 = arith.addi %add3A_34, %add3A_842 : vector<16xi32>
          tpu.vector_store_idx %arg6[%add3A_843], %get3A_839 : memref<22528xf32, #tpu.memory_space<vmem>>[vector<16xi32>], vector<16xf32>,
          %mul3A_844 = arith.constant 16 : i32
          %mul3A_845 = arith.muli %add3A_793, %mul3A_844 : i32
          %get3A_846 = arith.constant 5 : i32
          %get3A_847 = arith.index_cast %get3A_846 : i32 to index
          %get3A_848 = arith.index_cast %mul3A_845 : i32 to index
          %get3A_849 = tpu.vector_load %arg4[%get3A_847, %get3A_848] {strides = array<i32>} : memref<16x1408xf32, #tpu.memory_space<vmem>>, vector<16xf32>,
          %mul3A_850 = arith.constant 256 : i32
          %mul3A_851 = arith.muli %add3A_793, %mul3A_850 : i32
          %add3A_852 = vector.broadcast %mul3A_851 : i32 to vector<16xi32>
          %add3A_853 = arith.addi %add3A_41, %add3A_852 : vector<16xi32>
          tpu.vector_store_idx %arg6[%add3A_853], %get3A_849 : memref<22528xf32, #tpu.memory_space<vmem>>[vector<16xi32>], vector<16xf32>,
          %mul3A_854 = arith.constant 16 : i32
          %mul3A_855 = arith.muli %add3A_793, %mul3A_854 : i32
          %get3A_856 = arith.constant 6 : i32
          %get3A_857 = arith.index_cast %get3A_856 : i32 to index
          %get3A_858 = arith.index_cast %mul3A_855 : i32 to index
          %get3A_859 = tpu.vector_load %arg4[%get3A_857, %get3A_858] {strides = array<i32>} : memref<16x1408xf32, #tpu.memory_space<vmem>>, vector<16xf32>,
          %mul3A_860 = arith.constant 256 : i32
          %mul3A_861 = arith.muli %add3A_793, %mul3A_860 : i32
          %add3A_862 = vector.broadcast %mul3A_861 : i32 to vector<16xi32>
          %add3A_863 = arith.addi %add3A_48, %add3A_862 : vector<16xi32>
          tpu.vector_store_idx %arg6[%add3A_863], %get3A_859 : memref<22528xf32, #tpu.memory_space<vmem>>[vector<16xi32>], vector<16xf32>,
          %mul3A_864 = arith.constant 16 : i32
          %mul3A_865 = arith.muli %add3A_793, %mul3A_864 : i32
          %get3A_866 = arith.constant 7 : i32
          %get3A_867 = arith.index_cast %get3A_866 : i32 to index
          %get3A_868 = arith.index_cast %mul3A_865 : i32 to index
          %get3A_869 = tpu.vector_load %arg4[%get3A_867, %get3A_868] {strides = array<i32>} : memref<16x1408xf32, #tpu.memory_space<vmem>>, vector<16xf32>,
          %mul3A_870 = arith.constant 256 : i32
          %mul3A_871 = arith.muli %add3A_793, %mul3A_870 : i32
          %add3A_872 = vector.broadcast %mul3A_871 : i32 to vector<16xi32>
          %add3A_873 = arith.addi %add3A_55, %add3A_872 : vector<16xi32>
          tpu.vector_store_idx %arg6[%add3A_873], %get3A_869 : memref<22528xf32, #tpu.memory_space<vmem>>[vector<16xi32>], vector<16xf32>,
          %mul3A_874 = arith.constant 16 : i32
          %mul3A_875 = arith.muli %add3A_793, %mul3A_874 : i32
          %get3A_876 = arith.constant 8 : i32
          %get3A_877 = arith.index_cast %get3A_876 : i32 to index
          %get3A_878 = arith.index_cast %mul3A_875 : i32 to index
          %get3A_879 = tpu.vector_load %arg4[%get3A_877, %get3A_878] {strides = array<i32>} : memref<16x1408xf32, #tpu.memory_space<vmem>>, vector<16xf32>,
          %mul3A_880 = arith.constant 256 : i32
          %mul3A_881 = arith.muli %add3A_793, %mul3A_880 : i32
          %add3A_882 = vector.broadcast %mul3A_881 : i32 to vector<16xi32>
          %add3A_883 = arith.addi %add3A_62, %add3A_882 : vector<16xi32>
          tpu.vector_store_idx %arg6[%add3A_883], %get3A_879 : memref<22528xf32, #tpu.memory_space<vmem>>[vector<16xi32>], vector<16xf32>,
          %mul3A_884 = arith.constant 16 : i32
          %mul3A_885 = arith.muli %add3A_793, %mul3A_884 : i32
          %get3A_886 = arith.constant 9 : i32
          %get3A_887 = arith.index_cast %get3A_886 : i32 to index
          %get3A_888 = arith.index_cast %mul3A_885 : i32 to index
          %get3A_889 = tpu.vector_load %arg4[%get3A_887, %get3A_888] {strides = array<i32>} : memref<16x1408xf32, #tpu.memory_space<vmem>>, vector<16xf32>,
          %mul3A_890 = arith.constant 256 : i32
          %mul3A_891 = arith.muli %add3A_793, %mul3A_890 : i32
          %add3A_892 = vector.broadcast %mul3A_891 : i32 to vector<16xi32>
          %add3A_893 = arith.addi %add3A_69, %add3A_892 : vector<16xi32>
          tpu.vector_store_idx %arg6[%add3A_893], %get3A_889 : memref<22528xf32, #tpu.memory_space<vmem>>[vector<16xi32>], vector<16xf32>,
          %mul3A_894 = arith.constant 16 : i32
          %mul3A_895 = arith.muli %add3A_793, %mul3A_894 : i32
          %get3A_896 = arith.constant 10 : i32
          %get3A_897 = arith.index_cast %get3A_896 : i32 to index
          %get3A_898 = arith.index_cast %mul3A_895 : i32 to index
          %get3A_899 = tpu.vector_load %arg4[%get3A_897, %get3A_898] {strides = array<i32>} : memref<16x1408xf32, #tpu.memory_space<vmem>>, vector<16xf32>,
          %mul3A_900 = arith.constant 256 : i32
          %mul3A_901 = arith.muli %add3A_793, %mul3A_900 : i32
          %add3A_902 = vector.broadcast %mul3A_901 : i32 to vector<16xi32>
          %add3A_903 = arith.addi %add3A_76, %add3A_902 : vector<16xi32>
          tpu.vector_store_idx %arg6[%add3A_903], %get3A_899 : memref<22528xf32, #tpu.memory_space<vmem>>[vector<16xi32>], vector<16xf32>,
          %mul3A_904 = arith.constant 16 : i32
          %mul3A_905 = arith.muli %add3A_793, %mul3A_904 : i32
          %get3A_906 = arith.constant 11 : i32
          %get3A_907 = arith.index_cast %get3A_906 : i32 to index
          %get3A_908 = arith.index_cast %mul3A_905 : i32 to index
          %get3A_909 = tpu.vector_load %arg4[%get3A_907, %get3A_908] {strides = array<i32>} : memref<16x1408xf32, #tpu.memory_space<vmem>>, vector<16xf32>,
          %mul3A_910 = arith.constant 256 : i32
          %mul3A_911 = arith.muli %add3A_793, %mul3A_910 : i32
          %add3A_912 = vector.broadcast %mul3A_911 : i32 to vector<16xi32>
          %add3A_913 = arith.addi %add3A_83, %add3A_912 : vector<16xi32>
          tpu.vector_store_idx %arg6[%add3A_913], %get3A_909 : memref<22528xf32, #tpu.memory_space<vmem>>[vector<16xi32>], vector<16xf32>,
          %mul3A_914 = arith.constant 16 : i32
          %mul3A_915 = arith.muli %add3A_793, %mul3A_914 : i32
          %get3A_916 = arith.constant 12 : i32
          %get3A_917 = arith.index_cast %get3A_916 : i32 to index
          %get3A_918 = arith.index_cast %mul3A_915 : i32 to index
          %get3A_919 = tpu.vector_load %arg4[%get3A_917, %get3A_918] {strides = array<i32>} : memref<16x1408xf32, #tpu.memory_space<vmem>>, vector<16xf32>,
          %mul3A_920 = arith.constant 256 : i32
          %mul3A_921 = arith.muli %add3A_793, %mul3A_920 : i32
          %add3A_922 = vector.broadcast %mul3A_921 : i32 to vector<16xi32>
          %add3A_923 = arith.addi %add3A_90, %add3A_922 : vector<16xi32>
          tpu.vector_store_idx %arg6[%add3A_923], %get3A_919 : memref<22528xf32, #tpu.memory_space<vmem>>[vector<16xi32>], vector<16xf32>,
          %mul3A_924 = arith.constant 16 : i32
          %mul3A_925 = arith.muli %add3A_793, %mul3A_924 : i32
          %get3A_926 = arith.constant 13 : i32
          %get3A_927 = arith.index_cast %get3A_926 : i32 to index
          %get3A_928 = arith.index_cast %mul3A_925 : i32 to index
          %get3A_929 = tpu.vector_load %arg4[%get3A_927, %get3A_928] {strides = array<i32>} : memref<16x1408xf32, #tpu.memory_space<vmem>>, vector<16xf32>,
          %mul3A_930 = arith.constant 256 : i32
          %mul3A_931 = arith.muli %add3A_793, %mul3A_930 : i32
          %add3A_932 = vector.broadcast %mul3A_931 : i32 to vector<16xi32>
          %add3A_933 = arith.addi %add3A_97, %add3A_932 : vector<16xi32>
          tpu.vector_store_idx %arg6[%add3A_933], %get3A_929 : memref<22528xf32, #tpu.memory_space<vmem>>[vector<16xi32>], vector<16xf32>,
          %mul3A_934 = arith.constant 16 : i32
          %mul3A_935 = arith.muli %add3A_793, %mul3A_934 : i32
          %get3A_936 = arith.constant 14 : i32
          %get3A_937 = arith.index_cast %get3A_936 : i32 to index
          %get3A_938 = arith.index_cast %mul3A_935 : i32 to index
          %get3A_939 = tpu.vector_load %arg4[%get3A_937, %get3A_938] {strides = array<i32>} : memref<16x1408xf32, #tpu.memory_space<vmem>>, vector<16xf32>,
          %mul3A_940 = arith.constant 256 : i32
          %mul3A_941 = arith.muli %add3A_793, %mul3A_940 : i32
          %add3A_942 = vector.broadcast %mul3A_941 : i32 to vector<16xi32>
          %add3A_943 = arith.addi %add3A_104, %add3A_942 : vector<16xi32>
          tpu.vector_store_idx %arg6[%add3A_943], %get3A_939 : memref<22528xf32, #tpu.memory_space<vmem>>[vector<16xi32>], vector<16xf32>,
          %mul3A_944 = arith.constant 16 : i32
          %mul3A_945 = arith.muli %add3A_793, %mul3A_944 : i32
          %get3A_946 = arith.constant 15 : i32
          %get3A_947 = arith.index_cast %get3A_946 : i32 to index
          %get3A_948 = arith.index_cast %mul3A_945 : i32 to index
          %get3A_949 = tpu.vector_load %arg4[%get3A_947, %get3A_948] {strides = array<i32>} : memref<16x1408xf32, #tpu.memory_space<vmem>>, vector<16xf32>,
          %mul3A_950 = arith.constant 256 : i32
          %mul3A_951 = arith.muli %add3A_793, %mul3A_950 : i32
          %add3A_952 = vector.broadcast %mul3A_951 : i32 to vector<16xi32>
          %add3A_953 = arith.addi %add3A_111, %add3A_952 : vector<16xi32>
          tpu.vector_store_idx %arg6[%add3A_953], %get3A_949 : memref<22528xf32, #tpu.memory_space<vmem>>[vector<16xi32>], vector<16xf32>,
        }
        %scan3A_290 = arith.constant 22 : i32
        %mul3A_291 = arith.constant 99968 : i32
        %mul3A_292 = arith.muli %select_n3A_266, %mul3A_291 : i32
        %add3A_293 = arith.addi %mul3A_292, %mul3A_284 : i32
        %mul3A_294 = arith.constant 16 : i32
        %mul3A_295 = arith.muli %add3A_293, %mul3A_294 : i32
        %dma_start3A_296 = tpu.memref_slice %arg3[%mul3A_295] : memref<38400000xf32, #tpu.memory_space<hbm>> -> memref<22528xf32, #tpu.memory_space<hbm>>
        %dma_start3A_297 = tpu.memref_slice %arg3[%mul3A_295] : memref<38400000xf32, #tpu.memory_space<hbm>> -> memref<22528xf32, #tpu.memory_space<hbm>>
        tpu.enqueue_dma source(%arg6 : memref<22528xf32, #tpu.memory_space<vmem>>) target(%dma_start3A_297 : memref<22528xf32, #tpu.memory_space<hbm>>) target_semaphore(%arg10 : memref<!tpu.dma_semaphore, #tpu.memory_space<semaphore_mem>>)
      } else {
      }
      %mul3A_211 = arith.constant 2 : i32
      %mul3A_212 = arith.muli %scan3A_181, %mul3A_211 : i32
      %add3A_213 = arith.constant 1 : i32
      %add3A_214 = arith.addi %mul3A_212, %add3A_213 : i32
      %mul3A_215 = arith.constant 32 : i32
      %mul3A_216 = arith.muli %mul3A_215, %add3A_214 : i32
      %add3A_217 = arith.addi %add3A, %mul3A_216 : i32
      %add3A_218 = arith.constant 32 : i32
      %add3A_219 = arith.addi %add3A_217, %add3A_218 : i32
      %lt3A_220 = arith.constant 1704 : i32
      %lt3A_221 = arith.cmpi slt, %add3A_217, %lt3A_220 : i32
      %convert_element_type3A_222 = arith.extui %lt3A_221 : i1 to i32
      %cond3A_223 = arith.constant 0 : i32
      %cond3A_224 = arith.cmpi ne, %convert_element_type3A_222, %cond3A_223 : i32
      scf.if %cond3A_224 {
        %dma_wait3A_243 = arith.constant 0 : i32
        %dma_wait3A_244 = arith.constant 0 : i32
        %dma_wait3A_245 = arith.constant 0 : i32
        %dma_wait3A_246 = tpu.memref_slice %arg5[%dma_wait3A_244, %dma_wait3A_245] : memref<16x1408xf32, #tpu.memory_space<vmem>> -> memref<8x1408xf32, #tpu.memory_space<vmem>>
        %dma_wait3A_247 = arith.constant 0 : i32
        %dma_wait3A_248 = arith.constant 0 : i32
        %dma_wait3A_249 = tpu.memref_slice %arg2[%dma_wait3A_243, %dma_wait3A_247, %dma_wait3A_248] : memref<26x16x100000xf32, #tpu.memory_space<hbm>> -> memref<1x8x1408xf32, #tpu.memory_space<hbm>>
        %dma_wait3A_250 = tpu.memref_squeeze %dma_wait3A_249 : memref<1x8x1408xf32, #tpu.memory_space<hbm>> -> memref<8x1408xf32, #tpu.memory_space<hbm>>
        %dma_wait3A_251 = arith.constant 0 : i32
        %dma_wait3A_252 = arith.constant 0 : i32
        %dma_wait3A_253 = tpu.memref_slice %arg5[%dma_wait3A_251, %dma_wait3A_252] : memref<16x1408xf32, #tpu.memory_space<vmem>> -> memref<8x1408xf32, #tpu.memory_space<vmem>>
        %dma_wait3A_254 = arith.constant 0 : i32
        %dma_wait3A_255 = arith.constant 0 : i32
        %dma_wait3A_256 = tpu.memref_slice %arg2[%dma_wait3A_243, %dma_wait3A_254, %dma_wait3A_255] : memref<26x16x100000xf32, #tpu.memory_space<hbm>> -> memref<1x8x1408xf32, #tpu.memory_space<hbm>>
        %dma_wait3A_257 = tpu.memref_squeeze %dma_wait3A_256 : memref<1x8x1408xf32, #tpu.memory_space<hbm>> -> memref<8x1408xf32, #tpu.memory_space<hbm>>
        tpu.wait_dma2 semaphore(%arg9 : memref<!tpu.dma_semaphore, #tpu.memory_space<semaphore_mem>>) src(%dma_wait3A_257 : memref<8x1408xf32, #tpu.memory_space<hbm>>) dst(%dma_wait3A_253 : memref<8x1408xf32, #tpu.memory_space<vmem>>)
        %dma_wait3A_258 = arith.constant 0 : i32
        %dma_wait3A_259 = arith.constant 0 : i32
        %dma_wait3A_260 = arith.constant 0 : i32
        %dma_wait3A_261 = tpu.memref_slice %arg5[%dma_wait3A_259, %dma_wait3A_260] : memref<16x1408xf32, #tpu.memory_space<vmem>> -> memref<8x1408xf32, #tpu.memory_space<vmem>>
        %dma_wait3A_262 = arith.constant 0 : i32
        %dma_wait3A_263 = arith.constant 0 : i32
        %dma_wait3A_264 = tpu.memref_slice %arg2[%dma_wait3A_258, %dma_wait3A_262, %dma_wait3A_263] : memref<26x16x100000xf32, #tpu.memory_space<hbm>> -> memref<1x8x1408xf32, #tpu.memory_space<hbm>>
        %dma_wait3A_265 = tpu.memref_squeeze %dma_wait3A_264 : memref<1x8x1408xf32, #tpu.memory_space<hbm>> -> memref<8x1408xf32, #tpu.memory_space<hbm>>
        %dma_wait3A_266 = arith.constant 0 : i32
        %dma_wait3A_267 = arith.constant 0 : i32
        %dma_wait3A_268 = tpu.memref_slice %arg5[%dma_wait3A_266, %dma_wait3A_267] : memref<16x1408xf32, #tpu.memory_space<vmem>> -> memref<8x1408xf32, #tpu.memory_space<vmem>>
        %dma_wait3A_269 = arith.constant 0 : i32
        %dma_wait3A_270 = arith.constant 0 : i32
        %dma_wait3A_271 = tpu.memref_slice %arg2[%dma_wait3A_258, %dma_wait3A_269, %dma_wait3A_270] : memref<26x16x100000xf32, #tpu.memory_space<hbm>> -> memref<1x8x1408xf32, #tpu.memory_space<hbm>>
        %dma_wait3A_272 = tpu.memref_squeeze %dma_wait3A_271 : memref<1x8x1408xf32, #tpu.memory_space<hbm>> -> memref<8x1408xf32, #tpu.memory_space<hbm>>
        tpu.wait_dma2 semaphore(%arg9 : memref<!tpu.dma_semaphore, #tpu.memory_space<semaphore_mem>>) src(%dma_wait3A_272 : memref<8x1408xf32, #tpu.memory_space<hbm>>) dst(%dma_wait3A_268 : memref<8x1408xf32, #tpu.memory_space<vmem>>)
      } else {
      }
      %lt3A_225 = arith.constant 1704 : i32
      %lt3A_226 = arith.cmpi slt, %add3A_219, %lt3A_225 : i32
      %convert_element_type3A_227 = arith.extui %lt3A_226 : i1 to i32
      %cond3A_228 = arith.constant 0 : i32
      %cond3A_229 = arith.cmpi ne, %convert_element_type3A_227, %cond3A_228 : i32
      scf.if %cond3A_229 {
        %jit3A_243 = arith.constant 71 : i32
        %div3A_244 = arith.divsi %add3A_219, %jit3A_243 : i32
        %sign3A_245 = arith.constant 0 : i32
        %sign3A_246 = arith.cmpi sgt, %add3A_219, %sign3A_245 : i32
        %sign3A_247 = arith.extui %sign3A_246 : i1 to i32
        %sign3A_248 = arith.constant 0 : i32
        %sign3A_249 = arith.cmpi slt, %add3A_219, %sign3A_248 : i32
        %sign3A_250 = arith.extui %sign3A_249 : i1 to i32
        %sign3A_251 = arith.subi %sign3A_247, %sign3A_250 : i32
        %sign3A_252 = arith.constant 0 : i32
        %sign3A_253 = arith.cmpi sgt, %jit3A_243, %sign3A_252 : i32
        %sign3A_254 = arith.extui %sign3A_253 : i1 to i32
        %sign3A_255 = arith.constant 0 : i32
        %sign3A_256 = arith.cmpi slt, %jit3A_243, %sign3A_255 : i32
        %sign3A_257 = arith.extui %sign3A_256 : i1 to i32
        %sign3A_258 = arith.subi %sign3A_254, %sign3A_257 : i32
        %ne3A_259 = arith.cmpi ne, %sign3A_251, %sign3A_258 : i32
        %rem3A_260 = arith.remsi %add3A_219, %jit3A_243 : i32
        %ne3A_261 = arith.constant 0 : i32
        %ne3A_262 = arith.cmpi ne, %rem3A_260, %ne3A_261 : i32
        %and3A_263 = arith.andi %ne3A_259, %ne3A_262 : i1
        %sub3A_264 = arith.constant 1 : i32
        %sub3A_265 = arith.subi %div3A_244, %sub3A_264 : i32
        %select_n3A_266 = arith.select %and3A_263, %sub3A_265, %div3A_244 : i32
        %add3A_267 = arith.constant 2 : i32
        %add3A_268 = arith.addi %add3A_267, %select_n3A_266 : i32
        %jit3A_269 = arith.constant 71 : i32
        %eq3A_270 = arith.constant 0 : i32
        %eq3A_271 = arith.cmpi eq, %jit3A_269, %eq3A_270 : i32
        %jit3A_272 = arith.constant 1 : i32
        %select_n3A_273 = arith.select %eq3A_271, %jit3A_272, %jit3A_269 : i32
        %rem3A_274 = arith.remsi %add3A_219, %select_n3A_273 : i32
        %ne3A_275 = arith.constant 0 : i32
        %ne3A_276 = arith.cmpi ne, %rem3A_274, %ne3A_275 : i32
        %lt3A_277 = arith.constant 0 : i32
        %lt3A_278 = arith.cmpi slt, %rem3A_274, %lt3A_277 : i32
        %lt3A_279 = arith.constant 0 : i32
        %lt3A_280 = arith.cmpi slt, %select_n3A_273, %lt3A_279 : i32
        %ne3A_281 = arith.xori %lt3A_278, %lt3A_280 : i1
        %and3A_282 = arith.andi %ne3A_281, %ne3A_276 : i1
        %add3A_283 = arith.addi %rem3A_274, %select_n3A_273 : i32
        %select_n3A_284 = arith.select %and3A_282, %add3A_283, %rem3A_274 : i32
        %mul3A_285 = arith.constant 1408 : i32
        %mul3A_286 = arith.muli %select_n3A_284, %mul3A_285 : i32
        %dma_start3A_287 = arith.constant 0 : i32
        %dma_start3A_288 = arith.constant 0 : i32
        %dma_start3A_289 = tpu.memref_slice %arg4[%dma_start3A_287, %dma_start3A_288] : memref<16x1408xf32, #tpu.memory_space<vmem>> -> memref<8x1408xf32, #tpu.memory_space<vmem>>
        %dma_start3A_290 = arith.constant 0 : i32
        %dma_start3A_291 = tpu.memref_slice %arg2[%add3A_268, %dma_start3A_290, %mul3A_286] : memref<26x16x100000xf32, #tpu.memory_space<hbm>> -> memref<1x8x1408xf32, #tpu.memory_space<hbm>>
        %dma_start3A_292 = tpu.memref_squeeze %dma_start3A_291 : memref<1x8x1408xf32, #tpu.memory_space<hbm>> -> memref<8x1408xf32, #tpu.memory_space<hbm>>
        %dma_start3A_293 = arith.constant 0 : i32
        %dma_start3A_294 = arith.constant 0 : i32
        %dma_start3A_295 = tpu.memref_slice %arg4[%dma_start3A_293, %dma_start3A_294] : memref<16x1408xf32, #tpu.memory_space<vmem>> -> memref<8x1408xf32, #tpu.memory_space<vmem>>
        %dma_start3A_296 = arith.constant 0 : i32
        %dma_start3A_297 = tpu.memref_slice %arg2[%add3A_268, %dma_start3A_296, %mul3A_286] : memref<26x16x100000xf32, #tpu.memory_space<hbm>> -> memref<1x8x1408xf32, #tpu.memory_space<hbm>>
        %dma_start3A_298 = tpu.memref_squeeze %dma_start3A_297 : memref<1x8x1408xf32, #tpu.memory_space<hbm>> -> memref<8x1408xf32, #tpu.memory_space<hbm>>
        tpu.enqueue_dma source(%dma_start3A_298 : memref<8x1408xf32, #tpu.memory_space<hbm>>) target(%dma_start3A_295 : memref<8x1408xf32, #tpu.memory_space<vmem>>) target_semaphore(%arg8 : memref<!tpu.dma_semaphore, #tpu.memory_space<semaphore_mem>>)
        %dma_start3A_299 = arith.constant 8 : i32
        %dma_start3A_300 = arith.constant 0 : i32
        %dma_start3A_301 = tpu.memref_slice %arg4[%dma_start3A_299, %dma_start3A_300] : memref<16x1408xf32, #tpu.memory_space<vmem>> -> memref<8x1408xf32, #tpu.memory_space<vmem>>
        %dma_start3A_302 = arith.constant 8 : i32
        %dma_start3A_303 = tpu.memref_slice %arg2[%add3A_268, %dma_start3A_302, %mul3A_286] : memref<26x16x100000xf32, #tpu.memory_space<hbm>> -> memref<1x8x1408xf32, #tpu.memory_space<hbm>>
        %dma_start3A_304 = tpu.memref_squeeze %dma_start3A_303 : memref<1x8x1408xf32, #tpu.memory_space<hbm>> -> memref<8x1408xf32, #tpu.memory_space<hbm>>
        %dma_start3A_305 = arith.constant 8 : i32
        %dma_start3A_306 = arith.constant 0 : i32
        %dma_start3A_307 = tpu.memref_slice %arg4[%dma_start3A_305, %dma_start3A_306] : memref<16x1408xf32, #tpu.memory_space<vmem>> -> memref<8x1408xf32, #tpu.memory_space<vmem>>
        %dma_start3A_308 = arith.constant 8 : i32
        %dma_start3A_309 = tpu.memref_slice %arg2[%add3A_268, %dma_start3A_308, %mul3A_286] : memref<26x16x100000xf32, #tpu.memory_space<hbm>> -> memref<1x8x1408xf32, #tpu.memory_space<hbm>>
        %dma_start3A_310 = tpu.memref_squeeze %dma_start3A_309 : memref<1x8x1408xf32, #tpu.memory_space<hbm>> -> memref<8x1408xf32, #tpu.memory_space<hbm>>
        tpu.enqueue_dma source(%dma_start3A_310 : memref<8x1408xf32, #tpu.memory_space<hbm>>) target(%dma_start3A_307 : memref<8x1408xf32, #tpu.memory_space<vmem>>) target_semaphore(%arg8 : memref<!tpu.dma_semaphore, #tpu.memory_space<semaphore_mem>>)
      } else {
      }
      %ge3A_230 = arith.constant 2 : i32
      %ge3A_231 = arith.cmpi sge, %add3A_214, %ge3A_230 : i32
      %lt3A_232 = arith.constant 1704 : i32
      %lt3A_233 = arith.cmpi slt, %add3A_217, %lt3A_232 : i32
      %and3A_234 = arith.andi %ge3A_231, %lt3A_233 : i1
      %convert_element_type3A_235 = arith.extui %and3A_234 : i1 to i32
      %cond3A_236 = arith.constant 0 : i32
      %cond3A_237 = arith.cmpi ne, %convert_element_type3A_235, %cond3A_236 : i32
      scf.if %cond3A_237 {
        %dma_wait3A_243 = arith.constant 0 : i32
        %dma_wait3A_244 = tpu.memref_slice %arg3[%dma_wait3A_243] : memref<38400000xf32, #tpu.memory_space<hbm>> -> memref<22528xf32, #tpu.memory_space<hbm>>
        %dma_wait3A_245 = arith.constant 0 : i32
        %dma_wait3A_246 = tpu.memref_slice %arg3[%dma_wait3A_245] : memref<38400000xf32, #tpu.memory_space<hbm>> -> memref<22528xf32, #tpu.memory_space<hbm>>
        tpu.wait_dma2 semaphore(%arg11 : memref<!tpu.dma_semaphore, #tpu.memory_space<semaphore_mem>>) src(%arg6 : memref<22528xf32, #tpu.memory_space<vmem>>) dst(%dma_wait3A_246 : memref<22528xf32, #tpu.memory_space<hbm>>)
      } else {
      }
      %lt3A_238 = arith.constant 1704 : i32
      %lt3A_239 = arith.cmpi slt, %add3A_217, %lt3A_238 : i32
      %convert_element_type3A_240 = arith.extui %lt3A_239 : i1 to i32
      %cond3A_241 = arith.constant 0 : i32
      %cond3A_242 = arith.cmpi ne, %convert_element_type3A_240, %cond3A_241 : i32
      scf.if %cond3A_242 {
        %jit3A_243 = arith.constant 71 : i32
        %div3A_244 = arith.divsi %add3A_217, %jit3A_243 : i32
        %sign3A_245 = arith.constant 0 : i32
        %sign3A_246 = arith.cmpi sgt, %add3A_217, %sign3A_245 : i32
        %sign3A_247 = arith.extui %sign3A_246 : i1 to i32
        %sign3A_248 = arith.constant 0 : i32
        %sign3A_249 = arith.cmpi slt, %add3A_217, %sign3A_248 : i32
        %sign3A_250 = arith.extui %sign3A_249 : i1 to i32
        %sign3A_251 = arith.subi %sign3A_247, %sign3A_250 : i32
        %sign3A_252 = arith.constant 0 : i32
        %sign3A_253 = arith.cmpi sgt, %jit3A_243, %sign3A_252 : i32
        %sign3A_254 = arith.extui %sign3A_253 : i1 to i32
        %sign3A_255 = arith.constant 0 : i32
        %sign3A_256 = arith.cmpi slt, %jit3A_243, %sign3A_255 : i32
        %sign3A_257 = arith.extui %sign3A_256 : i1 to i32
        %sign3A_258 = arith.subi %sign3A_254, %sign3A_257 : i32
        %ne3A_259 = arith.cmpi ne, %sign3A_251, %sign3A_258 : i32
        %rem3A_260 = arith.remsi %add3A_217, %jit3A_243 : i32
        %ne3A_261 = arith.constant 0 : i32
        %ne3A_262 = arith.cmpi ne, %rem3A_260, %ne3A_261 : i32
        %and3A_263 = arith.andi %ne3A_259, %ne3A_262 : i1
        %sub3A_264 = arith.constant 1 : i32
        %sub3A_265 = arith.subi %div3A_244, %sub3A_264 : i32
        %select_n3A_266 = arith.select %and3A_263, %sub3A_265, %div3A_244 : i32
        %jit3A_267 = arith.constant 71 : i32
        %eq3A_268 = arith.constant 0 : i32
        %eq3A_269 = arith.cmpi eq, %jit3A_267, %eq3A_268 : i32
        %jit3A_270 = arith.constant 1 : i32
        %select_n3A_271 = arith.select %eq3A_269, %jit3A_270, %jit3A_267 : i32
        %rem3A_272 = arith.remsi %add3A_217, %select_n3A_271 : i32
        %ne3A_273 = arith.constant 0 : i32
        %ne3A_274 = arith.cmpi ne, %rem3A_272, %ne3A_273 : i32
        %lt3A_275 = arith.constant 0 : i32
        %lt3A_276 = arith.cmpi slt, %rem3A_272, %lt3A_275 : i32
        %lt3A_277 = arith.constant 0 : i32
        %lt3A_278 = arith.cmpi slt, %select_n3A_271, %lt3A_277 : i32
        %ne3A_279 = arith.xori %lt3A_276, %lt3A_278 : i1
        %and3A_280 = arith.andi %ne3A_279, %ne3A_274 : i1
        %add3A_281 = arith.addi %rem3A_272, %select_n3A_271 : i32
        %select_n3A_282 = arith.select %and3A_280, %add3A_281, %rem3A_272 : i32
        %mul3A_283 = arith.constant 1408 : i32
        %mul3A_284 = arith.muli %select_n3A_282, %mul3A_283 : i32
        %scan3A_285 = arith.constant 0 : i32
        %scan3A_286 = arith.constant 0 : i32
        %scan3A_287 = arith.constant 22 : i32
        %scan3A_288 = arith.addi %scan3A_286, %scan3A_287 : i32
        %scan3A_289 = arith.constant 1 : i32
        scf.for %scan3A_298 = %scan3A_286 to %scan3A_288 step %scan3A_289  : i32 {
          %mul3A_299 = arith.constant 4 : i32
          %mul3A_300 = arith.muli %scan3A_298, %mul3A_299 : i32
          %add3A_301 = arith.constant 0 : i32
          %add3A_302 = arith.addi %mul3A_300, %add3A_301 : i32
          %mul3A_303 = arith.constant 16 : i32
          %mul3A_304 = arith.muli %add3A_302, %mul3A_303 : i32
          %get3A = arith.constant 0 : i32
          %get3A_305 = arith.index_cast %get3A : i32 to index
          %get3A_306 = arith.index_cast %mul3A_304 : i32 to index
          %get3A_307 = tpu.vector_load %arg5[%get3A_305, %get3A_306] {strides = array<i32>} : memref<16x1408xf32, #tpu.memory_space<vmem>>, vector<16xf32>,
          %mul3A_308 = arith.constant 256 : i32
          %mul3A_309 = arith.muli %add3A_302, %mul3A_308 : i32
          %add3A_310 = vector.broadcast %mul3A_309 : i32 to vector<16xi32>
          %add3A_311 = arith.addi %add3A_6, %add3A_310 : vector<16xi32>
          tpu.vector_store_idx %arg7[%add3A_311], %get3A_307 : memref<22528xf32, #tpu.memory_space<vmem>>[vector<16xi32>], vector<16xf32>,
          %mul3A_312 = arith.constant 16 : i32
          %mul3A_313 = arith.muli %add3A_302, %mul3A_312 : i32
          %get3A_314 = arith.constant 1 : i32
          %get3A_315 = arith.index_cast %get3A_314 : i32 to index
          %get3A_316 = arith.index_cast %mul3A_313 : i32 to index
          %get3A_317 = tpu.vector_load %arg5[%get3A_315, %get3A_316] {strides = array<i32>} : memref<16x1408xf32, #tpu.memory_space<vmem>>, vector<16xf32>,
          %mul3A_318 = arith.constant 256 : i32
          %mul3A_319 = arith.muli %add3A_302, %mul3A_318 : i32
          %add3A_320 = vector.broadcast %mul3A_319 : i32 to vector<16xi32>
          %add3A_321 = arith.addi %add3A_13, %add3A_320 : vector<16xi32>
          tpu.vector_store_idx %arg7[%add3A_321], %get3A_317 : memref<22528xf32, #tpu.memory_space<vmem>>[vector<16xi32>], vector<16xf32>,
          %mul3A_322 = arith.constant 16 : i32
          %mul3A_323 = arith.muli %add3A_302, %mul3A_322 : i32
          %get3A_324 = arith.constant 2 : i32
          %get3A_325 = arith.index_cast %get3A_324 : i32 to index
          %get3A_326 = arith.index_cast %mul3A_323 : i32 to index
          %get3A_327 = tpu.vector_load %arg5[%get3A_325, %get3A_326] {strides = array<i32>} : memref<16x1408xf32, #tpu.memory_space<vmem>>, vector<16xf32>,
          %mul3A_328 = arith.constant 256 : i32
          %mul3A_329 = arith.muli %add3A_302, %mul3A_328 : i32
          %add3A_330 = vector.broadcast %mul3A_329 : i32 to vector<16xi32>
          %add3A_331 = arith.addi %add3A_20, %add3A_330 : vector<16xi32>
          tpu.vector_store_idx %arg7[%add3A_331], %get3A_327 : memref<22528xf32, #tpu.memory_space<vmem>>[vector<16xi32>], vector<16xf32>,
          %mul3A_332 = arith.constant 16 : i32
          %mul3A_333 = arith.muli %add3A_302, %mul3A_332 : i32
          %get3A_334 = arith.constant 3 : i32
          %get3A_335 = arith.index_cast %get3A_334 : i32 to index
          %get3A_336 = arith.index_cast %mul3A_333 : i32 to index
          %get3A_337 = tpu.vector_load %arg5[%get3A_335, %get3A_336] {strides = array<i32>} : memref<16x1408xf32, #tpu.memory_space<vmem>>, vector<16xf32>,
          %mul3A_338 = arith.constant 256 : i32
          %mul3A_339 = arith.muli %add3A_302, %mul3A_338 : i32
          %add3A_340 = vector.broadcast %mul3A_339 : i32 to vector<16xi32>
          %add3A_341 = arith.addi %add3A_27, %add3A_340 : vector<16xi32>
          tpu.vector_store_idx %arg7[%add3A_341], %get3A_337 : memref<22528xf32, #tpu.memory_space<vmem>>[vector<16xi32>], vector<16xf32>,
          %mul3A_342 = arith.constant 16 : i32
          %mul3A_343 = arith.muli %add3A_302, %mul3A_342 : i32
          %get3A_344 = arith.constant 4 : i32
          %get3A_345 = arith.index_cast %get3A_344 : i32 to index
          %get3A_346 = arith.index_cast %mul3A_343 : i32 to index
          %get3A_347 = tpu.vector_load %arg5[%get3A_345, %get3A_346] {strides = array<i32>} : memref<16x1408xf32, #tpu.memory_space<vmem>>, vector<16xf32>,
          %mul3A_348 = arith.constant 256 : i32
          %mul3A_349 = arith.muli %add3A_302, %mul3A_348 : i32
          %add3A_350 = vector.broadcast %mul3A_349 : i32 to vector<16xi32>
          %add3A_351 = arith.addi %add3A_34, %add3A_350 : vector<16xi32>
          tpu.vector_store_idx %arg7[%add3A_351], %get3A_347 : memref<22528xf32, #tpu.memory_space<vmem>>[vector<16xi32>], vector<16xf32>,
          %mul3A_352 = arith.constant 16 : i32
          %mul3A_353 = arith.muli %add3A_302, %mul3A_352 : i32
          %get3A_354 = arith.constant 5 : i32
          %get3A_355 = arith.index_cast %get3A_354 : i32 to index
          %get3A_356 = arith.index_cast %mul3A_353 : i32 to index
          %get3A_357 = tpu.vector_load %arg5[%get3A_355, %get3A_356] {strides = array<i32>} : memref<16x1408xf32, #tpu.memory_space<vmem>>, vector<16xf32>,
          %mul3A_358 = arith.constant 256 : i32
          %mul3A_359 = arith.muli %add3A_302, %mul3A_358 : i32
          %add3A_360 = vector.broadcast %mul3A_359 : i32 to vector<16xi32>
          %add3A_361 = arith.addi %add3A_41, %add3A_360 : vector<16xi32>
          tpu.vector_store_idx %arg7[%add3A_361], %get3A_357 : memref<22528xf32, #tpu.memory_space<vmem>>[vector<16xi32>], vector<16xf32>,
          %mul3A_362 = arith.constant 16 : i32
          %mul3A_363 = arith.muli %add3A_302, %mul3A_362 : i32
          %get3A_364 = arith.constant 6 : i32
          %get3A_365 = arith.index_cast %get3A_364 : i32 to index
          %get3A_366 = arith.index_cast %mul3A_363 : i32 to index
          %get3A_367 = tpu.vector_load %arg5[%get3A_365, %get3A_366] {strides = array<i32>} : memref<16x1408xf32, #tpu.memory_space<vmem>>, vector<16xf32>,
          %mul3A_368 = arith.constant 256 : i32
          %mul3A_369 = arith.muli %add3A_302, %mul3A_368 : i32
          %add3A_370 = vector.broadcast %mul3A_369 : i32 to vector<16xi32>
          %add3A_371 = arith.addi %add3A_48, %add3A_370 : vector<16xi32>
          tpu.vector_store_idx %arg7[%add3A_371], %get3A_367 : memref<22528xf32, #tpu.memory_space<vmem>>[vector<16xi32>], vector<16xf32>,
          %mul3A_372 = arith.constant 16 : i32
          %mul3A_373 = arith.muli %add3A_302, %mul3A_372 : i32
          %get3A_374 = arith.constant 7 : i32
          %get3A_375 = arith.index_cast %get3A_374 : i32 to index
          %get3A_376 = arith.index_cast %mul3A_373 : i32 to index
          %get3A_377 = tpu.vector_load %arg5[%get3A_375, %get3A_376] {strides = array<i32>} : memref<16x1408xf32, #tpu.memory_space<vmem>>, vector<16xf32>,
          %mul3A_378 = arith.constant 256 : i32
          %mul3A_379 = arith.muli %add3A_302, %mul3A_378 : i32
          %add3A_380 = vector.broadcast %mul3A_379 : i32 to vector<16xi32>
          %add3A_381 = arith.addi %add3A_55, %add3A_380 : vector<16xi32>
          tpu.vector_store_idx %arg7[%add3A_381], %get3A_377 : memref<22528xf32, #tpu.memory_space<vmem>>[vector<16xi32>], vector<16xf32>,
          %mul3A_382 = arith.constant 16 : i32
          %mul3A_383 = arith.muli %add3A_302, %mul3A_382 : i32
          %get3A_384 = arith.constant 8 : i32
          %get3A_385 = arith.index_cast %get3A_384 : i32 to index
          %get3A_386 = arith.index_cast %mul3A_383 : i32 to index
          %get3A_387 = tpu.vector_load %arg5[%get3A_385, %get3A_386] {strides = array<i32>} : memref<16x1408xf32, #tpu.memory_space<vmem>>, vector<16xf32>,
          %mul3A_388 = arith.constant 256 : i32
          %mul3A_389 = arith.muli %add3A_302, %mul3A_388 : i32
          %add3A_390 = vector.broadcast %mul3A_389 : i32 to vector<16xi32>
          %add3A_391 = arith.addi %add3A_62, %add3A_390 : vector<16xi32>
          tpu.vector_store_idx %arg7[%add3A_391], %get3A_387 : memref<22528xf32, #tpu.memory_space<vmem>>[vector<16xi32>], vector<16xf32>,
          %mul3A_392 = arith.constant 16 : i32
          %mul3A_393 = arith.muli %add3A_302, %mul3A_392 : i32
          %get3A_394 = arith.constant 9 : i32
          %get3A_395 = arith.index_cast %get3A_394 : i32 to index
          %get3A_396 = arith.index_cast %mul3A_393 : i32 to index
          %get3A_397 = tpu.vector_load %arg5[%get3A_395, %get3A_396] {strides = array<i32>} : memref<16x1408xf32, #tpu.memory_space<vmem>>, vector<16xf32>,
          %mul3A_398 = arith.constant 256 : i32
          %mul3A_399 = arith.muli %add3A_302, %mul3A_398 : i32
          %add3A_400 = vector.broadcast %mul3A_399 : i32 to vector<16xi32>
          %add3A_401 = arith.addi %add3A_69, %add3A_400 : vector<16xi32>
          tpu.vector_store_idx %arg7[%add3A_401], %get3A_397 : memref<22528xf32, #tpu.memory_space<vmem>>[vector<16xi32>], vector<16xf32>,
          %mul3A_402 = arith.constant 16 : i32
          %mul3A_403 = arith.muli %add3A_302, %mul3A_402 : i32
          %get3A_404 = arith.constant 10 : i32
          %get3A_405 = arith.index_cast %get3A_404 : i32 to index
          %get3A_406 = arith.index_cast %mul3A_403 : i32 to index
          %get3A_407 = tpu.vector_load %arg5[%get3A_405, %get3A_406] {strides = array<i32>} : memref<16x1408xf32, #tpu.memory_space<vmem>>, vector<16xf32>,
          %mul3A_408 = arith.constant 256 : i32
          %mul3A_409 = arith.muli %add3A_302, %mul3A_408 : i32
          %add3A_410 = vector.broadcast %mul3A_409 : i32 to vector<16xi32>
          %add3A_411 = arith.addi %add3A_76, %add3A_410 : vector<16xi32>
          tpu.vector_store_idx %arg7[%add3A_411], %get3A_407 : memref<22528xf32, #tpu.memory_space<vmem>>[vector<16xi32>], vector<16xf32>,
          %mul3A_412 = arith.constant 16 : i32
          %mul3A_413 = arith.muli %add3A_302, %mul3A_412 : i32
          %get3A_414 = arith.constant 11 : i32
          %get3A_415 = arith.index_cast %get3A_414 : i32 to index
          %get3A_416 = arith.index_cast %mul3A_413 : i32 to index
          %get3A_417 = tpu.vector_load %arg5[%get3A_415, %get3A_416] {strides = array<i32>} : memref<16x1408xf32, #tpu.memory_space<vmem>>, vector<16xf32>,
          %mul3A_418 = arith.constant 256 : i32
          %mul3A_419 = arith.muli %add3A_302, %mul3A_418 : i32
          %add3A_420 = vector.broadcast %mul3A_419 : i32 to vector<16xi32>
          %add3A_421 = arith.addi %add3A_83, %add3A_420 : vector<16xi32>
          tpu.vector_store_idx %arg7[%add3A_421], %get3A_417 : memref<22528xf32, #tpu.memory_space<vmem>>[vector<16xi32>], vector<16xf32>,
          %mul3A_422 = arith.constant 16 : i32
          %mul3A_423 = arith.muli %add3A_302, %mul3A_422 : i32
          %get3A_424 = arith.constant 12 : i32
          %get3A_425 = arith.index_cast %get3A_424 : i32 to index
          %get3A_426 = arith.index_cast %mul3A_423 : i32 to index
          %get3A_427 = tpu.vector_load %arg5[%get3A_425, %get3A_426] {strides = array<i32>} : memref<16x1408xf32, #tpu.memory_space<vmem>>, vector<16xf32>,
          %mul3A_428 = arith.constant 256 : i32
          %mul3A_429 = arith.muli %add3A_302, %mul3A_428 : i32
          %add3A_430 = vector.broadcast %mul3A_429 : i32 to vector<16xi32>
          %add3A_431 = arith.addi %add3A_90, %add3A_430 : vector<16xi32>
          tpu.vector_store_idx %arg7[%add3A_431], %get3A_427 : memref<22528xf32, #tpu.memory_space<vmem>>[vector<16xi32>], vector<16xf32>,
          %mul3A_432 = arith.constant 16 : i32
          %mul3A_433 = arith.muli %add3A_302, %mul3A_432 : i32
          %get3A_434 = arith.constant 13 : i32
          %get3A_435 = arith.index_cast %get3A_434 : i32 to index
          %get3A_436 = arith.index_cast %mul3A_433 : i32 to index
          %get3A_437 = tpu.vector_load %arg5[%get3A_435, %get3A_436] {strides = array<i32>} : memref<16x1408xf32, #tpu.memory_space<vmem>>, vector<16xf32>,
          %mul3A_438 = arith.constant 256 : i32
          %mul3A_439 = arith.muli %add3A_302, %mul3A_438 : i32
          %add3A_440 = vector.broadcast %mul3A_439 : i32 to vector<16xi32>
          %add3A_441 = arith.addi %add3A_97, %add3A_440 : vector<16xi32>
          tpu.vector_store_idx %arg7[%add3A_441], %get3A_437 : memref<22528xf32, #tpu.memory_space<vmem>>[vector<16xi32>], vector<16xf32>,
          %mul3A_442 = arith.constant 16 : i32
          %mul3A_443 = arith.muli %add3A_302, %mul3A_442 : i32
          %get3A_444 = arith.constant 14 : i32
          %get3A_445 = arith.index_cast %get3A_444 : i32 to index
          %get3A_446 = arith.index_cast %mul3A_443 : i32 to index
          %get3A_447 = tpu.vector_load %arg5[%get3A_445, %get3A_446] {strides = array<i32>} : memref<16x1408xf32, #tpu.memory_space<vmem>>, vector<16xf32>,
          %mul3A_448 = arith.constant 256 : i32
          %mul3A_449 = arith.muli %add3A_302, %mul3A_448 : i32
          %add3A_450 = vector.broadcast %mul3A_449 : i32 to vector<16xi32>
          %add3A_451 = arith.addi %add3A_104, %add3A_450 : vector<16xi32>
          tpu.vector_store_idx %arg7[%add3A_451], %get3A_447 : memref<22528xf32, #tpu.memory_space<vmem>>[vector<16xi32>], vector<16xf32>,
          %mul3A_452 = arith.constant 16 : i32
          %mul3A_453 = arith.muli %add3A_302, %mul3A_452 : i32
          %get3A_454 = arith.constant 15 : i32
          %get3A_455 = arith.index_cast %get3A_454 : i32 to index
          %get3A_456 = arith.index_cast %mul3A_453 : i32 to index
          %get3A_457 = tpu.vector_load %arg5[%get3A_455, %get3A_456] {strides = array<i32>} : memref<16x1408xf32, #tpu.memory_space<vmem>>, vector<16xf32>,
          %mul3A_458 = arith.constant 256 : i32
          %mul3A_459 = arith.muli %add3A_302, %mul3A_458 : i32
          %add3A_460 = vector.broadcast %mul3A_459 : i32 to vector<16xi32>
          %add3A_461 = arith.addi %add3A_111, %add3A_460 : vector<16xi32>
          tpu.vector_store_idx %arg7[%add3A_461], %get3A_457 : memref<22528xf32, #tpu.memory_space<vmem>>[vector<16xi32>], vector<16xf32>,
          %mul3A_462 = arith.constant 4 : i32
          %mul3A_463 = arith.muli %scan3A_298, %mul3A_462 : i32
          %add3A_464 = arith.constant 1 : i32
          %add3A_465 = arith.addi %mul3A_463, %add3A_464 : i32
          %mul3A_466 = arith.constant 16 : i32
          %mul3A_467 = arith.muli %add3A_465, %mul3A_466 : i32
          %get3A_468 = arith.constant 0 : i32
          %get3A_469 = arith.index_cast %get3A_468 : i32 to index
          %get3A_470 = arith.index_cast %mul3A_467 : i32 to index
          %get3A_471 = tpu.vector_load %arg5[%get3A_469, %get3A_470] {strides = array<i32>} : memref<16x1408xf32, #tpu.memory_space<vmem>>, vector<16xf32>,
          %mul3A_472 = arith.constant 256 : i32
          %mul3A_473 = arith.muli %add3A_465, %mul3A_472 : i32
          %add3A_474 = vector.broadcast %mul3A_473 : i32 to vector<16xi32>
          %add3A_475 = arith.addi %add3A_6, %add3A_474 : vector<16xi32>
          tpu.vector_store_idx %arg7[%add3A_475], %get3A_471 : memref<22528xf32, #tpu.memory_space<vmem>>[vector<16xi32>], vector<16xf32>,
          %mul3A_476 = arith.constant 16 : i32
          %mul3A_477 = arith.muli %add3A_465, %mul3A_476 : i32
          %get3A_478 = arith.constant 1 : i32
          %get3A_479 = arith.index_cast %get3A_478 : i32 to index
          %get3A_480 = arith.index_cast %mul3A_477 : i32 to index
          %get3A_481 = tpu.vector_load %arg5[%get3A_479, %get3A_480] {strides = array<i32>} : memref<16x1408xf32, #tpu.memory_space<vmem>>, vector<16xf32>,
          %mul3A_482 = arith.constant 256 : i32
          %mul3A_483 = arith.muli %add3A_465, %mul3A_482 : i32
          %add3A_484 = vector.broadcast %mul3A_483 : i32 to vector<16xi32>
          %add3A_485 = arith.addi %add3A_13, %add3A_484 : vector<16xi32>
          tpu.vector_store_idx %arg7[%add3A_485], %get3A_481 : memref<22528xf32, #tpu.memory_space<vmem>>[vector<16xi32>], vector<16xf32>,
          %mul3A_486 = arith.constant 16 : i32
          %mul3A_487 = arith.muli %add3A_465, %mul3A_486 : i32
          %get3A_488 = arith.constant 2 : i32
          %get3A_489 = arith.index_cast %get3A_488 : i32 to index
          %get3A_490 = arith.index_cast %mul3A_487 : i32 to index
          %get3A_491 = tpu.vector_load %arg5[%get3A_489, %get3A_490] {strides = array<i32>} : memref<16x1408xf32, #tpu.memory_space<vmem>>, vector<16xf32>,
          %mul3A_492 = arith.constant 256 : i32
          %mul3A_493 = arith.muli %add3A_465, %mul3A_492 : i32
          %add3A_494 = vector.broadcast %mul3A_493 : i32 to vector<16xi32>
          %add3A_495 = arith.addi %add3A_20, %add3A_494 : vector<16xi32>
          tpu.vector_store_idx %arg7[%add3A_495], %get3A_491 : memref<22528xf32, #tpu.memory_space<vmem>>[vector<16xi32>], vector<16xf32>,
          %mul3A_496 = arith.constant 16 : i32
          %mul3A_497 = arith.muli %add3A_465, %mul3A_496 : i32
          %get3A_498 = arith.constant 3 : i32
          %get3A_499 = arith.index_cast %get3A_498 : i32 to index
          %get3A_500 = arith.index_cast %mul3A_497 : i32 to index
          %get3A_501 = tpu.vector_load %arg5[%get3A_499, %get3A_500] {strides = array<i32>} : memref<16x1408xf32, #tpu.memory_space<vmem>>, vector<16xf32>,
          %mul3A_502 = arith.constant 256 : i32
          %mul3A_503 = arith.muli %add3A_465, %mul3A_502 : i32
          %add3A_504 = vector.broadcast %mul3A_503 : i32 to vector<16xi32>
          %add3A_505 = arith.addi %add3A_27, %add3A_504 : vector<16xi32>
          tpu.vector_store_idx %arg7[%add3A_505], %get3A_501 : memref<22528xf32, #tpu.memory_space<vmem>>[vector<16xi32>], vector<16xf32>,
          %mul3A_506 = arith.constant 16 : i32
          %mul3A_507 = arith.muli %add3A_465, %mul3A_506 : i32
          %get3A_508 = arith.constant 4 : i32
          %get3A_509 = arith.index_cast %get3A_508 : i32 to index
          %get3A_510 = arith.index_cast %mul3A_507 : i32 to index
          %get3A_511 = tpu.vector_load %arg5[%get3A_509, %get3A_510] {strides = array<i32>} : memref<16x1408xf32, #tpu.memory_space<vmem>>, vector<16xf32>,
          %mul3A_512 = arith.constant 256 : i32
          %mul3A_513 = arith.muli %add3A_465, %mul3A_512 : i32
          %add3A_514 = vector.broadcast %mul3A_513 : i32 to vector<16xi32>
          %add3A_515 = arith.addi %add3A_34, %add3A_514 : vector<16xi32>
          tpu.vector_store_idx %arg7[%add3A_515], %get3A_511 : memref<22528xf32, #tpu.memory_space<vmem>>[vector<16xi32>], vector<16xf32>,
          %mul3A_516 = arith.constant 16 : i32
          %mul3A_517 = arith.muli %add3A_465, %mul3A_516 : i32
          %get3A_518 = arith.constant 5 : i32
          %get3A_519 = arith.index_cast %get3A_518 : i32 to index
          %get3A_520 = arith.index_cast %mul3A_517 : i32 to index
          %get3A_521 = tpu.vector_load %arg5[%get3A_519, %get3A_520] {strides = array<i32>} : memref<16x1408xf32, #tpu.memory_space<vmem>>, vector<16xf32>,
          %mul3A_522 = arith.constant 256 : i32
          %mul3A_523 = arith.muli %add3A_465, %mul3A_522 : i32
          %add3A_524 = vector.broadcast %mul3A_523 : i32 to vector<16xi32>
          %add3A_525 = arith.addi %add3A_41, %add3A_524 : vector<16xi32>
          tpu.vector_store_idx %arg7[%add3A_525], %get3A_521 : memref<22528xf32, #tpu.memory_space<vmem>>[vector<16xi32>], vector<16xf32>,
          %mul3A_526 = arith.constant 16 : i32
          %mul3A_527 = arith.muli %add3A_465, %mul3A_526 : i32
          %get3A_528 = arith.constant 6 : i32
          %get3A_529 = arith.index_cast %get3A_528 : i32 to index
          %get3A_530 = arith.index_cast %mul3A_527 : i32 to index
          %get3A_531 = tpu.vector_load %arg5[%get3A_529, %get3A_530] {strides = array<i32>} : memref<16x1408xf32, #tpu.memory_space<vmem>>, vector<16xf32>,
          %mul3A_532 = arith.constant 256 : i32
          %mul3A_533 = arith.muli %add3A_465, %mul3A_532 : i32
          %add3A_534 = vector.broadcast %mul3A_533 : i32 to vector<16xi32>
          %add3A_535 = arith.addi %add3A_48, %add3A_534 : vector<16xi32>
          tpu.vector_store_idx %arg7[%add3A_535], %get3A_531 : memref<22528xf32, #tpu.memory_space<vmem>>[vector<16xi32>], vector<16xf32>,
          %mul3A_536 = arith.constant 16 : i32
          %mul3A_537 = arith.muli %add3A_465, %mul3A_536 : i32
          %get3A_538 = arith.constant 7 : i32
          %get3A_539 = arith.index_cast %get3A_538 : i32 to index
          %get3A_540 = arith.index_cast %mul3A_537 : i32 to index
          %get3A_541 = tpu.vector_load %arg5[%get3A_539, %get3A_540] {strides = array<i32>} : memref<16x1408xf32, #tpu.memory_space<vmem>>, vector<16xf32>,
          %mul3A_542 = arith.constant 256 : i32
          %mul3A_543 = arith.muli %add3A_465, %mul3A_542 : i32
          %add3A_544 = vector.broadcast %mul3A_543 : i32 to vector<16xi32>
          %add3A_545 = arith.addi %add3A_55, %add3A_544 : vector<16xi32>
          tpu.vector_store_idx %arg7[%add3A_545], %get3A_541 : memref<22528xf32, #tpu.memory_space<vmem>>[vector<16xi32>], vector<16xf32>,
          %mul3A_546 = arith.constant 16 : i32
          %mul3A_547 = arith.muli %add3A_465, %mul3A_546 : i32
          %get3A_548 = arith.constant 8 : i32
          %get3A_549 = arith.index_cast %get3A_548 : i32 to index
          %get3A_550 = arith.index_cast %mul3A_547 : i32 to index
          %get3A_551 = tpu.vector_load %arg5[%get3A_549, %get3A_550] {strides = array<i32>} : memref<16x1408xf32, #tpu.memory_space<vmem>>, vector<16xf32>,
          %mul3A_552 = arith.constant 256 : i32
          %mul3A_553 = arith.muli %add3A_465, %mul3A_552 : i32
          %add3A_554 = vector.broadcast %mul3A_553 : i32 to vector<16xi32>
          %add3A_555 = arith.addi %add3A_62, %add3A_554 : vector<16xi32>
          tpu.vector_store_idx %arg7[%add3A_555], %get3A_551 : memref<22528xf32, #tpu.memory_space<vmem>>[vector<16xi32>], vector<16xf32>,
          %mul3A_556 = arith.constant 16 : i32
          %mul3A_557 = arith.muli %add3A_465, %mul3A_556 : i32
          %get3A_558 = arith.constant 9 : i32
          %get3A_559 = arith.index_cast %get3A_558 : i32 to index
          %get3A_560 = arith.index_cast %mul3A_557 : i32 to index
          %get3A_561 = tpu.vector_load %arg5[%get3A_559, %get3A_560] {strides = array<i32>} : memref<16x1408xf32, #tpu.memory_space<vmem>>, vector<16xf32>,
          %mul3A_562 = arith.constant 256 : i32
          %mul3A_563 = arith.muli %add3A_465, %mul3A_562 : i32
          %add3A_564 = vector.broadcast %mul3A_563 : i32 to vector<16xi32>
          %add3A_565 = arith.addi %add3A_69, %add3A_564 : vector<16xi32>
          tpu.vector_store_idx %arg7[%add3A_565], %get3A_561 : memref<22528xf32, #tpu.memory_space<vmem>>[vector<16xi32>], vector<16xf32>,
          %mul3A_566 = arith.constant 16 : i32
          %mul3A_567 = arith.muli %add3A_465, %mul3A_566 : i32
          %get3A_568 = arith.constant 10 : i32
          %get3A_569 = arith.index_cast %get3A_568 : i32 to index
          %get3A_570 = arith.index_cast %mul3A_567 : i32 to index
          %get3A_571 = tpu.vector_load %arg5[%get3A_569, %get3A_570] {strides = array<i32>} : memref<16x1408xf32, #tpu.memory_space<vmem>>, vector<16xf32>,
          %mul3A_572 = arith.constant 256 : i32
          %mul3A_573 = arith.muli %add3A_465, %mul3A_572 : i32
          %add3A_574 = vector.broadcast %mul3A_573 : i32 to vector<16xi32>
          %add3A_575 = arith.addi %add3A_76, %add3A_574 : vector<16xi32>
          tpu.vector_store_idx %arg7[%add3A_575], %get3A_571 : memref<22528xf32, #tpu.memory_space<vmem>>[vector<16xi32>], vector<16xf32>,
          %mul3A_576 = arith.constant 16 : i32
          %mul3A_577 = arith.muli %add3A_465, %mul3A_576 : i32
          %get3A_578 = arith.constant 11 : i32
          %get3A_579 = arith.index_cast %get3A_578 : i32 to index
          %get3A_580 = arith.index_cast %mul3A_577 : i32 to index
          %get3A_581 = tpu.vector_load %arg5[%get3A_579, %get3A_580] {strides = array<i32>} : memref<16x1408xf32, #tpu.memory_space<vmem>>, vector<16xf32>,
          %mul3A_582 = arith.constant 256 : i32
          %mul3A_583 = arith.muli %add3A_465, %mul3A_582 : i32
          %add3A_584 = vector.broadcast %mul3A_583 : i32 to vector<16xi32>
          %add3A_585 = arith.addi %add3A_83, %add3A_584 : vector<16xi32>
          tpu.vector_store_idx %arg7[%add3A_585], %get3A_581 : memref<22528xf32, #tpu.memory_space<vmem>>[vector<16xi32>], vector<16xf32>,
          %mul3A_586 = arith.constant 16 : i32
          %mul3A_587 = arith.muli %add3A_465, %mul3A_586 : i32
          %get3A_588 = arith.constant 12 : i32
          %get3A_589 = arith.index_cast %get3A_588 : i32 to index
          %get3A_590 = arith.index_cast %mul3A_587 : i32 to index
          %get3A_591 = tpu.vector_load %arg5[%get3A_589, %get3A_590] {strides = array<i32>} : memref<16x1408xf32, #tpu.memory_space<vmem>>, vector<16xf32>,
          %mul3A_592 = arith.constant 256 : i32
          %mul3A_593 = arith.muli %add3A_465, %mul3A_592 : i32
          %add3A_594 = vector.broadcast %mul3A_593 : i32 to vector<16xi32>
          %add3A_595 = arith.addi %add3A_90, %add3A_594 : vector<16xi32>
          tpu.vector_store_idx %arg7[%add3A_595], %get3A_591 : memref<22528xf32, #tpu.memory_space<vmem>>[vector<16xi32>], vector<16xf32>,
          %mul3A_596 = arith.constant 16 : i32
          %mul3A_597 = arith.muli %add3A_465, %mul3A_596 : i32
          %get3A_598 = arith.constant 13 : i32
          %get3A_599 = arith.index_cast %get3A_598 : i32 to index
          %get3A_600 = arith.index_cast %mul3A_597 : i32 to index
          %get3A_601 = tpu.vector_load %arg5[%get3A_599, %get3A_600] {strides = array<i32>} : memref<16x1408xf32, #tpu.memory_space<vmem>>, vector<16xf32>,
          %mul3A_602 = arith.constant 256 : i32
          %mul3A_603 = arith.muli %add3A_465, %mul3A_602 : i32
          %add3A_604 = vector.broadcast %mul3A_603 : i32 to vector<16xi32>
          %add3A_605 = arith.addi %add3A_97, %add3A_604 : vector<16xi32>
          tpu.vector_store_idx %arg7[%add3A_605], %get3A_601 : memref<22528xf32, #tpu.memory_space<vmem>>[vector<16xi32>], vector<16xf32>,
          %mul3A_606 = arith.constant 16 : i32
          %mul3A_607 = arith.muli %add3A_465, %mul3A_606 : i32
          %get3A_608 = arith.constant 14 : i32
          %get3A_609 = arith.index_cast %get3A_608 : i32 to index
          %get3A_610 = arith.index_cast %mul3A_607 : i32 to index
          %get3A_611 = tpu.vector_load %arg5[%get3A_609, %get3A_610] {strides = array<i32>} : memref<16x1408xf32, #tpu.memory_space<vmem>>, vector<16xf32>,
          %mul3A_612 = arith.constant 256 : i32
          %mul3A_613 = arith.muli %add3A_465, %mul3A_612 : i32
          %add3A_614 = vector.broadcast %mul3A_613 : i32 to vector<16xi32>
          %add3A_615 = arith.addi %add3A_104, %add3A_614 : vector<16xi32>
          tpu.vector_store_idx %arg7[%add3A_615], %get3A_611 : memref<22528xf32, #tpu.memory_space<vmem>>[vector<16xi32>], vector<16xf32>,
          %mul3A_616 = arith.constant 16 : i32
          %mul3A_617 = arith.muli %add3A_465, %mul3A_616 : i32
          %get3A_618 = arith.constant 15 : i32
          %get3A_619 = arith.index_cast %get3A_618 : i32 to index
          %get3A_620 = arith.index_cast %mul3A_617 : i32 to index
          %get3A_621 = tpu.vector_load %arg5[%get3A_619, %get3A_620] {strides = array<i32>} : memref<16x1408xf32, #tpu.memory_space<vmem>>, vector<16xf32>,
          %mul3A_622 = arith.constant 256 : i32
          %mul3A_623 = arith.muli %add3A_465, %mul3A_622 : i32
          %add3A_624 = vector.broadcast %mul3A_623 : i32 to vector<16xi32>
          %add3A_625 = arith.addi %add3A_111, %add3A_624 : vector<16xi32>
          tpu.vector_store_idx %arg7[%add3A_625], %get3A_621 : memref<22528xf32, #tpu.memory_space<vmem>>[vector<16xi32>], vector<16xf32>,
          %mul3A_626 = arith.constant 4 : i32
          %mul3A_627 = arith.muli %scan3A_298, %mul3A_626 : i32
          %add3A_628 = arith.constant 2 : i32
          %add3A_629 = arith.addi %mul3A_627, %add3A_628 : i32
          %mul3A_630 = arith.constant 16 : i32
          %mul3A_631 = arith.muli %add3A_629, %mul3A_630 : i32
          %get3A_632 = arith.constant 0 : i32
          %get3A_633 = arith.index_cast %get3A_632 : i32 to index
          %get3A_634 = arith.index_cast %mul3A_631 : i32 to index
          %get3A_635 = tpu.vector_load %arg5[%get3A_633, %get3A_634] {strides = array<i32>} : memref<16x1408xf32, #tpu.memory_space<vmem>>, vector<16xf32>,
          %mul3A_636 = arith.constant 256 : i32
          %mul3A_637 = arith.muli %add3A_629, %mul3A_636 : i32
          %add3A_638 = vector.broadcast %mul3A_637 : i32 to vector<16xi32>
          %add3A_639 = arith.addi %add3A_6, %add3A_638 : vector<16xi32>
          tpu.vector_store_idx %arg7[%add3A_639], %get3A_635 : memref<22528xf32, #tpu.memory_space<vmem>>[vector<16xi32>], vector<16xf32>,
          %mul3A_640 = arith.constant 16 : i32
          %mul3A_641 = arith.muli %add3A_629, %mul3A_640 : i32
          %get3A_642 = arith.constant 1 : i32
          %get3A_643 = arith.index_cast %get3A_642 : i32 to index
          %get3A_644 = arith.index_cast %mul3A_641 : i32 to index
          %get3A_645 = tpu.vector_load %arg5[%get3A_643, %get3A_644] {strides = array<i32>} : memref<16x1408xf32, #tpu.memory_space<vmem>>, vector<16xf32>,
          %mul3A_646 = arith.constant 256 : i32
          %mul3A_647 = arith.muli %add3A_629, %mul3A_646 : i32
          %add3A_648 = vector.broadcast %mul3A_647 : i32 to vector<16xi32>
          %add3A_649 = arith.addi %add3A_13, %add3A_648 : vector<16xi32>
          tpu.vector_store_idx %arg7[%add3A_649], %get3A_645 : memref<22528xf32, #tpu.memory_space<vmem>>[vector<16xi32>], vector<16xf32>,
          %mul3A_650 = arith.constant 16 : i32
          %mul3A_651 = arith.muli %add3A_629, %mul3A_650 : i32
          %get3A_652 = arith.constant 2 : i32
          %get3A_653 = arith.index_cast %get3A_652 : i32 to index
          %get3A_654 = arith.index_cast %mul3A_651 : i32 to index
          %get3A_655 = tpu.vector_load %arg5[%get3A_653, %get3A_654] {strides = array<i32>} : memref<16x1408xf32, #tpu.memory_space<vmem>>, vector<16xf32>,
          %mul3A_656 = arith.constant 256 : i32
          %mul3A_657 = arith.muli %add3A_629, %mul3A_656 : i32
          %add3A_658 = vector.broadcast %mul3A_657 : i32 to vector<16xi32>
          %add3A_659 = arith.addi %add3A_20, %add3A_658 : vector<16xi32>
          tpu.vector_store_idx %arg7[%add3A_659], %get3A_655 : memref<22528xf32, #tpu.memory_space<vmem>>[vector<16xi32>], vector<16xf32>,
          %mul3A_660 = arith.constant 16 : i32
          %mul3A_661 = arith.muli %add3A_629, %mul3A_660 : i32
          %get3A_662 = arith.constant 3 : i32
          %get3A_663 = arith.index_cast %get3A_662 : i32 to index
          %get3A_664 = arith.index_cast %mul3A_661 : i32 to index
          %get3A_665 = tpu.vector_load %arg5[%get3A_663, %get3A_664] {strides = array<i32>} : memref<16x1408xf32, #tpu.memory_space<vmem>>, vector<16xf32>,
          %mul3A_666 = arith.constant 256 : i32
          %mul3A_667 = arith.muli %add3A_629, %mul3A_666 : i32
          %add3A_668 = vector.broadcast %mul3A_667 : i32 to vector<16xi32>
          %add3A_669 = arith.addi %add3A_27, %add3A_668 : vector<16xi32>
          tpu.vector_store_idx %arg7[%add3A_669], %get3A_665 : memref<22528xf32, #tpu.memory_space<vmem>>[vector<16xi32>], vector<16xf32>,
          %mul3A_670 = arith.constant 16 : i32
          %mul3A_671 = arith.muli %add3A_629, %mul3A_670 : i32
          %get3A_672 = arith.constant 4 : i32
          %get3A_673 = arith.index_cast %get3A_672 : i32 to index
          %get3A_674 = arith.index_cast %mul3A_671 : i32 to index
          %get3A_675 = tpu.vector_load %arg5[%get3A_673, %get3A_674] {strides = array<i32>} : memref<16x1408xf32, #tpu.memory_space<vmem>>, vector<16xf32>,
          %mul3A_676 = arith.constant 256 : i32
          %mul3A_677 = arith.muli %add3A_629, %mul3A_676 : i32
          %add3A_678 = vector.broadcast %mul3A_677 : i32 to vector<16xi32>
          %add3A_679 = arith.addi %add3A_34, %add3A_678 : vector<16xi32>
          tpu.vector_store_idx %arg7[%add3A_679], %get3A_675 : memref<22528xf32, #tpu.memory_space<vmem>>[vector<16xi32>], vector<16xf32>,
          %mul3A_680 = arith.constant 16 : i32
          %mul3A_681 = arith.muli %add3A_629, %mul3A_680 : i32
          %get3A_682 = arith.constant 5 : i32
          %get3A_683 = arith.index_cast %get3A_682 : i32 to index
          %get3A_684 = arith.index_cast %mul3A_681 : i32 to index
          %get3A_685 = tpu.vector_load %arg5[%get3A_683, %get3A_684] {strides = array<i32>} : memref<16x1408xf32, #tpu.memory_space<vmem>>, vector<16xf32>,
          %mul3A_686 = arith.constant 256 : i32
          %mul3A_687 = arith.muli %add3A_629, %mul3A_686 : i32
          %add3A_688 = vector.broadcast %mul3A_687 : i32 to vector<16xi32>
          %add3A_689 = arith.addi %add3A_41, %add3A_688 : vector<16xi32>
          tpu.vector_store_idx %arg7[%add3A_689], %get3A_685 : memref<22528xf32, #tpu.memory_space<vmem>>[vector<16xi32>], vector<16xf32>,
          %mul3A_690 = arith.constant 16 : i32
          %mul3A_691 = arith.muli %add3A_629, %mul3A_690 : i32
          %get3A_692 = arith.constant 6 : i32
          %get3A_693 = arith.index_cast %get3A_692 : i32 to index
          %get3A_694 = arith.index_cast %mul3A_691 : i32 to index
          %get3A_695 = tpu.vector_load %arg5[%get3A_693, %get3A_694] {strides = array<i32>} : memref<16x1408xf32, #tpu.memory_space<vmem>>, vector<16xf32>,
          %mul3A_696 = arith.constant 256 : i32
          %mul3A_697 = arith.muli %add3A_629, %mul3A_696 : i32
          %add3A_698 = vector.broadcast %mul3A_697 : i32 to vector<16xi32>
          %add3A_699 = arith.addi %add3A_48, %add3A_698 : vector<16xi32>
          tpu.vector_store_idx %arg7[%add3A_699], %get3A_695 : memref<22528xf32, #tpu.memory_space<vmem>>[vector<16xi32>], vector<16xf32>,
          %mul3A_700 = arith.constant 16 : i32
          %mul3A_701 = arith.muli %add3A_629, %mul3A_700 : i32
          %get3A_702 = arith.constant 7 : i32
          %get3A_703 = arith.index_cast %get3A_702 : i32 to index
          %get3A_704 = arith.index_cast %mul3A_701 : i32 to index
          %get3A_705 = tpu.vector_load %arg5[%get3A_703, %get3A_704] {strides = array<i32>} : memref<16x1408xf32, #tpu.memory_space<vmem>>, vector<16xf32>,
          %mul3A_706 = arith.constant 256 : i32
          %mul3A_707 = arith.muli %add3A_629, %mul3A_706 : i32
          %add3A_708 = vector.broadcast %mul3A_707 : i32 to vector<16xi32>
          %add3A_709 = arith.addi %add3A_55, %add3A_708 : vector<16xi32>
          tpu.vector_store_idx %arg7[%add3A_709], %get3A_705 : memref<22528xf32, #tpu.memory_space<vmem>>[vector<16xi32>], vector<16xf32>,
          %mul3A_710 = arith.constant 16 : i32
          %mul3A_711 = arith.muli %add3A_629, %mul3A_710 : i32
          %get3A_712 = arith.constant 8 : i32
          %get3A_713 = arith.index_cast %get3A_712 : i32 to index
          %get3A_714 = arith.index_cast %mul3A_711 : i32 to index
          %get3A_715 = tpu.vector_load %arg5[%get3A_713, %get3A_714] {strides = array<i32>} : memref<16x1408xf32, #tpu.memory_space<vmem>>, vector<16xf32>,
          %mul3A_716 = arith.constant 256 : i32
          %mul3A_717 = arith.muli %add3A_629, %mul3A_716 : i32
          %add3A_718 = vector.broadcast %mul3A_717 : i32 to vector<16xi32>
          %add3A_719 = arith.addi %add3A_62, %add3A_718 : vector<16xi32>
          tpu.vector_store_idx %arg7[%add3A_719], %get3A_715 : memref<22528xf32, #tpu.memory_space<vmem>>[vector<16xi32>], vector<16xf32>,
          %mul3A_720 = arith.constant 16 : i32
          %mul3A_721 = arith.muli %add3A_629, %mul3A_720 : i32
          %get3A_722 = arith.constant 9 : i32
          %get3A_723 = arith.index_cast %get3A_722 : i32 to index
          %get3A_724 = arith.index_cast %mul3A_721 : i32 to index
          %get3A_725 = tpu.vector_load %arg5[%get3A_723, %get3A_724] {strides = array<i32>} : memref<16x1408xf32, #tpu.memory_space<vmem>>, vector<16xf32>,
          %mul3A_726 = arith.constant 256 : i32
          %mul3A_727 = arith.muli %add3A_629, %mul3A_726 : i32
          %add3A_728 = vector.broadcast %mul3A_727 : i32 to vector<16xi32>
          %add3A_729 = arith.addi %add3A_69, %add3A_728 : vector<16xi32>
          tpu.vector_store_idx %arg7[%add3A_729], %get3A_725 : memref<22528xf32, #tpu.memory_space<vmem>>[vector<16xi32>], vector<16xf32>,
          %mul3A_730 = arith.constant 16 : i32
          %mul3A_731 = arith.muli %add3A_629, %mul3A_730 : i32
          %get3A_732 = arith.constant 10 : i32
          %get3A_733 = arith.index_cast %get3A_732 : i32 to index
          %get3A_734 = arith.index_cast %mul3A_731 : i32 to index
          %get3A_735 = tpu.vector_load %arg5[%get3A_733, %get3A_734] {strides = array<i32>} : memref<16x1408xf32, #tpu.memory_space<vmem>>, vector<16xf32>,
          %mul3A_736 = arith.constant 256 : i32
          %mul3A_737 = arith.muli %add3A_629, %mul3A_736 : i32
          %add3A_738 = vector.broadcast %mul3A_737 : i32 to vector<16xi32>
          %add3A_739 = arith.addi %add3A_76, %add3A_738 : vector<16xi32>
          tpu.vector_store_idx %arg7[%add3A_739], %get3A_735 : memref<22528xf32, #tpu.memory_space<vmem>>[vector<16xi32>], vector<16xf32>,
          %mul3A_740 = arith.constant 16 : i32
          %mul3A_741 = arith.muli %add3A_629, %mul3A_740 : i32
          %get3A_742 = arith.constant 11 : i32
          %get3A_743 = arith.index_cast %get3A_742 : i32 to index
          %get3A_744 = arith.index_cast %mul3A_741 : i32 to index
          %get3A_745 = tpu.vector_load %arg5[%get3A_743, %get3A_744] {strides = array<i32>} : memref<16x1408xf32, #tpu.memory_space<vmem>>, vector<16xf32>,
          %mul3A_746 = arith.constant 256 : i32
          %mul3A_747 = arith.muli %add3A_629, %mul3A_746 : i32
          %add3A_748 = vector.broadcast %mul3A_747 : i32 to vector<16xi32>
          %add3A_749 = arith.addi %add3A_83, %add3A_748 : vector<16xi32>
          tpu.vector_store_idx %arg7[%add3A_749], %get3A_745 : memref<22528xf32, #tpu.memory_space<vmem>>[vector<16xi32>], vector<16xf32>,
          %mul3A_750 = arith.constant 16 : i32
          %mul3A_751 = arith.muli %add3A_629, %mul3A_750 : i32
          %get3A_752 = arith.constant 12 : i32
          %get3A_753 = arith.index_cast %get3A_752 : i32 to index
          %get3A_754 = arith.index_cast %mul3A_751 : i32 to index
          %get3A_755 = tpu.vector_load %arg5[%get3A_753, %get3A_754] {strides = array<i32>} : memref<16x1408xf32, #tpu.memory_space<vmem>>, vector<16xf32>,
          %mul3A_756 = arith.constant 256 : i32
          %mul3A_757 = arith.muli %add3A_629, %mul3A_756 : i32
          %add3A_758 = vector.broadcast %mul3A_757 : i32 to vector<16xi32>
          %add3A_759 = arith.addi %add3A_90, %add3A_758 : vector<16xi32>
          tpu.vector_store_idx %arg7[%add3A_759], %get3A_755 : memref<22528xf32, #tpu.memory_space<vmem>>[vector<16xi32>], vector<16xf32>,
          %mul3A_760 = arith.constant 16 : i32
          %mul3A_761 = arith.muli %add3A_629, %mul3A_760 : i32
          %get3A_762 = arith.constant 13 : i32
          %get3A_763 = arith.index_cast %get3A_762 : i32 to index
          %get3A_764 = arith.index_cast %mul3A_761 : i32 to index
          %get3A_765 = tpu.vector_load %arg5[%get3A_763, %get3A_764] {strides = array<i32>} : memref<16x1408xf32, #tpu.memory_space<vmem>>, vector<16xf32>,
          %mul3A_766 = arith.constant 256 : i32
          %mul3A_767 = arith.muli %add3A_629, %mul3A_766 : i32
          %add3A_768 = vector.broadcast %mul3A_767 : i32 to vector<16xi32>
          %add3A_769 = arith.addi %add3A_97, %add3A_768 : vector<16xi32>
          tpu.vector_store_idx %arg7[%add3A_769], %get3A_765 : memref<22528xf32, #tpu.memory_space<vmem>>[vector<16xi32>], vector<16xf32>,
          %mul3A_770 = arith.constant 16 : i32
          %mul3A_771 = arith.muli %add3A_629, %mul3A_770 : i32
          %get3A_772 = arith.constant 14 : i32
          %get3A_773 = arith.index_cast %get3A_772 : i32 to index
          %get3A_774 = arith.index_cast %mul3A_771 : i32 to index
          %get3A_775 = tpu.vector_load %arg5[%get3A_773, %get3A_774] {strides = array<i32>} : memref<16x1408xf32, #tpu.memory_space<vmem>>, vector<16xf32>,
          %mul3A_776 = arith.constant 256 : i32
          %mul3A_777 = arith.muli %add3A_629, %mul3A_776 : i32
          %add3A_778 = vector.broadcast %mul3A_777 : i32 to vector<16xi32>
          %add3A_779 = arith.addi %add3A_104, %add3A_778 : vector<16xi32>
          tpu.vector_store_idx %arg7[%add3A_779], %get3A_775 : memref<22528xf32, #tpu.memory_space<vmem>>[vector<16xi32>], vector<16xf32>,
          %mul3A_780 = arith.constant 16 : i32
          %mul3A_781 = arith.muli %add3A_629, %mul3A_780 : i32
          %get3A_782 = arith.constant 15 : i32
          %get3A_783 = arith.index_cast %get3A_782 : i32 to index
          %get3A_784 = arith.index_cast %mul3A_781 : i32 to index
          %get3A_785 = tpu.vector_load %arg5[%get3A_783, %get3A_784] {strides = array<i32>} : memref<16x1408xf32, #tpu.memory_space<vmem>>, vector<16xf32>,
          %mul3A_786 = arith.constant 256 : i32
          %mul3A_787 = arith.muli %add3A_629, %mul3A_786 : i32
          %add3A_788 = vector.broadcast %mul3A_787 : i32 to vector<16xi32>
          %add3A_789 = arith.addi %add3A_111, %add3A_788 : vector<16xi32>
          tpu.vector_store_idx %arg7[%add3A_789], %get3A_785 : memref<22528xf32, #tpu.memory_space<vmem>>[vector<16xi32>], vector<16xf32>,
          %mul3A_790 = arith.constant 4 : i32
          %mul3A_791 = arith.muli %scan3A_298, %mul3A_790 : i32
          %add3A_792 = arith.constant 3 : i32
          %add3A_793 = arith.addi %mul3A_791, %add3A_792 : i32
          %mul3A_794 = arith.constant 16 : i32
          %mul3A_795 = arith.muli %add3A_793, %mul3A_794 : i32
          %get3A_796 = arith.constant 0 : i32
          %get3A_797 = arith.index_cast %get3A_796 : i32 to index
          %get3A_798 = arith.index_cast %mul3A_795 : i32 to index
          %get3A_799 = tpu.vector_load %arg5[%get3A_797, %get3A_798] {strides = array<i32>} : memref<16x1408xf32, #tpu.memory_space<vmem>>, vector<16xf32>,
          %mul3A_800 = arith.constant 256 : i32
          %mul3A_801 = arith.muli %add3A_793, %mul3A_800 : i32
          %add3A_802 = vector.broadcast %mul3A_801 : i32 to vector<16xi32>
          %add3A_803 = arith.addi %add3A_6, %add3A_802 : vector<16xi32>
          tpu.vector_store_idx %arg7[%add3A_803], %get3A_799 : memref<22528xf32, #tpu.memory_space<vmem>>[vector<16xi32>], vector<16xf32>,
          %mul3A_804 = arith.constant 16 : i32
          %mul3A_805 = arith.muli %add3A_793, %mul3A_804 : i32
          %get3A_806 = arith.constant 1 : i32
          %get3A_807 = arith.index_cast %get3A_806 : i32 to index
          %get3A_808 = arith.index_cast %mul3A_805 : i32 to index
          %get3A_809 = tpu.vector_load %arg5[%get3A_807, %get3A_808] {strides = array<i32>} : memref<16x1408xf32, #tpu.memory_space<vmem>>, vector<16xf32>,
          %mul3A_810 = arith.constant 256 : i32
          %mul3A_811 = arith.muli %add3A_793, %mul3A_810 : i32
          %add3A_812 = vector.broadcast %mul3A_811 : i32 to vector<16xi32>
          %add3A_813 = arith.addi %add3A_13, %add3A_812 : vector<16xi32>
          tpu.vector_store_idx %arg7[%add3A_813], %get3A_809 : memref<22528xf32, #tpu.memory_space<vmem>>[vector<16xi32>], vector<16xf32>,
          %mul3A_814 = arith.constant 16 : i32
          %mul3A_815 = arith.muli %add3A_793, %mul3A_814 : i32
          %get3A_816 = arith.constant 2 : i32
          %get3A_817 = arith.index_cast %get3A_816 : i32 to index
          %get3A_818 = arith.index_cast %mul3A_815 : i32 to index
          %get3A_819 = tpu.vector_load %arg5[%get3A_817, %get3A_818] {strides = array<i32>} : memref<16x1408xf32, #tpu.memory_space<vmem>>, vector<16xf32>,
          %mul3A_820 = arith.constant 256 : i32
          %mul3A_821 = arith.muli %add3A_793, %mul3A_820 : i32
          %add3A_822 = vector.broadcast %mul3A_821 : i32 to vector<16xi32>
          %add3A_823 = arith.addi %add3A_20, %add3A_822 : vector<16xi32>
          tpu.vector_store_idx %arg7[%add3A_823], %get3A_819 : memref<22528xf32, #tpu.memory_space<vmem>>[vector<16xi32>], vector<16xf32>,
          %mul3A_824 = arith.constant 16 : i32
          %mul3A_825 = arith.muli %add3A_793, %mul3A_824 : i32
          %get3A_826 = arith.constant 3 : i32
          %get3A_827 = arith.index_cast %get3A_826 : i32 to index
          %get3A_828 = arith.index_cast %mul3A_825 : i32 to index
          %get3A_829 = tpu.vector_load %arg5[%get3A_827, %get3A_828] {strides = array<i32>} : memref<16x1408xf32, #tpu.memory_space<vmem>>, vector<16xf32>,
          %mul3A_830 = arith.constant 256 : i32
          %mul3A_831 = arith.muli %add3A_793, %mul3A_830 : i32
          %add3A_832 = vector.broadcast %mul3A_831 : i32 to vector<16xi32>
          %add3A_833 = arith.addi %add3A_27, %add3A_832 : vector<16xi32>
          tpu.vector_store_idx %arg7[%add3A_833], %get3A_829 : memref<22528xf32, #tpu.memory_space<vmem>>[vector<16xi32>], vector<16xf32>,
          %mul3A_834 = arith.constant 16 : i32
          %mul3A_835 = arith.muli %add3A_793, %mul3A_834 : i32
          %get3A_836 = arith.constant 4 : i32
          %get3A_837 = arith.index_cast %get3A_836 : i32 to index
          %get3A_838 = arith.index_cast %mul3A_835 : i32 to index
          %get3A_839 = tpu.vector_load %arg5[%get3A_837, %get3A_838] {strides = array<i32>} : memref<16x1408xf32, #tpu.memory_space<vmem>>, vector<16xf32>,
          %mul3A_840 = arith.constant 256 : i32
          %mul3A_841 = arith.muli %add3A_793, %mul3A_840 : i32
          %add3A_842 = vector.broadcast %mul3A_841 : i32 to vector<16xi32>
          %add3A_843 = arith.addi %add3A_34, %add3A_842 : vector<16xi32>
          tpu.vector_store_idx %arg7[%add3A_843], %get3A_839 : memref<22528xf32, #tpu.memory_space<vmem>>[vector<16xi32>], vector<16xf32>,
          %mul3A_844 = arith.constant 16 : i32
          %mul3A_845 = arith.muli %add3A_793, %mul3A_844 : i32
          %get3A_846 = arith.constant 5 : i32
          %get3A_847 = arith.index_cast %get3A_846 : i32 to index
          %get3A_848 = arith.index_cast %mul3A_845 : i32 to index
          %get3A_849 = tpu.vector_load %arg5[%get3A_847, %get3A_848] {strides = array<i32>} : memref<16x1408xf32, #tpu.memory_space<vmem>>, vector<16xf32>,
          %mul3A_850 = arith.constant 256 : i32
          %mul3A_851 = arith.muli %add3A_793, %mul3A_850 : i32
          %add3A_852 = vector.broadcast %mul3A_851 : i32 to vector<16xi32>
          %add3A_853 = arith.addi %add3A_41, %add3A_852 : vector<16xi32>
          tpu.vector_store_idx %arg7[%add3A_853], %get3A_849 : memref<22528xf32, #tpu.memory_space<vmem>>[vector<16xi32>], vector<16xf32>,
          %mul3A_854 = arith.constant 16 : i32
          %mul3A_855 = arith.muli %add3A_793, %mul3A_854 : i32
          %get3A_856 = arith.constant 6 : i32
          %get3A_857 = arith.index_cast %get3A_856 : i32 to index
          %get3A_858 = arith.index_cast %mul3A_855 : i32 to index
          %get3A_859 = tpu.vector_load %arg5[%get3A_857, %get3A_858] {strides = array<i32>} : memref<16x1408xf32, #tpu.memory_space<vmem>>, vector<16xf32>,
          %mul3A_860 = arith.constant 256 : i32
          %mul3A_861 = arith.muli %add3A_793, %mul3A_860 : i32
          %add3A_862 = vector.broadcast %mul3A_861 : i32 to vector<16xi32>
          %add3A_863 = arith.addi %add3A_48, %add3A_862 : vector<16xi32>
          tpu.vector_store_idx %arg7[%add3A_863], %get3A_859 : memref<22528xf32, #tpu.memory_space<vmem>>[vector<16xi32>], vector<16xf32>,
          %mul3A_864 = arith.constant 16 : i32
          %mul3A_865 = arith.muli %add3A_793, %mul3A_864 : i32
          %get3A_866 = arith.constant 7 : i32
          %get3A_867 = arith.index_cast %get3A_866 : i32 to index
          %get3A_868 = arith.index_cast %mul3A_865 : i32 to index
          %get3A_869 = tpu.vector_load %arg5[%get3A_867, %get3A_868] {strides = array<i32>} : memref<16x1408xf32, #tpu.memory_space<vmem>>, vector<16xf32>,
          %mul3A_870 = arith.constant 256 : i32
          %mul3A_871 = arith.muli %add3A_793, %mul3A_870 : i32
          %add3A_872 = vector.broadcast %mul3A_871 : i32 to vector<16xi32>
          %add3A_873 = arith.addi %add3A_55, %add3A_872 : vector<16xi32>
          tpu.vector_store_idx %arg7[%add3A_873], %get3A_869 : memref<22528xf32, #tpu.memory_space<vmem>>[vector<16xi32>], vector<16xf32>,
          %mul3A_874 = arith.constant 16 : i32
          %mul3A_875 = arith.muli %add3A_793, %mul3A_874 : i32
          %get3A_876 = arith.constant 8 : i32
          %get3A_877 = arith.index_cast %get3A_876 : i32 to index
          %get3A_878 = arith.index_cast %mul3A_875 : i32 to index
          %get3A_879 = tpu.vector_load %arg5[%get3A_877, %get3A_878] {strides = array<i32>} : memref<16x1408xf32, #tpu.memory_space<vmem>>, vector<16xf32>,
          %mul3A_880 = arith.constant 256 : i32
          %mul3A_881 = arith.muli %add3A_793, %mul3A_880 : i32
          %add3A_882 = vector.broadcast %mul3A_881 : i32 to vector<16xi32>
          %add3A_883 = arith.addi %add3A_62, %add3A_882 : vector<16xi32>
          tpu.vector_store_idx %arg7[%add3A_883], %get3A_879 : memref<22528xf32, #tpu.memory_space<vmem>>[vector<16xi32>], vector<16xf32>,
          %mul3A_884 = arith.constant 16 : i32
          %mul3A_885 = arith.muli %add3A_793, %mul3A_884 : i32
          %get3A_886 = arith.constant 9 : i32
          %get3A_887 = arith.index_cast %get3A_886 : i32 to index
          %get3A_888 = arith.index_cast %mul3A_885 : i32 to index
          %get3A_889 = tpu.vector_load %arg5[%get3A_887, %get3A_888] {strides = array<i32>} : memref<16x1408xf32, #tpu.memory_space<vmem>>, vector<16xf32>,
          %mul3A_890 = arith.constant 256 : i32
          %mul3A_891 = arith.muli %add3A_793, %mul3A_890 : i32
          %add3A_892 = vector.broadcast %mul3A_891 : i32 to vector<16xi32>
          %add3A_893 = arith.addi %add3A_69, %add3A_892 : vector<16xi32>
          tpu.vector_store_idx %arg7[%add3A_893], %get3A_889 : memref<22528xf32, #tpu.memory_space<vmem>>[vector<16xi32>], vector<16xf32>,
          %mul3A_894 = arith.constant 16 : i32
          %mul3A_895 = arith.muli %add3A_793, %mul3A_894 : i32
          %get3A_896 = arith.constant 10 : i32
          %get3A_897 = arith.index_cast %get3A_896 : i32 to index
          %get3A_898 = arith.index_cast %mul3A_895 : i32 to index
          %get3A_899 = tpu.vector_load %arg5[%get3A_897, %get3A_898] {strides = array<i32>} : memref<16x1408xf32, #tpu.memory_space<vmem>>, vector<16xf32>,
          %mul3A_900 = arith.constant 256 : i32
          %mul3A_901 = arith.muli %add3A_793, %mul3A_900 : i32
          %add3A_902 = vector.broadcast %mul3A_901 : i32 to vector<16xi32>
          %add3A_903 = arith.addi %add3A_76, %add3A_902 : vector<16xi32>
          tpu.vector_store_idx %arg7[%add3A_903], %get3A_899 : memref<22528xf32, #tpu.memory_space<vmem>>[vector<16xi32>], vector<16xf32>,
          %mul3A_904 = arith.constant 16 : i32
          %mul3A_905 = arith.muli %add3A_793, %mul3A_904 : i32
          %get3A_906 = arith.constant 11 : i32
          %get3A_907 = arith.index_cast %get3A_906 : i32 to index
          %get3A_908 = arith.index_cast %mul3A_905 : i32 to index
          %get3A_909 = tpu.vector_load %arg5[%get3A_907, %get3A_908] {strides = array<i32>} : memref<16x1408xf32, #tpu.memory_space<vmem>>, vector<16xf32>,
          %mul3A_910 = arith.constant 256 : i32
          %mul3A_911 = arith.muli %add3A_793, %mul3A_910 : i32
          %add3A_912 = vector.broadcast %mul3A_911 : i32 to vector<16xi32>
          %add3A_913 = arith.addi %add3A_83, %add3A_912 : vector<16xi32>
          tpu.vector_store_idx %arg7[%add3A_913], %get3A_909 : memref<22528xf32, #tpu.memory_space<vmem>>[vector<16xi32>], vector<16xf32>,
          %mul3A_914 = arith.constant 16 : i32
          %mul3A_915 = arith.muli %add3A_793, %mul3A_914 : i32
          %get3A_916 = arith.constant 12 : i32
          %get3A_917 = arith.index_cast %get3A_916 : i32 to index
          %get3A_918 = arith.index_cast %mul3A_915 : i32 to index
          %get3A_919 = tpu.vector_load %arg5[%get3A_917, %get3A_918] {strides = array<i32>} : memref<16x1408xf32, #tpu.memory_space<vmem>>, vector<16xf32>,
          %mul3A_920 = arith.constant 256 : i32
          %mul3A_921 = arith.muli %add3A_793, %mul3A_920 : i32
          %add3A_922 = vector.broadcast %mul3A_921 : i32 to vector<16xi32>
          %add3A_923 = arith.addi %add3A_90, %add3A_922 : vector<16xi32>
          tpu.vector_store_idx %arg7[%add3A_923], %get3A_919 : memref<22528xf32, #tpu.memory_space<vmem>>[vector<16xi32>], vector<16xf32>,
          %mul3A_924 = arith.constant 16 : i32
          %mul3A_925 = arith.muli %add3A_793, %mul3A_924 : i32
          %get3A_926 = arith.constant 13 : i32
          %get3A_927 = arith.index_cast %get3A_926 : i32 to index
          %get3A_928 = arith.index_cast %mul3A_925 : i32 to index
          %get3A_929 = tpu.vector_load %arg5[%get3A_927, %get3A_928] {strides = array<i32>} : memref<16x1408xf32, #tpu.memory_space<vmem>>, vector<16xf32>,
          %mul3A_930 = arith.constant 256 : i32
          %mul3A_931 = arith.muli %add3A_793, %mul3A_930 : i32
          %add3A_932 = vector.broadcast %mul3A_931 : i32 to vector<16xi32>
          %add3A_933 = arith.addi %add3A_97, %add3A_932 : vector<16xi32>
          tpu.vector_store_idx %arg7[%add3A_933], %get3A_929 : memref<22528xf32, #tpu.memory_space<vmem>>[vector<16xi32>], vector<16xf32>,
          %mul3A_934 = arith.constant 16 : i32
          %mul3A_935 = arith.muli %add3A_793, %mul3A_934 : i32
          %get3A_936 = arith.constant 14 : i32
          %get3A_937 = arith.index_cast %get3A_936 : i32 to index
          %get3A_938 = arith.index_cast %mul3A_935 : i32 to index
          %get3A_939 = tpu.vector_load %arg5[%get3A_937, %get3A_938] {strides = array<i32>} : memref<16x1408xf32, #tpu.memory_space<vmem>>, vector<16xf32>,
          %mul3A_940 = arith.constant 256 : i32
          %mul3A_941 = arith.muli %add3A_793, %mul3A_940 : i32
          %add3A_942 = vector.broadcast %mul3A_941 : i32 to vector<16xi32>
          %add3A_943 = arith.addi %add3A_104, %add3A_942 : vector<16xi32>
          tpu.vector_store_idx %arg7[%add3A_943], %get3A_939 : memref<22528xf32, #tpu.memory_space<vmem>>[vector<16xi32>], vector<16xf32>,
          %mul3A_944 = arith.constant 16 : i32
          %mul3A_945 = arith.muli %add3A_793, %mul3A_944 : i32
          %get3A_946 = arith.constant 15 : i32
          %get3A_947 = arith.index_cast %get3A_946 : i32 to index
          %get3A_948 = arith.index_cast %mul3A_945 : i32 to index
          %get3A_949 = tpu.vector_load %arg5[%get3A_947, %get3A_948] {strides = array<i32>} : memref<16x1408xf32, #tpu.memory_space<vmem>>, vector<16xf32>,
          %mul3A_950 = arith.constant 256 : i32
          %mul3A_951 = arith.muli %add3A_793, %mul3A_950 : i32
          %add3A_952 = vector.broadcast %mul3A_951 : i32 to vector<16xi32>
          %add3A_953 = arith.addi %add3A_111, %add3A_952 : vector<16xi32>
          tpu.vector_store_idx %arg7[%add3A_953], %get3A_949 : memref<22528xf32, #tpu.memory_space<vmem>>[vector<16xi32>], vector<16xf32>,
        }
        %scan3A_290 = arith.constant 22 : i32
        %mul3A_291 = arith.constant 99968 : i32
        %mul3A_292 = arith.muli %select_n3A_266, %mul3A_291 : i32
        %add3A_293 = arith.addi %mul3A_292, %mul3A_284 : i32
        %mul3A_294 = arith.constant 16 : i32
        %mul3A_295 = arith.muli %add3A_293, %mul3A_294 : i32
        %dma_start3A_296 = tpu.memref_slice %arg3[%mul3A_295] : memref<38400000xf32, #tpu.memory_space<hbm>> -> memref<22528xf32, #tpu.memory_space<hbm>>
        %dma_start3A_297 = tpu.memref_slice %arg3[%mul3A_295] : memref<38400000xf32, #tpu.memory_space<hbm>> -> memref<22528xf32, #tpu.memory_space<hbm>>
        tpu.enqueue_dma source(%arg7 : memref<22528xf32, #tpu.memory_space<vmem>>) target(%dma_start3A_297 : memref<22528xf32, #tpu.memory_space<hbm>>) target_semaphore(%arg11 : memref<!tpu.dma_semaphore, #tpu.memory_space<semaphore_mem>>)
      } else {
      }
    }
    %scan3A_173 = arith.constant 27 : i32
    %dma_wait3A = arith.constant 0 : i32
    %dma_wait3A_174 = tpu.memref_slice %arg3[%dma_wait3A] : memref<38400000xf32, #tpu.memory_space<hbm>> -> memref<22528xf32, #tpu.memory_space<hbm>>
    %dma_wait3A_175 = arith.constant 0 : i32
    %dma_wait3A_176 = tpu.memref_slice %arg3[%dma_wait3A_175] : memref<38400000xf32, #tpu.memory_space<hbm>> -> memref<22528xf32, #tpu.memory_space<hbm>>
    tpu.wait_dma2 semaphore(%arg10 : memref<!tpu.dma_semaphore, #tpu.memory_space<semaphore_mem>>) src(%arg6 : memref<22528xf32, #tpu.memory_space<vmem>>) dst(%dma_wait3A_176 : memref<22528xf32, #tpu.memory_space<hbm>>)
    %dma_wait3A_177 = arith.constant 0 : i32
    %dma_wait3A_178 = tpu.memref_slice %arg3[%dma_wait3A_177] : memref<38400000xf32, #tpu.memory_space<hbm>> -> memref<22528xf32, #tpu.memory_space<hbm>>
    %dma_wait3A_179 = arith.constant 0 : i32
    %dma_wait3A_180 = tpu.memref_slice %arg3[%dma_wait3A_179] : memref<38400000xf32, #tpu.memory_space<hbm>> -> memref<22528xf32, #tpu.memory_space<hbm>>
    tpu.wait_dma2 semaphore(%arg11 : memref<!tpu.dma_semaphore, #tpu.memory_space<semaphore_mem>>) src(%arg6 : memref<22528xf32, #tpu.memory_space<vmem>>) dst(%dma_wait3A_180 : memref<22528xf32, #tpu.memory_space<hbm>>)
    return
  }
}

module attributes {stable_mosaic.version = 14 : i64} {
  func.func @_mlp1_body(%arg0: i32, %arg1: memref<1024x384xf32, #tpu.memory_space<vmem>>, %arg2: memref<1024x2xf32, #tpu.memory_space<vmem>>, %arg3: memref<8x16xf32, #tpu.memory_space<vmem>>, %arg4: memref<32x128xf32, #tpu.memory_space<vmem>>, %arg5: memref<384x128xf32, #tpu.memory_space<vmem>>, %arg6: memref<8x128xf32, #tpu.memory_space<vmem>>, %arg7: memref<1024x128xf32, #tpu.memory_space<vmem>>, %arg8: memref<8x128xf32, #tpu.memory_space<vmem>>) attributes {dimension_semantics = [#tpu.dimension_semantics<arbitrary>], iteration_bounds = array<i64: 16>, scalar_prefetch = 0 : i64, scratch_operands = 0 : i64, tpu.core_type = #tpu.core_type<tc>, window_params = [{transform_indices = @transform_0, window_bounds = array<i64: 1024, 384>}, {transform_indices = @transform_1, window_bounds = array<i64: 1024, 2>}, {pipeline_mode = #tpu.pipeline_mode<synchronous>, transform_indices = @transform_2, window_bounds = array<i64: 8, 16>}, {pipeline_mode = #tpu.pipeline_mode<synchronous>, transform_indices = @transform_3, window_bounds = array<i64: 32, 128>}, {pipeline_mode = #tpu.pipeline_mode<synchronous>, transform_indices = @transform_4, window_bounds = array<i64: 384, 128>}, {pipeline_mode = #tpu.pipeline_mode<synchronous>, transform_indices = @transform_5, window_bounds = array<i64: 8, 128>}, {transform_indices = @transform_6, window_bounds = array<i64: 1024, 128>}, {pipeline_mode = #tpu.pipeline_mode<synchronous>, transform_indices = @transform_7, window_bounds = array<i64: 8, 128>}]} {
    %get3A = arith.constant 0 : index
    %get3A_0 = arith.constant 0 : index
    %get3A_1 = vector.load %arg2[%get3A, %get3A_0] : memref<1024x2xf32, #tpu.memory_space<vmem>>, vector<1024x1xf32>
    %get3A_2 = arith.constant 0 : index
    %get3A_3 = arith.constant 0 : index
    %get3A_4 = vector.load %arg3[%get3A_2, %get3A_3] : memref<8x16xf32, #tpu.memory_space<vmem>>, vector<1x16xf32>
    %mul3A = vector.broadcast %get3A_1 : vector<1024x1xf32> to vector<1024x16xf32>
    %mul3A_5 = vector.broadcast %get3A_4 : vector<1x16xf32> to vector<1024x16xf32>
    %mul3A_6 = arith.mulf %mul3A, %mul3A_5 : vector<1024x16xf32>
    %get3A_7 = arith.constant 0 : index
    %get3A_8 = arith.constant 1 : index
    %get3A_9 = vector.load %arg2[%get3A_7, %get3A_8] : memref<1024x2xf32, #tpu.memory_space<vmem>>, vector<1024x1xf32>
    %get3A_10 = arith.constant 1 : index
    %get3A_11 = arith.constant 0 : index
    %get3A_12 = vector.load %arg3[%get3A_10, %get3A_11] : memref<8x16xf32, #tpu.memory_space<vmem>>, vector<1x16xf32>
    %mul3A_13 = vector.broadcast %get3A_9 : vector<1024x1xf32> to vector<1024x16xf32>
    %mul3A_14 = vector.broadcast %get3A_12 : vector<1x16xf32> to vector<1024x16xf32>
    %mul3A_15 = arith.mulf %mul3A_13, %mul3A_14 : vector<1024x16xf32>
    %get3A_16 = arith.constant 0 : index
    %get3A_17 = arith.constant 0 : index
    %get3A_18 = vector.load %arg1[%get3A_16, %get3A_17] : memref<1024x384xf32, #tpu.memory_space<vmem>>, vector<1024x384xf32>
    %get3A_19 = arith.constant 0 : index
    %get3A_20 = arith.constant 0 : index
    %get3A_21 = vector.load %arg5[%get3A_19, %get3A_20] : memref<384x128xf32, #tpu.memory_space<vmem>>, vector<384x128xf32>
    %dot_general3A = arith.constant dense<0.000000e+00> : vector<1024x128xf32>
    %dot_general3A_22 = tpu.matmul %get3A_18, %get3A_21, %dot_general3A {dimension_numbers = #tpu.dot_dimension_numbers<[1], [0], [0], [1], [0, 0, 1, 1], [], []>, transpose_lhs_hint = false} : vector<1024x384xf32>, vector<384x128xf32>, vector<1024x128xf32> -> vector<1024x128xf32>
    %get3A_23 = arith.constant 0 : index
    %get3A_24 = arith.constant 0 : index
    %get3A_25 = vector.load %arg4[%get3A_23, %get3A_24] : memref<32x128xf32, #tpu.memory_space<vmem>>, vector<16x128xf32>
    %dot_general3A_26 = arith.constant dense<0.000000e+00> : vector<1024x128xf32>
    %dot_general3A_27 = tpu.matmul %mul3A_6, %get3A_25, %dot_general3A_26 {dimension_numbers = #tpu.dot_dimension_numbers<[1], [0], [0], [1], [0, 0, 1, 1], [], []>, transpose_lhs_hint = false} : vector<1024x16xf32>, vector<16x128xf32>, vector<1024x128xf32> -> vector<1024x128xf32>
    %add3A = arith.addf %dot_general3A_22, %dot_general3A_27 : vector<1024x128xf32>
    %get3A_28 = arith.constant 16 : index
    %get3A_29 = arith.constant 0 : index
    %get3A_30 = vector.load %arg4[%get3A_28, %get3A_29] : memref<32x128xf32, #tpu.memory_space<vmem>>, vector<16x128xf32>
    %dot_general3A_31 = arith.constant dense<0.000000e+00> : vector<1024x128xf32>
    %dot_general3A_32 = tpu.matmul %mul3A_15, %get3A_30, %dot_general3A_31 {dimension_numbers = #tpu.dot_dimension_numbers<[1], [0], [0], [1], [0, 0, 1, 1], [], []>, transpose_lhs_hint = false} : vector<1024x16xf32>, vector<16x128xf32>, vector<1024x128xf32> -> vector<1024x128xf32>
    %add3A_33 = arith.addf %add3A, %dot_general3A_32 : vector<1024x128xf32>
    %get3A_34 = arith.constant 0 : index
    %get3A_35 = arith.constant 0 : index
    %get3A_36 = vector.load %arg6[%get3A_34, %get3A_35] : memref<8x128xf32, #tpu.memory_space<vmem>>, vector<1x128xf32>
    %add3A_37 = vector.broadcast %get3A_36 : vector<1x128xf32> to vector<1024x128xf32>
    %add3A_38 = arith.addf %add3A_33, %add3A_37 : vector<1024x128xf32>
    %swap3A = arith.constant 0 : index
    %swap3A_39 = arith.constant 0 : index
    %swap3A_40 = vector.load %arg7[%swap3A, %swap3A_39] : memref<1024x128xf32, #tpu.memory_space<vmem>>, vector<1024x128xf32>
    tpu.vector_store %arg7[%swap3A, %swap3A_39], %add3A_38 {strides = array<i32>} : memref<1024x128xf32, #tpu.memory_space<vmem>>, vector<1024x128xf32>,
    %eq3A = arith.constant 0 : i32
    %eq3A_41 = arith.cmpi eq, %arg0, %eq3A : i32
    %convert_element_type3A = arith.extui %eq3A_41 : i1 to i32
    %cond3A = arith.constant 0 : i32
    %cond3A_42 = arith.cmpi ne, %convert_element_type3A, %cond3A : i32
    scf.if %cond3A_42 {
      %broadcast_in_dim3A_62 = arith.constant 0.000000e+00 : f32
      %broadcast_in_dim3A_63 = vector.broadcast %broadcast_in_dim3A_62 : f32 to vector<8x128xf32>
      %swap3A_64 = arith.constant 0 : index
      %swap3A_65 = arith.constant 0 : index
      %swap3A_66 = vector.load %arg8[%swap3A_64, %swap3A_65] : memref<8x128xf32, #tpu.memory_space<vmem>>, vector<8x128xf32>
      tpu.vector_store %arg8[%swap3A_64, %swap3A_65], %broadcast_in_dim3A_63 {strides = array<i32>} : memref<8x128xf32, #tpu.memory_space<vmem>>, vector<8x128xf32>,
    } else {
    }
    %get3A_43 = arith.constant 0 : index
    %get3A_44 = arith.constant 0 : index
    %get3A_45 = vector.load %arg8[%get3A_43, %get3A_44] : memref<8x128xf32, #tpu.memory_space<vmem>>, vector<1x128xf32>
    %reduce_sum3A = arith.constant dense<0.000000e+00> : vector<128xf32>
    %reduce_sum3A_46 = vector.multi_reduction <add>, %add3A_38, %reduce_sum3A [0] : vector<1024x128xf32> to vector<128xf32>
    %broadcast_in_dim3A = vector.shape_cast %reduce_sum3A_46 : vector<128xf32> to vector<1x128xf32>
    %add3A_47 = arith.addf %get3A_45, %broadcast_in_dim3A : vector<1x128xf32>
    %swap3A_48 = arith.constant 0 : index
    %swap3A_49 = arith.constant 0 : index
    %swap3A_50 = vector.load %arg8[%swap3A_48, %swap3A_49] : memref<8x128xf32, #tpu.memory_space<vmem>>, vector<1x128xf32>
    tpu.vector_store %arg8[%swap3A_48, %swap3A_49], %add3A_47 {strides = array<i32>} : memref<8x128xf32, #tpu.memory_space<vmem>>, vector<1x128xf32>,
    %get3A_51 = arith.constant 1 : index
    %get3A_52 = arith.constant 0 : index
    %get3A_53 = vector.load %arg8[%get3A_51, %get3A_52] : memref<8x128xf32, #tpu.memory_space<vmem>>, vector<1x128xf32>
    %mul3A_54 = arith.mulf %add3A_38, %add3A_38 : vector<1024x128xf32>
    %reduce_sum3A_55 = arith.constant dense<0.000000e+00> : vector<128xf32>
    %reduce_sum3A_56 = vector.multi_reduction <add>, %mul3A_54, %reduce_sum3A_55 [0] : vector<1024x128xf32> to vector<128xf32>
    %broadcast_in_dim3A_57 = vector.shape_cast %reduce_sum3A_56 : vector<128xf32> to vector<1x128xf32>
    %add3A_58 = arith.addf %get3A_53, %broadcast_in_dim3A_57 : vector<1x128xf32>
    %swap3A_59 = arith.constant 1 : index
    %swap3A_60 = arith.constant 0 : index
    %swap3A_61 = vector.load %arg8[%swap3A_59, %swap3A_60] : memref<8x128xf32, #tpu.memory_space<vmem>>, vector<1x128xf32>
    tpu.vector_store %arg8[%swap3A_59, %swap3A_60], %add3A_58 {strides = array<i32>} : memref<8x128xf32, #tpu.memory_space<vmem>>, vector<1x128xf32>,
    return
  }
  func.func @transform_0(%arg0: i32) -> (i32, i32) {
    %c0_i32 = arith.constant 0 : i32
    %c0_i32_0 = arith.constant 0 : i32
    return %arg0, %c0_i32 : i32, i32
  }
  func.func @transform_1(%arg0: i32) -> (i32, i32) {
    %c0_i32 = arith.constant 0 : i32
    %c0_i32_0 = arith.constant 0 : i32
    return %arg0, %c0_i32 : i32, i32
  }
  func.func @transform_2(%arg0: i32) -> (i32, i32) {
    %c0_i32 = arith.constant 0 : i32
    %c0_i32_0 = arith.constant 0 : i32
    %c0_i32_1 = arith.constant 0 : i32
    return %c0_i32, %c0_i32_0 : i32, i32
  }
  func.func @transform_3(%arg0: i32) -> (i32, i32) {
    %c0_i32 = arith.constant 0 : i32
    %c0_i32_0 = arith.constant 0 : i32
    %c0_i32_1 = arith.constant 0 : i32
    return %c0_i32, %c0_i32_0 : i32, i32
  }
  func.func @transform_4(%arg0: i32) -> (i32, i32) {
    %c0_i32 = arith.constant 0 : i32
    %c0_i32_0 = arith.constant 0 : i32
    %c0_i32_1 = arith.constant 0 : i32
    return %c0_i32, %c0_i32_0 : i32, i32
  }
  func.func @transform_5(%arg0: i32) -> (i32, i32) {
    %c0_i32 = arith.constant 0 : i32
    %c0_i32_0 = arith.constant 0 : i32
    %c0_i32_1 = arith.constant 0 : i32
    return %c0_i32, %c0_i32_0 : i32, i32
  }
  func.func @transform_6(%arg0: i32) -> (i32, i32) {
    %c0_i32 = arith.constant 0 : i32
    %c0_i32_0 = arith.constant 0 : i32
    return %arg0, %c0_i32 : i32, i32
  }
  func.func @transform_7(%arg0: i32) -> (i32, i32) {
    %c0_i32 = arith.constant 0 : i32
    %c0_i32_0 = arith.constant 0 : i32
    %c0_i32_1 = arith.constant 0 : i32
    return %c0_i32, %c0_i32_0 : i32, i32
  }
}

module attributes {stable_mosaic.version = 14 : i64} {
  func.func @_mlp2_body(%arg0: i32, %arg1: memref<1024x128xf32, #tpu.memory_space<vmem>>, %arg2: memref<8x128xf32, #tpu.memory_space<vmem>>, %arg3: memref<8x128xf32, #tpu.memory_space<vmem>>, %arg4: memref<128x128xf32, #tpu.memory_space<vmem>>, %arg5: memref<8x128xf32, #tpu.memory_space<vmem>>, %arg6: memref<1024x128xf32, #tpu.memory_space<vmem>>, %arg7: memref<8x128xf32, #tpu.memory_space<vmem>>) attributes {dimension_semantics = [#tpu.dimension_semantics<arbitrary>], iteration_bounds = array<i64: 16>, scalar_prefetch = 0 : i64, scratch_operands = 0 : i64, tpu.core_type = #tpu.core_type<tc>, window_params = [{transform_indices = @transform_0, window_bounds = array<i64: 1024, 128>}, {pipeline_mode = #tpu.pipeline_mode<synchronous>, transform_indices = @transform_1, window_bounds = array<i64: 8, 128>}, {pipeline_mode = #tpu.pipeline_mode<synchronous>, transform_indices = @transform_2, window_bounds = array<i64: 8, 128>}, {pipeline_mode = #tpu.pipeline_mode<synchronous>, transform_indices = @transform_3, window_bounds = array<i64: 128, 128>}, {pipeline_mode = #tpu.pipeline_mode<synchronous>, transform_indices = @transform_4, window_bounds = array<i64: 8, 128>}, {transform_indices = @transform_5, window_bounds = array<i64: 1024, 128>}, {pipeline_mode = #tpu.pipeline_mode<synchronous>, transform_indices = @transform_6, window_bounds = array<i64: 8, 128>}]} {
    %get3A = arith.constant 0 : index
    %get3A_0 = arith.constant 0 : index
    %get3A_1 = vector.load %arg2[%get3A, %get3A_0] : memref<8x128xf32, #tpu.memory_space<vmem>>, vector<1x128xf32>
    %mul3A = arith.constant 6.10351563E-5 : f32
    %mul3A_2 = vector.broadcast %mul3A : f32 to vector<1x128xf32>
    %mul3A_3 = arith.mulf %get3A_1, %mul3A_2 : vector<1x128xf32>
    %get3A_4 = arith.constant 1 : index
    %get3A_5 = arith.constant 0 : index
    %get3A_6 = vector.load %arg2[%get3A_4, %get3A_5] : memref<8x128xf32, #tpu.memory_space<vmem>>, vector<1x128xf32>
    %mul3A_7 = arith.constant 6.10351563E-5 : f32
    %mul3A_8 = vector.broadcast %mul3A_7 : f32 to vector<1x128xf32>
    %mul3A_9 = arith.mulf %get3A_6, %mul3A_8 : vector<1x128xf32>
    %mul3A_10 = arith.mulf %mul3A_3, %mul3A_3 : vector<1x128xf32>
    %sub3A = arith.subf %mul3A_9, %mul3A_10 : vector<1x128xf32>
    %add3A = arith.constant 9.99999974E-6 : f32
    %add3A_11 = vector.broadcast %add3A : f32 to vector<1x128xf32>
    %add3A_12 = arith.addf %sub3A, %add3A_11 : vector<1x128xf32>
    %rsqrt3A = math.rsqrt %add3A_12 : vector<1x128xf32>
    %get3A_13 = arith.constant 0 : index
    %get3A_14 = arith.constant 0 : index
    %get3A_15 = vector.load %arg1[%get3A_13, %get3A_14] : memref<1024x128xf32, #tpu.memory_space<vmem>>, vector<1024x128xf32>
    %sub3A_16 = vector.broadcast %mul3A_3 : vector<1x128xf32> to vector<1024x128xf32>
    %sub3A_17 = arith.subf %get3A_15, %sub3A_16 : vector<1024x128xf32>
    %get3A_18 = arith.constant 0 : index
    %get3A_19 = arith.constant 0 : index
    %get3A_20 = vector.load %arg3[%get3A_18, %get3A_19] : memref<8x128xf32, #tpu.memory_space<vmem>>, vector<1x128xf32>
    %mul3A_21 = arith.mulf %rsqrt3A, %get3A_20 : vector<1x128xf32>
    %mul3A_22 = vector.broadcast %mul3A_21 : vector<1x128xf32> to vector<1024x128xf32>
    %mul3A_23 = arith.mulf %sub3A_17, %mul3A_22 : vector<1024x128xf32>
    %get3A_24 = arith.constant 1 : index
    %get3A_25 = arith.constant 0 : index
    %get3A_26 = vector.load %arg3[%get3A_24, %get3A_25] : memref<8x128xf32, #tpu.memory_space<vmem>>, vector<1x128xf32>
    %add3A_27 = vector.broadcast %get3A_26 : vector<1x128xf32> to vector<1024x128xf32>
    %add3A_28 = arith.addf %mul3A_23, %add3A_27 : vector<1024x128xf32>
    %get3A_29 = arith.constant 0 : index
    %get3A_30 = arith.constant 0 : index
    %get3A_31 = vector.load %arg4[%get3A_29, %get3A_30] : memref<128x128xf32, #tpu.memory_space<vmem>>, vector<128x128xf32>
    %dot_general3A = arith.constant dense<0.000000e+00> : vector<1024x128xf32>
    %dot_general3A_32 = tpu.matmul %add3A_28, %get3A_31, %dot_general3A {dimension_numbers = #tpu.dot_dimension_numbers<[1], [0], [0], [1], [0, 0, 1, 1], [], []>, transpose_lhs_hint = false} : vector<1024x128xf32>, vector<128x128xf32>, vector<1024x128xf32> -> vector<1024x128xf32>
    %get3A_33 = arith.constant 0 : index
    %get3A_34 = arith.constant 0 : index
    %get3A_35 = vector.load %arg5[%get3A_33, %get3A_34] : memref<8x128xf32, #tpu.memory_space<vmem>>, vector<1x128xf32>
    %add3A_36 = vector.broadcast %get3A_35 : vector<1x128xf32> to vector<1024x128xf32>
    %add3A_37 = arith.addf %dot_general3A_32, %add3A_36 : vector<1024x128xf32>
    %swap3A = arith.constant 0 : index
    %swap3A_38 = arith.constant 0 : index
    %swap3A_39 = vector.load %arg6[%swap3A, %swap3A_38] : memref<1024x128xf32, #tpu.memory_space<vmem>>, vector<1024x128xf32>
    tpu.vector_store %arg6[%swap3A, %swap3A_38], %add3A_37 {strides = array<i32>} : memref<1024x128xf32, #tpu.memory_space<vmem>>, vector<1024x128xf32>,
    %eq3A = arith.constant 0 : i32
    %eq3A_40 = arith.cmpi eq, %arg0, %eq3A : i32
    %convert_element_type3A = arith.extui %eq3A_40 : i1 to i32
    %cond3A = arith.constant 0 : i32
    %cond3A_41 = arith.cmpi ne, %convert_element_type3A, %cond3A : i32
    scf.if %cond3A_41 {
      %broadcast_in_dim3A_61 = arith.constant 0.000000e+00 : f32
      %broadcast_in_dim3A_62 = vector.broadcast %broadcast_in_dim3A_61 : f32 to vector<8x128xf32>
      %swap3A_63 = arith.constant 0 : index
      %swap3A_64 = arith.constant 0 : index
      %swap3A_65 = vector.load %arg7[%swap3A_63, %swap3A_64] : memref<8x128xf32, #tpu.memory_space<vmem>>, vector<8x128xf32>
      tpu.vector_store %arg7[%swap3A_63, %swap3A_64], %broadcast_in_dim3A_62 {strides = array<i32>} : memref<8x128xf32, #tpu.memory_space<vmem>>, vector<8x128xf32>,
    } else {
    }
    %get3A_42 = arith.constant 0 : index
    %get3A_43 = arith.constant 0 : index
    %get3A_44 = vector.load %arg7[%get3A_42, %get3A_43] : memref<8x128xf32, #tpu.memory_space<vmem>>, vector<1x128xf32>
    %reduce_sum3A = arith.constant dense<0.000000e+00> : vector<128xf32>
    %reduce_sum3A_45 = vector.multi_reduction <add>, %add3A_37, %reduce_sum3A [0] : vector<1024x128xf32> to vector<128xf32>
    %broadcast_in_dim3A = vector.shape_cast %reduce_sum3A_45 : vector<128xf32> to vector<1x128xf32>
    %add3A_46 = arith.addf %get3A_44, %broadcast_in_dim3A : vector<1x128xf32>
    %swap3A_47 = arith.constant 0 : index
    %swap3A_48 = arith.constant 0 : index
    %swap3A_49 = vector.load %arg7[%swap3A_47, %swap3A_48] : memref<8x128xf32, #tpu.memory_space<vmem>>, vector<1x128xf32>
    tpu.vector_store %arg7[%swap3A_47, %swap3A_48], %add3A_46 {strides = array<i32>} : memref<8x128xf32, #tpu.memory_space<vmem>>, vector<1x128xf32>,
    %get3A_50 = arith.constant 1 : index
    %get3A_51 = arith.constant 0 : index
    %get3A_52 = vector.load %arg7[%get3A_50, %get3A_51] : memref<8x128xf32, #tpu.memory_space<vmem>>, vector<1x128xf32>
    %mul3A_53 = arith.mulf %add3A_37, %add3A_37 : vector<1024x128xf32>
    %reduce_sum3A_54 = arith.constant dense<0.000000e+00> : vector<128xf32>
    %reduce_sum3A_55 = vector.multi_reduction <add>, %mul3A_53, %reduce_sum3A_54 [0] : vector<1024x128xf32> to vector<128xf32>
    %broadcast_in_dim3A_56 = vector.shape_cast %reduce_sum3A_55 : vector<128xf32> to vector<1x128xf32>
    %add3A_57 = arith.addf %get3A_52, %broadcast_in_dim3A_56 : vector<1x128xf32>
    %swap3A_58 = arith.constant 1 : index
    %swap3A_59 = arith.constant 0 : index
    %swap3A_60 = vector.load %arg7[%swap3A_58, %swap3A_59] : memref<8x128xf32, #tpu.memory_space<vmem>>, vector<1x128xf32>
    tpu.vector_store %arg7[%swap3A_58, %swap3A_59], %add3A_57 {strides = array<i32>} : memref<8x128xf32, #tpu.memory_space<vmem>>, vector<1x128xf32>,
    return
  }
  func.func @transform_0(%arg0: i32) -> (i32, i32) {
    %c0_i32 = arith.constant 0 : i32
    %c0_i32_0 = arith.constant 0 : i32
    return %arg0, %c0_i32 : i32, i32
  }
  func.func @transform_1(%arg0: i32) -> (i32, i32) {
    %c0_i32 = arith.constant 0 : i32
    %c0_i32_0 = arith.constant 0 : i32
    %c0_i32_1 = arith.constant 0 : i32
    return %c0_i32, %c0_i32_0 : i32, i32
  }
  func.func @transform_2(%arg0: i32) -> (i32, i32) {
    %c0_i32 = arith.constant 0 : i32
    %c0_i32_0 = arith.constant 0 : i32
    %c0_i32_1 = arith.constant 0 : i32
    return %c0_i32, %c0_i32_0 : i32, i32
  }
  func.func @transform_3(%arg0: i32) -> (i32, i32) {
    %c0_i32 = arith.constant 0 : i32
    %c0_i32_0 = arith.constant 0 : i32
    %c0_i32_1 = arith.constant 0 : i32
    return %c0_i32, %c0_i32_0 : i32, i32
  }
  func.func @transform_4(%arg0: i32) -> (i32, i32) {
    %c0_i32 = arith.constant 0 : i32
    %c0_i32_0 = arith.constant 0 : i32
    %c0_i32_1 = arith.constant 0 : i32
    return %c0_i32, %c0_i32_0 : i32, i32
  }
  func.func @transform_5(%arg0: i32) -> (i32, i32) {
    %c0_i32 = arith.constant 0 : i32
    %c0_i32_0 = arith.constant 0 : i32
    return %arg0, %c0_i32 : i32, i32
  }
  func.func @transform_6(%arg0: i32) -> (i32, i32) {
    %c0_i32 = arith.constant 0 : i32
    %c0_i32_0 = arith.constant 0 : i32
    %c0_i32_1 = arith.constant 0 : i32
    return %c0_i32, %c0_i32_0 : i32, i32
  }
}

module attributes {stable_mosaic.version = 14 : i64} {
  func.func @_head_body(%arg0: i32, %arg1: memref<1024x128xf32, #tpu.memory_space<vmem>>, %arg2: memref<8x128xf32, #tpu.memory_space<vmem>>, %arg3: memref<8x128xf32, #tpu.memory_space<vmem>>, %arg4: memref<128x8xf32, #tpu.memory_space<vmem>>, %arg5: memref<8x8xf32, #tpu.memory_space<vmem>>, %arg6: memref<1024x128xf32, #tpu.memory_space<vmem>>, %arg7: memref<1024x2xf32, #tpu.memory_space<vmem>>, %arg8: memref<1024x2xf32, #tpu.memory_space<vmem>>) attributes {dimension_semantics = [#tpu.dimension_semantics<arbitrary>], iteration_bounds = array<i64: 16>, scalar_prefetch = 0 : i64, scratch_operands = 0 : i64, tpu.core_type = #tpu.core_type<tc>, window_params = [{transform_indices = @transform_0, window_bounds = array<i64: 1024, 128>}, {pipeline_mode = #tpu.pipeline_mode<synchronous>, transform_indices = @transform_1, window_bounds = array<i64: 8, 128>}, {pipeline_mode = #tpu.pipeline_mode<synchronous>, transform_indices = @transform_2, window_bounds = array<i64: 8, 128>}, {pipeline_mode = #tpu.pipeline_mode<synchronous>, transform_indices = @transform_3, window_bounds = array<i64: 128, 8>}, {pipeline_mode = #tpu.pipeline_mode<synchronous>, transform_indices = @transform_4, window_bounds = array<i64: 8, 8>}, {transform_indices = @transform_5, window_bounds = array<i64: 1024, 128>}, {transform_indices = @transform_6, window_bounds = array<i64: 1024, 2>}, {transform_indices = @transform_7, window_bounds = array<i64: 1024, 2>}]} {
    %get3A = arith.constant 0 : index
    %get3A_0 = arith.constant 0 : index
    %get3A_1 = vector.load %arg2[%get3A, %get3A_0] : memref<8x128xf32, #tpu.memory_space<vmem>>, vector<1x128xf32>
    %mul3A = arith.constant 6.10351563E-5 : f32
    %mul3A_2 = vector.broadcast %mul3A : f32 to vector<1x128xf32>
    %mul3A_3 = arith.mulf %get3A_1, %mul3A_2 : vector<1x128xf32>
    %get3A_4 = arith.constant 1 : index
    %get3A_5 = arith.constant 0 : index
    %get3A_6 = vector.load %arg2[%get3A_4, %get3A_5] : memref<8x128xf32, #tpu.memory_space<vmem>>, vector<1x128xf32>
    %mul3A_7 = arith.constant 6.10351563E-5 : f32
    %mul3A_8 = vector.broadcast %mul3A_7 : f32 to vector<1x128xf32>
    %mul3A_9 = arith.mulf %get3A_6, %mul3A_8 : vector<1x128xf32>
    %mul3A_10 = arith.mulf %mul3A_3, %mul3A_3 : vector<1x128xf32>
    %sub3A = arith.subf %mul3A_9, %mul3A_10 : vector<1x128xf32>
    %add3A = arith.constant 9.99999974E-6 : f32
    %add3A_11 = vector.broadcast %add3A : f32 to vector<1x128xf32>
    %add3A_12 = arith.addf %sub3A, %add3A_11 : vector<1x128xf32>
    %rsqrt3A = math.rsqrt %add3A_12 : vector<1x128xf32>
    %get3A_13 = arith.constant 0 : index
    %get3A_14 = arith.constant 0 : index
    %get3A_15 = vector.load %arg1[%get3A_13, %get3A_14] : memref<1024x128xf32, #tpu.memory_space<vmem>>, vector<1024x128xf32>
    %sub3A_16 = vector.broadcast %mul3A_3 : vector<1x128xf32> to vector<1024x128xf32>
    %sub3A_17 = arith.subf %get3A_15, %sub3A_16 : vector<1024x128xf32>
    %get3A_18 = arith.constant 0 : index
    %get3A_19 = arith.constant 0 : index
    %get3A_20 = vector.load %arg3[%get3A_18, %get3A_19] : memref<8x128xf32, #tpu.memory_space<vmem>>, vector<1x128xf32>
    %mul3A_21 = arith.mulf %rsqrt3A, %get3A_20 : vector<1x128xf32>
    %mul3A_22 = vector.broadcast %mul3A_21 : vector<1x128xf32> to vector<1024x128xf32>
    %mul3A_23 = arith.mulf %sub3A_17, %mul3A_22 : vector<1024x128xf32>
    %get3A_24 = arith.constant 1 : index
    %get3A_25 = arith.constant 0 : index
    %get3A_26 = vector.load %arg3[%get3A_24, %get3A_25] : memref<8x128xf32, #tpu.memory_space<vmem>>, vector<1x128xf32>
    %add3A_27 = vector.broadcast %get3A_26 : vector<1x128xf32> to vector<1024x128xf32>
    %add3A_28 = arith.addf %mul3A_23, %add3A_27 : vector<1024x128xf32>
    %swap3A = arith.constant 0 : index
    %swap3A_29 = arith.constant 0 : index
    %swap3A_30 = vector.load %arg6[%swap3A, %swap3A_29] : memref<1024x128xf32, #tpu.memory_space<vmem>>, vector<1024x128xf32>
    tpu.vector_store %arg6[%swap3A, %swap3A_29], %add3A_28 {strides = array<i32>} : memref<1024x128xf32, #tpu.memory_space<vmem>>, vector<1024x128xf32>,
    %get3A_31 = arith.constant 0 : index
    %get3A_32 = arith.constant 0 : index
    %get3A_33 = vector.load %arg4[%get3A_31, %get3A_32] : memref<128x8xf32, #tpu.memory_space<vmem>>, vector<128x8xf32>
    %dot_general3A = arith.constant dense<0.000000e+00> : vector<1024x8xf32>
    %dot_general3A_34 = tpu.matmul %add3A_28, %get3A_33, %dot_general3A {dimension_numbers = #tpu.dot_dimension_numbers<[1], [0], [0], [1], [0, 0, 1, 1], [], []>, transpose_lhs_hint = false} : vector<1024x128xf32>, vector<128x8xf32>, vector<1024x8xf32> -> vector<1024x8xf32>
    %get3A_35 = arith.constant 0 : index
    %get3A_36 = arith.constant 0 : index
    %get3A_37 = vector.load %arg5[%get3A_35, %get3A_36] : memref<8x8xf32, #tpu.memory_space<vmem>>, vector<1x8xf32>
    %add3A_38 = vector.broadcast %get3A_37 : vector<1x8xf32> to vector<1024x8xf32>
    %add3A_39 = arith.addf %dot_general3A_34, %add3A_38 : vector<1024x8xf32>
    %slice3A = vector.extract_strided_slice %add3A_39 {offsets = [0, 0], sizes = [1024, 1], strides = [1, 1]} : vector<1024x8xf32> to vector<1024x1xf32>
    %slice3A_40 = vector.extract_strided_slice %add3A_39 {offsets = [0, 1], sizes = [1024, 1], strides = [1, 1]} : vector<1024x8xf32> to vector<1024x1xf32>
    %max3A = arith.maximumf %slice3A, %slice3A_40 : vector<1024x1xf32>
    %sub3A_41 = arith.subf %slice3A, %max3A : vector<1024x1xf32>
    %exp3A = math.exp %sub3A_41 : vector<1024x1xf32>
    %sub3A_42 = arith.subf %slice3A_40, %max3A : vector<1024x1xf32>
    %exp3A_43 = math.exp %sub3A_42 : vector<1024x1xf32>
    %add3A_44 = arith.addf %exp3A, %exp3A_43 : vector<1024x1xf32>
    %concatenate3A = tpu.concatenate %slice3A, %slice3A_40 in 1 : vector<1024x1xf32>, vector<1024x1xf32> -> vector<1024x2xf32>
    %swap3A_45 = arith.constant 0 : index
    %swap3A_46 = arith.constant 0 : index
    %swap3A_47 = vector.load %arg7[%swap3A_45, %swap3A_46] : memref<1024x2xf32, #tpu.memory_space<vmem>>, vector<1024x2xf32>
    tpu.vector_store %arg7[%swap3A_45, %swap3A_46], %concatenate3A {strides = array<i32>} : memref<1024x2xf32, #tpu.memory_space<vmem>>, vector<1024x2xf32>,
    %div3A = arith.divf %exp3A, %add3A_44 : vector<1024x1xf32>
    %div3A_48 = arith.divf %exp3A_43, %add3A_44 : vector<1024x1xf32>
    %concatenate3A_49 = tpu.concatenate %div3A, %div3A_48 in 1 : vector<1024x1xf32>, vector<1024x1xf32> -> vector<1024x2xf32>
    %swap3A_50 = arith.constant 0 : index
    %swap3A_51 = arith.constant 0 : index
    %swap3A_52 = vector.load %arg8[%swap3A_50, %swap3A_51] : memref<1024x2xf32, #tpu.memory_space<vmem>>, vector<1024x2xf32>
    tpu.vector_store %arg8[%swap3A_50, %swap3A_51], %concatenate3A_49 {strides = array<i32>} : memref<1024x2xf32, #tpu.memory_space<vmem>>, vector<1024x2xf32>,
    return
  }
  func.func @transform_0(%arg0: i32) -> (i32, i32) {
    %c0_i32 = arith.constant 0 : i32
    %c0_i32_0 = arith.constant 0 : i32
    return %arg0, %c0_i32 : i32, i32
  }
  func.func @transform_1(%arg0: i32) -> (i32, i32) {
    %c0_i32 = arith.constant 0 : i32
    %c0_i32_0 = arith.constant 0 : i32
    %c0_i32_1 = arith.constant 0 : i32
    return %c0_i32, %c0_i32_0 : i32, i32
  }
  func.func @transform_2(%arg0: i32) -> (i32, i32) {
    %c0_i32 = arith.constant 0 : i32
    %c0_i32_0 = arith.constant 0 : i32
    %c0_i32_1 = arith.constant 0 : i32
    return %c0_i32, %c0_i32_0 : i32, i32
  }
  func.func @transform_3(%arg0: i32) -> (i32, i32) {
    %c0_i32 = arith.constant 0 : i32
    %c0_i32_0 = arith.constant 0 : i32
    %c0_i32_1 = arith.constant 0 : i32
    return %c0_i32, %c0_i32_0 : i32, i32
  }
  func.func @transform_4(%arg0: i32) -> (i32, i32) {
    %c0_i32 = arith.constant 0 : i32
    %c0_i32_0 = arith.constant 0 : i32
    %c0_i32_1 = arith.constant 0 : i32
    return %c0_i32, %c0_i32_0 : i32, i32
  }
  func.func @transform_5(%arg0: i32) -> (i32, i32) {
    %c0_i32 = arith.constant 0 : i32
    %c0_i32_0 = arith.constant 0 : i32
    return %arg0, %c0_i32 : i32, i32
  }
  func.func @transform_6(%arg0: i32) -> (i32, i32) {
    %c0_i32 = arith.constant 0 : i32
    %c0_i32_0 = arith.constant 0 : i32
    return %arg0, %c0_i32 : i32, i32
  }
  func.func @transform_7(%arg0: i32) -> (i32, i32) {
    %c0_i32 = arith.constant 0 : i32
    %c0_i32_0 = arith.constant 0 : i32
    return %arg0, %c0_i32 : i32, i32
  }
}

</mosaic_0001>

<sc_bundles>
// kernel: kernel.10.cloned.1.call-start
scs
__scs_entry_jumppad:
0x0: {  	(pc) =	sbr.rel $0x88, $3  }
0x1: {  	(tag) =	ssettag $0x0;
	lr =	simm.s32 $0x1  }
0x2: {  	[smem:$0x3F95] =	sst lr;
	_ =	strace $0xD0000000  }
0x3: {  	_ = 	snop  }
0x4: {  	_ = 	snop  }
0x5: {  	_ = 	snop  }
0x6: {  	_ = 	snop  }
0x7: {  	_ = 	snop  }
__scs_overlays_trampoline_lowered:
0x8: {  	[smem:$0x3FA4] =	sst s0  }
0x9: {  	[smem:$0x3FA5] =	sst s1  }
0xa: {  	[smem:$0x3FA6] =	sst s2  }
0xb: {  	[smem:$0x3FA7] =	sst s3  }
0xc: {  	[smem:$0x3FA8] =	sst s4  }
0xd: {  	[smem:$0x3FA9] =	sst s5  }
0xe: {  	[smem:$0x3FAA] =	sst s6  }
0xf: {  	[smem:$0x3FAB] =	sst s7  }
0x10: {  	[smem:$0x3FAC] =	sst s8  }
0x11: {  	[smem:$0x3FAD] =	sst s9;
	s0 =	simm.s32 @!p0 $0x0  }
0x12: {  	s1 =	sld [smem:$0x3F93];
	s0 =	simm.s32 @p0 $0x1  }
0x13: {  	[smem:$0x3FAE] =	sst s0;
	s0 =	simm.s32 @!p1 $0x0  }
0x14: {  	s2 =	sld [smem:$0x3F92];
	s0 =	simm.s32 @p1 $0x1  }
0x15: {  	[smem:$0x3FAF] =	sst s0;
	s0 =	simm.s32 @!p2 $0x0  }
0x16: {  	s3 =	sld [smem:$0x3FDB];
	s0 =	simm.s32 @p2 $0x1  }
0x17: {  	s4 =	simm.s32 $0x1BF5;
	[smem:$0x3FB1] =	sst s0  }
0x18: {  	s0 =	sld [smem:$0x3F94];
	_ =	swait.ge [sflag:s4], $0x0  }
0x19: {  	s7 =	sld [smem:$0x3F95]  }
0x1a: {  	s8 =	sadd.s32 $0xFFFFE003, lr  }
0x1b: {  	s9 =	sadd.s32 $0xFFFFFEF7, lr;
	s5 =	simm.s32 $0xFFFFFFFF;
	p2 =	slt.u32 s8, $0xFFFFF086  }
0x1c: {  	p1 =	slt.u32 s9, $0xF7A;
	s5 =	simm.s32 @!p2 $0x0  }
0x1d: {  	s5 =	simm.s32 @p1 $0x1;
	p0 =	seq.s32 s7, s2  }
0x1e: {  	s7 =	smul.u32 @!p0 $0xF7A, s2;
	p2 =	seq.s32 @!p0 s5, $0x0  }
0x1f: {  	s9 =	smul.u32 $0xF7A, s1;
	s8 =	simm.s32 @!p0 $0x1BF5;
	p2 =	por !p2, p0  }
0x20: {  	[sflag:s8] =	ssyncset.s32 @!p0 $0xFFFFF086;
	s6 =	sadd.s32 @!p0 s3, s7;
	s7 =	simm.s32 @!p0 $0x108  }
0x21: {  	s3 =	sadd.s32 s3, s9;
	s6 =	sadd.s32 @!p0 $0x88, s6;
	s7 =	simm.s32 @p2 $0x1082  }
0x22: {  	[simem:s7], [sflag:s8] =	dma.local @!p0 [hbm:s6], $0xF7A  }
0x23: {  	s9 =	sor.u32 $0xD0000000, s2;
	s6 =	simm.s32 $0x108;
	_ =	swait.ge @!p0 [sflag:s8], $0x0  }
0x24: {  	s3 =	sadd.s32 $0x88, s3;
	s6 =	simm.s32 @!p1 $0x1082;
	[sflag:s4] =	ssyncset.s32 $0xFFFFF086  }
0x25: {  	[simem:s6], [sflag:s4] =	dma.local [hbm:s3], $0xF7A  }
0x26: {  	[smem:$0x3F95] =	sst s1;
	(tag) =	ssettag s2;
	_ =	strace s9  }
0x27: {  	s1 =	sld [smem:$0x3FA5]  }
0x28: {  	s2 =	sld [smem:$0x3FA6]  }
0x29: {  	s4 =	sld [smem:$0x3FA8]  }
0x2a: {  	p0 =	seq.s32 s5, $0x0;
	s5 =	sld [smem:$0x3FA9]  }
0x2b: {  	s6 =	sld [smem:$0x3FAA]  }
0x2c: {  	s7 =	sld [smem:$0x3FAB]  }
0x2d: {  	s3 =	simm.s32 $0x108;
	s8 =	sld [smem:$0x3FAC]  }
0x2e: {  	s3 =	simm.s32 @!p0 $0x1082;
	s9 =	sld [smem:$0x3FAD]  }
0x2f: {  	lr =	sadd.s32 s0, s3;
	s0 =	sld [smem:$0x3FA4]  }
0x30: {  	s3 =	sld [smem:$0x3FA7]  }
0x31: {  	[smem:$0x3FB0] =	sst s10  }
0x32: {  	s10 =	sld [smem:$0x3FAE];
	_ =	sdelay $0x3  }
0x33: {  	p0 =	seq.s32 s10, $0x1;
	s10 =	sld [smem:$0x3FB0];
	_ =	sdelay $0x3  }
0x34: {  	[smem:$0x3FB0] =	sst s10  }
0x35: {  	s10 =	sld [smem:$0x3FAF];
	_ =	sdelay $0x3  }
0x36: {  	p1 =	seq.s32 s10, $0x1;
	s10 =	sld [smem:$0x3FB0];
	_ =	sdelay $0x3  }
0x37: {  	[smem:$0x3FB0] =	sst s10  }
0x38: {  	s10 =	sld [smem:$0x3FB1]  }
0x39: {  	_ = 	snop;
	(pc) =	sbr.ind lr, $3  }
0x3a: {  	_ = 	snop  }
0x3b: {  	_ = 	snop  }
0x3c: {  	p2 =	seq.s32 s10, $0x1;
	s10 =	sld [smem:$0x3FB0]  }
0x3d: {  	_ =	shalt  }
0x3e: {  	_ =	shalt  }
0x3f: {  	_ =	shalt  }
0x40: {  	_ =	shalt  }
0x41: {  	_ =	shalt  }
0x42: {  	_ =	shalt  }
0x43: {  	_ =	shalt  }
0x44: {  	_ =	shalt  }
0x45: {  	_ =	shalt  }
0x46: {  	_ =	shalt  }
0x47: {  	_ =	shalt  }
0x48: {  	_ =	shalt  }
0x49: {  	_ =	shalt  }
0x4a: {  	_ =	shalt  }
0x4b: {  	_ =	shalt  }
0x4c: {  	_ =	shalt  }
0x4d: {  	_ =	shalt  }
0x4e: {  	_ =	shalt  }
0x4f: {  	_ =	shalt  }
0x50: {  	_ =	shalt  }
0x51: {  	_ =	shalt  }
0x52: {  	_ =	shalt  }
0x53: {  	_ =	shalt  }
0x54: {  	_ =	shalt  }
0x55: {  	_ =	shalt  }
0x56: {  	_ =	shalt  }
0x57: {  	_ =	shalt  }
0x58: {  	_ =	shalt  }
0x59: {  	_ =	shalt  }
0x5a: {  	_ =	shalt  }
0x5b: {  	_ =	shalt  }
0x5c: {  	_ =	shalt  }
0x5d: {  	_ =	shalt  }
0x5e: {  	_ =	shalt  }
0x5f: {  	_ =	shalt  }
0x60: {  	_ =	shalt  }
0x61: {  	_ =	shalt  }
0x62: {  	_ =	shalt  }
0x63: {  	_ =	shalt  }
0x64: {  	_ =	shalt  }
0x65: {  	_ =	shalt  }
0x66: {  	_ =	shalt  }
0x67: {  	_ =	shalt  }
0x68: {  	_ =	shalt  }
0x69: {  	_ =	shalt  }
0x6a: {  	_ =	shalt  }
0x6b: {  	_ =	shalt  }
0x6c: {  	_ =	shalt  }
0x6d: {  	_ =	shalt  }
0x6e: {  	_ =	shalt  }
0x6f: {  	_ =	shalt  }
0x70: {  	_ =	shalt  }
0x71: {  	_ =	shalt  }
0x72: {  	_ =	shalt  }
0x73: {  	_ =	shalt  }
0x74: {  	_ =	shalt  }
0x75: {  	_ =	shalt  }
0x76: {  	_ =	shalt  }
0x77: {  	_ =	shalt  }
0x78: {  	_ =	shalt  }
0x79: {  	_ =	shalt  }
0x7a: {  	_ =	shalt  }
0x7b: {  	_ =	shalt  }
0x7c: {  	_ =	shalt  }
0x7d: {  	_ =	shalt  }
0x7e: {  	_ =	shalt  }
0x7f: {  	_ =	shalt  }
0x80: {  	_ =	shalt  }
0x81: {  	_ =	shalt  }
0x82: {  	_ =	shalt  }
0x83: {  	_ =	shalt  }
0x84: {  	_ =	shalt  }
0x85: {  	_ =	shalt  }
0x86: {  	_ =	shalt  }
0x87: {  	_ =	shalt  }
.Lfunc_end0:
.L_simem_size_0:
called_computation.1_lowered:
.L_overlay_start_0:
0x88: {  	s2 =	sld [smem:$0x3FD9]  }
0x89: {  	s3 =	sld [smem:$0x3FFE];
	_ =	sdelay $0x1  }
0x8a: {  	s1 =	srdreg.scid  }
0x8b: {  	s0 =	sand.u32 $0x1, s1  }
0x8c: {  	s16 =	sshll.u32 s0, $0xA;
	s2 =	sadd.s32 s3, s2  }
0x8d: {  	s2 =	sadd.s32 s2, s16  }
0x8e: {  	[smem:$0x3FBC] =	sst s2  }
0x8f: {  	_ = 	snop  }
0x90: {  	(tm) =	ssettm $0x1  }
0x91: {  	s17 =	sld [smem:$0x3FFB];
	_ =	sdelay $0x3  }
0x92: {  	_ =	strace s17  }
0x93: {  	s2 =	sld [smem:$0x3FFC];
	_ =	sdelay $0x3  }
0x94: {  	_ =	strace s2  }
0x95: {  	s2 =	sld [smem:$0x3FFD];
	_ =	sdelay $0x3  }
0x96: {  	_ =	strace s2  }
0x97: {  	_ =	strace $0x8FFFFFFF  }
0x98: {  	s18 =	sld [smem:$0x3FDB];
	_ =	sdelay $0x1  }
0x99: {  	s19 =	simm.s32 $_scs_section_size  }
0x9a: {  	s4 =	simm.s32 $_size__tile_overlayer_lowered;
	s5 =	simm.s32 $_tile_overlayer_lowered  }
0x9b: {  	s22 =	simm.s32 $0x1BFF;
	s21 =	sshll.u32 s5, $0x1;
	s2 =	sadd.s32 s19, s18  }
0x9c: {  	s6 =	simm.s32 $0x0;
	s20 =	sshll.u32 s4, $0x1;
	s4 =	sadd.s32 s21, s2  }
0x9d: {  	[timem:s6], [sflag:s22] =	dma.local [hbm:s4], s20  }
0x9e: {  	_ =	swait.ge [sflag:s22], s20  }
0x9f: {  	s3 =	ssub.s32 $0x0, s20;
	[sflag:s22] =	ssyncset.done $0x0  }
0xa0: {  	[sflag:s22] =	ssyncadd.s32 s3;
	_ =	sdelay $0x1  }
0xa1: {  	s23 =	simm.s32 $0x1B8B  }
0xa2: {  	_ =	swait.ge [sflag:s23], $0x1  }
0xa3: {  	[sflag:s23] =	ssyncset.done $0x0  }
0xa4: {  	s25 =	simm.s32 $0x1B8E;
	s24 =	sld [smem:$0x3FFE];
	[sflag:s23] =	ssyncadd.s32 $0xFFFFFFFF  }
0xa5: {  	s26 =	simm.s32 $execute0_lowered;
	[smem:$0x3FD2] =	sst s25  }
0xa6: {  	s4 =	sshll.u32 s26, $0x1;
	_ =	strace $0x80000049;
	[dreg:$0x1] =	wrdreg $0xFFFFFFFF  }
0xa7: {  	s28 =	simm.s32 $_size_execute0_lowered;
	s2 =	sadd.s32 s2, s4;
	[dreg:$0x0] =	wrdreg $0x0  }
0xa8: {  	s4 =	sshll.u32 s28, $0x1;
	[dreg:$0x2] =	wrdreg s2  }
0xa9: {  	[dreg:$0x3] =	wrdreg s4  }
0xaa: {  	[dreg:$0x4] =	wrdreg $0xC0  }
0xab: {  	_ =	task [dreg:s6], $0x5FFFF  }
0xac: {  	[dreg:$0x1] =	wrdreg $0xFFFFFFFF  }
0xad: {  	[dreg:$0x0] =	wrdreg $0x60  }
0xae: {  	[dreg:$0x2] =	wrdreg s24  }
0xaf: {  	[dreg:$0x3] =	wrdreg $0x9  }
0xb0: {  	_ =	task.clear_ibuf [dreg:s6], $0x4FFFF;
	_ =	strace $0x90000049  }
0xb1: {  	s29 =	simm.s32 $0x9;
	_ =	strace $0x8000004B  }
0xb2: {  	_ =	swait.ge [sflag:s29], $0x1  }
0xb3: {  	[sflag:s29] =	ssyncadd.s32 $0xFFFFFFFF  }
0xb4: {  	_ =	strace $0x9000004B  }
0xb5: {  	_ =	sfence  }
0xb6: {  	s30 =	sld [smem:$0x0];
	_ =	sdelay $0x2  }
0xb7: {  	s31 =	sshll.u32 s1, $0xD;
	s1 =	sshrl.u32 s1, $0x2  }
0xb8: {  	s3 =	sand.u32 $0x4000, s31;
	s1 =	sadd.s32 s1, s30  }
0xb9: {  	s0 =	sor.u32 s3, s0;
	s1 =	sshll.u32 s1, $0x11  }
0xba: {  	s0 =	sor.u32 s1, s0  }
0xbb: {  	s0 =	sadd.s32 $0x8F2B, s0  }
0xbc: {  	[sflag:s0] =	ssyncadd.remote.s32 $0x1  }
0xbd: {  	_ =	sfence.sel $0xFFFF  }
0xbe: {  	[dreg:$0x0] =	wrdreg $0xFFFFFFFF;
	(pc) =	sbr.abs _section_cstart, $3  }
0xbf: {  	[dreg:$0x1] =	wrdreg $0xFFFFFFFF  }
0xc0: {  	_ =	task.clear_ibuf [dreg:s6], $0x2FFFF;
	_ =	strace $0x9FFFFFFF  }
0xc1: {  	(tm) =	ssettm $0x7FFFFFFF  }
tec
execute0_lowered:
.L_overlay_start_1:
0x0: {  	(tag) =	ssettag $0x1  }
0x1: {  	s1 =	srdreg.scid;
	s0 =	stileid.u32  }
0x2: {  	s17 =	sand.u32 $0x1, s1;
	s31 =	sshll.u32 s0, $0x1  }
0x3: {  	s6 =	sor.u32 s17, s31  }
0x4: {  	s9 =	rddreg [dreg:$0x0];
	s3 =	smul.u32 $0x600, s6  }
0x5: {  	s2 =	simm.s32 $0x0;
	s1 =	rddreg [dreg:$0x1]  }
0x6: {  	[smem:$0x7FF] =	sst s2;
	s3 =	sadd.s32 s3, s9  }
0x7: {  	_ =	strace $0x8000004A;
	s4 =	sadd.s32 $0x496600, s3;
	s3 =	simm.s32 $0x2  }
0x8: {  	[tilespmem:s2], [sflag:$0x2] =	stream.linear.gather [hbm4b:s4+s2], $0x3000, $0x38;
	[tilespmem:$0xB000] =	vst v63  }
0x9: {  	s7 =	simm.s32 $0x3000;
	_ =	swait.ge [sflag:s3], $0x3000  }
0xa: {  	s8 =	simm.s32 $0x1;
	s5 =	sadd.s32 $0x2800, s9;
	[sflag:s3] =	ssyncset.done $0x0  }
0xb: {  	s10 =	smul.u32 $0x6000, s6;
	s6 =	simm.s32 $0x800;
	[sflag:s3] =	ssyncadd.s32 $0xFFFFD000  }
0xc: {  	[tilespmem:s7], [sflag:$0x1] =	stream.indirect.gather [hbm4b:s5+s6], $0x10, s2, s6, $0xb8;
	[tilespmem:$0xB000] =	vst v63  }
0xd: {  	_ =	swait.ge [sflag:s8], $0x8000  }
0xe: {  	s18 =	sadd.s32 s10, s9;
	[sflag:s8] =	ssyncset.done $0x0  }
0xf: {  	s9 =	sadd.s32 $0x4A2600, s18;
	[sflag:s8] =	ssyncadd.s32 $0xFFFF8000  }
0x10: {  	[hbm4b:s9+s2] =	stream.linear.scatter [tilespmem:s7], [sflag:$0x2], $0x8000, $0x38;
	[tilespmem:$0xB000] =	vst v63  }
0x11: {  	_ =	swait.ge [sflag:s3], $0x8000  }
0x12: {  	[sflag:s3] =	ssyncset.done $0x0  }
0x13: {  	[sflag:s3] =	ssyncadd.s32 $0xFFFF8000  }
0x14: {  	[tilespmem:s7], [sflag:$0x1] =	stream.indirect.gather [hbm4b:s5+s6], $0x10, s6, s6, $0xb8;
	[tilespmem:$0xB000] =	vst v63  }
0x15: {  	_ =	swait.ge [sflag:s8], $0x8000  }
0x16: {  	[sflag:s8] =	ssyncset.done $0x0  }
0x17: {  	s10 =	sadd.s32 $0x4A3600, s18;
	[sflag:s8] =	ssyncadd.s32 $0xFFFF8000  }
0x18: {  	[hbm4b:s10+s2] =	stream.linear.scatter [tilespmem:s7], [sflag:$0x2], $0x8000, $0x38;
	[tilespmem:$0xB000] =	vst v63  }
0x19: {  	_ =	swait.ge [sflag:s3], $0x8000  }
0x1a: {  	[sflag:s3] =	ssyncset.done $0x0  }
0x1b: {  	s11 =	simm.s32 $0x1000;
	[sflag:s3] =	ssyncadd.s32 $0xFFFF8000  }
0x1c: {  	[tilespmem:s7], [sflag:$0x1] =	stream.indirect.gather [hbm4b:s5+s6], $0x10, s11, s6, $0xb8;
	[tilespmem:$0xB000] =	vst v63  }
0x1d: {  	_ =	swait.ge [sflag:s8], $0x8000  }
0x1e: {  	[sflag:s8] =	ssyncset.done $0x0  }
0x1f: {  	s12 =	sadd.s32 $0x4A4600, s18;
	[sflag:s8] =	ssyncadd.s32 $0xFFFF8000  }
0x20: {  	[hbm4b:s12+s2] =	stream.linear.scatter [tilespmem:s7], [sflag:$0x2], $0x8000, $0x38;
	[tilespmem:$0xB000] =	vst v63  }
0x21: {  	_ =	swait.ge [sflag:s3], $0x8000  }
0x22: {  	[sflag:s3] =	ssyncset.done $0x0  }
0x23: {  	s13 =	simm.s32 $0x1800;
	[sflag:s3] =	ssyncadd.s32 $0xFFFF8000  }
0x24: {  	[tilespmem:s7], [sflag:$0x1] =	stream.indirect.gather [hbm4b:s5+s6], $0x10, s13, s6, $0xb8;
	[tilespmem:$0xB000] =	vst v63  }
0x25: {  	_ =	swait.ge [sflag:s8], $0x8000  }
0x26: {  	[sflag:s8] =	ssyncset.done $0x0  }
0x27: {  	s14 =	sadd.s32 $0x4A5600, s18;
	[sflag:s8] =	ssyncadd.s32 $0xFFFF8000  }
0x28: {  	[hbm4b:s14+s2] =	stream.linear.scatter [tilespmem:s7], [sflag:$0x2], $0x8000, $0x38;
	[tilespmem:$0xB000] =	vst v63  }
0x29: {  	_ =	swait.ge [sflag:s3], $0x8000  }
0x2a: {  	[sflag:s3] =	ssyncset.done $0x0  }
0x2b: {  	s15 =	simm.s32 $0x2000;
	[sflag:s3] =	ssyncadd.s32 $0xFFFF8000  }
0x2c: {  	[tilespmem:s7], [sflag:$0x1] =	stream.indirect.gather [hbm4b:s5+s6], $0x10, s15, s6, $0xb8;
	[tilespmem:$0xB000] =	vst v63  }
0x2d: {  	_ =	swait.ge [sflag:s8], $0x8000  }
0x2e: {  	[sflag:s8] =	ssyncset.done $0x0  }
0x2f: {  	s19 =	ssub.s32 $0x2, s17;
	s16 =	sadd.s32 $0x4A6600, s18;
	[sflag:s8] =	ssyncadd.s32 $0xFFFF8000  }
0x30: {  	[hbm4b:s16+s2] =	stream.linear.scatter [tilespmem:s7], [sflag:$0x2], $0x8000, $0x38;
	[tilespmem:$0xB000] =	vst v63  }
0x31: {  	s20 =	sshrl.u32 s19, $0x1;
	_ =	swait.ge [sflag:s3], $0x8000  }
0x32: {  	s19 =	ssub.s32 s19, s20;
	[sflag:s3] =	ssyncset.done $0x0  }
0x33: {  	s17 =	simm.s32 $0x2800;
	s19 =	smax.u32 s19, $0x1;
	[sflag:s3] =	ssyncadd.s32 $0xFFFF8000  }
0x34: {  	[tilespmem:s7], [sflag:$0x1] =	stream.indirect.gather [hbm4b:s5+s6], $0x10, s17, s6, $0xb8;
	[tilespmem:$0xB000] =	vst v63  }
0x35: {  	p0 =	sne.s32 s19, $0x1;
	_ =	swait.ge [sflag:s8], $0x8000  }
.Ltmp0:
0x36: {  	[sflag:s8] =	ssyncset.done $0x0;
	(pc) =	sbr.rel @!p0 .LBB2_2-.Ltmp0, $4  }
0x37: {  	s18 =	sadd.s32 $0x4A7600, s18;
	[sflag:s8] =	ssyncadd.s32 $0xFFFF8000  }
0x38: {  	[hbm4b:s18+s2] =	stream.linear.scatter [tilespmem:s7], [sflag:$0x2], $0x8000, $0x38;
	[tilespmem:$0xB000] =	vst v63  }
0x39: {  	_ =	swait.ge [sflag:s3], $0x8000  }
0x3a: {  	s19 =	sadd.s32 $0xFFFFFFFF, s19;
	[sflag:s3] =	ssyncset.done $0x0  }
.LBB2_1:
0x3b: {  	p0 =	sne.s32 s19, $0x1;
	s19 =	sadd.s32 $0xFFFFFFFF, s19;
	[sflag:s3] =	ssyncadd.s32 $0xFFFF8000  }
0x3c: {  	[tilespmem:s2], [sflag:$0x2] =	stream.linear.gather [hbm4b:s4+s2], $0x3000, $0x38;
	[tilespmem:$0xB000] =	vst v63  }
0x3d: {  	_ =	swait.ge [sflag:s3], $0x3000  }
0x3e: {  	[sflag:s3] =	ssyncset.done $0x0  }
0x3f: {  	[sflag:s3] =	ssyncadd.s32 $0xFFFFD000  }
0x40: {  	[tilespmem:s7], [sflag:$0x1] =	stream.indirect.gather [hbm4b:s5+s6], $0x10, s2, s6, $0xb8;
	[tilespmem:$0xB000] =	vst v63  }
0x41: {  	_ =	swait.ge [sflag:s8], $0x8000  }
0x42: {  	[sflag:s8] =	ssyncset.done $0x0  }
0x43: {  	[sflag:s8] =	ssyncadd.s32 $0xFFFF8000  }
0x44: {  	[hbm4b:s9+s2] =	stream.linear.scatter [tilespmem:s7], [sflag:$0x2], $0x8000, $0x38;
	[tilespmem:$0xB000] =	vst v63  }
0x45: {  	_ =	swait.ge [sflag:s3], $0x8000  }
0x46: {  	[sflag:s3] =	ssyncset.done $0x0  }
0x47: {  	[sflag:s3] =	ssyncadd.s32 $0xFFFF8000  }
0x48: {  	[tilespmem:s7], [sflag:$0x1] =	stream.indirect.gather [hbm4b:s5+s6], $0x10, s6, s6, $0xb8;
	[tilespmem:$0xB000] =	vst v63  }
0x49: {  	_ =	swait.ge [sflag:s8], $0x8000  }
0x4a: {  	[sflag:s8] =	ssyncset.done $0x0  }
0x4b: {  	[sflag:s8] =	ssyncadd.s32 $0xFFFF8000  }
0x4c: {  	[hbm4b:s10+s2] =	stream.linear.scatter [tilespmem:s7], [sflag:$0x2], $0x8000, $0x38;
	[tilespmem:$0xB000] =	vst v63  }
0x4d: {  	_ =	swait.ge [sflag:s3], $0x8000  }
0x4e: {  	[sflag:s3] =	ssyncset.done $0x0  }
0x4f: {  	[sflag:s3] =	ssyncadd.s32 $0xFFFF8000  }
0x50: {  	[tilespmem:s7], [sflag:$0x1] =	stream.indirect.gather [hbm4b:s5+s6], $0x10, s11, s6, $0xb8;
	[tilespmem:$0xB000] =	vst v63  }
0x51: {  	_ =	swait.ge [sflag:s8], $0x8000  }
0x52: {  	[sflag:s8] =	ssyncset.done $0x0  }
0x53: {  	[sflag:s8] =	ssyncadd.s32 $0xFFFF8000  }
0x54: {  	[hbm4b:s12+s2] =	stream.linear.scatter [tilespmem:s7], [sflag:$0x2], $0x8000, $0x38;
	[tilespmem:$0xB000] =	vst v63  }
0x55: {  	_ =	swait.ge [sflag:s3], $0x8000  }
0x56: {  	[sflag:s3] =	ssyncset.done $0x0  }
0x57: {  	[sflag:s3] =	ssyncadd.s32 $0xFFFF8000  }
0x58: {  	[tilespmem:s7], [sflag:$0x1] =	stream.indirect.gather [hbm4b:s5+s6], $0x10, s13, s6, $0xb8;
	[tilespmem:$0xB000] =	vst v63  }
0x59: {  	_ =	swait.ge [sflag:s8], $0x8000  }
0x5a: {  	[sflag:s8] =	ssyncset.done $0x0  }
0x5b: {  	[sflag:s8] =	ssyncadd.s32 $0xFFFF8000  }
0x5c: {  	[hbm4b:s14+s2] =	stream.linear.scatter [tilespmem:s7], [sflag:$0x2], $0x8000, $0x38;
	[tilespmem:$0xB000] =	vst v63  }
0x5d: {  	_ =	swait.ge [sflag:s3], $0x8000  }
0x5e: {  	[sflag:s3] =	ssyncset.done $0x0  }
0x5f: {  	[sflag:s3] =	ssyncadd.s32 $0xFFFF8000  }
0x60: {  	[tilespmem:s7], [sflag:$0x1] =	stream.indirect.gather [hbm4b:s5+s6], $0x10, s15, s6, $0xb8;
	[tilespmem:$0xB000] =	vst v63  }
0x61: {  	_ =	swait.ge [sflag:s8], $0x8000  }
0x62: {  	[sflag:s8] =	ssyncset.done $0x0  }
0x63: {  	[sflag:s8] =	ssyncadd.s32 $0xFFFF8000  }
0x64: {  	[hbm4b:s16+s2] =	stream.linear.scatter [tilespmem:s7], [sflag:$0x2], $0x8000, $0x38;
	[tilespmem:$0xB000] =	vst v63  }
0x65: {  	_ =	swait.ge [sflag:s3], $0x8000  }
0x66: {  	[sflag:s3] =	ssyncset.done $0x0  }
0x67: {  	[sflag:s3] =	ssyncadd.s32 $0xFFFF8000  }
0x68: {  	[tilespmem:s7], [sflag:$0x1] =	stream.indirect.gather [hbm4b:s5+s6], $0x10, s17, s6, $0xb8;
	[tilespmem:$0xB000] =	vst v63  }
0x69: {  	_ =	swait.ge [sflag:s8], $0x8000  }
.Ltmp1:
0x6a: {  	[sflag:s8] =	ssyncset.done $0x0;
	(pc) =	sbr.rel @p0 .LBB2_1-.Ltmp1, $4  }
0x6b: {  	[sflag:s8] =	ssyncadd.s32 $0xFFFF8000  }
0x6c: {  	[hbm4b:s18+s2] =	stream.linear.scatter [tilespmem:s7], [sflag:$0x2], $0x8000, $0x38;
	[tilespmem:$0xB000] =	vst v63  }
0x6d: {  	_ =	swait.ge [sflag:s3], $0x8000  }
0x6e: {  	[sflag:s3] =	ssyncset.done $0x0  }
.LBB2_2:
0x6f: {  	[sflag:s3] =	ssyncadd.s32 $0xFFFF8000  }
0x70: {  	_ =	sfence.sel $0x180000  }
0x71: {  	[bflag:$0x0] =	sbarrier.arrive $0xFFFF  }
0x72: {  	p0 =	sne.s32 s0, $0x0;
	_ =	strace $0x9000004A  }
0x73: {  	s0 =	sadd.s32 @!p0 $0x100000, s1;
	[bflag:$0x2] =	sbarrier.arrive $0xFFFF  }
0x74: {  	[sflag:s0] =	ssyncadd.tile.s32 @!p0 $0x1;
	_ =	shalt  }
.Lfunc_end2:
_tile_overlayer_lowered:
.L_overlay_start_2:
0x75: {  	(tag) =	ssettag $0x2  }
0x76: {  	s0 =	rddreg [dreg:$0x0];
	s2 =	stileid.u32  }
0x77: {  	s1 =	rddreg [dreg:$0x1];
	p0 =	sne.s32 s2, $0x0  }
0x78: {  	s3 =	rddreg [dreg:$0x2];
	[bflag:$0x3] =	sbarrier.arrive $0xFFFF;
	s2 =	simm.s32 @!p0 $0x1C02  }
0x79: {  	[timem:s3], [sflag:s2] =	dma.local @!p0 [hbm:s0], s1  }
0x7a: {  	s0 =	simm.s32 @!p0 $0x2  }
0x7b: {  	_ =	swait.ge @!p0 [sflag:s0], s1  }
0x7c: {  	s1 =	ssub.s32 @!p0 $0x0, s1;
	[sflag:s0] =	ssyncset.done @!p0 $0x0  }
0x7d: {  	[sflag:s0] =	ssyncadd.s32 @!p0 s1  }
0x7e: {  	[bflag:$0x3] =	sbarrier.arrive $0xFFFF  }
0x7f: {  	_ =	shalt  }

// kernel: kernel.7.cloned.1.call-start
scs
__scs_entry_jumppad:
0x0: {  	(pc) =	sbr.rel $0x88, $3  }
0x1: {  	(tag) =	ssettag $0x0;
	lr =	simm.s32 $0x1  }
0x2: {  	[smem:$0x3F95] =	sst lr;
	_ =	strace $0xD0000000  }
0x3: {  	_ = 	snop  }
0x4: {  	_ = 	snop  }
0x5: {  	_ = 	snop  }
0x6: {  	_ = 	snop  }
0x7: {  	_ = 	snop  }
__scs_overlays_trampoline_lowered:
0x8: {  	[smem:$0x3FA4] =	sst s0  }
0x9: {  	[smem:$0x3FA5] =	sst s1  }
0xa: {  	[smem:$0x3FA6] =	sst s2  }
0xb: {  	[smem:$0x3FA7] =	sst s3  }
0xc: {  	[smem:$0x3FA8] =	sst s4  }
0xd: {  	[smem:$0x3FA9] =	sst s5  }
0xe: {  	[smem:$0x3FAA] =	sst s6  }
0xf: {  	[smem:$0x3FAB] =	sst s7  }
0x10: {  	[smem:$0x3FAC] =	sst s8  }
0x11: {  	[smem:$0x3FAD] =	sst s9;
	s0 =	simm.s32 @!p0 $0x0  }
0x12: {  	s1 =	sld [smem:$0x3F93];
	s0 =	simm.s32 @p0 $0x1  }
0x13: {  	[smem:$0x3FAE] =	sst s0;
	s0 =	simm.s32 @!p1 $0x0  }
0x14: {  	s2 =	sld [smem:$0x3F92];
	s0 =	simm.s32 @p1 $0x1  }
0x15: {  	[smem:$0x3FAF] =	sst s0;
	s0 =	simm.s32 @!p2 $0x0  }
0x16: {  	s3 =	sld [smem:$0x3FDB];
	s0 =	simm.s32 @p2 $0x1  }
0x17: {  	s4 =	simm.s32 $0x1BF5;
	[smem:$0x3FB1] =	sst s0  }
0x18: {  	s0 =	sld [smem:$0x3F94];
	_ =	swait.ge [sflag:s4], $0x0  }
0x19: {  	s7 =	sld [smem:$0x3F95]  }
0x1a: {  	s8 =	sadd.s32 $0xFFFFE003, lr  }
0x1b: {  	s9 =	sadd.s32 $0xFFFFFEF7, lr;
	s5 =	simm.s32 $0xFFFFFFFF;
	p2 =	slt.u32 s8, $0xFFFFF086  }
0x1c: {  	p1 =	slt.u32 s9, $0xF7A;
	s5 =	simm.s32 @!p2 $0x0  }
0x1d: {  	s5 =	simm.s32 @p1 $0x1;
	p0 =	seq.s32 s7, s2  }
0x1e: {  	s7 =	smul.u32 @!p0 $0xF7A, s2;
	p2 =	seq.s32 @!p0 s5, $0x0  }
0x1f: {  	s9 =	smul.u32 $0xF7A, s1;
	s8 =	simm.s32 @!p0 $0x1BF5;
	p2 =	por !p2, p0  }
0x20: {  	[sflag:s8] =	ssyncset.s32 @!p0 $0xFFFFF086;
	s6 =	sadd.s32 @!p0 s3, s7;
	s7 =	simm.s32 @!p0 $0x108  }
0x21: {  	s3 =	sadd.s32 s3, s9;
	s6 =	sadd.s32 @!p0 $0x88, s6;
	s7 =	simm.s32 @p2 $0x1082  }
0x22: {  	[simem:s7], [sflag:s8] =	dma.local @!p0 [hbm:s6], $0xF7A  }
0x23: {  	s9 =	sor.u32 $0xD0000000, s2;
	s6 =	simm.s32 $0x108;
	_ =	swait.ge @!p0 [sflag:s8], $0x0  }
0x24: {  	s3 =	sadd.s32 $0x88, s3;
	s6 =	simm.s32 @!p1 $0x1082;
	[sflag:s4] =	ssyncset.s32 $0xFFFFF086  }
0x25: {  	[simem:s6], [sflag:s4] =	dma.local [hbm:s3], $0xF7A  }
0x26: {  	[smem:$0x3F95] =	sst s1;
	(tag) =	ssettag s2;
	_ =	strace s9  }
0x27: {  	s1 =	sld [smem:$0x3FA5]  }
0x28: {  	s2 =	sld [smem:$0x3FA6]  }
0x29: {  	s4 =	sld [smem:$0x3FA8]  }
0x2a: {  	p0 =	seq.s32 s5, $0x0;
	s5 =	sld [smem:$0x3FA9]  }
0x2b: {  	s6 =	sld [smem:$0x3FAA]  }
0x2c: {  	s7 =	sld [smem:$0x3FAB]  }
0x2d: {  	s3 =	simm.s32 $0x108;
	s8 =	sld [smem:$0x3FAC]  }
0x2e: {  	s3 =	simm.s32 @!p0 $0x1082;
	s9 =	sld [smem:$0x3FAD]  }
0x2f: {  	lr =	sadd.s32 s0, s3;
	s0 =	sld [smem:$0x3FA4]  }
0x30: {  	s3 =	sld [smem:$0x3FA7]  }
0x31: {  	[smem:$0x3FB0] =	sst s10  }
0x32: {  	s10 =	sld [smem:$0x3FAE];
	_ =	sdelay $0x3  }
0x33: {  	p0 =	seq.s32 s10, $0x1;
	s10 =	sld [smem:$0x3FB0];
	_ =	sdelay $0x3  }
0x34: {  	[smem:$0x3FB0] =	sst s10  }
0x35: {  	s10 =	sld [smem:$0x3FAF];
	_ =	sdelay $0x3  }
0x36: {  	p1 =	seq.s32 s10, $0x1;
	s10 =	sld [smem:$0x3FB0];
	_ =	sdelay $0x3  }
0x37: {  	[smem:$0x3FB0] =	sst s10  }
0x38: {  	s10 =	sld [smem:$0x3FB1]  }
0x39: {  	_ = 	snop;
	(pc) =	sbr.ind lr, $3  }
0x3a: {  	_ = 	snop  }
0x3b: {  	_ = 	snop  }
0x3c: {  	p2 =	seq.s32 s10, $0x1;
	s10 =	sld [smem:$0x3FB0]  }
0x3d: {  	_ =	shalt  }
0x3e: {  	_ =	shalt  }
0x3f: {  	_ =	shalt  }
0x40: {  	_ =	shalt  }
0x41: {  	_ =	shalt  }
0x42: {  	_ =	shalt  }
0x43: {  	_ =	shalt  }
0x44: {  	_ =	shalt  }
0x45: {  	_ =	shalt  }
0x46: {  	_ =	shalt  }
0x47: {  	_ =	shalt  }
0x48: {  	_ =	shalt  }
0x49: {  	_ =	shalt  }
0x4a: {  	_ =	shalt  }
0x4b: {  	_ =	shalt  }
0x4c: {  	_ =	shalt  }
0x4d: {  	_ =	shalt  }
0x4e: {  	_ =	shalt  }
0x4f: {  	_ =	shalt  }
0x50: {  	_ =	shalt  }
0x51: {  	_ =	shalt  }
0x52: {  	_ =	shalt  }
0x53: {  	_ =	shalt  }
0x54: {  	_ =	shalt  }
0x55: {  	_ =	shalt  }
0x56: {  	_ =	shalt  }
0x57: {  	_ =	shalt  }
0x58: {  	_ =	shalt  }
0x59: {  	_ =	shalt  }
0x5a: {  	_ =	shalt  }
0x5b: {  	_ =	shalt  }
0x5c: {  	_ =	shalt  }
0x5d: {  	_ =	shalt  }
0x5e: {  	_ =	shalt  }
0x5f: {  	_ =	shalt  }
0x60: {  	_ =	shalt  }
0x61: {  	_ =	shalt  }
0x62: {  	_ =	shalt  }
0x63: {  	_ =	shalt  }
0x64: {  	_ =	shalt  }
0x65: {  	_ =	shalt  }
0x66: {  	_ =	shalt  }
0x67: {  	_ =	shalt  }
0x68: {  	_ =	shalt  }
0x69: {  	_ =	shalt  }
0x6a: {  	_ =	shalt  }
0x6b: {  	_ =	shalt  }
0x6c: {  	_ =	shalt  }
0x6d: {  	_ =	shalt  }
0x6e: {  	_ =	shalt  }
0x6f: {  	_ =	shalt  }
0x70: {  	_ =	shalt  }
0x71: {  	_ =	shalt  }
0x72: {  	_ =	shalt  }
0x73: {  	_ =	shalt  }
0x74: {  	_ =	shalt  }
0x75: {  	_ =	shalt  }
0x76: {  	_ =	shalt  }
0x77: {  	_ =	shalt  }
0x78: {  	_ =	shalt  }
0x79: {  	_ =	shalt  }
0x7a: {  	_ =	shalt  }
0x7b: {  	_ =	shalt  }
0x7c: {  	_ =	shalt  }
0x7d: {  	_ =	shalt  }
0x7e: {  	_ =	shalt  }
0x7f: {  	_ =	shalt  }
0x80: {  	_ =	shalt  }
0x81: {  	_ =	shalt  }
0x82: {  	_ =	shalt  }
0x83: {  	_ =	shalt  }
0x84: {  	_ =	shalt  }
0x85: {  	_ =	shalt  }
0x86: {  	_ =	shalt  }
0x87: {  	_ =	shalt  }
.Lfunc_end0:
.L_simem_size_0:
called_computation_lowered:
.L_overlay_start_0:
0x88: {  	s2 =	sld [smem:$0x3FD9]  }
0x89: {  	s3 =	sld [smem:$0x3FFE];
	_ =	sdelay $0x1  }
0x8a: {  	s1 =	srdreg.scid  }
0x8b: {  	s0 =	sand.u32 $0x1, s1  }
0x8c: {  	s17 =	sshll.u32 s0, $0xA;
	s2 =	sadd.s32 s3, s2  }
0x8d: {  	s2 =	sadd.s32 s2, s17  }
0x8e: {  	[smem:$0x3FBC] =	sst s2  }
0x8f: {  	_ = 	snop  }
0x90: {  	s2 =	sld [smem:$0x3FC8];
	(tm) =	ssettm $0x1  }
0x91: {  	s18 =	sld [smem:$0x3FFB];
	_ =	sdelay $0x3  }
0x92: {  	_ =	strace s18  }
0x93: {  	s3 =	sld [smem:$0x3FFC];
	_ =	sdelay $0x3  }
0x94: {  	_ =	strace s3  }
0x95: {  	s3 =	sld [smem:$0x3FFD];
	_ =	sdelay $0x3  }
0x96: {  	_ =	strace s3  }
0x97: {  	_ =	strace $0x8FFFFFFF  }
0x98: {  	s19 =	sld [smem:$0x3FDB];
	_ =	sdelay $0x1  }
0x99: {  	s4 =	simm.s32 $_scs_section_size  }
0x9a: {  	s5 =	simm.s32 $_size__tile_overlayer_lowered;
	s6 =	simm.s32 $_tile_overlayer_lowered  }
0x9b: {  	s22 =	simm.s32 $0x1BFF;
	s21 =	sshll.u32 s6, $0x1;
	s3 =	sadd.s32 s4, s19  }
0x9c: {  	s7 =	simm.s32 $0x0;
	s20 =	sshll.u32 s5, $0x1;
	s5 =	sadd.s32 s21, s3  }
0x9d: {  	[timem:s7], [sflag:s22] =	dma.local [hbm:s5], s20  }
0x9e: {  	_ =	swait.ge [sflag:s22], s20  }
0x9f: {  	s4 =	ssub.s32 $0x0, s20;
	[sflag:s22] =	ssyncset.done $0x0  }
0xa0: {  	[sflag:s22] =	ssyncadd.s32 s4;
	_ =	sdelay $0x1  }
0xa1: {  	s23 =	simm.s32 $0x1B8B  }
0xa2: {  	_ =	swait.ge [sflag:s23], $0x1  }
0xa3: {  	[sflag:s23] =	ssyncset.done $0x0  }
0xa4: {  	s25 =	simm.s32 $0x1B8E;
	s24 =	sld [smem:$0x3FFE];
	[sflag:s23] =	ssyncadd.s32 $0xFFFFFFFF  }
0xa5: {  	s26 =	simm.s32 $execute0_lowered;
	[smem:$0x3FD2] =	sst s25  }
0xa6: {  	s5 =	sshll.u32 s26, $0x1;
	_ =	strace $0x80000046;
	[dreg:$0x1] =	wrdreg $0xFFFFFFFF  }
0xa7: {  	s28 =	simm.s32 $_size_execute0_lowered;
	s3 =	sadd.s32 s3, s5;
	[dreg:$0x0] =	wrdreg $0x0  }
0xa8: {  	s5 =	sshll.u32 s28, $0x1;
	[dreg:$0x2] =	wrdreg s3  }
0xa9: {  	[dreg:$0x3] =	wrdreg s5  }
0xaa: {  	[dreg:$0x4] =	wrdreg $0xC0  }
0xab: {  	_ =	task [dreg:s7], $0x5FFFF  }
0xac: {  	[dreg:$0x1] =	wrdreg $0xFFFFFFFF  }
0xad: {  	[dreg:$0x0] =	wrdreg $0x60  }
0xae: {  	[dreg:$0x2] =	wrdreg s2  }
0xaf: {  	[dreg:$0x3] =	wrdreg s24  }
0xb0: {  	[dreg:$0x4] =	wrdreg $0x9  }
0xb1: {  	_ =	task.clear_ibuf [dreg:s7], $0x5FFFF;
	_ =	strace $0x90000046  }
0xb2: {  	s29 =	simm.s32 $0x9;
	_ =	strace $0x80000048  }
0xb3: {  	_ =	swait.ge [sflag:s29], $0x1  }
0xb4: {  	[sflag:s29] =	ssyncadd.s32 $0xFFFFFFFF  }
0xb5: {  	_ =	strace $0x90000048  }
0xb6: {  	_ =	sfence  }
0xb7: {  	s30 =	sld [smem:$0x0];
	_ =	sdelay $0x2  }
0xb8: {  	s31 =	sshll.u32 s1, $0xD;
	s1 =	sshrl.u32 s1, $0x2  }
0xb9: {  	s3 =	sand.u32 $0x4000, s31;
	s1 =	sadd.s32 s1, s30  }
0xba: {  	s0 =	sor.u32 s3, s0;
	s1 =	sshll.u32 s1, $0x11  }
0xbb: {  	s0 =	sor.u32 s1, s0  }
0xbc: {  	s0 =	sadd.s32 $0x8F2B, s0  }
0xbd: {  	[sflag:s0] =	ssyncadd.remote.s32 $0x1  }
0xbe: {  	_ =	sfence.sel $0xFFFF  }
0xbf: {  	[dreg:$0x0] =	wrdreg $0xFFFFFFFF;
	(pc) =	sbr.abs _section_cstart, $3  }
0xc0: {  	[dreg:$0x1] =	wrdreg $0xFFFFFFFF  }
0xc1: {  	_ =	task.clear_ibuf [dreg:s7], $0x2FFFF;
	_ =	strace $0x9FFFFFFF  }
0xc2: {  	(tm) =	ssettm $0x7FFFFFFF  }
0xc3: {  	_ =	shalt  }
tec
execute0_lowered:
.L_overlay_start_1:
0x0: {  	(tag) =	ssettag $0x1  }
0x1: {  	s0 =	srdreg.scid;
	s1 =	stileid.u32  }
0x2: {  	s2 =	rddreg [dreg:$0x0];
	s0 =	sand.u32 $0x1, s0;
	s1 =	sshll.u32 s1, $0x1  }
0x3: {  	s5 =	rddreg [dreg:$0x1];
	s4 =	simm.s32 $0x0;
	v0 =	vlaneseq.u32;
	s3 =	sor.u32 s0, s1  }
0x4: {  	s10 =	simm.s32 $0x1;
	v0 =	vmul.u32 $0x10, v0;
	s0 =	ssub.s32 $0x2, s0;
	s1 =	smul.u32 $0x2C00, s3  }
0x5: {  	s11 =	simm.s32 $0xB000;
	s12 =	simm.s32 $0x2;
	s6 =	sshrl.u32 s0, $0x1  }
.Ltmp0:
0x6: {  	v1 =	vor.u32 $0x1, v0;
	v2 =	vor.u32 $0x2, v0;
	v3 =	vor.u32 $0x3, v0;
	s0 =	ssub.s32 s0, s6;
	s1 =	sshrl.u32 s1, $0x3;
	(pc) =	sbr.rel .LBB2_1-.Ltmp0, $4  }
0x7: {  	[smem:$0x7FF] =	sst s4;
	v4 =	vor.u32 $0x4, v0;
	v5 =	vor.u32 $0x5, v0;
	v6 =	vor.u32 $0x6, v0;
	s0 =	smax.u32 s0, $0x1;
	s1 =	sadd.s32 s2, s1  }
0x8: {  	_ =	strace $0x80000047;
	v7 =	vor.u32 $0x7, v0;
	v8 =	vor.u32 $0x8, v0;
	v9 =	vor.u32 $0x9, v0;
	[dreg:$0x5] =	wrdreg s0;
	s31 =	sadd.s32 $0x61C00, s1  }
0x9: {  	s13 =	simm.s32 $0x10800;
	v10 =	vor.u32 $0xA, v0;
	v11 =	vor.u32 $0xB, v0;
	v12 =	vor.u32 $0xC, v0;
	s1 =	sadd.s32 $0x7A300, s1;
	[dreg:$0x3] =	wrdreg s31  }
0xa: {  	s5 =	sadd.s32 $0x2800, s5;
	v13 =	vor.u32 $0xD, v0;
	v14 =	vor.u32 $0xE, v0;
	v15 =	vor.u32 $0xF, v0;
	s6 =	simm.s32 $0x0;
	[dreg:$0x4] =	wrdreg s1  }
.LBB2_9:
0xb: {  	s0 =	simm.s32 $0x3  }
0xc: {  	_ =	swait.ge [sflag:s0], $0x5800  }
0xd: {  	[sflag:s0] =	ssyncset.done $0x0  }
0xe: {  	s1 =	simm.s32 $0x4;
	[sflag:s0] =	ssyncadd.s32 $0xFFFFA800  }
0xf: {  	_ =	swait.ge [sflag:s1], $0x5800  }
0x10: {  	s6 =	rddreg [dreg:$0x6]  }
0x11: {  	s31 =	rddreg [dreg:$0x5];
	s6 =	sadd.s32 $0x1, s6  }
0x12: {  	p0 =	sne.s32 s6, s31  }
.Ltmp1:
0x13: {  	_ = 	snop;
	(pc) =	sbr.rel @!p0 .LBB2_10-.Ltmp1, $3  }
0x14: {  	_ =	sdelay $0x1  }
0x15: {  	[sflag:s1] =	ssyncset.done $0x0  }
0x16: {  	[sflag:s1] =	ssyncadd.s32 $0xFFFFA800  }
.LBB2_1:
.Ltmp2:
0x17: {  	[dreg:$0x6] =	wrdreg s6;
	(pc) =	sbr.rel .LBB2_2-.Ltmp2, $4  }
0x18: {  	s0 =	rddreg [dreg:$0x3]  }
0x19: {  	[tilespmem:s4], [sflag:$0x1] =	stream.linear.gather [hbm4b:s0+s4], $0x2C00, $0x38;
	[tilespmem:$0x16000] =	vst v63  }
0x1a: {  	s31 =	rddreg [dreg:$0x4];
	s1 =	simm.s32 $0x2C00;
	s17 =	simm.s32 $0x0  }
0x1b: {  	[tilespmem:s1], [sflag:$0x1] =	stream.linear.gather [hbm4b:s31+s4], $0x2C00, $0x38;
	[tilespmem:$0x16000] =	vst v63  }
.LBB2_8:
0x1c: {  	s17 =	sadd.s32 $0x1, s17  }
0x1d: {  	p0 =	sne.s32 s17, $0x1B  }
.Ltmp3:
0x1e: {  	_ = 	snop;
	(pc) =	sbr.rel @!p0 .LBB2_9-.Ltmp3, $1  }
0x1f: {  	_ =	sdelay $0x3  }
.LBB2_2:
0x20: {  	s0 =	sshll.u32 s17, $0x6  }
0x21: {  	s19 =	sor.u32 s3, s0  }
0x22: {  	s18 =	sor.u32 $0x20, s19  }
0x23: {  	p1 =	sgt.u32 s18, $0x6A7  }
0x24: {  	s0 =	smul.u32 @!p1 $0xE6C3, s18;
	_ =	sdelay $0x1  }
0x25: {  	s0 =	sshrl.u32 @!p1 s0, $0x16  }
0x26: {  	s1 =	smul.u32 @!p1 $0x47, s0;
	_ =	sdelay $0x1  }
0x27: {  	s1 =	ssub.s32 @!p1 s18, s1  }
0x28: {  	s0 =	smul.u32 @!p1 $0x187000, s0;
	s1 =	sand.u32 @!p1 $0xFFFF, s1  }
0x29: {  	_ =	swait.ge [sflag:s10], $0x2C00;
	s1 =	smul.u32 @!p1 $0x2C00, s1  }
0x2a: {  	[sflag:s10] =	ssyncset.done $0x0  }
0x2b: {  	[sflag:s10] =	ssyncadd.s32 $0xFFFFD400;
	s0 =	sadd.s32 @!p1 s1, s0  }
0x2c: {  	_ =	swait.ge [sflag:s10], $0x2C00;
	s0 =	sshrl.u32 @!p1 s0, $0x3  }
0x2d: {  	[sflag:s10] =	ssyncset.done $0x0;
	s6 =	simm.s32 @!p1 $0x0;
	s0 =	sadd.s32 @!p1 s2, s0  }
0x2e: {  	s7 =	simm.s32 @!p1 $0x5800;
	[sflag:s10] =	ssyncadd.s32 $0xFFFFD400;
	s1 =	sadd.s32 @!p1 $0x61C00, s0  }
0x2f: {  	[tilespmem:s7], [sflag:$0x2] =	stream.linear.gather @!p1 [hbm4b:s1+s6], $0x2C00, $0x38;
	[tilespmem:$0x16000] =	vst v63  }
0x30: {  	p0 =	seq.s32 s17, $0x0;
	s0 =	sadd.s32 @!p1 $0x7A300, s0;
	s1 =	simm.s32 @!p1 $0x8400  }
0x31: {  	[tilespmem:s1], [sflag:$0x2] =	stream.linear.gather @!p1 [hbm4b:s0+s6], $0x2C00, $0x38;
	[tilespmem:$0x16000] =	vst v63  }
0x32: {  	s1 =	simm.s32 @!p0 $0x3  }
0x33: {  	s20 =	simm.s32 $0x0;
	s21 =	simm.s32 $0x0;
	_ =	swait.ge @!p0 [sflag:s1], $0x5800  }
0x34: {  	s8 =	sand.u32 $0x40, s21;
	s0 =	sand.u32 $0x3C00, s20;
	[sflag:s1] =	ssyncset.done @!p0 $0x0  }
0x35: {  	s14 =	simm.s32 $0x0;
	s22 =	sor.u32 s8, s0;
	[sflag:s1] =	ssyncadd.s32 @!p0 $0xFFFFA800  }
0x36: {  	v17 =	vor.u32 s14, v0;
	v16 =	vld [tilespmem:s22+$0x0];
	_ =	sdelay $0x4  }
0x37: {  	[tilespmem:v17+s11+$0x0] =	vst.idx.msk $0xffff, v16  }
0x38: {  	v17 =	vor.u32 s14, v1;
	v16 =	vld [tilespmem:s22+$0x80];
	_ =	sdelay $0x4  }
0x39: {  	[tilespmem:v17+s11+$0x0] =	vst.idx.msk $0xffff, v16  }
0x3a: {  	v17 =	vor.u32 s14, v2;
	v16 =	vld [tilespmem:s22+$0x100];
	_ =	sdelay $0x4  }
0x3b: {  	[tilespmem:v17+s11+$0x0] =	vst.idx.msk $0xffff, v16  }
0x3c: {  	v17 =	vor.u32 s14, v3;
	v16 =	vld [tilespmem:s22+$0x180]  }
0x3d: {  	p2 =	por $0x0, $0x0;
	s1 =	simm.s32 $0x1  }
0x3e: {  	s1 =	simm.s32 @!p2 $0x0  }
0x3f: {  	s1 =	sshll.u32 s1, $0x6  }
0x40: {  	s1 =	sadd.s32 $0x0, s1  }
0x41: {  	s23 =	sor.u32 $0x200, s1;
	[tilespmem:v17+s11+$0x0] =	vst.idx.msk $0xffff, v16  }
0x42: {  	v17 =	vor.u32 s14, v4;
	v16 =	vld [tilespmem:s23+$0x0];
	_ =	sdelay $0x4  }
0x43: {  	s24 =	sor.u32 $0x280, s1;
	[tilespmem:v17+s11+$0x0] =	vst.idx.msk $0xffff, v16  }
0x44: {  	v17 =	vor.u32 s14, v5;
	v16 =	vld [tilespmem:s24+$0x0];
	_ =	sdelay $0x4  }
0x45: {  	s25 =	sor.u32 $0x300, s1;
	[tilespmem:v17+s11+$0x0] =	vst.idx.msk $0xffff, v16  }
0x46: {  	v17 =	vor.u32 s14, v6;
	v16 =	vld [tilespmem:s25+$0x0];
	_ =	sdelay $0x4  }
0x47: {  	s1 =	sor.u32 $0x380, s1;
	[tilespmem:v17+s11+$0x0] =	vst.idx.msk $0xffff, v16  }
0x48: {  	v17 =	vor.u32 s14, v7;
	v16 =	vld [tilespmem:s1+$0x0];
	_ =	sdelay $0x3  }
0x49: {  	s1 =	sadd.s32 $0x2C00, s0  }
0x4a: {  	s26 =	sor.u32 s8, s1;
	[tilespmem:v17+s11+$0x0] =	vst.idx.msk $0xffff, v16  }
0x4b: {  	v17 =	vor.u32 s14, v8;
	v16 =	vld [tilespmem:s26+$0x0];
	_ =	sdelay $0x3  }
0x4c: {  	s6 =	sadd.s32 $0x2C80, s0  }
0x4d: {  	s28 =	sor.u32 s8, s6;
	[tilespmem:v17+s11+$0x0] =	vst.idx.msk $0xffff, v16  }
0x4e: {  	v17 =	vor.u32 s14, v9;
	v16 =	vld [tilespmem:s28+$0x0];
	_ =	sdelay $0x3  }
0x4f: {  	s7 =	sadd.s32 $0x2D00, s0  }
0x50: {  	s9 =	sor.u32 s8, s7;
	[tilespmem:v17+s11+$0x0] =	vst.idx.msk $0xffff, v16  }
0x51: {  	v17 =	vor.u32 s14, v10;
	v16 =	vld [tilespmem:s9+$0x0];
	_ =	sdelay $0x3  }
0x52: {  	s9 =	sadd.s32 $0x2D80, s0  }
0x53: {  	s21 =	sor.u32 s8, s9;
	[tilespmem:v17+s11+$0x0] =	vst.idx.msk $0xffff, v16  }
0x54: {  	v17 =	vor.u32 s14, v11;
	v16 =	vld [tilespmem:s21+$0x0];
	_ =	sdelay $0x3  }
0x55: {  	s21 =	sadd.s32 $0x2E00, s0  }
0x56: {  	s22 =	sor.u32 s8, s21;
	[tilespmem:v17+s11+$0x0] =	vst.idx.msk $0xffff, v16  }
0x57: {  	v17 =	vor.u32 s14, v12;
	v16 =	vld [tilespmem:s22+$0x0];
	_ =	sdelay $0x3  }
0x58: {  	s22 =	sadd.s32 $0x2E80, s0  }
0x59: {  	s23 =	sor.u32 s8, s22;
	[tilespmem:v17+s11+$0x0] =	vst.idx.msk $0xffff, v16  }
0x5a: {  	v17 =	vor.u32 s14, v13;
	v16 =	vld [tilespmem:s23+$0x0];
	_ =	sdelay $0x3  }
0x5b: {  	s23 =	sadd.s32 $0x2F00, s0  }
0x5c: {  	s24 =	sor.u32 s8, s23;
	[tilespmem:v17+s11+$0x0] =	vst.idx.msk $0xffff, v16  }
0x5d: {  	v17 =	vor.u32 s14, v14;
	v16 =	vld [tilespmem:s24+$0x0];
	_ =	sdelay $0x3  }
0x5e: {  	s24 =	sadd.s32 $0x2F80, s0  }
0x5f: {  	s8 =	sor.u32 s8, s24;
	[tilespmem:v17+s11+$0x0] =	vst.idx.msk $0xffff, v16  }
0x60: {  	v17 =	vor.u32 s14, v15;
	v16 =	vld [tilespmem:s8+$0x0];
	_ =	sdelay $0x2  }
0x61: {  	s29 =	simm.s32 $0x10  }
0x62: {  	s14 =	sand.u32 $0x50, s29  }
0x63: {  	s25 =	simm.s32 $0x100;
	s8 =	sor.u32 s14, s0;
	[tilespmem:v17+s11+$0x0] =	vst.idx.msk $0xffff, v16  }
0x64: {  	v17 =	vor.u32 s25, v0;
	v16 =	vld [tilespmem:s8+$0x0];
	_ =	sdelay $0x4  }
0x65: {  	[tilespmem:v17+s11+$0x0] =	vst.idx.msk $0xffff, v16  }
0x66: {  	v17 =	vor.u32 s25, v1;
	v16 =	vld [tilespmem:s8+$0x80];
	_ =	sdelay $0x4  }
0x67: {  	[tilespmem:v17+s11+$0x0] =	vst.idx.msk $0xffff, v16  }
0x68: {  	v17 =	vor.u32 s25, v2;
	v16 =	vld [tilespmem:s8+$0x100];
	_ =	sdelay $0x4  }
0x69: {  	[tilespmem:v17+s11+$0x0] =	vst.idx.msk $0xffff, v16  }
0x6a: {  	v17 =	vor.u32 s25, v3;
	v16 =	vld [tilespmem:s8+$0x180]  }
0x6b: {  	s30 =	sand.u32 $0x7, s20  }
0x6c: {  	s8 =	sshll.u32 s30, $0x4  }
0x6d: {  	s8 =	sadd.s32 $0x0, s8  }
0x6e: {  	s26 =	sadd.s32 $0x10, s8  }
0x6f: {  	s28 =	sor.u32 $0x200, s26;
	[tilespmem:v17+s11+$0x0] =	vst.idx.msk $0xffff, v16  }
0x70: {  	v17 =	vor.u32 s25, v4;
	v16 =	vld [tilespmem:s28+$0x0];
	_ =	sdelay $0x4  }
0x71: {  	s31 =	sor.u32 $0x280, s26;
	[tilespmem:v17+s11+$0x0] =	vst.idx.msk $0xffff, v16  }
0x72: {  	v17 =	vor.u32 s25, v5;
	v16 =	vld [tilespmem:s31+$0x0];
	_ =	sdelay $0x4  }
0x73: {  	s15 =	sor.u32 $0x300, s26;
	[tilespmem:v17+s11+$0x0] =	vst.idx.msk $0xffff, v16  }
0x74: {  	v17 =	vor.u32 s25, v6;
	v16 =	vld [tilespmem:s15+$0x0];
	_ =	sdelay $0x4  }
0x75: {  	s26 =	sor.u32 $0x380, s26;
	[tilespmem:v17+s11+$0x0] =	vst.idx.msk $0xffff, v16  }
0x76: {  	v17 =	vor.u32 s25, v7;
	v16 =	vld [tilespmem:s26+$0x0];
	_ =	sdelay $0x4  }
0x77: {  	s16 =	sor.u32 s14, s1;
	[tilespmem:v17+s11+$0x0] =	vst.idx.msk $0xffff, v16  }
0x78: {  	v17 =	vor.u32 s25, v8;
	v16 =	vld [tilespmem:s16+$0x0];
	_ =	sdelay $0x4  }
0x79: {  	s28 =	sor.u32 s14, s6;
	[tilespmem:v17+s11+$0x0] =	vst.idx.msk $0xffff, v16  }
0x7a: {  	v17 =	vor.u32 s25, v9;
	v16 =	vld [tilespmem:s28+$0x0];
	_ =	sdelay $0x4  }
0x7b: {  	s29 =	sor.u32 s14, s7;
	[tilespmem:v17+s11+$0x0] =	vst.idx.msk $0xffff, v16  }
0x7c: {  	v17 =	vor.u32 s25, v10;
	v16 =	vld [tilespmem:s29+$0x0];
	_ =	sdelay $0x4  }
0x7d: {  	s30 =	sor.u32 s14, s9;
	[tilespmem:v17+s11+$0x0] =	vst.idx.msk $0xffff, v16  }
0x7e: {  	v17 =	vor.u32 s25, v11;
	v16 =	vld [tilespmem:s30+$0x0];
	_ =	sdelay $0x4  }
0x7f: {  	s31 =	sor.u32 s14, s21;
	[tilespmem:v17+s11+$0x0] =	vst.idx.msk $0xffff, v16  }
0x80: {  	v17 =	vor.u32 s25, v12;
	v16 =	vld [tilespmem:s31+$0x0];
	_ =	sdelay $0x4  }
0x81: {  	s15 =	sor.u32 s14, s22;
	[tilespmem:v17+s11+$0x0] =	vst.idx.msk $0xffff, v16  }
0x82: {  	v17 =	vor.u32 s25, v13;
	v16 =	vld [tilespmem:s15+$0x0];
	_ =	sdelay $0x4  }
0x83: {  	s16 =	sor.u32 s14, s23;
	[tilespmem:v17+s11+$0x0] =	vst.idx.msk $0xffff, v16  }
0x84: {  	v17 =	vor.u32 s25, v14;
	v16 =	vld [tilespmem:s16+$0x0];
	_ =	sdelay $0x4  }
0x85: {  	s14 =	sor.u32 s14, s24;
	[tilespmem:v17+s11+$0x0] =	vst.idx.msk $0xffff, v16  }
0x86: {  	v17 =	vor.u32 s25, v15;
	v16 =	vld [tilespmem:s14+$0x0];
	_ =	sdelay $0x2  }
0x87: {  	s26 =	simm.s32 $0x20  }
0x88: {  	s14 =	sand.u32 $0x60, s26  }
0x89: {  	s25 =	simm.s32 $0x200;
	s28 =	sor.u32 s14, s0;
	[tilespmem:v17+s11+$0x0] =	vst.idx.msk $0xffff, v16  }
0x8a: {  	v17 =	vor.u32 s25, v0;
	v16 =	vld [tilespmem:s28+$0x0];
	_ =	sdelay $0x4  }
0x8b: {  	[tilespmem:v17+s11+$0x0] =	vst.idx.msk $0xffff, v16  }
0x8c: {  	v17 =	vor.u32 s25, v1;
	v16 =	vld [tilespmem:s28+$0x80];
	_ =	sdelay $0x4  }
0x8d: {  	[tilespmem:v17+s11+$0x0] =	vst.idx.msk $0xffff, v16  }
0x8e: {  	v17 =	vor.u32 s25, v2;
	v16 =	vld [tilespmem:s28+$0x100];
	_ =	sdelay $0x4  }
0x8f: {  	[tilespmem:v17+s11+$0x0] =	vst.idx.msk $0xffff, v16  }
0x90: {  	v17 =	vor.u32 s25, v3;
	v16 =	vld [tilespmem:s28+$0x180]  }
0x91: {  	s29 =	sand.u32 $0x3, s20  }
0x92: {  	s26 =	sshll.u32 s29, $0x5  }
0x93: {  	s26 =	sadd.s32 $0x0, s26  }
0x94: {  	s26 =	sadd.s32 $0x20, s26  }
0x95: {  	s30 =	sor.u32 $0x200, s26;
	[tilespmem:v17+s11+$0x0] =	vst.idx.msk $0xffff, v16  }
0x96: {  	v17 =	vor.u32 s25, v4;
	v16 =	vld [tilespmem:s30+$0x0];
	_ =	sdelay $0x4  }
0x97: {  	s31 =	sor.u32 $0x280, s26;
	[tilespmem:v17+s11+$0x0] =	vst.idx.msk $0xffff, v16  }
0x98: {  	v17 =	vor.u32 s25, v5;
	v16 =	vld [tilespmem:s31+$0x0];
	_ =	sdelay $0x4  }
0x99: {  	s15 =	sor.u32 $0x300, s26;
	[tilespmem:v17+s11+$0x0] =	vst.idx.msk $0xffff, v16  }
0x9a: {  	v17 =	vor.u32 s25, v6;
	v16 =	vld [tilespmem:s15+$0x0];
	_ =	sdelay $0x4  }
0x9b: {  	s26 =	sor.u32 $0x380, s26;
	[tilespmem:v17+s11+$0x0] =	vst.idx.msk $0xffff, v16  }
0x9c: {  	v17 =	vor.u32 s25, v7;
	v16 =	vld [tilespmem:s26+$0x0];
	_ =	sdelay $0x4  }
0x9d: {  	s16 =	sor.u32 s14, s1;
	[tilespmem:v17+s11+$0x0] =	vst.idx.msk $0xffff, v16  }
0x9e: {  	v17 =	vor.u32 s25, v8;
	v16 =	vld [tilespmem:s16+$0x0];
	_ =	sdelay $0x4  }
0x9f: {  	s28 =	sor.u32 s14, s6;
	[tilespmem:v17+s11+$0x0] =	vst.idx.msk $0xffff, v16  }
0xa0: {  	v17 =	vor.u32 s25, v9;
	v16 =	vld [tilespmem:s28+$0x0];
	_ =	sdelay $0x4  }
0xa1: {  	s29 =	sor.u32 s14, s7;
	[tilespmem:v17+s11+$0x0] =	vst.idx.msk $0xffff, v16  }
0xa2: {  	v17 =	vor.u32 s25, v10;
	v16 =	vld [tilespmem:s29+$0x0];
	_ =	sdelay $0x4  }
0xa3: {  	s30 =	sor.u32 s14, s9;
	[tilespmem:v17+s11+$0x0] =	vst.idx.msk $0xffff, v16  }
0xa4: {  	v17 =	vor.u32 s25, v11;
	v16 =	vld [tilespmem:s30+$0x0];
	_ =	sdelay $0x4  }
0xa5: {  	s31 =	sor.u32 s14, s21;
	[tilespmem:v17+s11+$0x0] =	vst.idx.msk $0xffff, v16  }
0xa6: {  	v17 =	vor.u32 s25, v12;
	v16 =	vld [tilespmem:s31+$0x0];
	_ =	sdelay $0x4  }
0xa7: {  	s15 =	sor.u32 s14, s22;
	[tilespmem:v17+s11+$0x0] =	vst.idx.msk $0xffff, v16  }
0xa8: {  	v17 =	vor.u32 s25, v13;
	v16 =	vld [tilespmem:s15+$0x0];
	_ =	sdelay $0x4  }
0xa9: {  	s16 =	sor.u32 s14, s23;
	[tilespmem:v17+s11+$0x0] =	vst.idx.msk $0xffff, v16  }
0xaa: {  	v17 =	vor.u32 s25, v14;
	v16 =	vld [tilespmem:s16+$0x0];
	_ =	sdelay $0x4  }
0xab: {  	s14 =	sor.u32 s14, s24;
	[tilespmem:v17+s11+$0x0] =	vst.idx.msk $0xffff, v16  }
0xac: {  	v17 =	vor.u32 s25, v15;
	v16 =	vld [tilespmem:s14+$0x0];
	_ =	sdelay $0x2  }
0xad: {  	s28 =	simm.s32 $0x30  }
0xae: {  	s25 =	sand.u32 $0x70, s28  }
0xaf: {  	s14 =	simm.s32 $0x300;
	s0 =	sor.u32 s25, s0;
	[tilespmem:v17+s11+$0x0] =	vst.idx.msk $0xffff, v16  }
0xb0: {  	v17 =	vor.u32 s14, v0;
	v16 =	vld [tilespmem:s0+$0x0];
	_ =	sdelay $0x4  }
0xb1: {  	[tilespmem:v17+s11+$0x0] =	vst.idx.msk $0xffff, v16  }
0xb2: {  	v17 =	vor.u32 s14, v1;
	v16 =	vld [tilespmem:s0+$0x80];
	_ =	sdelay $0x4  }
0xb3: {  	[tilespmem:v17+s11+$0x0] =	vst.idx.msk $0xffff, v16  }
0xb4: {  	v17 =	vor.u32 s14, v2;
	v16 =	vld [tilespmem:s0+$0x100];
	_ =	sdelay $0x4  }
0xb5: {  	[tilespmem:v17+s11+$0x0] =	vst.idx.msk $0xffff, v16  }
0xb6: {  	v17 =	vor.u32 s14, v3;
	v16 =	vld [tilespmem:s0+$0x180];
	_ =	sdelay $0x3  }
0xb7: {  	s29 =	sadd.s32 $0x30, s8  }
0xb8: {  	s8 =	sor.u32 $0x200, s29;
	[tilespmem:v17+s11+$0x0] =	vst.idx.msk $0xffff, v16  }
0xb9: {  	v17 =	vor.u32 s14, v4;
	v16 =	vld [tilespmem:s8+$0x0];
	_ =	sdelay $0x4  }
0xba: {  	s30 =	sor.u32 $0x280, s29;
	[tilespmem:v17+s11+$0x0] =	vst.idx.msk $0xffff, v16  }
0xbb: {  	v17 =	vor.u32 s14, v5;
	v16 =	vld [tilespmem:s30+$0x0];
	_ =	sdelay $0x4  }
0xbc: {  	s31 =	sor.u32 $0x300, s29;
	[tilespmem:v17+s11+$0x0] =	vst.idx.msk $0xffff, v16  }
0xbd: {  	v17 =	vor.u32 s14, v6;
	v16 =	vld [tilespmem:s31+$0x0];
	_ =	sdelay $0x4  }
0xbe: {  	s0 =	sor.u32 $0x380, s29;
	[tilespmem:v17+s11+$0x0] =	vst.idx.msk $0xffff, v16  }
0xbf: {  	v17 =	vor.u32 s14, v7;
	v16 =	vld [tilespmem:s0+$0x0];
	_ =	sdelay $0x4  }
0xc0: {  	s8 =	sor.u32 s25, s1;
	[tilespmem:v17+s11+$0x0] =	vst.idx.msk $0xffff, v16  }
0xc1: {  	v17 =	vor.u32 s14, v8;
	v16 =	vld [tilespmem:s8+$0x0];
	_ =	sdelay $0x4  }
0xc2: {  	s15 =	sor.u32 s25, s6;
	[tilespmem:v17+s11+$0x0] =	vst.idx.msk $0xffff, v16  }
0xc3: {  	v17 =	vor.u32 s14, v9;
	v16 =	vld [tilespmem:s15+$0x0];
	_ =	sdelay $0x4  }
0xc4: {  	s16 =	sor.u32 s25, s7;
	[tilespmem:v17+s11+$0x0] =	vst.idx.msk $0xffff, v16  }
0xc5: {  	v17 =	vor.u32 s14, v10;
	v16 =	vld [tilespmem:s16+$0x0];
	_ =	sdelay $0x4  }
0xc6: {  	s26 =	sor.u32 s25, s9;
	[tilespmem:v17+s11+$0x0] =	vst.idx.msk $0xffff, v16  }
0xc7: {  	v17 =	vor.u32 s14, v11;
	v16 =	vld [tilespmem:s26+$0x0];
	_ =	sdelay $0x4  }
0xc8: {  	s28 =	sor.u32 s25, s21;
	[tilespmem:v17+s11+$0x0] =	vst.idx.msk $0xffff, v16  }
0xc9: {  	v17 =	vor.u32 s14, v12;
	v16 =	vld [tilespmem:s28+$0x0];
	_ =	sdelay $0x4  }
0xca: {  	s29 =	sor.u32 s25, s22;
	[tilespmem:v17+s11+$0x0] =	vst.idx.msk $0xffff, v16  }
0xcb: {  	v17 =	vor.u32 s14, v13;
	v16 =	vld [tilespmem:s29+$0x0];
	_ =	sdelay $0x4  }
0xcc: {  	s30 =	sor.u32 s25, s23;
	[tilespmem:v17+s11+$0x0] =	vst.idx.msk $0xffff, v16  }
0xcd: {  	v17 =	vor.u32 s14, v14;
	v16 =	vld [tilespmem:s30+$0x0];
	_ =	sdelay $0x4  }
0xce: {  	s31 =	sor.u32 s25, s24;
	[tilespmem:v17+s11+$0x0] =	vst.idx.msk $0xffff, v16  }
0xcf: {  	v17 =	vor.u32 s14, v15;
	v16 =	vld [tilespmem:s31+$0x0];
	_ =	sdelay $0x1  }
0xd0: {  	s21 =	simm.s32 $0x700;
	s22 =	simm.s32 $0x70;
	s23 =	simm.s32 $0x200  }
0xd1: {  	s25 =	simm.s32 $0x400;
	s24 =	simm.s32 $0x0;
	s0 =	simm.s32 $0x40  }
.LBB2_3:
0xd2: {  	p3 =	sne.s32 s25, $0x2A00;
	s7 =	sand.u32 $0x40, s0;
	s26 =	sand.u32 $0x3C00, s23  }
0xd3: {  	s8 =	sadd.s32 $0xFFFFFD00, s21;
	s0 =	sor.u32 s7, s26;
	[tilespmem:v17+s11+$0x0] =	vst.idx.msk $0xffff, v16  }
0xd4: {  	v17 =	vor.u32 s8, v0;
	v16 =	vld [tilespmem:s0+$0x0];
	_ =	sdelay $0x4  }
0xd5: {  	[tilespmem:v17+s11+$0x0] =	vst.idx.msk $0xffff, v16  }
0xd6: {  	v17 =	vor.u32 s8, v1;
	v16 =	vld [tilespmem:s0+$0x80];
	_ =	sdelay $0x4  }
0xd7: {  	[tilespmem:v17+s11+$0x0] =	vst.idx.msk $0xffff, v16  }
0xd8: {  	v17 =	vor.u32 s8, v2;
	v16 =	vld [tilespmem:s0+$0x100];
	_ =	sdelay $0x4  }
0xd9: {  	[tilespmem:v17+s11+$0x0] =	vst.idx.msk $0xffff, v16  }
0xda: {  	v17 =	vor.u32 s8, v3;
	v16 =	vld [tilespmem:s0+$0x180]  }
0xdb: {  	p2 =	por !p2, !p2;
	s0 =	simm.s32 $0x1  }
0xdc: {  	s0 =	simm.s32 @!p2 $0x0  }
0xdd: {  	s0 =	sshll.u32 s0, $0x6  }
0xde: {  	s0 =	sadd.s32 s0, s23  }
0xdf: {  	s1 =	sor.u32 $0x200, s0;
	[tilespmem:v17+s11+$0x0] =	vst.idx.msk $0xffff, v16  }
0xe0: {  	v17 =	vor.u32 s8, v4;
	v16 =	vld [tilespmem:s1+$0x0];
	_ =	sdelay $0x4  }
0xe1: {  	s1 =	sor.u32 $0x280, s0;
	[tilespmem:v17+s11+$0x0] =	vst.idx.msk $0xffff, v16  }
0xe2: {  	v17 =	vor.u32 s8, v5;
	v16 =	vld [tilespmem:s1+$0x0];
	_ =	sdelay $0x4  }
0xe3: {  	s1 =	sor.u32 $0x300, s0;
	[tilespmem:v17+s11+$0x0] =	vst.idx.msk $0xffff, v16  }
0xe4: {  	v17 =	vor.u32 s8, v6;
	v16 =	vld [tilespmem:s1+$0x0];
	_ =	sdelay $0x4  }
0xe5: {  	s0 =	sor.u32 $0x380, s0;
	[tilespmem:v17+s11+$0x0] =	vst.idx.msk $0xffff, v16  }
0xe6: {  	v17 =	vor.u32 s8, v7;
	v16 =	vld [tilespmem:s0+$0x0];
	_ =	sdelay $0x3  }
0xe7: {  	s28 =	sadd.s32 $0x2C00, s26  }
0xe8: {  	s0 =	sor.u32 s7, s28;
	[tilespmem:v17+s11+$0x0] =	vst.idx.msk $0xffff, v16  }
0xe9: {  	v17 =	vor.u32 s8, v8;
	v16 =	vld [tilespmem:s0+$0x0];
	_ =	sdelay $0x3  }
0xea: {  	s29 =	sadd.s32 $0x2C80, s26  }
0xeb: {  	s0 =	sor.u32 s7, s29;
	[tilespmem:v17+s11+$0x0] =	vst.idx.msk $0xffff, v16  }
0xec: {  	v17 =	vor.u32 s8, v9;
	v16 =	vld [tilespmem:s0+$0x0];
	_ =	sdelay $0x3  }
0xed: {  	s30 =	sadd.s32 $0x2D00, s26  }
0xee: {  	s0 =	sor.u32 s7, s30;
	[tilespmem:v17+s11+$0x0] =	vst.idx.msk $0xffff, v16  }
0xef: {  	v17 =	vor.u32 s8, v10;
	v16 =	vld [tilespmem:s0+$0x0];
	_ =	sdelay $0x3  }
0xf0: {  	s31 =	sadd.s32 $0x2D80, s26  }
0xf1: {  	s0 =	sor.u32 s7, s31;
	[tilespmem:v17+s11+$0x0] =	vst.idx.msk $0xffff, v16  }
0xf2: {  	v17 =	vor.u32 s8, v11;
	v16 =	vld [tilespmem:s0+$0x0];
	_ =	sdelay $0x3  }
0xf3: {  	s1 =	sadd.s32 $0x2E00, s26  }
0xf4: {  	s0 =	sor.u32 s7, s1;
	[tilespmem:v17+s11+$0x0] =	vst.idx.msk $0xffff, v16  }
0xf5: {  	v17 =	vor.u32 s8, v12;
	v16 =	vld [tilespmem:s0+$0x0];
	_ =	sdelay $0x3  }
0xf6: {  	s0 =	sadd.s32 $0x2E80, s26  }
0xf7: {  	s6 =	sor.u32 s7, s0;
	[tilespmem:v17+s11+$0x0] =	vst.idx.msk $0xffff, v16  }
0xf8: {  	v17 =	vor.u32 s8, v13;
	v16 =	vld [tilespmem:s6+$0x0];
	_ =	sdelay $0x3  }
0xf9: {  	s9 =	sadd.s32 $0x2F00, s26  }
0xfa: {  	s6 =	sor.u32 s7, s9;
	[tilespmem:v17+s11+$0x0] =	vst.idx.msk $0xffff, v16  }
0xfb: {  	v17 =	vor.u32 s8, v14;
	v16 =	vld [tilespmem:s6+$0x0];
	_ =	sdelay $0x3  }
0xfc: {  	s6 =	sadd.s32 $0x2F80, s26  }
0xfd: {  	s7 =	sor.u32 s7, s6;
	[tilespmem:v17+s11+$0x0] =	vst.idx.msk $0xffff, v16  }
0xfe: {  	v17 =	vor.u32 s8, v15;
	v16 =	vld [tilespmem:s7+$0x0];
	_ =	sdelay $0x2  }
0xff: {  	s7 =	sadd.s32 $0xFFFFFFE0, s22  }
0x100: {  	s8 =	sand.u32 $0x50, s7  }
0x101: {  	s14 =	sadd.s32 $0xFFFFFE00, s21;
	s7 =	sor.u32 s8, s26;
	[tilespmem:v17+s11+$0x0] =	vst.idx.msk $0xffff, v16  }
0x102: {  	v17 =	vor.u32 s14, v0;
	v16 =	vld [tilespmem:s7+$0x0];
	_ =	sdelay $0x4  }
0x103: {  	[tilespmem:v17+s11+$0x0] =	vst.idx.msk $0xffff, v16  }
0x104: {  	v17 =	vor.u32 s14, v1;
	v16 =	vld [tilespmem:s7+$0x80];
	_ =	sdelay $0x4  }
0x105: {  	[tilespmem:v17+s11+$0x0] =	vst.idx.msk $0xffff, v16  }
0x106: {  	v17 =	vor.u32 s14, v2;
	v16 =	vld [tilespmem:s7+$0x100];
	_ =	sdelay $0x4  }
0x107: {  	[tilespmem:v17+s11+$0x0] =	vst.idx.msk $0xffff, v16  }
0x108: {  	s20 =	sadd.s32 $0x4, s20;
	v17 =	vor.u32 s14, v3;
	v16 =	vld [tilespmem:s7+$0x180]  }
0x109: {  	s7 =	sand.u32 $0x7, s20  }
0x10a: {  	s7 =	sshll.u32 s7, $0x4  }
0x10b: {  	s7 =	sadd.s32 s23, s7  }
0x10c: {  	s15 =	sadd.s32 $0x10, s7  }
0x10d: {  	s16 =	sor.u32 $0x200, s15;
	[tilespmem:v17+s11+$0x0] =	vst.idx.msk $0xffff, v16  }
0x10e: {  	v17 =	vor.u32 s14, v4;
	v16 =	vld [tilespmem:s16+$0x0];
	_ =	sdelay $0x4  }
0x10f: {  	s16 =	sor.u32 $0x280, s15;
	[tilespmem:v17+s11+$0x0] =	vst.idx.msk $0xffff, v16  }
0x110: {  	v17 =	vor.u32 s14, v5;
	v16 =	vld [tilespmem:s16+$0x0];
	_ =	sdelay $0x4  }
0x111: {  	s16 =	sor.u32 $0x300, s15;
	[tilespmem:v17+s11+$0x0] =	vst.idx.msk $0xffff, v16  }
0x112: {  	v17 =	vor.u32 s14, v6;
	v16 =	vld [tilespmem:s16+$0x0];
	_ =	sdelay $0x4  }
0x113: {  	s15 =	sor.u32 $0x380, s15;
	[tilespmem:v17+s11+$0x0] =	vst.idx.msk $0xffff, v16  }
0x114: {  	v17 =	vor.u32 s14, v7;
	v16 =	vld [tilespmem:s15+$0x0];
	_ =	sdelay $0x4  }
0x115: {  	s15 =	sor.u32 s8, s28;
	[tilespmem:v17+s11+$0x0] =	vst.idx.msk $0xffff, v16  }
0x116: {  	v17 =	vor.u32 s14, v8;
	v16 =	vld [tilespmem:s15+$0x0];
	_ =	sdelay $0x4  }
0x117: {  	s15 =	sor.u32 s8, s29;
	[tilespmem:v17+s11+$0x0] =	vst.idx.msk $0xffff, v16  }
0x118: {  	v17 =	vor.u32 s14, v9;
	v16 =	vld [tilespmem:s15+$0x0];
	_ =	sdelay $0x4  }
0x119: {  	s15 =	sor.u32 s8, s30;
	[tilespmem:v17+s11+$0x0] =	vst.idx.msk $0xffff, v16  }
0x11a: {  	v17 =	vor.u32 s14, v10;
	v16 =	vld [tilespmem:s15+$0x0];
	_ =	sdelay $0x4  }
0x11b: {  	s15 =	sor.u32 s8, s31;
	[tilespmem:v17+s11+$0x0] =	vst.idx.msk $0xffff, v16  }
0x11c: {  	v17 =	vor.u32 s14, v11;
	v16 =	vld [tilespmem:s15+$0x0];
	_ =	sdelay $0x4  }
0x11d: {  	s15 =	sor.u32 s8, s1;
	[tilespmem:v17+s11+$0x0] =	vst.idx.msk $0xffff, v16  }
0x11e: {  	v17 =	vor.u32 s14, v12;
	v16 =	vld [tilespmem:s15+$0x0];
	_ =	sdelay $0x4  }
0x11f: {  	s15 =	sor.u32 s8, s0;
	[tilespmem:v17+s11+$0x0] =	vst.idx.msk $0xffff, v16  }
0x120: {  	v17 =	vor.u32 s14, v13;
	v16 =	vld [tilespmem:s15+$0x0];
	_ =	sdelay $0x4  }
0x121: {  	s15 =	sor.u32 s8, s9;
	[tilespmem:v17+s11+$0x0] =	vst.idx.msk $0xffff, v16  }
0x122: {  	v17 =	vor.u32 s14, v14;
	v16 =	vld [tilespmem:s15+$0x0];
	_ =	sdelay $0x4  }
0x123: {  	s8 =	sor.u32 s8, s6;
	[tilespmem:v17+s11+$0x0] =	vst.idx.msk $0xffff, v16  }
0x124: {  	v17 =	vor.u32 s14, v15;
	v16 =	vld [tilespmem:s8+$0x0];
	_ =	sdelay $0x2  }
0x125: {  	s8 =	sadd.s32 $0xFFFFFFF0, s22  }
0x126: {  	s8 =	sand.u32 $0x60, s8  }
0x127: {  	s14 =	sadd.s32 $0xFFFFFF00, s21;
	s15 =	sor.u32 s8, s26;
	[tilespmem:v17+s11+$0x0] =	vst.idx.msk $0xffff, v16  }
0x128: {  	v17 =	vor.u32 s14, v0;
	v16 =	vld [tilespmem:s15+$0x0];
	_ =	sdelay $0x4  }
0x129: {  	[tilespmem:v17+s11+$0x0] =	vst.idx.msk $0xffff, v16  }
0x12a: {  	v17 =	vor.u32 s14, v1;
	v16 =	vld [tilespmem:s15+$0x80];
	_ =	sdelay $0x4  }
0x12b: {  	[tilespmem:v17+s11+$0x0] =	vst.idx.msk $0xffff, v16  }
0x12c: {  	v17 =	vor.u32 s14, v2;
	v16 =	vld [tilespmem:s15+$0x100];
	_ =	sdelay $0x4  }
0x12d: {  	[tilespmem:v17+s11+$0x0] =	vst.idx.msk $0xffff, v16  }
0x12e: {  	s24 =	sadd.s32 $0x2, s24;
	v17 =	vor.u32 s14, v3;
	v16 =	vld [tilespmem:s15+$0x180]  }
0x12f: {  	s15 =	sand.u32 $0x3, s24  }
0x130: {  	s15 =	sshll.u32 s15, $0x5  }
0x131: {  	s15 =	sadd.s32 s23, s15;
	s23 =	smov.u32 s25  }
0x132: {  	s15 =	sadd.s32 $0x20, s15  }
0x133: {  	s16 =	sor.u32 $0x200, s15;
	[tilespmem:v17+s11+$0x0] =	vst.idx.msk $0xffff, v16  }
0x134: {  	v17 =	vor.u32 s14, v4;
	v16 =	vld [tilespmem:s16+$0x0];
	_ =	sdelay $0x4  }
0x135: {  	s16 =	sor.u32 $0x280, s15;
	[tilespmem:v17+s11+$0x0] =	vst.idx.msk $0xffff, v16  }
0x136: {  	v17 =	vor.u32 s14, v5;
	v16 =	vld [tilespmem:s16+$0x0];
	_ =	sdelay $0x4  }
0x137: {  	s16 =	sor.u32 $0x300, s15;
	[tilespmem:v17+s11+$0x0] =	vst.idx.msk $0xffff, v16  }
0x138: {  	v17 =	vor.u32 s14, v6;
	v16 =	vld [tilespmem:s16+$0x0];
	_ =	sdelay $0x4  }
0x139: {  	s15 =	sor.u32 $0x380, s15;
	[tilespmem:v17+s11+$0x0] =	vst.idx.msk $0xffff, v16  }
0x13a: {  	v17 =	vor.u32 s14, v7;
	v16 =	vld [tilespmem:s15+$0x0];
	_ =	sdelay $0x4  }
0x13b: {  	s15 =	sor.u32 s8, s28;
	[tilespmem:v17+s11+$0x0] =	vst.idx.msk $0xffff, v16  }
0x13c: {  	v17 =	vor.u32 s14, v8;
	v16 =	vld [tilespmem:s15+$0x0];
	_ =	sdelay $0x4  }
0x13d: {  	s15 =	sor.u32 s8, s29;
	[tilespmem:v17+s11+$0x0] =	vst.idx.msk $0xffff, v16  }
0x13e: {  	v17 =	vor.u32 s14, v9;
	v16 =	vld [tilespmem:s15+$0x0];
	_ =	sdelay $0x4  }
0x13f: {  	s15 =	sor.u32 s8, s30;
	[tilespmem:v17+s11+$0x0] =	vst.idx.msk $0xffff, v16  }
0x140: {  	v17 =	vor.u32 s14, v10;
	v16 =	vld [tilespmem:s15+$0x0];
	_ =	sdelay $0x4  }
0x141: {  	s15 =	sor.u32 s8, s31;
	[tilespmem:v17+s11+$0x0] =	vst.idx.msk $0xffff, v16  }
0x142: {  	v17 =	vor.u32 s14, v11;
	v16 =	vld [tilespmem:s15+$0x0];
	_ =	sdelay $0x4  }
0x143: {  	s15 =	sor.u32 s8, s1;
	[tilespmem:v17+s11+$0x0] =	vst.idx.msk $0xffff, v16  }
0x144: {  	v17 =	vor.u32 s14, v12;
	v16 =	vld [tilespmem:s15+$0x0];
	_ =	sdelay $0x4  }
0x145: {  	s15 =	sor.u32 s8, s0;
	[tilespmem:v17+s11+$0x0] =	vst.idx.msk $0xffff, v16  }
0x146: {  	v17 =	vor.u32 s14, v13;
	v16 =	vld [tilespmem:s15+$0x0];
	_ =	sdelay $0x4  }
0x147: {  	s15 =	sor.u32 s8, s9;
	[tilespmem:v17+s11+$0x0] =	vst.idx.msk $0xffff, v16  }
0x148: {  	v17 =	vor.u32 s14, v14;
	v16 =	vld [tilespmem:s15+$0x0];
	_ =	sdelay $0x4  }
0x149: {  	s8 =	sor.u32 s8, s6;
	[tilespmem:v17+s11+$0x0] =	vst.idx.msk $0xffff, v16  }
0x14a: {  	v17 =	vor.u32 s14, v15;
	v16 =	vld [tilespmem:s8+$0x0];
	_ =	sdelay $0x3  }
0x14b: {  	s8 =	sand.u32 $0x70, s22  }
0x14c: {  	s14 =	sor.u32 s8, s26;
	[tilespmem:v17+s11+$0x0] =	vst.idx.msk $0xffff, v16  }
0x14d: {  	v17 =	vor.u32 s21, v0;
	v16 =	vld [tilespmem:s14+$0x0];
	_ =	sdelay $0x4  }
0x14e: {  	[tilespmem:v17+s11+$0x0] =	vst.idx.msk $0xffff, v16  }
0x14f: {  	v17 =	vor.u32 s21, v1;
	v16 =	vld [tilespmem:s14+$0x80];
	_ =	sdelay $0x4  }
0x150: {  	[tilespmem:v17+s11+$0x0] =	vst.idx.msk $0xffff, v16  }
0x151: {  	v17 =	vor.u32 s21, v2;
	v16 =	vld [tilespmem:s14+$0x100];
	_ =	sdelay $0x4  }
0x152: {  	[tilespmem:v17+s11+$0x0] =	vst.idx.msk $0xffff, v16  }
0x153: {  	v17 =	vor.u32 s21, v3;
	v16 =	vld [tilespmem:s14+$0x180];
	_ =	sdelay $0x3  }
0x154: {  	s7 =	sadd.s32 $0x30, s7  }
0x155: {  	s14 =	sor.u32 $0x200, s7;
	[tilespmem:v17+s11+$0x0] =	vst.idx.msk $0xffff, v16  }
0x156: {  	v17 =	vor.u32 s21, v4;
	v16 =	vld [tilespmem:s14+$0x0];
	_ =	sdelay $0x4  }
0x157: {  	s14 =	sor.u32 $0x280, s7;
	[tilespmem:v17+s11+$0x0] =	vst.idx.msk $0xffff, v16  }
0x158: {  	v17 =	vor.u32 s21, v5;
	v16 =	vld [tilespmem:s14+$0x0];
	_ =	sdelay $0x4  }
0x159: {  	s14 =	sor.u32 $0x300, s7;
	[tilespmem:v17+s11+$0x0] =	vst.idx.msk $0xffff, v16  }
0x15a: {  	v17 =	vor.u32 s21, v6;
	v16 =	vld [tilespmem:s14+$0x0];
	_ =	sdelay $0x4  }
0x15b: {  	s7 =	sor.u32 $0x380, s7;
	[tilespmem:v17+s11+$0x0] =	vst.idx.msk $0xffff, v16  }
0x15c: {  	v17 =	vor.u32 s21, v7;
	v16 =	vld [tilespmem:s7+$0x0];
	_ =	sdelay $0x4  }
0x15d: {  	s7 =	sor.u32 s8, s28;
	[tilespmem:v17+s11+$0x0] =	vst.idx.msk $0xffff, v16  }
0x15e: {  	v17 =	vor.u32 s21, v8;
	v16 =	vld [tilespmem:s7+$0x0];
	_ =	sdelay $0x4  }
0x15f: {  	s7 =	sor.u32 s8, s29;
	[tilespmem:v17+s11+$0x0] =	vst.idx.msk $0xffff, v16  }
0x160: {  	v17 =	vor.u32 s21, v9;
	v16 =	vld [tilespmem:s7+$0x0];
	_ =	sdelay $0x4  }
0x161: {  	s7 =	sor.u32 s8, s30;
	[tilespmem:v17+s11+$0x0] =	vst.idx.msk $0xffff, v16  }
0x162: {  	v17 =	vor.u32 s21, v10;
	v16 =	vld [tilespmem:s7+$0x0];
	_ =	sdelay $0x4  }
0x163: {  	s7 =	sor.u32 s8, s31;
	[tilespmem:v17+s11+$0x0] =	vst.idx.msk $0xffff, v16  }
0x164: {  	v17 =	vor.u32 s21, v11;
	v16 =	vld [tilespmem:s7+$0x0];
	_ =	sdelay $0x4  }
0x165: {  	s1 =	sor.u32 s8, s1;
	[tilespmem:v17+s11+$0x0] =	vst.idx.msk $0xffff, v16  }
0x166: {  	v17 =	vor.u32 s21, v12;
	v16 =	vld [tilespmem:s1+$0x0];
	_ =	sdelay $0x4  }
0x167: {  	s0 =	sor.u32 s8, s0;
	[tilespmem:v17+s11+$0x0] =	vst.idx.msk $0xffff, v16  }
0x168: {  	v17 =	vor.u32 s21, v13;
	v16 =	vld [tilespmem:s0+$0x0];
	_ =	sdelay $0x4  }
0x169: {  	s0 =	sor.u32 s8, s9;
	[tilespmem:v17+s11+$0x0] =	vst.idx.msk $0xffff, v16  }
0x16a: {  	v17 =	vor.u32 s21, v14;
	v16 =	vld [tilespmem:s0+$0x0];
	_ =	sdelay $0x4  }
.Ltmp4:
0x16b: {  	s0 =	sor.u32 s8, s6;
	[tilespmem:v17+s11+$0x0] =	vst.idx.msk $0xffff, v16;
	(pc) =	sbr.rel @p3 .LBB2_3-.Ltmp4, $3  }
0x16c: {  	v17 =	vor.u32 s21, v15;
	v16 =	vld [tilespmem:s0+$0x0];
	_ =	sdelay $0x1  }
0x16d: {  	s22 =	sadd.s32 $0x40, s22  }
0x16e: {  	s25 =	sadd.s32 $0x200, s25;
	s21 =	sadd.s32 $0x400, s21;
	s0 =	sadd.s32 $0xFFFFFFD0, s22  }
0x16f: {  	_ =	sdelay $0x2  }
0x170: {  	s8 =	sand.u32 $0x40, s0;
	s0 =	sand.u32 $0x3C00, s23  }
0x171: {  	s14 =	sadd.s32 $0xFFFFFD00, s21;
	s1 =	sor.u32 s8, s0;
	[tilespmem:v17+s11+$0x0] =	vst.idx.msk $0xffff, v16  }
0x172: {  	v17 =	vor.u32 s14, v0;
	v16 =	vld [tilespmem:s1+$0x0];
	_ =	sdelay $0x4  }
0x173: {  	[tilespmem:v17+s11+$0x0] =	vst.idx.msk $0xffff, v16  }
0x174: {  	v17 =	vor.u32 s14, v1;
	v16 =	vld [tilespmem:s1+$0x80];
	_ =	sdelay $0x4  }
0x175: {  	[tilespmem:v17+s11+$0x0] =	vst.idx.msk $0xffff, v16  }
0x176: {  	v17 =	vor.u32 s14, v2;
	v16 =	vld [tilespmem:s1+$0x100];
	_ =	sdelay $0x4  }
0x177: {  	[tilespmem:v17+s11+$0x0] =	vst.idx.msk $0xffff, v16  }
0x178: {  	v17 =	vor.u32 s14, v3;
	v16 =	vld [tilespmem:s1+$0x180]  }
0x179: {  	p2 =	por !p2, !p2;
	s1 =	simm.s32 $0x1  }
0x17a: {  	s1 =	simm.s32 @!p2 $0x0  }
0x17b: {  	s1 =	sshll.u32 s1, $0x6  }
0x17c: {  	s1 =	sadd.s32 s1, s23  }
0x17d: {  	s6 =	sor.u32 $0x200, s1;
	[tilespmem:v17+s11+$0x0] =	vst.idx.msk $0xffff, v16  }
0x17e: {  	v17 =	vor.u32 s14, v4;
	v16 =	vld [tilespmem:s6+$0x0];
	_ =	sdelay $0x4  }
0x17f: {  	s25 =	sor.u32 $0x280, s1;
	[tilespmem:v17+s11+$0x0] =	vst.idx.msk $0xffff, v16  }
0x180: {  	v17 =	vor.u32 s14, v5;
	v16 =	vld [tilespmem:s25+$0x0];
	_ =	sdelay $0x4  }
0x181: {  	s26 =	sor.u32 $0x300, s1;
	[tilespmem:v17+s11+$0x0] =	vst.idx.msk $0xffff, v16  }
0x182: {  	v17 =	vor.u32 s14, v6;
	v16 =	vld [tilespmem:s26+$0x0];
	_ =	sdelay $0x4  }
0x183: {  	s1 =	sor.u32 $0x380, s1;
	[tilespmem:v17+s11+$0x0] =	vst.idx.msk $0xffff, v16  }
0x184: {  	v17 =	vor.u32 s14, v7;
	v16 =	vld [tilespmem:s1+$0x0];
	_ =	sdelay $0x3  }
0x185: {  	s1 =	sadd.s32 $0x2C00, s0  }
0x186: {  	s28 =	sor.u32 s8, s1;
	[tilespmem:v17+s11+$0x0] =	vst.idx.msk $0xffff, v16  }
0x187: {  	v17 =	vor.u32 s14, v8;
	v16 =	vld [tilespmem:s28+$0x0];
	_ =	sdelay $0x3  }
0x188: {  	s6 =	sadd.s32 $0x2C80, s0  }
0x189: {  	s7 =	sor.u32 s8, s6;
	[tilespmem:v17+s11+$0x0] =	vst.idx.msk $0xffff, v16  }
0x18a: {  	v17 =	vor.u32 s14, v9;
	v16 =	vld [tilespmem:s7+$0x0];
	_ =	sdelay $0x3  }
0x18b: {  	s7 =	sadd.s32 $0x2D00, s0  }
0x18c: {  	s9 =	sor.u32 s8, s7;
	[tilespmem:v17+s11+$0x0] =	vst.idx.msk $0xffff, v16  }
0x18d: {  	v17 =	vor.u32 s14, v10;
	v16 =	vld [tilespmem:s9+$0x0];
	_ =	sdelay $0x3  }
0x18e: {  	s9 =	sadd.s32 $0x2D80, s0  }
0x18f: {  	s15 =	sor.u32 s8, s9;
	[tilespmem:v17+s11+$0x0] =	vst.idx.msk $0xffff, v16  }
0x190: {  	v17 =	vor.u32 s14, v11;
	v16 =	vld [tilespmem:s15+$0x0];
	_ =	sdelay $0x3  }
0x191: {  	s25 =	sadd.s32 $0x2E00, s0  }
0x192: {  	s29 =	sor.u32 s8, s25;
	[tilespmem:v17+s11+$0x0] =	vst.idx.msk $0xffff, v16  }
0x193: {  	v17 =	vor.u32 s14, v12;
	v16 =	vld [tilespmem:s29+$0x0];
	_ =	sdelay $0x3  }
0x194: {  	s28 =	sadd.s32 $0x2E80, s0  }
0x195: {  	s30 =	sor.u32 s8, s28;
	[tilespmem:v17+s11+$0x0] =	vst.idx.msk $0xffff, v16  }
0x196: {  	v17 =	vor.u32 s14, v13;
	v16 =	vld [tilespmem:s30+$0x0];
	_ =	sdelay $0x3  }
0x197: {  	s29 =	sadd.s32 $0x2F00, s0  }
0x198: {  	s31 =	sor.u32 s8, s29;
	[tilespmem:v17+s11+$0x0] =	vst.idx.msk $0xffff, v16  }
0x199: {  	v17 =	vor.u32 s14, v14;
	v16 =	vld [tilespmem:s31+$0x0];
	_ =	sdelay $0x3  }
0x19a: {  	s26 =	sadd.s32 $0x2F80, s0  }
0x19b: {  	s8 =	sor.u32 s8, s26;
	[tilespmem:v17+s11+$0x0] =	vst.idx.msk $0xffff, v16  }
0x19c: {  	v17 =	vor.u32 s14, v15;
	v16 =	vld [tilespmem:s8+$0x0];
	_ =	sdelay $0x2  }
0x19d: {  	s15 =	sadd.s32 $0xFFFFFFE0, s22  }
0x19e: {  	s14 =	sand.u32 $0x50, s15  }
0x19f: {  	s30 =	sadd.s32 $0xFFFFFE00, s21;
	s8 =	sor.u32 s14, s0;
	[tilespmem:v17+s11+$0x0] =	vst.idx.msk $0xffff, v16  }
0x1a0: {  	v17 =	vor.u32 s30, v0;
	v16 =	vld [tilespmem:s8+$0x0];
	_ =	sdelay $0x4  }
0x1a1: {  	[tilespmem:v17+s11+$0x0] =	vst.idx.msk $0xffff, v16  }
0x1a2: {  	v17 =	vor.u32 s30, v1;
	v16 =	vld [tilespmem:s8+$0x80];
	_ =	sdelay $0x4  }
0x1a3: {  	[tilespmem:v17+s11+$0x0] =	vst.idx.msk $0xffff, v16  }
0x1a4: {  	v17 =	vor.u32 s30, v2;
	v16 =	vld [tilespmem:s8+$0x100];
	_ =	sdelay $0x4  }
0x1a5: {  	[tilespmem:v17+s11+$0x0] =	vst.idx.msk $0xffff, v16  }
0x1a6: {  	s16 =	sadd.s32 $0x4, s20;
	v17 =	vor.u32 s30, v3;
	v16 =	vld [tilespmem:s8+$0x180]  }
0x1a7: {  	s8 =	sand.u32 $0x7, s16  }
0x1a8: {  	s8 =	sshll.u32 s8, $0x4  }
0x1a9: {  	s8 =	sadd.s32 s23, s8  }
0x1aa: {  	s15 =	sadd.s32 $0x10, s8  }
0x1ab: {  	s16 =	sor.u32 $0x200, s15;
	[tilespmem:v17+s11+$0x0] =	vst.idx.msk $0xffff, v16  }
0x1ac: {  	v17 =	vor.u32 s30, v4;
	v16 =	vld [tilespmem:s16+$0x0];
	_ =	sdelay $0x4  }
0x1ad: {  	s20 =	sor.u32 $0x280, s15;
	[tilespmem:v17+s11+$0x0] =	vst.idx.msk $0xffff, v16  }
0x1ae: {  	v17 =	vor.u32 s30, v5;
	v16 =	vld [tilespmem:s20+$0x0];
	_ =	sdelay $0x4  }
0x1af: {  	s31 =	sor.u32 $0x300, s15;
	[tilespmem:v17+s11+$0x0] =	vst.idx.msk $0xffff, v16  }
0x1b0: {  	v17 =	vor.u32 s30, v6;
	v16 =	vld [tilespmem:s31+$0x0];
	_ =	sdelay $0x4  }
0x1b1: {  	s15 =	sor.u32 $0x380, s15;
	[tilespmem:v17+s11+$0x0] =	vst.idx.msk $0xffff, v16  }
0x1b2: {  	v17 =	vor.u32 s30, v7;
	v16 =	vld [tilespmem:s15+$0x0];
	_ =	sdelay $0x4  }
0x1b3: {  	s20 =	sor.u32 s14, s1;
	[tilespmem:v17+s11+$0x0] =	vst.idx.msk $0xffff, v16  }
0x1b4: {  	v17 =	vor.u32 s30, v8;
	v16 =	vld [tilespmem:s20+$0x0];
	_ =	sdelay $0x4  }
0x1b5: {  	s31 =	sor.u32 s14, s6;
	[tilespmem:v17+s11+$0x0] =	vst.idx.msk $0xffff, v16  }
0x1b6: {  	v17 =	vor.u32 s30, v9;
	v16 =	vld [tilespmem:s31+$0x0];
	_ =	sdelay $0x4  }
0x1b7: {  	s16 =	sor.u32 s14, s7;
	[tilespmem:v17+s11+$0x0] =	vst.idx.msk $0xffff, v16  }
0x1b8: {  	v17 =	vor.u32 s30, v10;
	v16 =	vld [tilespmem:s16+$0x0];
	_ =	sdelay $0x4  }
0x1b9: {  	s20 =	sor.u32 s14, s9;
	[tilespmem:v17+s11+$0x0] =	vst.idx.msk $0xffff, v16  }
0x1ba: {  	v17 =	vor.u32 s30, v11;
	v16 =	vld [tilespmem:s20+$0x0];
	_ =	sdelay $0x4  }
0x1bb: {  	s31 =	sor.u32 s14, s25;
	[tilespmem:v17+s11+$0x0] =	vst.idx.msk $0xffff, v16  }
0x1bc: {  	v17 =	vor.u32 s30, v12;
	v16 =	vld [tilespmem:s31+$0x0];
	_ =	sdelay $0x4  }
0x1bd: {  	s16 =	sor.u32 s14, s28;
	[tilespmem:v17+s11+$0x0] =	vst.idx.msk $0xffff, v16  }
0x1be: {  	v17 =	vor.u32 s30, v13;
	v16 =	vld [tilespmem:s16+$0x0];
	_ =	sdelay $0x4  }
0x1bf: {  	s20 =	sor.u32 s14, s29;
	[tilespmem:v17+s11+$0x0] =	vst.idx.msk $0xffff, v16  }
0x1c0: {  	v17 =	vor.u32 s30, v14;
	v16 =	vld [tilespmem:s20+$0x0];
	_ =	sdelay $0x4  }
0x1c1: {  	s14 =	sor.u32 s14, s26;
	[tilespmem:v17+s11+$0x0] =	vst.idx.msk $0xffff, v16  }
0x1c2: {  	v17 =	vor.u32 s30, v15;
	v16 =	vld [tilespmem:s14+$0x0];
	_ =	sdelay $0x2  }
0x1c3: {  	s30 =	sadd.s32 $0xFFFFFFF0, s22  }
0x1c4: {  	s14 =	sand.u32 $0x60, s30  }
0x1c5: {  	s20 =	sadd.s32 $0xFFFFFF00, s21;
	s31 =	sor.u32 s14, s0;
	[tilespmem:v17+s11+$0x0] =	vst.idx.msk $0xffff, v16  }
0x1c6: {  	v17 =	vor.u32 s20, v0;
	v16 =	vld [tilespmem:s31+$0x0];
	_ =	sdelay $0x4  }
0x1c7: {  	[tilespmem:v17+s11+$0x0] =	vst.idx.msk $0xffff, v16  }
0x1c8: {  	v17 =	vor.u32 s20, v1;
	v16 =	vld [tilespmem:s31+$0x80];
	_ =	sdelay $0x4  }
0x1c9: {  	[tilespmem:v17+s11+$0x0] =	vst.idx.msk $0xffff, v16  }
0x1ca: {  	v17 =	vor.u32 s20, v2;
	v16 =	vld [tilespmem:s31+$0x100];
	_ =	sdelay $0x4  }
0x1cb: {  	[tilespmem:v17+s11+$0x0] =	vst.idx.msk $0xffff, v16  }
0x1cc: {  	s16 =	sadd.s32 $0x2, s24;
	v17 =	vor.u32 s20, v3;
	v16 =	vld [tilespmem:s31+$0x180]  }
0x1cd: {  	s15 =	sand.u32 $0x3, s16  }
0x1ce: {  	s15 =	sshll.u32 s15, $0x5  }
0x1cf: {  	s15 =	sadd.s32 s23, s15  }
0x1d0: {  	s15 =	sadd.s32 $0x20, s15  }
0x1d1: {  	s24 =	sor.u32 $0x200, s15;
	[tilespmem:v17+s11+$0x0] =	vst.idx.msk $0xffff, v16  }
0x1d2: {  	v17 =	vor.u32 s20, v4;
	v16 =	vld [tilespmem:s24+$0x0];
	_ =	sdelay $0x4  }
0x1d3: {  	s30 =	sor.u32 $0x280, s15;
	[tilespmem:v17+s11+$0x0] =	vst.idx.msk $0xffff, v16  }
0x1d4: {  	v17 =	vor.u32 s20, v5;
	v16 =	vld [tilespmem:s30+$0x0];
	_ =	sdelay $0x4  }
0x1d5: {  	s31 =	sor.u32 $0x300, s15;
	[tilespmem:v17+s11+$0x0] =	vst.idx.msk $0xffff, v16  }
0x1d6: {  	v17 =	vor.u32 s20, v6;
	v16 =	vld [tilespmem:s31+$0x0];
	_ =	sdelay $0x4  }
0x1d7: {  	s15 =	sor.u32 $0x380, s15;
	[tilespmem:v17+s11+$0x0] =	vst.idx.msk $0xffff, v16  }
0x1d8: {  	v17 =	vor.u32 s20, v7;
	v16 =	vld [tilespmem:s15+$0x0];
	_ =	sdelay $0x4  }
0x1d9: {  	s23 =	sor.u32 s14, s1;
	[tilespmem:v17+s11+$0x0] =	vst.idx.msk $0xffff, v16  }
0x1da: {  	v17 =	vor.u32 s20, v8;
	v16 =	vld [tilespmem:s23+$0x0];
	_ =	sdelay $0x4  }
0x1db: {  	s24 =	sor.u32 s14, s6;
	[tilespmem:v17+s11+$0x0] =	vst.idx.msk $0xffff, v16  }
0x1dc: {  	v17 =	vor.u32 s20, v9;
	v16 =	vld [tilespmem:s24+$0x0];
	_ =	sdelay $0x4  }
0x1dd: {  	s30 =	sor.u32 s14, s7;
	[tilespmem:v17+s11+$0x0] =	vst.idx.msk $0xffff, v16  }
0x1de: {  	v17 =	vor.u32 s20, v10;
	v16 =	vld [tilespmem:s30+$0x0];
	_ =	sdelay $0x4  }
0x1df: {  	s31 =	sor.u32 s14, s9;
	[tilespmem:v17+s11+$0x0] =	vst.idx.msk $0xffff, v16  }
0x1e0: {  	v17 =	vor.u32 s20, v11;
	v16 =	vld [tilespmem:s31+$0x0];
	_ =	sdelay $0x4  }
0x1e1: {  	s16 =	sor.u32 s14, s25;
	[tilespmem:v17+s11+$0x0] =	vst.idx.msk $0xffff, v16  }
0x1e2: {  	v17 =	vor.u32 s20, v12;
	v16 =	vld [tilespmem:s16+$0x0];
	_ =	sdelay $0x4  }
0x1e3: {  	s23 =	sor.u32 s14, s28;
	[tilespmem:v17+s11+$0x0] =	vst.idx.msk $0xffff, v16  }
0x1e4: {  	v17 =	vor.u32 s20, v13;
	v16 =	vld [tilespmem:s23+$0x0];
	_ =	sdelay $0x4  }
0x1e5: {  	s24 =	sor.u32 s14, s29;
	[tilespmem:v17+s11+$0x0] =	vst.idx.msk $0xffff, v16  }
0x1e6: {  	v17 =	vor.u32 s20, v14;
	v16 =	vld [tilespmem:s24+$0x0];
	_ =	sdelay $0x4  }
0x1e7: {  	s14 =	sor.u32 s14, s26;
	[tilespmem:v17+s11+$0x0] =	vst.idx.msk $0xffff, v16  }
0x1e8: {  	v17 =	vor.u32 s20, v15;
	v16 =	vld [tilespmem:s14+$0x0];
	_ =	sdelay $0x3  }
0x1e9: {  	s14 =	sand.u32 $0x70, s22  }
0x1ea: {  	s0 =	sor.u32 s14, s0;
	[tilespmem:v17+s11+$0x0] =	vst.idx.msk $0xffff, v16  }
0x1eb: {  	v17 =	vor.u32 s21, v0;
	v16 =	vld [tilespmem:s0+$0x0];
	_ =	sdelay $0x4  }
0x1ec: {  	[tilespmem:v17+s11+$0x0] =	vst.idx.msk $0xffff, v16  }
0x1ed: {  	v17 =	vor.u32 s21, v1;
	v16 =	vld [tilespmem:s0+$0x80];
	_ =	sdelay $0x4  }
0x1ee: {  	[tilespmem:v17+s11+$0x0] =	vst.idx.msk $0xffff, v16  }
0x1ef: {  	v17 =	vor.u32 s21, v2;
	v16 =	vld [tilespmem:s0+$0x100];
	_ =	sdelay $0x4  }
0x1f0: {  	[tilespmem:v17+s11+$0x0] =	vst.idx.msk $0xffff, v16  }
0x1f1: {  	v17 =	vor.u32 s21, v3;
	v16 =	vld [tilespmem:s0+$0x180];
	_ =	sdelay $0x3  }
0x1f2: {  	s30 =	sadd.s32 $0x30, s8  }
0x1f3: {  	s8 =	sor.u32 $0x200, s30;
	[tilespmem:v17+s11+$0x0] =	vst.idx.msk $0xffff, v16  }
0x1f4: {  	v17 =	vor.u32 s21, v4;
	v16 =	vld [tilespmem:s8+$0x0];
	_ =	sdelay $0x4  }
0x1f5: {  	s31 =	sor.u32 $0x280, s30;
	[tilespmem:v17+s11+$0x0] =	vst.idx.msk $0xffff, v16  }
0x1f6: {  	v17 =	vor.u32 s21, v5;
	v16 =	vld [tilespmem:s31+$0x0];
	_ =	sdelay $0x4  }
0x1f7: {  	s15 =	sor.u32 $0x300, s30;
	[tilespmem:v17+s11+$0x0] =	vst.idx.msk $0xffff, v16  }
0x1f8: {  	v17 =	vor.u32 s21, v6;
	v16 =	vld [tilespmem:s15+$0x0];
	_ =	sdelay $0x4  }
0x1f9: {  	s0 =	sor.u32 $0x380, s30;
	[tilespmem:v17+s11+$0x0] =	vst.idx.msk $0xffff, v16  }
0x1fa: {  	v17 =	vor.u32 s21, v7;
	v16 =	vld [tilespmem:s0+$0x0];
	_ =	sdelay $0x4  }
0x1fb: {  	s16 =	sor.u32 s14, s1;
	[tilespmem:v17+s11+$0x0] =	vst.idx.msk $0xffff, v16  }
0x1fc: {  	v17 =	vor.u32 s21, v8;
	v16 =	vld [tilespmem:s16+$0x0];
	_ =	sdelay $0x4  }
0x1fd: {  	s20 =	sor.u32 s14, s6;
	[tilespmem:v17+s11+$0x0] =	vst.idx.msk $0xffff, v16  }
0x1fe: {  	v17 =	vor.u32 s21, v9;
	v16 =	vld [tilespmem:s20+$0x0];
	_ =	sdelay $0x4  }
0x1ff: {  	s22 =	sor.u32 s14, s7;
	[tilespmem:v17+s11+$0x0] =	vst.idx.msk $0xffff, v16  }
0x200: {  	v17 =	vor.u32 s21, v10;
	v16 =	vld [tilespmem:s22+$0x0];
	_ =	sdelay $0x4  }
0x201: {  	s23 =	sor.u32 s14, s9;
	[tilespmem:v17+s11+$0x0] =	vst.idx.msk $0xffff, v16  }
0x202: {  	v17 =	vor.u32 s21, v11;
	v16 =	vld [tilespmem:s23+$0x0];
	_ =	sdelay $0x4  }
0x203: {  	s24 =	sor.u32 s14, s25;
	[tilespmem:v17+s11+$0x0] =	vst.idx.msk $0xffff, v16  }
0x204: {  	v17 =	vor.u32 s21, v12;
	v16 =	vld [tilespmem:s24+$0x0];
	_ =	sdelay $0x4  }
0x205: {  	s25 =	sor.u32 s14, s28;
	[tilespmem:v17+s11+$0x0] =	vst.idx.msk $0xffff, v16  }
0x206: {  	v17 =	vor.u32 s21, v13;
	v16 =	vld [tilespmem:s25+$0x0];
	_ =	sdelay $0x4  }
0x207: {  	s28 =	sor.u32 s14, s29;
	[tilespmem:v17+s11+$0x0] =	vst.idx.msk $0xffff, v16  }
0x208: {  	s29 =	smul.u32 $0xE6C3, s19;
	v17 =	vor.u32 s21, v14;
	v16 =	vld [tilespmem:s28+$0x0];
	_ =	sdelay $0x1  }
0x209: {  	s0 =	sshrl.u32 s29, $0x16  }
0x20a: {  	s30 =	smul.u32 $0x47, s0;
	_ =	sdelay $0x1  }
0x20b: {  	s31 =	sor.u32 s14, s26;
	s1 =	ssub.s32 s19, s30;
	[tilespmem:v17+s11+$0x0] =	vst.idx.msk $0xffff, v16  }
0x20c: {  	s0 =	smul.u32 $0x30D00, s0;
	s1 =	sand.u32 $0xFFFF, s1;
	v17 =	vor.u32 s21, v15;
	v16 =	vld [tilespmem:s31+$0x0]  }
0x20d: {  	s1 =	smul.u32 $0xB00, s1  }
.Ltmp5:
0x20e: {  	_ = 	snop;
	(pc) =	sbr.rel @p1 .LBB2_8-.Ltmp5, $4  }
0x20f: {  	_ = 	snop  }
0x210: {  	s0 =	sadd.s32 s1, s0  }
0x211: {  	s0 =	sadd.s32 s5, s0;
	[tilespmem:v17+s11+$0x0] =	vst.idx.msk $0xffff, v16  }
0x212: {  	[hbm4b:s0+s4] =	stream.linear.scatter [tilespmem:s11], [sflag:$0x3], $0x5800, $0x38;
	[tilespmem:$0x16000] =	vst v63  }
0x213: {  	p1 =	sgt.u32 s18, $0x687  }
0x214: {  	s0 =	sadd.s32 @!p1 $0x40, s19  }
0x215: {  	s1 =	sand.u32 @!p1 $0xFFFF, s0  }
0x216: {  	s1 =	smul.u32 @!p1 $0xE6C3, s1;
	_ =	sdelay $0x1  }
0x217: {  	s1 =	sshrl.u32 @!p1 s1, $0x16  }
0x218: {  	s6 =	smul.u32 @!p1 $0x47, s1;
	_ =	sdelay $0x1  }
0x219: {  	s0 =	ssub.s32 @!p1 s0, s6  }
0x21a: {  	s1 =	smul.u32 @!p1 $0x187000, s1;
	s0 =	sand.u32 @!p1 $0xFFFF, s0  }
0x21b: {  	_ =	swait.ge [sflag:s12], $0x2C00;
	s0 =	smul.u32 @!p1 $0x2C00, s0  }
0x21c: {  	[sflag:s12] =	ssyncset.done $0x0  }
0x21d: {  	[sflag:s12] =	ssyncadd.s32 $0xFFFFD400;
	s0 =	sadd.s32 @!p1 s0, s1  }
0x21e: {  	_ =	swait.ge [sflag:s12], $0x2C00;
	s0 =	sshrl.u32 @!p1 s0, $0x3  }
0x21f: {  	[sflag:s12] =	ssyncset.done $0x0;
	s0 =	sadd.s32 @!p1 s2, s0  }
0x220: {  	[sflag:s12] =	ssyncadd.s32 $0xFFFFD400;
	s6 =	simm.s32 @!p1 $0x0;
	s1 =	sadd.s32 @!p1 $0x61C00, s0  }
0x221: {  	[tilespmem:s6], [sflag:$0x1] =	stream.linear.gather @!p1 [hbm4b:s1+s6], $0x2C00, $0x38;
	[tilespmem:$0x16000] =	vst v63  }
0x222: {  	s0 =	sadd.s32 @!p1 $0x7A300, s0;
	s1 =	simm.s32 @!p1 $0x2C00  }
0x223: {  	[tilespmem:s1], [sflag:$0x1] =	stream.linear.gather @!p1 [hbm4b:s0+s6], $0x2C00, $0x38;
	[tilespmem:$0x16000] =	vst v63  }
0x224: {  	s19 =	simm.s32 $0x0;
	s1 =	simm.s32 @!p0 $0x4  }
0x225: {  	s15 =	simm.s32 $0x0;
	s8 =	sand.u32 $0x3C00, s19;
	_ =	swait.ge @!p0 [sflag:s1], $0x5800  }
0x226: {  	s14 =	sand.u32 $0x40, s15;
	s0 =	sadd.s32 $0x5800, s8;
	[sflag:s1] =	ssyncset.done @!p0 $0x0  }
0x227: {  	s24 =	simm.s32 $0x0;
	s16 =	sor.u32 s14, s0;
	[sflag:s1] =	ssyncadd.s32 @!p0 $0xFFFFA800  }
0x228: {  	v17 =	vor.u32 s24, v0;
	v16 =	vld [tilespmem:s16+$0x0];
	_ =	sdelay $0x4  }
0x229: {  	[tilespmem:v17+s13+$0x0] =	vst.idx.msk $0xffff, v16  }
0x22a: {  	v17 =	vor.u32 s24, v1;
	v16 =	vld [tilespmem:s16+$0x80];
	_ =	sdelay $0x4  }
0x22b: {  	[tilespmem:v17+s13+$0x0] =	vst.idx.msk $0xffff, v16  }
0x22c: {  	v17 =	vor.u32 s24, v2;
	v16 =	vld [tilespmem:s16+$0x100];
	_ =	sdelay $0x4  }
0x22d: {  	[tilespmem:v17+s13+$0x0] =	vst.idx.msk $0xffff, v16  }
0x22e: {  	v17 =	vor.u32 s24, v3;
	v16 =	vld [tilespmem:s16+$0x180]  }
0x22f: {  	p0 =	por $0x0, $0x0;
	s1 =	simm.s32 $0x1  }
0x230: {  	s1 =	simm.s32 @!p0 $0x0  }
0x231: {  	s1 =	sshll.u32 s1, $0x6  }
0x232: {  	s1 =	sadd.s32 $0x0, s1  }
0x233: {  	s20 =	sor.u32 $0x200, s1;
	[tilespmem:v17+s13+$0x0] =	vst.idx.msk $0xffff, v16  }
0x234: {  	v17 =	vor.u32 s24, v4;
	v16 =	vld [tilespmem:s20+$0x5800];
	_ =	sdelay $0x4  }
0x235: {  	s21 =	sor.u32 $0x280, s1;
	[tilespmem:v17+s13+$0x0] =	vst.idx.msk $0xffff, v16  }
0x236: {  	v17 =	vor.u32 s24, v5;
	v16 =	vld [tilespmem:s21+$0x5800];
	_ =	sdelay $0x4  }
0x237: {  	s22 =	sor.u32 $0x300, s1;
	[tilespmem:v17+s13+$0x0] =	vst.idx.msk $0xffff, v16  }
0x238: {  	v17 =	vor.u32 s24, v6;
	v16 =	vld [tilespmem:s22+$0x5800];
	_ =	sdelay $0x4  }
0x239: {  	s1 =	sor.u32 $0x380, s1;
	[tilespmem:v17+s13+$0x0] =	vst.idx.msk $0xffff, v16  }
0x23a: {  	v17 =	vor.u32 s24, v7;
	v16 =	vld [tilespmem:s1+$0x5800];
	_ =	sdelay $0x3  }
0x23b: {  	s1 =	sadd.s32 $0x8400, s8  }
0x23c: {  	s23 =	sor.u32 s14, s1;
	[tilespmem:v17+s13+$0x0] =	vst.idx.msk $0xffff, v16  }
0x23d: {  	v17 =	vor.u32 s24, v8;
	v16 =	vld [tilespmem:s23+$0x0];
	_ =	sdelay $0x3  }
0x23e: {  	s6 =	sadd.s32 $0x8480, s8  }
0x23f: {  	s7 =	sor.u32 s14, s6;
	[tilespmem:v17+s13+$0x0] =	vst.idx.msk $0xffff, v16  }
0x240: {  	v17 =	vor.u32 s24, v9;
	v16 =	vld [tilespmem:s7+$0x0];
	_ =	sdelay $0x3  }
0x241: {  	s7 =	sadd.s32 $0x8500, s8  }
0x242: {  	s9 =	sor.u32 s14, s7;
	[tilespmem:v17+s13+$0x0] =	vst.idx.msk $0xffff, v16  }
0x243: {  	v17 =	vor.u32 s24, v10;
	v16 =	vld [tilespmem:s9+$0x0];
	_ =	sdelay $0x3  }
0x244: {  	s9 =	sadd.s32 $0x8580, s8  }
0x245: {  	s15 =	sor.u32 s14, s9;
	[tilespmem:v17+s13+$0x0] =	vst.idx.msk $0xffff, v16  }
0x246: {  	v17 =	vor.u32 s24, v11;
	v16 =	vld [tilespmem:s15+$0x0];
	_ =	sdelay $0x3  }
0x247: {  	s20 =	sadd.s32 $0x8600, s8  }
0x248: {  	s25 =	sor.u32 s14, s20;
	[tilespmem:v17+s13+$0x0] =	vst.idx.msk $0xffff, v16  }
0x249: {  	v17 =	vor.u32 s24, v12;
	v16 =	vld [tilespmem:s25+$0x0];
	_ =	sdelay $0x3  }
0x24a: {  	s21 =	sadd.s32 $0x8680, s8  }
0x24b: {  	s26 =	sor.u32 s14, s21;
	[tilespmem:v17+s13+$0x0] =	vst.idx.msk $0xffff, v16  }
0x24c: {  	v17 =	vor.u32 s24, v13;
	v16 =	vld [tilespmem:s26+$0x0];
	_ =	sdelay $0x3  }
0x24d: {  	s22 =	sadd.s32 $0x8700, s8  }
0x24e: {  	s28 =	sor.u32 s14, s22;
	[tilespmem:v17+s13+$0x0] =	vst.idx.msk $0xffff, v16  }
0x24f: {  	v17 =	vor.u32 s24, v14;
	v16 =	vld [tilespmem:s28+$0x0];
	_ =	sdelay $0x3  }
0x250: {  	s23 =	sadd.s32 $0x8780, s8  }
0x251: {  	s8 =	sor.u32 s14, s23;
	[tilespmem:v17+s13+$0x0] =	vst.idx.msk $0xffff, v16  }
0x252: {  	v17 =	vor.u32 s24, v15;
	v16 =	vld [tilespmem:s8+$0x0];
	_ =	sdelay $0x2  }
0x253: {  	s29 =	simm.s32 $0x10  }
0x254: {  	s14 =	sand.u32 $0x50, s29  }
0x255: {  	s24 =	simm.s32 $0x100;
	s8 =	sor.u32 s14, s0;
	[tilespmem:v17+s13+$0x0] =	vst.idx.msk $0xffff, v16  }
0x256: {  	v17 =	vor.u32 s24, v0;
	v16 =	vld [tilespmem:s8+$0x0];
	_ =	sdelay $0x4  }
0x257: {  	[tilespmem:v17+s13+$0x0] =	vst.idx.msk $0xffff, v16  }
0x258: {  	v17 =	vor.u32 s24, v1;
	v16 =	vld [tilespmem:s8+$0x80];
	_ =	sdelay $0x4  }
0x259: {  	[tilespmem:v17+s13+$0x0] =	vst.idx.msk $0xffff, v16  }
0x25a: {  	v17 =	vor.u32 s24, v2;
	v16 =	vld [tilespmem:s8+$0x100];
	_ =	sdelay $0x4  }
0x25b: {  	[tilespmem:v17+s13+$0x0] =	vst.idx.msk $0xffff, v16  }
0x25c: {  	v17 =	vor.u32 s24, v3;
	v16 =	vld [tilespmem:s8+$0x180]  }
0x25d: {  	s30 =	sand.u32 $0x7, s19  }
0x25e: {  	s8 =	sshll.u32 s30, $0x4  }
0x25f: {  	s8 =	sadd.s32 $0x0, s8  }
0x260: {  	s31 =	sadd.s32 $0x10, s8  }
0x261: {  	s16 =	sor.u32 $0x200, s31;
	[tilespmem:v17+s13+$0x0] =	vst.idx.msk $0xffff, v16  }
0x262: {  	v17 =	vor.u32 s24, v4;
	v16 =	vld [tilespmem:s16+$0x5800];
	_ =	sdelay $0x4  }
0x263: {  	s25 =	sor.u32 $0x280, s31;
	[tilespmem:v17+s13+$0x0] =	vst.idx.msk $0xffff, v16  }
0x264: {  	v17 =	vor.u32 s24, v5;
	v16 =	vld [tilespmem:s25+$0x5800];
	_ =	sdelay $0x4  }
0x265: {  	s26 =	sor.u32 $0x300, s31;
	[tilespmem:v17+s13+$0x0] =	vst.idx.msk $0xffff, v16  }
0x266: {  	v17 =	vor.u32 s24, v6;
	v16 =	vld [tilespmem:s26+$0x5800];
	_ =	sdelay $0x4  }
0x267: {  	s15 =	sor.u32 $0x380, s31;
	[tilespmem:v17+s13+$0x0] =	vst.idx.msk $0xffff, v16  }
0x268: {  	v17 =	vor.u32 s24, v7;
	v16 =	vld [tilespmem:s15+$0x5800];
	_ =	sdelay $0x4  }
0x269: {  	s28 =	sor.u32 s14, s1;
	[tilespmem:v17+s13+$0x0] =	vst.idx.msk $0xffff, v16  }
0x26a: {  	v17 =	vor.u32 s24, v8;
	v16 =	vld [tilespmem:s28+$0x0];
	_ =	sdelay $0x4  }
0x26b: {  	s29 =	sor.u32 s14, s6;
	[tilespmem:v17+s13+$0x0] =	vst.idx.msk $0xffff, v16  }
0x26c: {  	v17 =	vor.u32 s24, v9;
	v16 =	vld [tilespmem:s29+$0x0];
	_ =	sdelay $0x4  }
0x26d: {  	s30 =	sor.u32 s14, s7;
	[tilespmem:v17+s13+$0x0] =	vst.idx.msk $0xffff, v16  }
0x26e: {  	v17 =	vor.u32 s24, v10;
	v16 =	vld [tilespmem:s30+$0x0];
	_ =	sdelay $0x4  }
0x26f: {  	s31 =	sor.u32 s14, s9;
	[tilespmem:v17+s13+$0x0] =	vst.idx.msk $0xffff, v16  }
0x270: {  	v17 =	vor.u32 s24, v11;
	v16 =	vld [tilespmem:s31+$0x0];
	_ =	sdelay $0x4  }
0x271: {  	s16 =	sor.u32 s14, s20;
	[tilespmem:v17+s13+$0x0] =	vst.idx.msk $0xffff, v16  }
0x272: {  	v17 =	vor.u32 s24, v12;
	v16 =	vld [tilespmem:s16+$0x0];
	_ =	sdelay $0x4  }
0x273: {  	s25 =	sor.u32 s14, s21;
	[tilespmem:v17+s13+$0x0] =	vst.idx.msk $0xffff, v16  }
0x274: {  	v17 =	vor.u32 s24, v13;
	v16 =	vld [tilespmem:s25+$0x0];
	_ =	sdelay $0x4  }
0x275: {  	s26 =	sor.u32 s14, s22;
	[tilespmem:v17+s13+$0x0] =	vst.idx.msk $0xffff, v16  }
0x276: {  	v17 =	vor.u32 s24, v14;
	v16 =	vld [tilespmem:s26+$0x0];
	_ =	sdelay $0x4  }
0x277: {  	s14 =	sor.u32 s14, s23;
	[tilespmem:v17+s13+$0x0] =	vst.idx.msk $0xffff, v16  }
0x278: {  	v17 =	vor.u32 s24, v15;
	v16 =	vld [tilespmem:s14+$0x0];
	_ =	sdelay $0x2  }
0x279: {  	s28 =	simm.s32 $0x20  }
0x27a: {  	s14 =	sand.u32 $0x60, s28  }
0x27b: {  	s24 =	simm.s32 $0x200;
	s29 =	sor.u32 s14, s0;
	[tilespmem:v17+s13+$0x0] =	vst.idx.msk $0xffff, v16  }
0x27c: {  	v17 =	vor.u32 s24, v0;
	v16 =	vld [tilespmem:s29+$0x0];
	_ =	sdelay $0x4  }
0x27d: {  	[tilespmem:v17+s13+$0x0] =	vst.idx.msk $0xffff, v16  }
0x27e: {  	v17 =	vor.u32 s24, v1;
	v16 =	vld [tilespmem:s29+$0x80];
	_ =	sdelay $0x4  }
0x27f: {  	[tilespmem:v17+s13+$0x0] =	vst.idx.msk $0xffff, v16  }
0x280: {  	v17 =	vor.u32 s24, v2;
	v16 =	vld [tilespmem:s29+$0x100];
	_ =	sdelay $0x4  }
0x281: {  	[tilespmem:v17+s13+$0x0] =	vst.idx.msk $0xffff, v16  }
0x282: {  	v17 =	vor.u32 s24, v3;
	v16 =	vld [tilespmem:s29+$0x180]  }
0x283: {  	s30 =	sand.u32 $0x3, s19  }
0x284: {  	s15 =	sshll.u32 s30, $0x5  }
0x285: {  	s15 =	sadd.s32 $0x0, s15  }
0x286: {  	s15 =	sadd.s32 $0x20, s15  }
0x287: {  	s31 =	sor.u32 $0x200, s15;
	[tilespmem:v17+s13+$0x0] =	vst.idx.msk $0xffff, v16  }
0x288: {  	v17 =	vor.u32 s24, v4;
	v16 =	vld [tilespmem:s31+$0x5800];
	_ =	sdelay $0x4  }
0x289: {  	s25 =	sor.u32 $0x280, s15;
	[tilespmem:v17+s13+$0x0] =	vst.idx.msk $0xffff, v16  }
0x28a: {  	v17 =	vor.u32 s24, v5;
	v16 =	vld [tilespmem:s25+$0x5800];
	_ =	sdelay $0x4  }
0x28b: {  	s26 =	sor.u32 $0x300, s15;
	[tilespmem:v17+s13+$0x0] =	vst.idx.msk $0xffff, v16  }
0x28c: {  	v17 =	vor.u32 s24, v6;
	v16 =	vld [tilespmem:s26+$0x5800];
	_ =	sdelay $0x4  }
0x28d: {  	s15 =	sor.u32 $0x380, s15;
	[tilespmem:v17+s13+$0x0] =	vst.idx.msk $0xffff, v16  }
0x28e: {  	v17 =	vor.u32 s24, v7;
	v16 =	vld [tilespmem:s15+$0x5800];
	_ =	sdelay $0x4  }
0x28f: {  	s28 =	sor.u32 s14, s1;
	[tilespmem:v17+s13+$0x0] =	vst.idx.msk $0xffff, v16  }
0x290: {  	v17 =	vor.u32 s24, v8;
	v16 =	vld [tilespmem:s28+$0x0];
	_ =	sdelay $0x4  }
0x291: {  	s29 =	sor.u32 s14, s6;
	[tilespmem:v17+s13+$0x0] =	vst.idx.msk $0xffff, v16  }
0x292: {  	v17 =	vor.u32 s24, v9;
	v16 =	vld [tilespmem:s29+$0x0];
	_ =	sdelay $0x4  }
0x293: {  	s30 =	sor.u32 s14, s7;
	[tilespmem:v17+s13+$0x0] =	vst.idx.msk $0xffff, v16  }
0x294: {  	v17 =	vor.u32 s24, v10;
	v16 =	vld [tilespmem:s30+$0x0];
	_ =	sdelay $0x4  }
0x295: {  	s31 =	sor.u32 s14, s9;
	[tilespmem:v17+s13+$0x0] =	vst.idx.msk $0xffff, v16  }
0x296: {  	v17 =	vor.u32 s24, v11;
	v16 =	vld [tilespmem:s31+$0x0];
	_ =	sdelay $0x4  }
0x297: {  	s16 =	sor.u32 s14, s20;
	[tilespmem:v17+s13+$0x0] =	vst.idx.msk $0xffff, v16  }
0x298: {  	v17 =	vor.u32 s24, v12;
	v16 =	vld [tilespmem:s16+$0x0];
	_ =	sdelay $0x4  }
0x299: {  	s25 =	sor.u32 s14, s21;
	[tilespmem:v17+s13+$0x0] =	vst.idx.msk $0xffff, v16  }
0x29a: {  	v17 =	vor.u32 s24, v13;
	v16 =	vld [tilespmem:s25+$0x0];
	_ =	sdelay $0x4  }
0x29b: {  	s26 =	sor.u32 s14, s22;
	[tilespmem:v17+s13+$0x0] =	vst.idx.msk $0xffff, v16  }
0x29c: {  	v17 =	vor.u32 s24, v14;
	v16 =	vld [tilespmem:s26+$0x0];
	_ =	sdelay $0x4  }
0x29d: {  	s14 =	sor.u32 s14, s23;
	[tilespmem:v17+s13+$0x0] =	vst.idx.msk $0xffff, v16  }
0x29e: {  	v17 =	vor.u32 s24, v15;
	v16 =	vld [tilespmem:s14+$0x0];
	_ =	sdelay $0x2  }
0x29f: {  	s28 =	simm.s32 $0x30  }
0x2a0: {  	s15 =	sand.u32 $0x70, s28  }
0x2a1: {  	s0 =	sor.u32 s15, s0;
	s14 =	simm.s32 $0x300;
	[tilespmem:v17+s13+$0x0] =	vst.idx.msk $0xffff, v16  }
0x2a2: {  	v17 =	vor.u32 s14, v0;
	v16 =	vld [tilespmem:s0+$0x0];
	_ =	sdelay $0x4  }
0x2a3: {  	[tilespmem:v17+s13+$0x0] =	vst.idx.msk $0xffff, v16  }
0x2a4: {  	v17 =	vor.u32 s14, v1;
	v16 =	vld [tilespmem:s0+$0x80];
	_ =	sdelay $0x4  }
0x2a5: {  	[tilespmem:v17+s13+$0x0] =	vst.idx.msk $0xffff, v16  }
0x2a6: {  	v17 =	vor.u32 s14, v2;
	v16 =	vld [tilespmem:s0+$0x100];
	_ =	sdelay $0x4  }
0x2a7: {  	[tilespmem:v17+s13+$0x0] =	vst.idx.msk $0xffff, v16  }
0x2a8: {  	v17 =	vor.u32 s14, v3;
	v16 =	vld [tilespmem:s0+$0x180];
	_ =	sdelay $0x3  }
0x2a9: {  	s29 =	sadd.s32 $0x30, s8  }
0x2aa: {  	s8 =	sor.u32 $0x200, s29;
	[tilespmem:v17+s13+$0x0] =	vst.idx.msk $0xffff, v16  }
0x2ab: {  	v17 =	vor.u32 s14, v4;
	v16 =	vld [tilespmem:s8+$0x5800];
	_ =	sdelay $0x4  }
0x2ac: {  	s30 =	sor.u32 $0x280, s29;
	[tilespmem:v17+s13+$0x0] =	vst.idx.msk $0xffff, v16  }
0x2ad: {  	v17 =	vor.u32 s14, v5;
	v16 =	vld [tilespmem:s30+$0x5800];
	_ =	sdelay $0x4  }
0x2ae: {  	s31 =	sor.u32 $0x300, s29;
	[tilespmem:v17+s13+$0x0] =	vst.idx.msk $0xffff, v16  }
0x2af: {  	v17 =	vor.u32 s14, v6;
	v16 =	vld [tilespmem:s31+$0x5800];
	_ =	sdelay $0x4  }
0x2b0: {  	s0 =	sor.u32 $0x380, s29;
	[tilespmem:v17+s13+$0x0] =	vst.idx.msk $0xffff, v16  }
0x2b1: {  	v17 =	vor.u32 s14, v7;
	v16 =	vld [tilespmem:s0+$0x5800];
	_ =	sdelay $0x4  }
0x2b2: {  	s16 =	sor.u32 s15, s1;
	[tilespmem:v17+s13+$0x0] =	vst.idx.msk $0xffff, v16  }
0x2b3: {  	v17 =	vor.u32 s14, v8;
	v16 =	vld [tilespmem:s16+$0x0];
	_ =	sdelay $0x4  }
0x2b4: {  	s24 =	sor.u32 s15, s6;
	[tilespmem:v17+s13+$0x0] =	vst.idx.msk $0xffff, v16  }
0x2b5: {  	v17 =	vor.u32 s14, v9;
	v16 =	vld [tilespmem:s24+$0x0];
	_ =	sdelay $0x4  }
0x2b6: {  	s25 =	sor.u32 s15, s7;
	[tilespmem:v17+s13+$0x0] =	vst.idx.msk $0xffff, v16  }
0x2b7: {  	v17 =	vor.u32 s14, v10;
	v16 =	vld [tilespmem:s25+$0x0];
	_ =	sdelay $0x4  }
0x2b8: {  	s26 =	sor.u32 s15, s9;
	[tilespmem:v17+s13+$0x0] =	vst.idx.msk $0xffff, v16  }
0x2b9: {  	v17 =	vor.u32 s14, v11;
	v16 =	vld [tilespmem:s26+$0x0];
	_ =	sdelay $0x4  }
0x2ba: {  	s28 =	sor.u32 s15, s20;
	[tilespmem:v17+s13+$0x0] =	vst.idx.msk $0xffff, v16  }
0x2bb: {  	v17 =	vor.u32 s14, v12;
	v16 =	vld [tilespmem:s28+$0x0];
	_ =	sdelay $0x4  }
0x2bc: {  	s29 =	sor.u32 s15, s21;
	[tilespmem:v17+s13+$0x0] =	vst.idx.msk $0xffff, v16  }
0x2bd: {  	v17 =	vor.u32 s14, v13;
	v16 =	vld [tilespmem:s29+$0x0];
	_ =	sdelay $0x4  }
0x2be: {  	s30 =	sor.u32 s15, s22;
	[tilespmem:v17+s13+$0x0] =	vst.idx.msk $0xffff, v16  }
0x2bf: {  	v17 =	vor.u32 s14, v14;
	v16 =	vld [tilespmem:s30+$0x0];
	_ =	sdelay $0x4  }
0x2c0: {  	s31 =	sor.u32 s15, s23;
	[tilespmem:v17+s13+$0x0] =	vst.idx.msk $0xffff, v16  }
0x2c1: {  	v17 =	vor.u32 s14, v15;
	v16 =	vld [tilespmem:s31+$0x0]  }
0x2c2: {  	s22 =	simm.s32 $0x200  }
0x2c3: {  	s20 =	simm.s32 $0x700;
	s21 =	simm.s32 $0x70;
	s6 =	sand.u32 $0x3C00, s22  }
0x2c4: {  	s23 =	simm.s32 $0x0;
	s0 =	simm.s32 $0x40;
	s24 =	simm.s32 $0x400  }
.LBB2_6:
0x2c5: {  	p1 =	sne.s32 s24, $0x2A00;
	s7 =	sand.u32 $0x40, s0;
	s25 =	sadd.s32 $0x5800, s6  }
0x2c6: {  	s8 =	sadd.s32 $0xFFFFFD00, s20;
	s0 =	sor.u32 s7, s25;
	[tilespmem:v17+s13+$0x0] =	vst.idx.msk $0xffff, v16  }
0x2c7: {  	v17 =	vor.u32 s8, v0;
	v16 =	vld [tilespmem:s0+$0x0];
	_ =	sdelay $0x4  }
0x2c8: {  	[tilespmem:v17+s13+$0x0] =	vst.idx.msk $0xffff, v16  }
0x2c9: {  	v17 =	vor.u32 s8, v1;
	v16 =	vld [tilespmem:s0+$0x80];
	_ =	sdelay $0x4  }
0x2ca: {  	[tilespmem:v17+s13+$0x0] =	vst.idx.msk $0xffff, v16  }
0x2cb: {  	v17 =	vor.u32 s8, v2;
	v16 =	vld [tilespmem:s0+$0x100];
	_ =	sdelay $0x4  }
0x2cc: {  	[tilespmem:v17+s13+$0x0] =	vst.idx.msk $0xffff, v16  }
0x2cd: {  	v17 =	vor.u32 s8, v3;
	v16 =	vld [tilespmem:s0+$0x180]  }
0x2ce: {  	p0 =	por !p0, !p0;
	s0 =	simm.s32 $0x1  }
0x2cf: {  	s0 =	simm.s32 @!p0 $0x0  }
0x2d0: {  	s0 =	sshll.u32 s0, $0x6  }
0x2d1: {  	s0 =	sadd.s32 s0, s22  }
0x2d2: {  	s1 =	sor.u32 $0x200, s0;
	[tilespmem:v17+s13+$0x0] =	vst.idx.msk $0xffff, v16  }
0x2d3: {  	v17 =	vor.u32 s8, v4;
	v16 =	vld [tilespmem:s1+$0x5800];
	_ =	sdelay $0x4  }
0x2d4: {  	s1 =	sor.u32 $0x280, s0;
	[tilespmem:v17+s13+$0x0] =	vst.idx.msk $0xffff, v16  }
0x2d5: {  	v17 =	vor.u32 s8, v5;
	v16 =	vld [tilespmem:s1+$0x5800];
	_ =	sdelay $0x4  }
0x2d6: {  	s1 =	sor.u32 $0x300, s0;
	[tilespmem:v17+s13+$0x0] =	vst.idx.msk $0xffff, v16  }
0x2d7: {  	v17 =	vor.u32 s8, v6;
	v16 =	vld [tilespmem:s1+$0x5800];
	_ =	sdelay $0x4  }
0x2d8: {  	s0 =	sor.u32 $0x380, s0;
	[tilespmem:v17+s13+$0x0] =	vst.idx.msk $0xffff, v16  }
0x2d9: {  	v17 =	vor.u32 s8, v7;
	v16 =	vld [tilespmem:s0+$0x5800];
	_ =	sdelay $0x3  }
0x2da: {  	s26 =	sadd.s32 $0x8400, s6  }
0x2db: {  	s0 =	sor.u32 s7, s26;
	[tilespmem:v17+s13+$0x0] =	vst.idx.msk $0xffff, v16  }
0x2dc: {  	v17 =	vor.u32 s8, v8;
	v16 =	vld [tilespmem:s0+$0x0];
	_ =	sdelay $0x3  }
0x2dd: {  	s28 =	sadd.s32 $0x8480, s6  }
0x2de: {  	s0 =	sor.u32 s7, s28;
	[tilespmem:v17+s13+$0x0] =	vst.idx.msk $0xffff, v16  }
0x2df: {  	v17 =	vor.u32 s8, v9;
	v16 =	vld [tilespmem:s0+$0x0];
	_ =	sdelay $0x3  }
0x2e0: {  	s29 =	sadd.s32 $0x8500, s6  }
0x2e1: {  	s0 =	sor.u32 s7, s29;
	[tilespmem:v17+s13+$0x0] =	vst.idx.msk $0xffff, v16  }
0x2e2: {  	v17 =	vor.u32 s8, v10;
	v16 =	vld [tilespmem:s0+$0x0];
	_ =	sdelay $0x3  }
0x2e3: {  	s30 =	sadd.s32 $0x8580, s6  }
0x2e4: {  	s0 =	sor.u32 s7, s30;
	[tilespmem:v17+s13+$0x0] =	vst.idx.msk $0xffff, v16  }
0x2e5: {  	v17 =	vor.u32 s8, v11;
	v16 =	vld [tilespmem:s0+$0x0];
	_ =	sdelay $0x3  }
0x2e6: {  	s1 =	sadd.s32 $0x8600, s6  }
0x2e7: {  	s0 =	sor.u32 s7, s1;
	[tilespmem:v17+s13+$0x0] =	vst.idx.msk $0xffff, v16  }
0x2e8: {  	v17 =	vor.u32 s8, v12;
	v16 =	vld [tilespmem:s0+$0x0];
	_ =	sdelay $0x3  }
0x2e9: {  	s0 =	sadd.s32 $0x8680, s6  }
0x2ea: {  	s9 =	sor.u32 s7, s0;
	[tilespmem:v17+s13+$0x0] =	vst.idx.msk $0xffff, v16  }
0x2eb: {  	v17 =	vor.u32 s8, v13;
	v16 =	vld [tilespmem:s9+$0x0];
	_ =	sdelay $0x3  }
0x2ec: {  	s9 =	sadd.s32 $0x8700, s6  }
0x2ed: {  	s14 =	sor.u32 s7, s9;
	[tilespmem:v17+s13+$0x0] =	vst.idx.msk $0xffff, v16  }
0x2ee: {  	v17 =	vor.u32 s8, v14;
	v16 =	vld [tilespmem:s14+$0x0];
	_ =	sdelay $0x3  }
0x2ef: {  	s6 =	sadd.s32 $0x8780, s6  }
0x2f0: {  	s7 =	sor.u32 s7, s6;
	[tilespmem:v17+s13+$0x0] =	vst.idx.msk $0xffff, v16  }
0x2f1: {  	v17 =	vor.u32 s8, v15;
	v16 =	vld [tilespmem:s7+$0x0];
	_ =	sdelay $0x2  }
0x2f2: {  	s7 =	sadd.s32 $0xFFFFFFE0, s21  }
0x2f3: {  	s8 =	sand.u32 $0x50, s7  }
0x2f4: {  	s14 =	sadd.s32 $0xFFFFFE00, s20;
	s7 =	sor.u32 s8, s25;
	[tilespmem:v17+s13+$0x0] =	vst.idx.msk $0xffff, v16  }
0x2f5: {  	v17 =	vor.u32 s14, v0;
	v16 =	vld [tilespmem:s7+$0x0];
	_ =	sdelay $0x4  }
0x2f6: {  	[tilespmem:v17+s13+$0x0] =	vst.idx.msk $0xffff, v16  }
0x2f7: {  	v17 =	vor.u32 s14, v1;
	v16 =	vld [tilespmem:s7+$0x80];
	_ =	sdelay $0x4  }
0x2f8: {  	[tilespmem:v17+s13+$0x0] =	vst.idx.msk $0xffff, v16  }
0x2f9: {  	v17 =	vor.u32 s14, v2;
	v16 =	vld [tilespmem:s7+$0x100];
	_ =	sdelay $0x4  }
0x2fa: {  	[tilespmem:v17+s13+$0x0] =	vst.idx.msk $0xffff, v16  }
0x2fb: {  	s19 =	sadd.s32 $0x4, s19;
	v17 =	vor.u32 s14, v3;
	v16 =	vld [tilespmem:s7+$0x180]  }
0x2fc: {  	s7 =	sand.u32 $0x7, s19  }
0x2fd: {  	s7 =	sshll.u32 s7, $0x4  }
0x2fe: {  	s7 =	sadd.s32 s22, s7  }
0x2ff: {  	s15 =	sadd.s32 $0x10, s7  }
0x300: {  	s16 =	sor.u32 $0x200, s15;
	[tilespmem:v17+s13+$0x0] =	vst.idx.msk $0xffff, v16  }
0x301: {  	v17 =	vor.u32 s14, v4;
	v16 =	vld [tilespmem:s16+$0x5800];
	_ =	sdelay $0x4  }
0x302: {  	s16 =	sor.u32 $0x280, s15;
	[tilespmem:v17+s13+$0x0] =	vst.idx.msk $0xffff, v16  }
0x303: {  	v17 =	vor.u32 s14, v5;
	v16 =	vld [tilespmem:s16+$0x5800];
	_ =	sdelay $0x4  }
0x304: {  	s16 =	sor.u32 $0x300, s15;
	[tilespmem:v17+s13+$0x0] =	vst.idx.msk $0xffff, v16  }
0x305: {  	v17 =	vor.u32 s14, v6;
	v16 =	vld [tilespmem:s16+$0x5800];
	_ =	sdelay $0x4  }
0x306: {  	s15 =	sor.u32 $0x380, s15;
	[tilespmem:v17+s13+$0x0] =	vst.idx.msk $0xffff, v16  }
0x307: {  	v17 =	vor.u32 s14, v7;
	v16 =	vld [tilespmem:s15+$0x5800];
	_ =	sdelay $0x4  }
0x308: {  	s15 =	sor.u32 s8, s26;
	[tilespmem:v17+s13+$0x0] =	vst.idx.msk $0xffff, v16  }
0x309: {  	v17 =	vor.u32 s14, v8;
	v16 =	vld [tilespmem:s15+$0x0];
	_ =	sdelay $0x4  }
0x30a: {  	s15 =	sor.u32 s8, s28;
	[tilespmem:v17+s13+$0x0] =	vst.idx.msk $0xffff, v16  }
0x30b: {  	v17 =	vor.u32 s14, v9;
	v16 =	vld [tilespmem:s15+$0x0];
	_ =	sdelay $0x4  }
0x30c: {  	s15 =	sor.u32 s8, s29;
	[tilespmem:v17+s13+$0x0] =	vst.idx.msk $0xffff, v16  }
0x30d: {  	v17 =	vor.u32 s14, v10;
	v16 =	vld [tilespmem:s15+$0x0];
	_ =	sdelay $0x4  }
0x30e: {  	s15 =	sor.u32 s8, s30;
	[tilespmem:v17+s13+$0x0] =	vst.idx.msk $0xffff, v16  }
0x30f: {  	v17 =	vor.u32 s14, v11;
	v16 =	vld [tilespmem:s15+$0x0];
	_ =	sdelay $0x4  }
0x310: {  	s15 =	sor.u32 s8, s1;
	[tilespmem:v17+s13+$0x0] =	vst.idx.msk $0xffff, v16  }
0x311: {  	v17 =	vor.u32 s14, v12;
	v16 =	vld [tilespmem:s15+$0x0];
	_ =	sdelay $0x4  }
0x312: {  	s15 =	sor.u32 s8, s0;
	[tilespmem:v17+s13+$0x0] =	vst.idx.msk $0xffff, v16  }
0x313: {  	v17 =	vor.u32 s14, v13;
	v16 =	vld [tilespmem:s15+$0x0];
	_ =	sdelay $0x4  }
0x314: {  	s15 =	sor.u32 s8, s9;
	[tilespmem:v17+s13+$0x0] =	vst.idx.msk $0xffff, v16  }
0x315: {  	v17 =	vor.u32 s14, v14;
	v16 =	vld [tilespmem:s15+$0x0];
	_ =	sdelay $0x4  }
0x316: {  	s8 =	sor.u32 s8, s6;
	[tilespmem:v17+s13+$0x0] =	vst.idx.msk $0xffff, v16  }
0x317: {  	v17 =	vor.u32 s14, v15;
	v16 =	vld [tilespmem:s8+$0x0];
	_ =	sdelay $0x2  }
0x318: {  	s8 =	sadd.s32 $0xFFFFFFF0, s21  }
0x319: {  	s8 =	sand.u32 $0x60, s8  }
0x31a: {  	s14 =	sadd.s32 $0xFFFFFF00, s20;
	s15 =	sor.u32 s8, s25;
	[tilespmem:v17+s13+$0x0] =	vst.idx.msk $0xffff, v16  }
0x31b: {  	v17 =	vor.u32 s14, v0;
	v16 =	vld [tilespmem:s15+$0x0];
	_ =	sdelay $0x4  }
0x31c: {  	[tilespmem:v17+s13+$0x0] =	vst.idx.msk $0xffff, v16  }
0x31d: {  	v17 =	vor.u32 s14, v1;
	v16 =	vld [tilespmem:s15+$0x80];
	_ =	sdelay $0x4  }
0x31e: {  	[tilespmem:v17+s13+$0x0] =	vst.idx.msk $0xffff, v16  }
0x31f: {  	v17 =	vor.u32 s14, v2;
	v16 =	vld [tilespmem:s15+$0x100];
	_ =	sdelay $0x4  }
0x320: {  	[tilespmem:v17+s13+$0x0] =	vst.idx.msk $0xffff, v16  }
0x321: {  	s23 =	sadd.s32 $0x2, s23;
	v17 =	vor.u32 s14, v3;
	v16 =	vld [tilespmem:s15+$0x180]  }
0x322: {  	s15 =	sand.u32 $0x3, s23  }
0x323: {  	s15 =	sshll.u32 s15, $0x5  }
0x324: {  	s15 =	sadd.s32 s22, s15;
	s22 =	smov.u32 s24  }
0x325: {  	s15 =	sadd.s32 $0x20, s15  }
0x326: {  	s16 =	sor.u32 $0x200, s15;
	[tilespmem:v17+s13+$0x0] =	vst.idx.msk $0xffff, v16  }
0x327: {  	v17 =	vor.u32 s14, v4;
	v16 =	vld [tilespmem:s16+$0x5800];
	_ =	sdelay $0x4  }
0x328: {  	s16 =	sor.u32 $0x280, s15;
	[tilespmem:v17+s13+$0x0] =	vst.idx.msk $0xffff, v16  }
0x329: {  	v17 =	vor.u32 s14, v5;
	v16 =	vld [tilespmem:s16+$0x5800];
	_ =	sdelay $0x4  }
0x32a: {  	s16 =	sor.u32 $0x300, s15;
	[tilespmem:v17+s13+$0x0] =	vst.idx.msk $0xffff, v16  }
0x32b: {  	v17 =	vor.u32 s14, v6;
	v16 =	vld [tilespmem:s16+$0x5800];
	_ =	sdelay $0x4  }
0x32c: {  	s15 =	sor.u32 $0x380, s15;
	[tilespmem:v17+s13+$0x0] =	vst.idx.msk $0xffff, v16  }
0x32d: {  	v17 =	vor.u32 s14, v7;
	v16 =	vld [tilespmem:s15+$0x5800];
	_ =	sdelay $0x4  }
0x32e: {  	s15 =	sor.u32 s8, s26;
	[tilespmem:v17+s13+$0x0] =	vst.idx.msk $0xffff, v16  }
0x32f: {  	v17 =	vor.u32 s14, v8;
	v16 =	vld [tilespmem:s15+$0x0];
	_ =	sdelay $0x4  }
0x330: {  	s15 =	sor.u32 s8, s28;
	[tilespmem:v17+s13+$0x0] =	vst.idx.msk $0xffff, v16  }
0x331: {  	v17 =	vor.u32 s14, v9;
	v16 =	vld [tilespmem:s15+$0x0];
	_ =	sdelay $0x4  }
0x332: {  	s15 =	sor.u32 s8, s29;
	[tilespmem:v17+s13+$0x0] =	vst.idx.msk $0xffff, v16  }
0x333: {  	v17 =	vor.u32 s14, v10;
	v16 =	vld [tilespmem:s15+$0x0];
	_ =	sdelay $0x4  }
0x334: {  	s15 =	sor.u32 s8, s30;
	[tilespmem:v17+s13+$0x0] =	vst.idx.msk $0xffff, v16  }
0x335: {  	v17 =	vor.u32 s14, v11;
	v16 =	vld [tilespmem:s15+$0x0];
	_ =	sdelay $0x4  }
0x336: {  	s15 =	sor.u32 s8, s1;
	[tilespmem:v17+s13+$0x0] =	vst.idx.msk $0xffff, v16  }
0x337: {  	v17 =	vor.u32 s14, v12;
	v16 =	vld [tilespmem:s15+$0x0];
	_ =	sdelay $0x4  }
0x338: {  	s15 =	sor.u32 s8, s0;
	[tilespmem:v17+s13+$0x0] =	vst.idx.msk $0xffff, v16  }
0x339: {  	v17 =	vor.u32 s14, v13;
	v16 =	vld [tilespmem:s15+$0x0];
	_ =	sdelay $0x4  }
0x33a: {  	s15 =	sor.u32 s8, s9;
	[tilespmem:v17+s13+$0x0] =	vst.idx.msk $0xffff, v16  }
0x33b: {  	v17 =	vor.u32 s14, v14;
	v16 =	vld [tilespmem:s15+$0x0];
	_ =	sdelay $0x4  }
0x33c: {  	s8 =	sor.u32 s8, s6;
	[tilespmem:v17+s13+$0x0] =	vst.idx.msk $0xffff, v16  }
0x33d: {  	v17 =	vor.u32 s14, v15;
	v16 =	vld [tilespmem:s8+$0x0];
	_ =	sdelay $0x3  }
0x33e: {  	s8 =	sand.u32 $0x70, s21  }
0x33f: {  	s14 =	sor.u32 s8, s25;
	[tilespmem:v17+s13+$0x0] =	vst.idx.msk $0xffff, v16  }
0x340: {  	v17 =	vor.u32 s20, v0;
	v16 =	vld [tilespmem:s14+$0x0];
	_ =	sdelay $0x4  }
0x341: {  	[tilespmem:v17+s13+$0x0] =	vst.idx.msk $0xffff, v16  }
0x342: {  	v17 =	vor.u32 s20, v1;
	v16 =	vld [tilespmem:s14+$0x80];
	_ =	sdelay $0x4  }
0x343: {  	[tilespmem:v17+s13+$0x0] =	vst.idx.msk $0xffff, v16  }
0x344: {  	v17 =	vor.u32 s20, v2;
	v16 =	vld [tilespmem:s14+$0x100];
	_ =	sdelay $0x4  }
0x345: {  	[tilespmem:v17+s13+$0x0] =	vst.idx.msk $0xffff, v16  }
0x346: {  	v17 =	vor.u32 s20, v3;
	v16 =	vld [tilespmem:s14+$0x180];
	_ =	sdelay $0x3  }
0x347: {  	s7 =	sadd.s32 $0x30, s7  }
0x348: {  	s14 =	sor.u32 $0x200, s7;
	[tilespmem:v17+s13+$0x0] =	vst.idx.msk $0xffff, v16  }
0x349: {  	v17 =	vor.u32 s20, v4;
	v16 =	vld [tilespmem:s14+$0x5800];
	_ =	sdelay $0x4  }
0x34a: {  	s14 =	sor.u32 $0x280, s7;
	[tilespmem:v17+s13+$0x0] =	vst.idx.msk $0xffff, v16  }
0x34b: {  	v17 =	vor.u32 s20, v5;
	v16 =	vld [tilespmem:s14+$0x5800];
	_ =	sdelay $0x4  }
0x34c: {  	s14 =	sor.u32 $0x300, s7;
	[tilespmem:v17+s13+$0x0] =	vst.idx.msk $0xffff, v16  }
0x34d: {  	v17 =	vor.u32 s20, v6;
	v16 =	vld [tilespmem:s14+$0x5800];
	_ =	sdelay $0x4  }
0x34e: {  	s7 =	sor.u32 $0x380, s7;
	[tilespmem:v17+s13+$0x0] =	vst.idx.msk $0xffff, v16  }
0x34f: {  	v17 =	vor.u32 s20, v7;
	v16 =	vld [tilespmem:s7+$0x5800];
	_ =	sdelay $0x4  }
0x350: {  	s7 =	sor.u32 s8, s26;
	[tilespmem:v17+s13+$0x0] =	vst.idx.msk $0xffff, v16  }
0x351: {  	v17 =	vor.u32 s20, v8;
	v16 =	vld [tilespmem:s7+$0x0];
	_ =	sdelay $0x4  }
0x352: {  	s7 =	sor.u32 s8, s28;
	[tilespmem:v17+s13+$0x0] =	vst.idx.msk $0xffff, v16  }
0x353: {  	v17 =	vor.u32 s20, v9;
	v16 =	vld [tilespmem:s7+$0x0];
	_ =	sdelay $0x4  }
0x354: {  	s7 =	sor.u32 s8, s29;
	[tilespmem:v17+s13+$0x0] =	vst.idx.msk $0xffff, v16  }
0x355: {  	v17 =	vor.u32 s20, v10;
	v16 =	vld [tilespmem:s7+$0x0];
	_ =	sdelay $0x4  }
0x356: {  	s7 =	sor.u32 s8, s30;
	[tilespmem:v17+s13+$0x0] =	vst.idx.msk $0xffff, v16  }
0x357: {  	v17 =	vor.u32 s20, v11;
	v16 =	vld [tilespmem:s7+$0x0];
	_ =	sdelay $0x4  }
0x358: {  	s1 =	sor.u32 s8, s1;
	[tilespmem:v17+s13+$0x0] =	vst.idx.msk $0xffff, v16  }
0x359: {  	v17 =	vor.u32 s20, v12;
	v16 =	vld [tilespmem:s1+$0x0];
	_ =	sdelay $0x4  }
0x35a: {  	s0 =	sor.u32 s8, s0;
	[tilespmem:v17+s13+$0x0] =	vst.idx.msk $0xffff, v16  }
0x35b: {  	v17 =	vor.u32 s20, v13;
	v16 =	vld [tilespmem:s0+$0x0];
	_ =	sdelay $0x4  }
0x35c: {  	s0 =	sor.u32 s8, s9;
	[tilespmem:v17+s13+$0x0] =	vst.idx.msk $0xffff, v16  }
0x35d: {  	v17 =	vor.u32 s20, v14;
	v16 =	vld [tilespmem:s0+$0x0];
	_ =	sdelay $0x4  }
.Ltmp6:
0x35e: {  	s0 =	sor.u32 s8, s6;
	[tilespmem:v17+s13+$0x0] =	vst.idx.msk $0xffff, v16;
	(pc) =	sbr.rel @p1 .LBB2_6-.Ltmp6, $3  }
0x35f: {  	v17 =	vor.u32 s20, v15;
	v16 =	vld [tilespmem:s0+$0x0];
	_ =	sdelay $0x1  }
0x360: {  	s21 =	sadd.s32 $0x40, s21;
	s20 =	sadd.s32 $0x400, s20  }
0x361: {  	s24 =	sadd.s32 $0x200, s24;
	s6 =	sand.u32 $0x3C00, s22;
	s0 =	sadd.s32 $0xFFFFFFD0, s21  }
0x362: {  	_ =	sdelay $0x2  }
0x363: {  	s8 =	sand.u32 $0x40, s0;
	s0 =	sadd.s32 $0x5800, s6  }
0x364: {  	s14 =	sadd.s32 $0xFFFFFD00, s20;
	s1 =	sor.u32 s8, s0;
	[tilespmem:v17+s13+$0x0] =	vst.idx.msk $0xffff, v16  }
0x365: {  	v17 =	vor.u32 s14, v0;
	v16 =	vld [tilespmem:s1+$0x0];
	_ =	sdelay $0x4  }
0x366: {  	[tilespmem:v17+s13+$0x0] =	vst.idx.msk $0xffff, v16  }
0x367: {  	v17 =	vor.u32 s14, v1;
	v16 =	vld [tilespmem:s1+$0x80];
	_ =	sdelay $0x4  }
0x368: {  	[tilespmem:v17+s13+$0x0] =	vst.idx.msk $0xffff, v16  }
0x369: {  	v17 =	vor.u32 s14, v2;
	v16 =	vld [tilespmem:s1+$0x100];
	_ =	sdelay $0x4  }
0x36a: {  	[tilespmem:v17+s13+$0x0] =	vst.idx.msk $0xffff, v16  }
0x36b: {  	v17 =	vor.u32 s14, v3;
	v16 =	vld [tilespmem:s1+$0x180]  }
0x36c: {  	p0 =	por !p0, !p0;
	s1 =	simm.s32 $0x1  }
0x36d: {  	s1 =	simm.s32 @!p0 $0x0  }
0x36e: {  	s1 =	sshll.u32 s1, $0x6  }
0x36f: {  	s1 =	sadd.s32 s1, s22  }
0x370: {  	s7 =	sor.u32 $0x200, s1;
	[tilespmem:v17+s13+$0x0] =	vst.idx.msk $0xffff, v16  }
0x371: {  	v17 =	vor.u32 s14, v4;
	v16 =	vld [tilespmem:s7+$0x5800];
	_ =	sdelay $0x4  }
0x372: {  	s25 =	sor.u32 $0x280, s1;
	[tilespmem:v17+s13+$0x0] =	vst.idx.msk $0xffff, v16  }
0x373: {  	v17 =	vor.u32 s14, v5;
	v16 =	vld [tilespmem:s25+$0x5800];
	_ =	sdelay $0x4  }
0x374: {  	s26 =	sor.u32 $0x300, s1;
	[tilespmem:v17+s13+$0x0] =	vst.idx.msk $0xffff, v16  }
0x375: {  	v17 =	vor.u32 s14, v6;
	v16 =	vld [tilespmem:s26+$0x5800];
	_ =	sdelay $0x4  }
0x376: {  	s1 =	sor.u32 $0x380, s1;
	[tilespmem:v17+s13+$0x0] =	vst.idx.msk $0xffff, v16  }
0x377: {  	v17 =	vor.u32 s14, v7;
	v16 =	vld [tilespmem:s1+$0x5800];
	_ =	sdelay $0x3  }
0x378: {  	s1 =	sadd.s32 $0x8400, s6  }
0x379: {  	s28 =	sor.u32 s8, s1;
	[tilespmem:v17+s13+$0x0] =	vst.idx.msk $0xffff, v16  }
0x37a: {  	v17 =	vor.u32 s14, v8;
	v16 =	vld [tilespmem:s28+$0x0];
	_ =	sdelay $0x3  }
0x37b: {  	s7 =	sadd.s32 $0x8480, s6  }
0x37c: {  	s9 =	sor.u32 s8, s7;
	[tilespmem:v17+s13+$0x0] =	vst.idx.msk $0xffff, v16  }
0x37d: {  	v17 =	vor.u32 s14, v9;
	v16 =	vld [tilespmem:s9+$0x0];
	_ =	sdelay $0x3  }
0x37e: {  	s9 =	sadd.s32 $0x8500, s6  }
0x37f: {  	s15 =	sor.u32 s8, s9;
	[tilespmem:v17+s13+$0x0] =	vst.idx.msk $0xffff, v16  }
0x380: {  	v17 =	vor.u32 s14, v10;
	v16 =	vld [tilespmem:s15+$0x0];
	_ =	sdelay $0x3  }
0x381: {  	s24 =	sadd.s32 $0x8580, s6  }
0x382: {  	s29 =	sor.u32 s8, s24;
	[tilespmem:v17+s13+$0x0] =	vst.idx.msk $0xffff, v16  }
0x383: {  	v17 =	vor.u32 s14, v11;
	v16 =	vld [tilespmem:s29+$0x0];
	_ =	sdelay $0x3  }
0x384: {  	s25 =	sadd.s32 $0x8600, s6  }
0x385: {  	s30 =	sor.u32 s8, s25;
	[tilespmem:v17+s13+$0x0] =	vst.idx.msk $0xffff, v16  }
0x386: {  	v17 =	vor.u32 s14, v12;
	v16 =	vld [tilespmem:s30+$0x0];
	_ =	sdelay $0x3  }
0x387: {  	s26 =	sadd.s32 $0x8680, s6  }
0x388: {  	s31 =	sor.u32 s8, s26;
	[tilespmem:v17+s13+$0x0] =	vst.idx.msk $0xffff, v16  }
0x389: {  	v17 =	vor.u32 s14, v13;
	v16 =	vld [tilespmem:s31+$0x0];
	_ =	sdelay $0x3  }
0x38a: {  	s28 =	sadd.s32 $0x8700, s6  }
0x38b: {  	s16 =	sor.u32 s8, s28;
	[tilespmem:v17+s13+$0x0] =	vst.idx.msk $0xffff, v16  }
0x38c: {  	v17 =	vor.u32 s14, v14;
	v16 =	vld [tilespmem:s16+$0x0];
	_ =	sdelay $0x3  }
0x38d: {  	s6 =	sadd.s32 $0x8780, s6  }
0x38e: {  	s8 =	sor.u32 s8, s6;
	[tilespmem:v17+s13+$0x0] =	vst.idx.msk $0xffff, v16  }
0x38f: {  	v17 =	vor.u32 s14, v15;
	v16 =	vld [tilespmem:s8+$0x0];
	_ =	sdelay $0x2  }
0x390: {  	s29 =	sadd.s32 $0xFFFFFFE0, s21  }
0x391: {  	s14 =	sand.u32 $0x50, s29  }
0x392: {  	s29 =	sadd.s32 $0xFFFFFE00, s20;
	s8 =	sor.u32 s14, s0;
	[tilespmem:v17+s13+$0x0] =	vst.idx.msk $0xffff, v16  }
0x393: {  	v17 =	vor.u32 s29, v0;
	v16 =	vld [tilespmem:s8+$0x0];
	_ =	sdelay $0x4  }
0x394: {  	[tilespmem:v17+s13+$0x0] =	vst.idx.msk $0xffff, v16  }
0x395: {  	v17 =	vor.u32 s29, v1;
	v16 =	vld [tilespmem:s8+$0x80];
	_ =	sdelay $0x4  }
0x396: {  	[tilespmem:v17+s13+$0x0] =	vst.idx.msk $0xffff, v16  }
0x397: {  	v17 =	vor.u32 s29, v2;
	v16 =	vld [tilespmem:s8+$0x100];
	_ =	sdelay $0x4  }
0x398: {  	[tilespmem:v17+s13+$0x0] =	vst.idx.msk $0xffff, v16  }
0x399: {  	s30 =	sadd.s32 $0x4, s19;
	v17 =	vor.u32 s29, v3;
	v16 =	vld [tilespmem:s8+$0x180]  }
0x39a: {  	s8 =	sand.u32 $0x7, s30  }
0x39b: {  	s8 =	sshll.u32 s8, $0x4  }
0x39c: {  	s8 =	sadd.s32 s22, s8  }
0x39d: {  	s31 =	sadd.s32 $0x10, s8  }
0x39e: {  	s16 =	sor.u32 $0x200, s31;
	[tilespmem:v17+s13+$0x0] =	vst.idx.msk $0xffff, v16  }
0x39f: {  	v17 =	vor.u32 s29, v4;
	v16 =	vld [tilespmem:s16+$0x5800];
	_ =	sdelay $0x4  }
0x3a0: {  	s19 =	sor.u32 $0x280, s31;
	[tilespmem:v17+s13+$0x0] =	vst.idx.msk $0xffff, v16  }
0x3a1: {  	v17 =	vor.u32 s29, v5;
	v16 =	vld [tilespmem:s19+$0x5800];
	_ =	sdelay $0x4  }
0x3a2: {  	s30 =	sor.u32 $0x300, s31;
	[tilespmem:v17+s13+$0x0] =	vst.idx.msk $0xffff, v16  }
0x3a3: {  	v17 =	vor.u32 s29, v6;
	v16 =	vld [tilespmem:s30+$0x5800];
	_ =	sdelay $0x4  }
0x3a4: {  	s15 =	sor.u32 $0x380, s31;
	[tilespmem:v17+s13+$0x0] =	vst.idx.msk $0xffff, v16  }
0x3a5: {  	v17 =	vor.u32 s29, v7;
	v16 =	vld [tilespmem:s15+$0x5800];
	_ =	sdelay $0x4  }
0x3a6: {  	s31 =	sor.u32 s14, s1;
	[tilespmem:v17+s13+$0x0] =	vst.idx.msk $0xffff, v16  }
0x3a7: {  	v17 =	vor.u32 s29, v8;
	v16 =	vld [tilespmem:s31+$0x0];
	_ =	sdelay $0x4  }
0x3a8: {  	s16 =	sor.u32 s14, s7;
	[tilespmem:v17+s13+$0x0] =	vst.idx.msk $0xffff, v16  }
0x3a9: {  	v17 =	vor.u32 s29, v9;
	v16 =	vld [tilespmem:s16+$0x0];
	_ =	sdelay $0x4  }
0x3aa: {  	s19 =	sor.u32 s14, s9;
	[tilespmem:v17+s13+$0x0] =	vst.idx.msk $0xffff, v16  }
0x3ab: {  	v17 =	vor.u32 s29, v10;
	v16 =	vld [tilespmem:s19+$0x0];
	_ =	sdelay $0x4  }
0x3ac: {  	s30 =	sor.u32 s14, s24;
	[tilespmem:v17+s13+$0x0] =	vst.idx.msk $0xffff, v16  }
0x3ad: {  	v17 =	vor.u32 s29, v11;
	v16 =	vld [tilespmem:s30+$0x0];
	_ =	sdelay $0x4  }
0x3ae: {  	s31 =	sor.u32 s14, s25;
	[tilespmem:v17+s13+$0x0] =	vst.idx.msk $0xffff, v16  }
0x3af: {  	v17 =	vor.u32 s29, v12;
	v16 =	vld [tilespmem:s31+$0x0];
	_ =	sdelay $0x4  }
0x3b0: {  	s16 =	sor.u32 s14, s26;
	[tilespmem:v17+s13+$0x0] =	vst.idx.msk $0xffff, v16  }
0x3b1: {  	v17 =	vor.u32 s29, v13;
	v16 =	vld [tilespmem:s16+$0x0];
	_ =	sdelay $0x4  }
0x3b2: {  	s19 =	sor.u32 s14, s28;
	[tilespmem:v17+s13+$0x0] =	vst.idx.msk $0xffff, v16  }
0x3b3: {  	v17 =	vor.u32 s29, v14;
	v16 =	vld [tilespmem:s19+$0x0];
	_ =	sdelay $0x4  }
0x3b4: {  	s14 =	sor.u32 s14, s6;
	[tilespmem:v17+s13+$0x0] =	vst.idx.msk $0xffff, v16  }
0x3b5: {  	v17 =	vor.u32 s29, v15;
	v16 =	vld [tilespmem:s14+$0x0];
	_ =	sdelay $0x2  }
0x3b6: {  	s30 =	sadd.s32 $0xFFFFFFF0, s21  }
0x3b7: {  	s14 =	sand.u32 $0x60, s30  }
0x3b8: {  	s19 =	sadd.s32 $0xFFFFFF00, s20;
	s31 =	sor.u32 s14, s0;
	[tilespmem:v17+s13+$0x0] =	vst.idx.msk $0xffff, v16  }
0x3b9: {  	v17 =	vor.u32 s19, v0;
	v16 =	vld [tilespmem:s31+$0x0];
	_ =	sdelay $0x4  }
0x3ba: {  	[tilespmem:v17+s13+$0x0] =	vst.idx.msk $0xffff, v16  }
0x3bb: {  	v17 =	vor.u32 s19, v1;
	v16 =	vld [tilespmem:s31+$0x80];
	_ =	sdelay $0x4  }
0x3bc: {  	[tilespmem:v17+s13+$0x0] =	vst.idx.msk $0xffff, v16  }
0x3bd: {  	v17 =	vor.u32 s19, v2;
	v16 =	vld [tilespmem:s31+$0x100];
	_ =	sdelay $0x4  }
0x3be: {  	[tilespmem:v17+s13+$0x0] =	vst.idx.msk $0xffff, v16  }
0x3bf: {  	s16 =	sadd.s32 $0x2, s23;
	v17 =	vor.u32 s19, v3;
	v16 =	vld [tilespmem:s31+$0x180]  }
0x3c0: {  	s15 =	sand.u32 $0x3, s16  }
0x3c1: {  	s15 =	sshll.u32 s15, $0x5  }
0x3c2: {  	s15 =	sadd.s32 s22, s15  }
0x3c3: {  	s15 =	sadd.s32 $0x20, s15  }
0x3c4: {  	s23 =	sor.u32 $0x200, s15;
	[tilespmem:v17+s13+$0x0] =	vst.idx.msk $0xffff, v16  }
0x3c5: {  	v17 =	vor.u32 s19, v4;
	v16 =	vld [tilespmem:s23+$0x5800];
	_ =	sdelay $0x4  }
0x3c6: {  	s29 =	sor.u32 $0x280, s15;
	[tilespmem:v17+s13+$0x0] =	vst.idx.msk $0xffff, v16  }
0x3c7: {  	v17 =	vor.u32 s19, v5;
	v16 =	vld [tilespmem:s29+$0x5800];
	_ =	sdelay $0x4  }
0x3c8: {  	s30 =	sor.u32 $0x300, s15;
	[tilespmem:v17+s13+$0x0] =	vst.idx.msk $0xffff, v16  }
0x3c9: {  	v17 =	vor.u32 s19, v6;
	v16 =	vld [tilespmem:s30+$0x5800];
	_ =	sdelay $0x4  }
0x3ca: {  	s15 =	sor.u32 $0x380, s15;
	[tilespmem:v17+s13+$0x0] =	vst.idx.msk $0xffff, v16  }
0x3cb: {  	v17 =	vor.u32 s19, v7;
	v16 =	vld [tilespmem:s15+$0x5800];
	_ =	sdelay $0x4  }
0x3cc: {  	s31 =	sor.u32 s14, s1;
	[tilespmem:v17+s13+$0x0] =	vst.idx.msk $0xffff, v16  }
0x3cd: {  	v17 =	vor.u32 s19, v8;
	v16 =	vld [tilespmem:s31+$0x0];
	_ =	sdelay $0x4  }
0x3ce: {  	s16 =	sor.u32 s14, s7;
	[tilespmem:v17+s13+$0x0] =	vst.idx.msk $0xffff, v16  }
0x3cf: {  	v17 =	vor.u32 s19, v9;
	v16 =	vld [tilespmem:s16+$0x0];
	_ =	sdelay $0x4  }
0x3d0: {  	s22 =	sor.u32 s14, s9;
	[tilespmem:v17+s13+$0x0] =	vst.idx.msk $0xffff, v16  }
0x3d1: {  	v17 =	vor.u32 s19, v10;
	v16 =	vld [tilespmem:s22+$0x0];
	_ =	sdelay $0x4  }
0x3d2: {  	s23 =	sor.u32 s14, s24;
	[tilespmem:v17+s13+$0x0] =	vst.idx.msk $0xffff, v16  }
0x3d3: {  	v17 =	vor.u32 s19, v11;
	v16 =	vld [tilespmem:s23+$0x0];
	_ =	sdelay $0x4  }
0x3d4: {  	s29 =	sor.u32 s14, s25;
	[tilespmem:v17+s13+$0x0] =	vst.idx.msk $0xffff, v16  }
0x3d5: {  	v17 =	vor.u32 s19, v12;
	v16 =	vld [tilespmem:s29+$0x0];
	_ =	sdelay $0x4  }
0x3d6: {  	s30 =	sor.u32 s14, s26;
	[tilespmem:v17+s13+$0x0] =	vst.idx.msk $0xffff, v16  }
0x3d7: {  	v17 =	vor.u32 s19, v13;
	v16 =	vld [tilespmem:s30+$0x0];
	_ =	sdelay $0x4  }
0x3d8: {  	s31 =	sor.u32 s14, s28;
	[tilespmem:v17+s13+$0x0] =	vst.idx.msk $0xffff, v16  }
0x3d9: {  	v17 =	vor.u32 s19, v14;
	v16 =	vld [tilespmem:s31+$0x0];
	_ =	sdelay $0x4  }
0x3da: {  	s14 =	sor.u32 s14, s6;
	[tilespmem:v17+s13+$0x0] =	vst.idx.msk $0xffff, v16  }
0x3db: {  	v17 =	vor.u32 s19, v15;
	v16 =	vld [tilespmem:s14+$0x0];
	_ =	sdelay $0x3  }
0x3dc: {  	s14 =	sand.u32 $0x70, s21  }
0x3dd: {  	s0 =	sor.u32 s14, s0;
	[tilespmem:v17+s13+$0x0] =	vst.idx.msk $0xffff, v16  }
0x3de: {  	v17 =	vor.u32 s20, v0;
	v16 =	vld [tilespmem:s0+$0x0];
	_ =	sdelay $0x4  }
0x3df: {  	[tilespmem:v17+s13+$0x0] =	vst.idx.msk $0xffff, v16  }
0x3e0: {  	v17 =	vor.u32 s20, v1;
	v16 =	vld [tilespmem:s0+$0x80];
	_ =	sdelay $0x4  }
0x3e1: {  	[tilespmem:v17+s13+$0x0] =	vst.idx.msk $0xffff, v16  }
0x3e2: {  	v17 =	vor.u32 s20, v2;
	v16 =	vld [tilespmem:s0+$0x100];
	_ =	sdelay $0x4  }
0x3e3: {  	[tilespmem:v17+s13+$0x0] =	vst.idx.msk $0xffff, v16  }
0x3e4: {  	v17 =	vor.u32 s20, v3;
	v16 =	vld [tilespmem:s0+$0x180];
	_ =	sdelay $0x3  }
0x3e5: {  	s15 =	sadd.s32 $0x30, s8  }
0x3e6: {  	s8 =	sor.u32 $0x200, s15;
	[tilespmem:v17+s13+$0x0] =	vst.idx.msk $0xffff, v16  }
0x3e7: {  	v17 =	vor.u32 s20, v4;
	v16 =	vld [tilespmem:s8+$0x5800];
	_ =	sdelay $0x4  }
0x3e8: {  	s16 =	sor.u32 $0x280, s15;
	[tilespmem:v17+s13+$0x0] =	vst.idx.msk $0xffff, v16  }
0x3e9: {  	v17 =	vor.u32 s20, v5;
	v16 =	vld [tilespmem:s16+$0x5800];
	_ =	sdelay $0x4  }
0x3ea: {  	s19 =	sor.u32 $0x300, s15;
	[tilespmem:v17+s13+$0x0] =	vst.idx.msk $0xffff, v16  }
0x3eb: {  	v17 =	vor.u32 s20, v6;
	v16 =	vld [tilespmem:s19+$0x5800];
	_ =	sdelay $0x4  }
0x3ec: {  	s0 =	sor.u32 $0x380, s15;
	[tilespmem:v17+s13+$0x0] =	vst.idx.msk $0xffff, v16  }
0x3ed: {  	v17 =	vor.u32 s20, v7;
	v16 =	vld [tilespmem:s0+$0x5800];
	_ =	sdelay $0x4  }
0x3ee: {  	s21 =	sor.u32 s14, s1;
	[tilespmem:v17+s13+$0x0] =	vst.idx.msk $0xffff, v16  }
0x3ef: {  	v17 =	vor.u32 s20, v8;
	v16 =	vld [tilespmem:s21+$0x0];
	_ =	sdelay $0x4  }
0x3f0: {  	s22 =	sor.u32 s14, s7;
	[tilespmem:v17+s13+$0x0] =	vst.idx.msk $0xffff, v16  }
0x3f1: {  	v17 =	vor.u32 s20, v9;
	v16 =	vld [tilespmem:s22+$0x0];
	_ =	sdelay $0x4  }
0x3f2: {  	s23 =	sor.u32 s14, s9;
	[tilespmem:v17+s13+$0x0] =	vst.idx.msk $0xffff, v16  }
0x3f3: {  	v17 =	vor.u32 s20, v10;
	v16 =	vld [tilespmem:s23+$0x0];
	_ =	sdelay $0x4  }
0x3f4: {  	s24 =	sor.u32 s14, s24;
	[tilespmem:v17+s13+$0x0] =	vst.idx.msk $0xffff, v16  }
0x3f5: {  	v17 =	vor.u32 s20, v11;
	v16 =	vld [tilespmem:s24+$0x0];
	_ =	sdelay $0x4  }
0x3f6: {  	s25 =	sor.u32 s14, s25;
	[tilespmem:v17+s13+$0x0] =	vst.idx.msk $0xffff, v16  }
0x3f7: {  	v17 =	vor.u32 s20, v12;
	v16 =	vld [tilespmem:s25+$0x0];
	_ =	sdelay $0x4  }
0x3f8: {  	s26 =	sor.u32 s14, s26;
	[tilespmem:v17+s13+$0x0] =	vst.idx.msk $0xffff, v16  }
0x3f9: {  	v17 =	vor.u32 s20, v13;
	v16 =	vld [tilespmem:s26+$0x0];
	_ =	sdelay $0x4  }
0x3fa: {  	s29 =	sor.u32 s14, s28;
	[tilespmem:v17+s13+$0x0] =	vst.idx.msk $0xffff, v16  }
0x3fb: {  	s30 =	smul.u32 $0xE6C3, s18;
	v17 =	vor.u32 s20, v14;
	v16 =	vld [tilespmem:s29+$0x0];
	_ =	sdelay $0x1  }
0x3fc: {  	s0 =	sshrl.u32 s30, $0x16  }
0x3fd: {  	s31 =	smul.u32 $0x47, s0;
	_ =	sdelay $0x1  }
0x3fe: {  	s6 =	sor.u32 s14, s6;
	s1 =	ssub.s32 s18, s31;
	[tilespmem:v17+s13+$0x0] =	vst.idx.msk $0xffff, v16  }
0x3ff: {  	s0 =	smul.u32 $0x30D00, s0;
	s1 =	sand.u32 $0xFFFF, s1;
	v17 =	vor.u32 s20, v15;
	v16 =	vld [tilespmem:s6+$0x0]  }
0x400: {  	s1 =	smul.u32 $0xB00, s1  }
.Ltmp7:
0x401: {  	_ = 	snop;
	(pc) =	sbr.rel .LBB2_8-.Ltmp7, $4  }
0x402: {  	_ = 	snop  }
0x403: {  	s0 =	sadd.s32 s1, s0  }
0x404: {  	s0 =	sadd.s32 s5, s0;
	[tilespmem:v17+s13+$0x0] =	vst.idx.msk $0xffff, v16  }
0x405: {  	[hbm4b:s0+s4] =	stream.linear.scatter [tilespmem:s13], [sflag:$0x4], $0x5800, $0x38;
	[tilespmem:$0x16000] =	vst v63  }
.LBB2_10:
0x406: {  	_ =	sfence.sel $0x180000  }
0x407: {  	[bflag:$0x0] =	sbarrier.arrive $0xFFFF  }
0x408: {  	_ =	strace $0x90000047  }
0x409: {  	s0 =	stileid.u32;
	[bflag:$0x2] =	sbarrier.arrive $0xFFFF  }
0x40a: {  	p0 =	sne.s32 s0, $0x0;
	s0 =	rddreg [dreg:$0x2]  }
0x40b: {  	s0 =	sadd.s32 @!p0 $0x100000, s0  }
0x40c: {  	[sflag:s0] =	ssyncadd.tile.s32 @!p0 $0x1;
	_ =	shalt  }
.Lfunc_end2:
_tile_overlayer_lowered:
.L_overlay_start_2:
0x40d: {  	(tag) =	ssettag $0x2  }
0x40e: {  	s0 =	rddreg [dreg:$0x0];
	s2 =	stileid.u32  }
0x40f: {  	s1 =	rddreg [dreg:$0x1];
	p0 =	sne.s32 s2, $0x0  }
0x410: {  	s3 =	rddreg [dreg:$0x2];
	[bflag:$0x3] =	sbarrier.arrive $0xFFFF;
	s2 =	simm.s32 @!p0 $0x1C05  }
0x411: {  	[timem:s3], [sflag:s2] =	dma.local @!p0 [hbm:s0], s1  }
0x412: {  	s0 =	simm.s32 @!p0 $0x5  }
0x413: {  	_ =	swait.ge @!p0 [sflag:s0], s1  }
0x414: {  	s1 =	ssub.s32 @!p0 $0x0, s1;
	[sflag:s0] =	ssyncset.done @!p0 $0x0  }
0x415: {  	[sflag:s0] =	ssyncadd.s32 @!p0 s1  }
0x416: {  	[bflag:$0x3] =	sbarrier.arrive $0xFFFF  }
0x417: {  	_ =	shalt  }

</sc_bundles>
